<compile_context>
chip_gen: v7x
topology: tpu7x:2x2x1
jax: 0.10.2.dev20260603
libtpu: 0.0.44.dev20260713+nightly
codegen_flags: <defaults>
</compile_context>

<pallas_src>
import functools

import jax
import jax.numpy as jnp
from jax import lax
from jax.experimental import pallas as pl
from jax.experimental.pallas import tpu as pltpu
from jax.experimental.pallas import tpu_sc as plsc

DIM = 768
HID = 1024
E = 64
K = 2
S = 2048
N = S * K
TILE = 128
NT = 96
CAP = NT * TILE

NC = 2
NS = 16
NW = NC * NS
ROWS_W = N // NW
TOK_W = S // NW

_f32 = jnp.float32
_i32 = jnp.int32


_RB = 1024


def _gate_route_body(tok_ref, gw_ref, pos_ref, te_ref, ntl_ref, wflat_ref,
                     oh_ref, rank_ref):
    x = tok_ref[...]
    gw = gw_ref[...]
    logits = lax.dot_general(x, gw, (((1,), (1,)), ((), ())),
                             preferred_element_type=_f32)

    iota_e = lax.broadcasted_iota(_i32, (S, E), 1)
    m1 = jnp.max(logits, axis=1, keepdims=True)
    i1 = jnp.min(jnp.where(logits == m1, iota_e, E), axis=1, keepdims=True)
    masked = jnp.where(iota_e == i1, _f32(-1e30), logits)
    m2 = jnp.max(masked, axis=1, keepdims=True)
    i2 = jnp.min(jnp.where(masked == m2, iota_e, E), axis=1, keepdims=True)

    e2 = jnp.exp(m2 - m1)
    den = 1.0 + e2
    wflat_ref[pl.ds(0, S), :] = jnp.broadcast_to(1.0 / den, (S, 16))
    wflat_ref[pl.ds(S, S), :] = jnp.broadcast_to(e2 / den, (S, 16))

    iota_se = lax.broadcasted_iota(_i32, (S, E), 1)
    oh_ref[pl.ds(0, S), :] = (i1 == iota_se).astype(_f32)
    oh_ref[pl.ds(S, S), :] = (i2 == iota_se).astype(_f32)

    nblk = N // _RB
    r0 = lax.broadcasted_iota(_i32, (_RB, _RB), 0)
    c0 = lax.broadcasted_iota(_i32, (_RB, _RB), 1)
    tri = (r0 >= c0).astype(jnp.bfloat16)

    def blk1(b, counts):
        oh = oh_ref[pl.ds(b * _RB, _RB), :]
        cum = lax.dot_general(tri, oh.astype(jnp.bfloat16),
                              (((1,), (0,)), ((), ())),
                              preferred_element_type=_f32)
        rank = jnp.sum((cum + counts) * oh, axis=1, keepdims=True) - 1.0
        rank_ref[pl.ds(b * _RB, _RB), :] = rank
        return counts + jnp.sum(oh, axis=0, keepdims=True)

    counts = lax.fori_loop(0, nblk, blk1, jnp.zeros((1, E), _f32))

    ntile = jnp.floor((counts + _f32(TILE - 1)) * _f32(1.0 / TILE))
    e_r = lax.broadcasted_iota(_i32, (E, E), 0)
    e_c = lax.broadcasted_iota(_i32, (E, E), 1)
    excl = (e_r < e_c).astype(_f32)
    off_t = lax.dot_general(ntile, excl, (((1,), (0,)), ((), ())),
                            preferred_element_type=_f32)
    off_r = off_t * _f32(TILE)
    ntl_ref[...] = jnp.sum(ntile, axis=1, keepdims=True).astype(_i32)

    offsel = jnp.sum(oh_ref[...] * off_r, axis=1, keepdims=True)
    pos_ref[...] = (rank_ref[...] + offsel).astype(_i32)

    t_iota = lax.broadcasted_iota(_i32, (TILE, E), 0).astype(_f32)
    te = jnp.sum((off_t <= t_iota).astype(_f32), axis=1, keepdims=True) - 1.0
    te_ref[...] = te.astype(_i32)


def _gate_route(tokens, gate_w):
    return pl.pallas_call(
        _gate_route_body,
        out_shape=(
            jax.ShapeDtypeStruct((N, 1), _i32),
            jax.ShapeDtypeStruct((TILE, 1), _i32),
            jax.ShapeDtypeStruct((1, 1), _i32),
            jax.ShapeDtypeStruct((N, 16), _f32),
        ),
        scratch_shapes=[
            pltpu.VMEM((N, E), _f32),
            pltpu.VMEM((N, 1), _f32),
        ],
    )(tokens, gate_w)


_HTOK = TOK_W // 2
_CHUNKS = DIM // 16


@functools.lru_cache(maxsize=1)
def _sc_kernels():
    mesh = plsc.VectorSubcoreMesh(core_axis_name="c", subcore_axis_name="s")

    @functools.partial(
        pl.kernel,
        out_type=jax.ShapeDtypeStruct((CAP, DIM), _f32),
        mesh=mesh,
        scratch_types=[
            pltpu.VMEM((64,), _i32),
            pltpu.VMEM((64,), _i32),
            pltpu.VMEM((64,), _i32),
            pltpu.VMEM((64,), _i32),
            pltpu.VMEM((64, DIM), _f32),
            pltpu.VMEM((64, DIM), _f32),
            pltpu.SemaphoreType.DMA,
            pltpu.SemaphoreType.DMA,
        ],
    )
    def _dispatch_sc(tok_hbm, pos_hbm, xs_hbm,
                     src0, src1, pos0, pos1, rows0, rows1, gsem, ssem):
        wid = lax.axis_index("s") * NC + lax.axis_index("c")
        base = wid * ROWS_W
        srcs, poss, rows = [src0, src1], [pos0, pos1], [rows0, rows1]
        gd = []
        for h in range(2):
            b = base + h * 64
            for c in range(4):
                srcs[h][pl.ds(c * 16, 16)] = (
                    lax.iota(_i32, 16) + (b + c * 16)) & (S - 1)
            pltpu.sync_copy(pos_hbm.at[pl.ds(b, 64)], poss[h])
            gd.append(pltpu.async_copy(tok_hbm.at[srcs[h]], rows[h], gsem))
        sd = []
        for h in range(2):
            gd[h].wait()
            sd.append(pltpu.async_copy(rows[h], xs_hbm.at[poss[h]], ssem))
        for d in sd:
            d.wait()

    @functools.partial(
        pl.kernel,
        out_type=jax.ShapeDtypeStruct((S, DIM), _f32),
        mesh=mesh,
        scratch_types=[
            pltpu.VMEM((_HTOK,), _i32),
            pltpu.VMEM((_HTOK,), _i32),
            pltpu.VMEM((_HTOK,), _i32),
            pltpu.VMEM((_HTOK,), _i32),
            pltpu.VMEM((_HTOK * 16,), _f32),
            pltpu.VMEM((_HTOK * 16,), _f32),
            pltpu.VMEM((_HTOK * 16,), _f32),
            pltpu.VMEM((_HTOK * 16,), _f32),
            pltpu.VMEM((_HTOK, DIM), _f32),
            pltpu.VMEM((_HTOK, DIM), _f32),
            pltpu.VMEM((_HTOK, DIM), _f32),
            pltpu.VMEM((_HTOK, DIM), _f32),
            pltpu.SemaphoreType.DMA,
        ],
    )
    def _combine_sc(os_hbm, pos_hbm, wf_hbm, y_hbm,
                    pa0, pb0, pa1, pb1, wa0, wb0, wa1, wb1,
                    ra0, rb0, ra1, rb1, sem):
        wid = lax.axis_index("s") * NC + lax.axis_index("c")
        tbase = wid * TOK_W
        PA, PB = [pa0, pa1], [pb0, pb1]
        WA, WB = [wa0, wa1], [wb0, wb1]
        RA, RB = [ra0, ra1], [rb0, rb1]
        ds = []
        for h in range(2):
            tb = tbase + h * _HTOK
            pltpu.sync_copy(pos_hbm.at[pl.ds(tb, _HTOK)], PA[h])
            pltpu.sync_copy(pos_hbm.at[pl.ds(S + tb, _HTOK)], PB[h])
            pltpu.sync_copy(wf_hbm.at[pl.ds(tb * 16, _HTOK * 16)], WA[h])
            pltpu.sync_copy(wf_hbm.at[pl.ds((S + tb) * 16, _HTOK * 16)], WB[h])
            ds.append(pltpu.async_copy(os_hbm.at[PA[h]], RA[h], sem))
            ds.append(pltpu.async_copy(os_hbm.at[PB[h]], RB[h], sem))
        for h in range(2):
            tb = tbase + h * _HTOK
            ds[2 * h].wait()
            ds[2 * h + 1].wait()
            acc_v, row_v, wav, wbv = RA[h], RB[h], WA[h], WB[h]

            def row_body(r, carry, acc_v=acc_v, row_v=row_v, wav=wav, wbv=wbv):
                wa = wav[pl.ds(r * 16, 16)]
                wb = wbv[pl.ds(r * 16, 16)]
                for c in range(_CHUNKS):
                    sl = pl.ds(c * 16, 16)
                    acc_v[r, sl] = acc_v[r, sl] * wa + row_v[r, sl] * wb
                return carry
            lax.fori_loop(0, _HTOK, row_body, 0)
            pltpu.sync_copy(acc_v, y_hbm.at[pl.ds(tb, _HTOK)])

    return _dispatch_sc, _combine_sc


def _ffn_body(te_s, ntl_s, x_ref, w1_ref, w3_ref, w2_ref, o_ref):
    @pl.when(pl.program_id(0) < ntl_s[0])
    def _():
        bf16 = jnp.bfloat16
        x = x_ref[...].astype(bf16)
        g = lax.dot_general(x, w1_ref[0].astype(bf16), (((1,), (1,)), ((), ())),
                            preferred_element_type=_f32)
        g = g * jax.nn.sigmoid(g)
        u = lax.dot_general(x, w3_ref[0].astype(bf16), (((1,), (1,)), ((), ())),
                            preferred_element_type=_f32)
        h = (g * u).astype(bf16)
        o_ref[...] = lax.dot_general(h, w2_ref[0].astype(bf16), (((1,), (1,)), ((), ())),
                                     preferred_element_type=_f32)


def _ffn(te, ntl, x_sorted, w1, w3, w2):
    grid_spec = pltpu.PrefetchScalarGridSpec(
        num_scalar_prefetch=2,
        grid=(NT,),
        in_specs=[
            pl.BlockSpec((TILE, DIM),
                         lambda i, te_s, ntl_s: (jnp.minimum(i, ntl_s[0] - 1), 0)),
            pl.BlockSpec((1, HID, DIM),
                         lambda i, te_s, ntl_s: (te_s[jnp.minimum(i, ntl_s[0] - 1)], 0, 0)),
            pl.BlockSpec((1, HID, DIM),
                         lambda i, te_s, ntl_s: (te_s[jnp.minimum(i, ntl_s[0] - 1)], 0, 0)),
            pl.BlockSpec((1, DIM, HID),
                         lambda i, te_s, ntl_s: (te_s[jnp.minimum(i, ntl_s[0] - 1)], 0, 0)),
        ],
        out_specs=pl.BlockSpec((TILE, DIM),
                               lambda i, te_s, ntl_s: (jnp.minimum(i, ntl_s[0] - 1), 0)),
    )
    return pl.pallas_call(
        _ffn_body,
        grid_spec=grid_spec,
        out_shape=jax.ShapeDtypeStruct((CAP, DIM), _f32),
    )(te, ntl, x_sorted, w1, w3, w2)


@jax.jit
def kernel(x, gate_w, w1, w3, w2):
    dispatch_sc, combine_sc = _sc_kernels()
    b, s, d = x.shape
    tokens = x.reshape(S, DIM)
    pos2, te2, ntl2, wflat2 = _gate_route(tokens, gate_w)
    pos = pos2.reshape(N)
    te = te2.reshape(TILE)
    ntl = ntl2.reshape(1)
    wflat = wflat2.reshape(N * 16)
    x_sorted = dispatch_sc(tokens, pos)
    out_sorted = _ffn(te, ntl, x_sorted, w1, w3, w2)
    y = combine_sc(out_sorted, pos, wflat)
    return y.reshape(b, s, d)

# --- scband reference (transcript-rebuilt; emitter-appended) ---
"""Pipeline reference for scband-moefeed-forward-11218454577764 (READ-ONLY COPY).

The authoritative reference and input builder live on the scoring server;
editing this copy changes nothing except your own understanding.
"""

import jax, jax.numpy as jnp
import numpy as np

DIM = 768
HID = 1024
E = 64
K = 2
B = 1
S = 2048


def setup_inputs(seed: int = 0) -> dict:
    key = jax.random.key(seed)
    ks = jax.random.split(key, 5)
    x = jax.random.normal(ks[0], (B, S, DIM), dtype=jnp.float32)
    gate_w = jax.random.normal(ks[1], (E, DIM), dtype=jnp.float32) * (1.0 / np.sqrt(DIM))
    w1 = jax.random.normal(ks[2], (E, HID, DIM), dtype=jnp.float32) * 0.02
    w3 = jax.random.normal(ks[3], (E, HID, DIM), dtype=jnp.float32) * 0.02
    w2 = jax.random.normal(ks[4], (E, DIM, HID), dtype=jnp.float32) * 0.02
    return {"x": x, "gate_w": gate_w, "w1": w1, "w3": w3, "w2": w2}


def reference(x, gate_w, w1, w3, w2):
    b, s, d = x.shape
    tokens = x.reshape(-1, d)
    # MoEGate: logits -> softmax -> top-k -> renormalize
    logits = tokens.astype(jnp.float32) @ gate_w.T
    scores = jax.nn.softmax(logits, axis=-1)
    topk_w, topk_idx = jax.lax.top_k(scores, K)
    denom = topk_w.sum(axis=-1, keepdims=True) + 1e-20
    topk_w = topk_w / denom
    flat_idx = topk_idx.reshape(-1)
    flat_w = topk_w.reshape(-1)
    # repeat_interleave(top_k) dispatch
    expanded = jnp.repeat(tokens, K, axis=0)
    y = jnp.zeros_like(tokens)
    for i in range(E):
        gate_h = jax.nn.silu(expanded @ w1[i].T)
        up = expanded @ w3[i].T
        out = (gate_h * up) @ w2[i].T
        w_masked = jnp.where(flat_idx == i, flat_w, 0.0)
        weighted = out * w_masked[:, None]
        y = y + weighted.reshape(-1, K, d).sum(axis=1)
    return y.reshape(b, s, d)

if __name__ == "__main__":
    import jax
    _d = setup_inputs()
    print(jax.jit(kernel)(*tuple(_d.values())))

</pallas_src>

<mosaic_0001>
#map = affine_map<(d0, d1) -> (0, 0)>
#map1 = affine_map<(d0, d1) -> (0)>
module attributes {stable_mosaic.version = 14 : i64} {
  func.func @_dispatch_sc(%arg0: i32, %arg1: i32, %arg2: memref<2048x768xf32, #tpu.memory_space<hbm>>, %arg3: memref<4096xi32, #tpu.memory_space<hbm>>, %arg4: memref<12288x768xf32, #tpu.memory_space<hbm>>, %arg5: memref<64xi32, #tpu.memory_space<vmem>>, %arg6: memref<64xi32, #tpu.memory_space<vmem>>, %arg7: memref<64xi32, #tpu.memory_space<vmem>>, %arg8: memref<64xi32, #tpu.memory_space<vmem>>, %arg9: memref<64x768xf32, #tpu.memory_space<vmem>>, %arg10: memref<64x768xf32, #tpu.memory_space<vmem>>, %arg11: memref<!tpu.dma_semaphore, #tpu.memory_space<semaphore_mem>>, %arg12: memref<!tpu.dma_semaphore, #tpu.memory_space<semaphore_mem>>) attributes {dimension_semantics = [#tpu.dimension_semantics<core_parallel>, #tpu.dimension_semantics<subcore_parallel>], iteration_bounds = array<i64: 2, 16>, scalar_prefetch = 0 : i64, scratch_operands = 8 : i64, tpu.core_type = #tpu.core_type<sc_vector_subcore>, window_params = [{transform_indices = #map}, {transform_indices = #map1}, {transform_indices = #map}]} {
    %mul3A = arith.constant 2 : i32
    %mul3A_0 = arith.muli %arg1, %mul3A : i32
    %add3A = arith.addi %mul3A_0, %arg0 : i32
    %mul3A_1 = arith.constant 128 : i32
    %mul3A_2 = arith.muli %add3A, %mul3A_1 : i32
    %add3A_3 = arith.constant 0 : i32
    %add3A_4 = arith.addi %mul3A_2, %add3A_3 : i32
    %iota3A = tpu.iota {dimensions = array<i32: 0>} : vector<16xi32>
    %add3A_5 = arith.constant 0 : i32
    %add3A_6 = arith.addi %add3A_4, %add3A_5 : i32
    %add3A_7 = vector.broadcast %add3A_6 : i32 to vector<16xi32>
    %add3A_8 = arith.addi %iota3A, %add3A_7 : vector<16xi32>
    %and3A = arith.constant 2047 : i32
    %and3A_9 = vector.broadcast %and3A : i32 to vector<16xi32>
    %and3A_10 = arith.andi %add3A_8, %and3A_9 : vector<16xi32>
    %swap3A = arith.constant 0 : index
    %swap3A_11 = tpu.vector_load %arg5[%swap3A] {strides = array<i32>} : memref<64xi32, #tpu.memory_space<vmem>>, vector<16xi32>,
    %swap3A_12 = vector.shape_cast %swap3A_11 : vector<16xi32> to vector<16xi32>
    %swap3A_13 = vector.shape_cast %and3A_10 : vector<16xi32> to vector<16xi32>
    tpu.vector_store %arg5[%swap3A], %swap3A_13 {strides = array<i32>} : memref<64xi32, #tpu.memory_space<vmem>>, vector<16xi32>,
    %iota3A_14 = tpu.iota {dimensions = array<i32: 0>} : vector<16xi32>
    %add3A_15 = arith.constant 16 : i32
    %add3A_16 = arith.addi %add3A_4, %add3A_15 : i32
    %add3A_17 = vector.broadcast %add3A_16 : i32 to vector<16xi32>
    %add3A_18 = arith.addi %iota3A_14, %add3A_17 : vector<16xi32>
    %and3A_19 = arith.constant 2047 : i32
    %and3A_20 = vector.broadcast %and3A_19 : i32 to vector<16xi32>
    %and3A_21 = arith.andi %add3A_18, %and3A_20 : vector<16xi32>
    %swap3A_22 = arith.constant 16 : index
    %swap3A_23 = tpu.vector_load %arg5[%swap3A_22] {strides = array<i32>} : memref<64xi32, #tpu.memory_space<vmem>>, vector<16xi32>,
    %swap3A_24 = vector.shape_cast %swap3A_23 : vector<16xi32> to vector<16xi32>
    %swap3A_25 = vector.shape_cast %and3A_21 : vector<16xi32> to vector<16xi32>
    tpu.vector_store %arg5[%swap3A_22], %swap3A_25 {strides = array<i32>} : memref<64xi32, #tpu.memory_space<vmem>>, vector<16xi32>,
    %iota3A_26 = tpu.iota {dimensions = array<i32: 0>} : vector<16xi32>
    %add3A_27 = arith.constant 32 : i32
    %add3A_28 = arith.addi %add3A_4, %add3A_27 : i32
    %add3A_29 = vector.broadcast %add3A_28 : i32 to vector<16xi32>
    %add3A_30 = arith.addi %iota3A_26, %add3A_29 : vector<16xi32>
    %and3A_31 = arith.constant 2047 : i32
    %and3A_32 = vector.broadcast %and3A_31 : i32 to vector<16xi32>
    %and3A_33 = arith.andi %add3A_30, %and3A_32 : vector<16xi32>
    %swap3A_34 = arith.constant 32 : index
    %swap3A_35 = tpu.vector_load %arg5[%swap3A_34] {strides = array<i32>} : memref<64xi32, #tpu.memory_space<vmem>>, vector<16xi32>,
    %swap3A_36 = vector.shape_cast %swap3A_35 : vector<16xi32> to vector<16xi32>
    %swap3A_37 = vector.shape_cast %and3A_33 : vector<16xi32> to vector<16xi32>
    tpu.vector_store %arg5[%swap3A_34], %swap3A_37 {strides = array<i32>} : memref<64xi32, #tpu.memory_space<vmem>>, vector<16xi32>,
    %iota3A_38 = tpu.iota {dimensions = array<i32: 0>} : vector<16xi32>
    %add3A_39 = arith.constant 48 : i32
    %add3A_40 = arith.addi %add3A_4, %add3A_39 : i32
    %add3A_41 = vector.broadcast %add3A_40 : i32 to vector<16xi32>
    %add3A_42 = arith.addi %iota3A_38, %add3A_41 : vector<16xi32>
    %and3A_43 = arith.constant 2047 : i32
    %and3A_44 = vector.broadcast %and3A_43 : i32 to vector<16xi32>
    %and3A_45 = arith.andi %add3A_42, %and3A_44 : vector<16xi32>
    %swap3A_46 = arith.constant 48 : index
    %swap3A_47 = tpu.vector_load %arg5[%swap3A_46] {strides = array<i32>} : memref<64xi32, #tpu.memory_space<vmem>>, vector<16xi32>,
    %swap3A_48 = vector.shape_cast %swap3A_47 : vector<16xi32> to vector<16xi32>
    %swap3A_49 = vector.shape_cast %and3A_45 : vector<16xi32> to vector<16xi32>
    tpu.vector_store %arg5[%swap3A_46], %swap3A_49 {strides = array<i32>} : memref<64xi32, #tpu.memory_space<vmem>>, vector<16xi32>,
    "tpu.region"() ({
      %run_scoped3A = tpu.sem_alloc : memref<!tpu.dma_semaphore, #tpu.memory_space<semaphore_mem>>
      %dma_start3A_122 = tpu.memref_slice %arg3[%add3A_4] : memref<4096xi32, #tpu.memory_space<hbm>> -> memref<64xi32, #tpu.memory_space<hbm>>
      %dma_start3A_123 = tpu.memref_slice %arg3[%add3A_4] : memref<4096xi32, #tpu.memory_space<hbm>> -> memref<64xi32, #tpu.memory_space<hbm>>
      tpu.enqueue_dma source(%dma_start3A_123 : memref<64xi32, #tpu.memory_space<hbm>>) target(%arg7 : memref<64xi32, #tpu.memory_space<vmem>>) target_semaphore(%run_scoped3A : memref<!tpu.dma_semaphore, #tpu.memory_space<semaphore_mem>>)
      %dma_wait3A_124 = tpu.memref_slice %arg3[%add3A_4] : memref<4096xi32, #tpu.memory_space<hbm>> -> memref<64xi32, #tpu.memory_space<hbm>>
      %dma_wait3A_125 = tpu.memref_slice %arg3[%add3A_4] : memref<4096xi32, #tpu.memory_space<hbm>> -> memref<64xi32, #tpu.memory_space<hbm>>
      tpu.wait_dma2 semaphore(%run_scoped3A : memref<!tpu.dma_semaphore, #tpu.memory_space<semaphore_mem>>) src(%dma_wait3A_125 : memref<64xi32, #tpu.memory_space<hbm>>) dst(%arg7 : memref<64xi32, #tpu.memory_space<vmem>>)
      tpu.yield
    }) : () -> ()
    %dma_start3A = arith.constant 0 : i32
    %dma_start3A_50 = arith.constant 0 : i32
    %dma_start3A_51 = tpu.memref_slice %arg2[%dma_start3A, %dma_start3A_50] : memref<2048x768xf32, #tpu.memory_space<hbm>> -> memref<2048x768xf32, #tpu.memory_space<hbm>>
    tpu.enqueue_indirect_dma source(%dma_start3A_51 : memref<2048x768xf32, #tpu.memory_space<hbm>>) target(%arg9 : memref<64x768xf32, #tpu.memory_space<vmem>>) offsets(%arg5 : memref<64xi32, #tpu.memory_space<vmem>>) semaphore(%arg11 : memref<!tpu.dma_semaphore, #tpu.memory_space<semaphore_mem>>)
    %add3A_52 = arith.constant 64 : i32
    %add3A_53 = arith.addi %mul3A_2, %add3A_52 : i32
    %iota3A_54 = tpu.iota {dimensions = array<i32: 0>} : vector<16xi32>
    %add3A_55 = arith.constant 0 : i32
    %add3A_56 = arith.addi %add3A_53, %add3A_55 : i32
    %add3A_57 = vector.broadcast %add3A_56 : i32 to vector<16xi32>
    %add3A_58 = arith.addi %iota3A_54, %add3A_57 : vector<16xi32>
    %and3A_59 = arith.constant 2047 : i32
    %and3A_60 = vector.broadcast %and3A_59 : i32 to vector<16xi32>
    %and3A_61 = arith.andi %add3A_58, %and3A_60 : vector<16xi32>
    %swap3A_62 = arith.constant 0 : index
    %swap3A_63 = tpu.vector_load %arg6[%swap3A_62] {strides = array<i32>} : memref<64xi32, #tpu.memory_space<vmem>>, vector<16xi32>,
    %swap3A_64 = vector.shape_cast %swap3A_63 : vector<16xi32> to vector<16xi32>
    %swap3A_65 = vector.shape_cast %and3A_61 : vector<16xi32> to vector<16xi32>
    tpu.vector_store %arg6[%swap3A_62], %swap3A_65 {strides = array<i32>} : memref<64xi32, #tpu.memory_space<vmem>>, vector<16xi32>,
    %iota3A_66 = tpu.iota {dimensions = array<i32: 0>} : vector<16xi32>
    %add3A_67 = arith.constant 16 : i32
    %add3A_68 = arith.addi %add3A_53, %add3A_67 : i32
    %add3A_69 = vector.broadcast %add3A_68 : i32 to vector<16xi32>
    %add3A_70 = arith.addi %iota3A_66, %add3A_69 : vector<16xi32>
    %and3A_71 = arith.constant 2047 : i32
    %and3A_72 = vector.broadcast %and3A_71 : i32 to vector<16xi32>
    %and3A_73 = arith.andi %add3A_70, %and3A_72 : vector<16xi32>
    %swap3A_74 = arith.constant 16 : index
    %swap3A_75 = tpu.vector_load %arg6[%swap3A_74] {strides = array<i32>} : memref<64xi32, #tpu.memory_space<vmem>>, vector<16xi32>,
    %swap3A_76 = vector.shape_cast %swap3A_75 : vector<16xi32> to vector<16xi32>
    %swap3A_77 = vector.shape_cast %and3A_73 : vector<16xi32> to vector<16xi32>
    tpu.vector_store %arg6[%swap3A_74], %swap3A_77 {strides = array<i32>} : memref<64xi32, #tpu.memory_space<vmem>>, vector<16xi32>,
    %iota3A_78 = tpu.iota {dimensions = array<i32: 0>} : vector<16xi32>
    %add3A_79 = arith.constant 32 : i32
    %add3A_80 = arith.addi %add3A_53, %add3A_79 : i32
    %add3A_81 = vector.broadcast %add3A_80 : i32 to vector<16xi32>
    %add3A_82 = arith.addi %iota3A_78, %add3A_81 : vector<16xi32>
    %and3A_83 = arith.constant 2047 : i32
    %and3A_84 = vector.broadcast %and3A_83 : i32 to vector<16xi32>
    %and3A_85 = arith.andi %add3A_82, %and3A_84 : vector<16xi32>
    %swap3A_86 = arith.constant 32 : index
    %swap3A_87 = tpu.vector_load %arg6[%swap3A_86] {strides = array<i32>} : memref<64xi32, #tpu.memory_space<vmem>>, vector<16xi32>,
    %swap3A_88 = vector.shape_cast %swap3A_87 : vector<16xi32> to vector<16xi32>
    %swap3A_89 = vector.shape_cast %and3A_85 : vector<16xi32> to vector<16xi32>
    tpu.vector_store %arg6[%swap3A_86], %swap3A_89 {strides = array<i32>} : memref<64xi32, #tpu.memory_space<vmem>>, vector<16xi32>,
    %iota3A_90 = tpu.iota {dimensions = array<i32: 0>} : vector<16xi32>
    %add3A_91 = arith.constant 48 : i32
    %add3A_92 = arith.addi %add3A_53, %add3A_91 : i32
    %add3A_93 = vector.broadcast %add3A_92 : i32 to vector<16xi32>
    %add3A_94 = arith.addi %iota3A_90, %add3A_93 : vector<16xi32>
    %and3A_95 = arith.constant 2047 : i32
    %and3A_96 = vector.broadcast %and3A_95 : i32 to vector<16xi32>
    %and3A_97 = arith.andi %add3A_94, %and3A_96 : vector<16xi32>
    %swap3A_98 = arith.constant 48 : index
    %swap3A_99 = tpu.vector_load %arg6[%swap3A_98] {strides = array<i32>} : memref<64xi32, #tpu.memory_space<vmem>>, vector<16xi32>,
    %swap3A_100 = vector.shape_cast %swap3A_99 : vector<16xi32> to vector<16xi32>
    %swap3A_101 = vector.shape_cast %and3A_97 : vector<16xi32> to vector<16xi32>
    tpu.vector_store %arg6[%swap3A_98], %swap3A_101 {strides = array<i32>} : memref<64xi32, #tpu.memory_space<vmem>>, vector<16xi32>,
    "tpu.region"() ({
      %run_scoped3A = tpu.sem_alloc : memref<!tpu.dma_semaphore, #tpu.memory_space<semaphore_mem>>
      %dma_start3A_122 = tpu.memref_slice %arg3[%add3A_53] : memref<4096xi32, #tpu.memory_space<hbm>> -> memref<64xi32, #tpu.memory_space<hbm>>
      %dma_start3A_123 = tpu.memref_slice %arg3[%add3A_53] : memref<4096xi32, #tpu.memory_space<hbm>> -> memref<64xi32, #tpu.memory_space<hbm>>
      tpu.enqueue_dma source(%dma_start3A_123 : memref<64xi32, #tpu.memory_space<hbm>>) target(%arg8 : memref<64xi32, #tpu.memory_space<vmem>>) target_semaphore(%run_scoped3A : memref<!tpu.dma_semaphore, #tpu.memory_space<semaphore_mem>>)
      %dma_wait3A_124 = tpu.memref_slice %arg3[%add3A_53] : memref<4096xi32, #tpu.memory_space<hbm>> -> memref<64xi32, #tpu.memory_space<hbm>>
      %dma_wait3A_125 = tpu.memref_slice %arg3[%add3A_53] : memref<4096xi32, #tpu.memory_space<hbm>> -> memref<64xi32, #tpu.memory_space<hbm>>
      tpu.wait_dma2 semaphore(%run_scoped3A : memref<!tpu.dma_semaphore, #tpu.memory_space<semaphore_mem>>) src(%dma_wait3A_125 : memref<64xi32, #tpu.memory_space<hbm>>) dst(%arg8 : memref<64xi32, #tpu.memory_space<vmem>>)
      tpu.yield
    }) : () -> ()
    %dma_start3A_102 = arith.constant 0 : i32
    %dma_start3A_103 = arith.constant 0 : i32
    %dma_start3A_104 = tpu.memref_slice %arg2[%dma_start3A_102, %dma_start3A_103] : memref<2048x768xf32, #tpu.memory_space<hbm>> -> memref<2048x768xf32, #tpu.memory_space<hbm>>
    tpu.enqueue_indirect_dma source(%dma_start3A_104 : memref<2048x768xf32, #tpu.memory_space<hbm>>) target(%arg10 : memref<64x768xf32, #tpu.memory_space<vmem>>) offsets(%arg6 : memref<64xi32, #tpu.memory_space<vmem>>) semaphore(%arg11 : memref<!tpu.dma_semaphore, #tpu.memory_space<semaphore_mem>>)
    %dma_wait3A = arith.constant 0 : i32
    %dma_wait3A_105 = arith.constant 0 : i32
    %dma_wait3A_106 = tpu.memref_slice %arg2[%dma_wait3A, %dma_wait3A_105] : memref<2048x768xf32, #tpu.memory_space<hbm>> -> memref<2048x768xf32, #tpu.memory_space<hbm>>
    tpu.wait_indirect_dma semaphore(%arg11 : memref<!tpu.dma_semaphore, #tpu.memory_space<semaphore_mem>>) src(%dma_wait3A_106 : memref<2048x768xf32, #tpu.memory_space<hbm>>) dst(%arg9 : memref<64x768xf32, #tpu.memory_space<vmem>>)
    %dma_start3A_107 = arith.constant 0 : i32
    %dma_start3A_108 = arith.constant 0 : i32
    %dma_start3A_109 = tpu.memref_slice %arg4[%dma_start3A_107, %dma_start3A_108] : memref<12288x768xf32, #tpu.memory_space<hbm>> -> memref<12288x768xf32, #tpu.memory_space<hbm>>
    tpu.enqueue_indirect_dma source(%arg9 : memref<64x768xf32, #tpu.memory_space<vmem>>) target(%dma_start3A_109 : memref<12288x768xf32, #tpu.memory_space<hbm>>) offsets(%arg7 : memref<64xi32, #tpu.memory_space<vmem>>) semaphore(%arg12 : memref<!tpu.dma_semaphore, #tpu.memory_space<semaphore_mem>>)
    %dma_wait3A_110 = arith.constant 0 : i32
    %dma_wait3A_111 = arith.constant 0 : i32
    %dma_wait3A_112 = tpu.memref_slice %arg2[%dma_wait3A_110, %dma_wait3A_111] : memref<2048x768xf32, #tpu.memory_space<hbm>> -> memref<2048x768xf32, #tpu.memory_space<hbm>>
    tpu.wait_indirect_dma semaphore(%arg11 : memref<!tpu.dma_semaphore, #tpu.memory_space<semaphore_mem>>) src(%dma_wait3A_112 : memref<2048x768xf32, #tpu.memory_space<hbm>>) dst(%arg10 : memref<64x768xf32, #tpu.memory_space<vmem>>)
    %dma_start3A_113 = arith.constant 0 : i32
    %dma_start3A_114 = arith.constant 0 : i32
    %dma_start3A_115 = tpu.memref_slice %arg4[%dma_start3A_113, %dma_start3A_114] : memref<12288x768xf32, #tpu.memory_space<hbm>> -> memref<12288x768xf32, #tpu.memory_space<hbm>>
    tpu.enqueue_indirect_dma source(%arg10 : memref<64x768xf32, #tpu.memory_space<vmem>>) target(%dma_start3A_115 : memref<12288x768xf32, #tpu.memory_space<hbm>>) offsets(%arg8 : memref<64xi32, #tpu.memory_space<vmem>>) semaphore(%arg12 : memref<!tpu.dma_semaphore, #tpu.memory_space<semaphore_mem>>)
    %dma_wait3A_116 = arith.constant 0 : i32
    %dma_wait3A_117 = arith.constant 0 : i32
    %dma_wait3A_118 = tpu.memref_slice %arg4[%dma_wait3A_116, %dma_wait3A_117] : memref<12288x768xf32, #tpu.memory_space<hbm>> -> memref<12288x768xf32, #tpu.memory_space<hbm>>
    tpu.wait_indirect_dma semaphore(%arg12 : memref<!tpu.dma_semaphore, #tpu.memory_space<semaphore_mem>>) src(%arg9 : memref<64x768xf32, #tpu.memory_space<vmem>>) dst(%dma_wait3A_118 : memref<12288x768xf32, #tpu.memory_space<hbm>>)
    %dma_wait3A_119 = arith.constant 0 : i32
    %dma_wait3A_120 = arith.constant 0 : i32
    %dma_wait3A_121 = tpu.memref_slice %arg4[%dma_wait3A_119, %dma_wait3A_120] : memref<12288x768xf32, #tpu.memory_space<hbm>> -> memref<12288x768xf32, #tpu.memory_space<hbm>>
    tpu.wait_indirect_dma semaphore(%arg12 : memref<!tpu.dma_semaphore, #tpu.memory_space<semaphore_mem>>) src(%arg10 : memref<64x768xf32, #tpu.memory_space<vmem>>) dst(%dma_wait3A_121 : memref<12288x768xf32, #tpu.memory_space<hbm>>)
    return
  }
}

#map = affine_map<(d0, d1) -> (0, 0)>
#map1 = affine_map<(d0, d1) -> (0)>
module attributes {stable_mosaic.version = 14 : i64} {
  func.func @_combine_sc(%arg0: i32, %arg1: i32, %arg2: memref<12288x768xf32, #tpu.memory_space<hbm>>, %arg3: memref<4096xi32, #tpu.memory_space<hbm>>, %arg4: memref<65536xf32, #tpu.memory_space<hbm>>, %arg5: memref<2048x768xf32, #tpu.memory_space<hbm>>, %arg6: memref<32xi32, #tpu.memory_space<vmem>>, %arg7: memref<32xi32, #tpu.memory_space<vmem>>, %arg8: memref<32xi32, #tpu.memory_space<vmem>>, %arg9: memref<32xi32, #tpu.memory_space<vmem>>, %arg10: memref<512xf32, #tpu.memory_space<vmem>>, %arg11: memref<512xf32, #tpu.memory_space<vmem>>, %arg12: memref<512xf32, #tpu.memory_space<vmem>>, %arg13: memref<512xf32, #tpu.memory_space<vmem>>, %arg14: memref<32x768xf32, #tpu.memory_space<vmem>>, %arg15: memref<32x768xf32, #tpu.memory_space<vmem>>, %arg16: memref<32x768xf32, #tpu.memory_space<vmem>>, %arg17: memref<32x768xf32, #tpu.memory_space<vmem>>, %arg18: memref<!tpu.dma_semaphore, #tpu.memory_space<semaphore_mem>>) attributes {dimension_semantics = [#tpu.dimension_semantics<core_parallel>, #tpu.dimension_semantics<subcore_parallel>], iteration_bounds = array<i64: 2, 16>, scalar_prefetch = 0 : i64, scratch_operands = 13 : i64, tpu.core_type = #tpu.core_type<sc_vector_subcore>, window_params = [{transform_indices = #map}, {transform_indices = #map1}, {transform_indices = #map1}, {transform_indices = #map}]} {
    %mul3A = arith.constant 2 : i32
    %mul3A_0 = arith.muli %arg1, %mul3A : i32
    %add3A = arith.addi %mul3A_0, %arg0 : i32
    %mul3A_1 = arith.constant 64 : i32
    %mul3A_2 = arith.muli %add3A, %mul3A_1 : i32
    %add3A_3 = arith.constant 0 : i32
    %add3A_4 = arith.addi %mul3A_2, %add3A_3 : i32
    "tpu.region"() ({
      %run_scoped3A = tpu.sem_alloc : memref<!tpu.dma_semaphore, #tpu.memory_space<semaphore_mem>>
      %dma_start3A_60 = tpu.memref_slice %arg3[%add3A_4] : memref<4096xi32, #tpu.memory_space<hbm>> -> memref<32xi32, #tpu.memory_space<hbm>>
      %dma_start3A_61 = tpu.memref_slice %arg3[%add3A_4] : memref<4096xi32, #tpu.memory_space<hbm>> -> memref<32xi32, #tpu.memory_space<hbm>>
      tpu.enqueue_dma source(%dma_start3A_61 : memref<32xi32, #tpu.memory_space<hbm>>) target(%arg6 : memref<32xi32, #tpu.memory_space<vmem>>) target_semaphore(%run_scoped3A : memref<!tpu.dma_semaphore, #tpu.memory_space<semaphore_mem>>)
      %dma_wait3A_62 = tpu.memref_slice %arg3[%add3A_4] : memref<4096xi32, #tpu.memory_space<hbm>> -> memref<32xi32, #tpu.memory_space<hbm>>
      %dma_wait3A_63 = tpu.memref_slice %arg3[%add3A_4] : memref<4096xi32, #tpu.memory_space<hbm>> -> memref<32xi32, #tpu.memory_space<hbm>>
      tpu.wait_dma2 semaphore(%run_scoped3A : memref<!tpu.dma_semaphore, #tpu.memory_space<semaphore_mem>>) src(%dma_wait3A_63 : memref<32xi32, #tpu.memory_space<hbm>>) dst(%arg6 : memref<32xi32, #tpu.memory_space<vmem>>)
      tpu.yield
    }) : () -> ()
    %add3A_5 = arith.constant 2048 : i32
    %add3A_6 = arith.addi %add3A_5, %add3A_4 : i32
    "tpu.region"() ({
      %run_scoped3A = tpu.sem_alloc : memref<!tpu.dma_semaphore, #tpu.memory_space<semaphore_mem>>
      %dma_start3A_60 = tpu.memref_slice %arg3[%add3A_6] : memref<4096xi32, #tpu.memory_space<hbm>> -> memref<32xi32, #tpu.memory_space<hbm>>
      %dma_start3A_61 = tpu.memref_slice %arg3[%add3A_6] : memref<4096xi32, #tpu.memory_space<hbm>> -> memref<32xi32, #tpu.memory_space<hbm>>
      tpu.enqueue_dma source(%dma_start3A_61 : memref<32xi32, #tpu.memory_space<hbm>>) target(%arg7 : memref<32xi32, #tpu.memory_space<vmem>>) target_semaphore(%run_scoped3A : memref<!tpu.dma_semaphore, #tpu.memory_space<semaphore_mem>>)
      %dma_wait3A_62 = tpu.memref_slice %arg3[%add3A_6] : memref<4096xi32, #tpu.memory_space<hbm>> -> memref<32xi32, #tpu.memory_space<hbm>>
      %dma_wait3A_63 = tpu.memref_slice %arg3[%add3A_6] : memref<4096xi32, #tpu.memory_space<hbm>> -> memref<32xi32, #tpu.memory_space<hbm>>
      tpu.wait_dma2 semaphore(%run_scoped3A : memref<!tpu.dma_semaphore, #tpu.memory_space<semaphore_mem>>) src(%dma_wait3A_63 : memref<32xi32, #tpu.memory_space<hbm>>) dst(%arg7 : memref<32xi32, #tpu.memory_space<vmem>>)
      tpu.yield
    }) : () -> ()
    %mul3A_7 = arith.constant 16 : i32
    %mul3A_8 = arith.muli %add3A_4, %mul3A_7 : i32
    "tpu.region"() ({
      %run_scoped3A = tpu.sem_alloc : memref<!tpu.dma_semaphore, #tpu.memory_space<semaphore_mem>>
      %dma_start3A_60 = tpu.memref_slice %arg4[%mul3A_8] : memref<65536xf32, #tpu.memory_space<hbm>> -> memref<512xf32, #tpu.memory_space<hbm>>
      %dma_start3A_61 = tpu.memref_slice %arg4[%mul3A_8] : memref<65536xf32, #tpu.memory_space<hbm>> -> memref<512xf32, #tpu.memory_space<hbm>>
      tpu.enqueue_dma source(%dma_start3A_61 : memref<512xf32, #tpu.memory_space<hbm>>) target(%arg10 : memref<512xf32, #tpu.memory_space<vmem>>) target_semaphore(%run_scoped3A : memref<!tpu.dma_semaphore, #tpu.memory_space<semaphore_mem>>)
      %dma_wait3A_62 = tpu.memref_slice %arg4[%mul3A_8] : memref<65536xf32, #tpu.memory_space<hbm>> -> memref<512xf32, #tpu.memory_space<hbm>>
      %dma_wait3A_63 = tpu.memref_slice %arg4[%mul3A_8] : memref<65536xf32, #tpu.memory_space<hbm>> -> memref<512xf32, #tpu.memory_space<hbm>>
      tpu.wait_dma2 semaphore(%run_scoped3A : memref<!tpu.dma_semaphore, #tpu.memory_space<semaphore_mem>>) src(%dma_wait3A_63 : memref<512xf32, #tpu.memory_space<hbm>>) dst(%arg10 : memref<512xf32, #tpu.memory_space<vmem>>)
      tpu.yield
    }) : () -> ()
    %add3A_9 = arith.constant 2048 : i32
    %add3A_10 = arith.addi %add3A_9, %add3A_4 : i32
    %mul3A_11 = arith.constant 16 : i32
    %mul3A_12 = arith.muli %add3A_10, %mul3A_11 : i32
    "tpu.region"() ({
      %run_scoped3A = tpu.sem_alloc : memref<!tpu.dma_semaphore, #tpu.memory_space<semaphore_mem>>
      %dma_start3A_60 = tpu.memref_slice %arg4[%mul3A_12] : memref<65536xf32, #tpu.memory_space<hbm>> -> memref<512xf32, #tpu.memory_space<hbm>>
      %dma_start3A_61 = tpu.memref_slice %arg4[%mul3A_12] : memref<65536xf32, #tpu.memory_space<hbm>> -> memref<512xf32, #tpu.memory_space<hbm>>
      tpu.enqueue_dma source(%dma_start3A_61 : memref<512xf32, #tpu.memory_space<hbm>>) target(%arg11 : memref<512xf32, #tpu.memory_space<vmem>>) target_semaphore(%run_scoped3A : memref<!tpu.dma_semaphore, #tpu.memory_space<semaphore_mem>>)
      %dma_wait3A_62 = tpu.memref_slice %arg4[%mul3A_12] : memref<65536xf32, #tpu.memory_space<hbm>> -> memref<512xf32, #tpu.memory_space<hbm>>
      %dma_wait3A_63 = tpu.memref_slice %arg4[%mul3A_12] : memref<65536xf32, #tpu.memory_space<hbm>> -> memref<512xf32, #tpu.memory_space<hbm>>
      tpu.wait_dma2 semaphore(%run_scoped3A : memref<!tpu.dma_semaphore, #tpu.memory_space<semaphore_mem>>) src(%dma_wait3A_63 : memref<512xf32, #tpu.memory_space<hbm>>) dst(%arg11 : memref<512xf32, #tpu.memory_space<vmem>>)
      tpu.yield
    }) : () -> ()
    %dma_start3A = arith.constant 0 : i32
    %dma_start3A_13 = arith.constant 0 : i32
    %dma_start3A_14 = tpu.memref_slice %arg2[%dma_start3A, %dma_start3A_13] : memref<12288x768xf32, #tpu.memory_space<hbm>> -> memref<12288x768xf32, #tpu.memory_space<hbm>>
    tpu.enqueue_indirect_dma source(%dma_start3A_14 : memref<12288x768xf32, #tpu.memory_space<hbm>>) target(%arg14 : memref<32x768xf32, #tpu.memory_space<vmem>>) offsets(%arg6 : memref<32xi32, #tpu.memory_space<vmem>>) semaphore(%arg18 : memref<!tpu.dma_semaphore, #tpu.memory_space<semaphore_mem>>)
    %dma_start3A_15 = arith.constant 0 : i32
    %dma_start3A_16 = arith.constant 0 : i32
    %dma_start3A_17 = tpu.memref_slice %arg2[%dma_start3A_15, %dma_start3A_16] : memref<12288x768xf32, #tpu.memory_space<hbm>> -> memref<12288x768xf32, #tpu.memory_space<hbm>>
    tpu.enqueue_indirect_dma source(%dma_start3A_17 : memref<12288x768xf32, #tpu.memory_space<hbm>>) target(%arg15 : memref<32x768xf32, #tpu.memory_space<vmem>>) offsets(%arg7 : memref<32xi32, #tpu.memory_space<vmem>>) semaphore(%arg18 : memref<!tpu.dma_semaphore, #tpu.memory_space<semaphore_mem>>)
    %add3A_18 = arith.constant 32 : i32
    %add3A_19 = arith.addi %mul3A_2, %add3A_18 : i32
    "tpu.region"() ({
      %run_scoped3A = tpu.sem_alloc : memref<!tpu.dma_semaphore, #tpu.memory_space<semaphore_mem>>
      %dma_start3A_60 = tpu.memref_slice %arg3[%add3A_19] : memref<4096xi32, #tpu.memory_space<hbm>> -> memref<32xi32, #tpu.memory_space<hbm>>
      %dma_start3A_61 = tpu.memref_slice %arg3[%add3A_19] : memref<4096xi32, #tpu.memory_space<hbm>> -> memref<32xi32, #tpu.memory_space<hbm>>
      tpu.enqueue_dma source(%dma_start3A_61 : memref<32xi32, #tpu.memory_space<hbm>>) target(%arg8 : memref<32xi32, #tpu.memory_space<vmem>>) target_semaphore(%run_scoped3A : memref<!tpu.dma_semaphore, #tpu.memory_space<semaphore_mem>>)
      %dma_wait3A_62 = tpu.memref_slice %arg3[%add3A_19] : memref<4096xi32, #tpu.memory_space<hbm>> -> memref<32xi32, #tpu.memory_space<hbm>>
      %dma_wait3A_63 = tpu.memref_slice %arg3[%add3A_19] : memref<4096xi32, #tpu.memory_space<hbm>> -> memref<32xi32, #tpu.memory_space<hbm>>
      tpu.wait_dma2 semaphore(%run_scoped3A : memref<!tpu.dma_semaphore, #tpu.memory_space<semaphore_mem>>) src(%dma_wait3A_63 : memref<32xi32, #tpu.memory_space<hbm>>) dst(%arg8 : memref<32xi32, #tpu.memory_space<vmem>>)
      tpu.yield
    }) : () -> ()
    %add3A_20 = arith.constant 2048 : i32
    %add3A_21 = arith.addi %add3A_20, %add3A_19 : i32
    "tpu.region"() ({
      %run_scoped3A = tpu.sem_alloc : memref<!tpu.dma_semaphore, #tpu.memory_space<semaphore_mem>>
      %dma_start3A_60 = tpu.memref_slice %arg3[%add3A_21] : memref<4096xi32, #tpu.memory_space<hbm>> -> memref<32xi32, #tpu.memory_space<hbm>>
      %dma_start3A_61 = tpu.memref_slice %arg3[%add3A_21] : memref<4096xi32, #tpu.memory_space<hbm>> -> memref<32xi32, #tpu.memory_space<hbm>>
      tpu.enqueue_dma source(%dma_start3A_61 : memref<32xi32, #tpu.memory_space<hbm>>) target(%arg9 : memref<32xi32, #tpu.memory_space<vmem>>) target_semaphore(%run_scoped3A : memref<!tpu.dma_semaphore, #tpu.memory_space<semaphore_mem>>)
      %dma_wait3A_62 = tpu.memref_slice %arg3[%add3A_21] : memref<4096xi32, #tpu.memory_space<hbm>> -> memref<32xi32, #tpu.memory_space<hbm>>
      %dma_wait3A_63 = tpu.memref_slice %arg3[%add3A_21] : memref<4096xi32, #tpu.memory_space<hbm>> -> memref<32xi32, #tpu.memory_space<hbm>>
      tpu.wait_dma2 semaphore(%run_scoped3A : memref<!tpu.dma_semaphore, #tpu.memory_space<semaphore_mem>>) src(%dma_wait3A_63 : memref<32xi32, #tpu.memory_space<hbm>>) dst(%arg9 : memref<32xi32, #tpu.memory_space<vmem>>)
      tpu.yield
    }) : () -> ()
    %mul3A_22 = arith.constant 16 : i32
    %mul3A_23 = arith.muli %add3A_19, %mul3A_22 : i32
    "tpu.region"() ({
      %run_scoped3A = tpu.sem_alloc : memref<!tpu.dma_semaphore, #tpu.memory_space<semaphore_mem>>
      %dma_start3A_60 = tpu.memref_slice %arg4[%mul3A_23] : memref<65536xf32, #tpu.memory_space<hbm>> -> memref<512xf32, #tpu.memory_space<hbm>>
      %dma_start3A_61 = tpu.memref_slice %arg4[%mul3A_23] : memref<65536xf32, #tpu.memory_space<hbm>> -> memref<512xf32, #tpu.memory_space<hbm>>
      tpu.enqueue_dma source(%dma_start3A_61 : memref<512xf32, #tpu.memory_space<hbm>>) target(%arg12 : memref<512xf32, #tpu.memory_space<vmem>>) target_semaphore(%run_scoped3A : memref<!tpu.dma_semaphore, #tpu.memory_space<semaphore_mem>>)
      %dma_wait3A_62 = tpu.memref_slice %arg4[%mul3A_23] : memref<65536xf32, #tpu.memory_space<hbm>> -> memref<512xf32, #tpu.memory_space<hbm>>
      %dma_wait3A_63 = tpu.memref_slice %arg4[%mul3A_23] : memref<65536xf32, #tpu.memory_space<hbm>> -> memref<512xf32, #tpu.memory_space<hbm>>
      tpu.wait_dma2 semaphore(%run_scoped3A : memref<!tpu.dma_semaphore, #tpu.memory_space<semaphore_mem>>) src(%dma_wait3A_63 : memref<512xf32, #tpu.memory_space<hbm>>) dst(%arg12 : memref<512xf32, #tpu.memory_space<vmem>>)
      tpu.yield
    }) : () -> ()
    %add3A_24 = arith.constant 2048 : i32
    %add3A_25 = arith.addi %add3A_24, %add3A_19 : i32
    %mul3A_26 = arith.constant 16 : i32
    %mul3A_27 = arith.muli %add3A_25, %mul3A_26 : i32
    "tpu.region"() ({
      %run_scoped3A = tpu.sem_alloc : memref<!tpu.dma_semaphore, #tpu.memory_space<semaphore_mem>>
      %dma_start3A_60 = tpu.memref_slice %arg4[%mul3A_27] : memref<65536xf32, #tpu.memory_space<hbm>> -> memref<512xf32, #tpu.memory_space<hbm>>
      %dma_start3A_61 = tpu.memref_slice %arg4[%mul3A_27] : memref<65536xf32, #tpu.memory_space<hbm>> -> memref<512xf32, #tpu.memory_space<hbm>>
      tpu.enqueue_dma source(%dma_start3A_61 : memref<512xf32, #tpu.memory_space<hbm>>) target(%arg13 : memref<512xf32, #tpu.memory_space<vmem>>) target_semaphore(%run_scoped3A : memref<!tpu.dma_semaphore, #tpu.memory_space<semaphore_mem>>)
      %dma_wait3A_62 = tpu.memref_slice %arg4[%mul3A_27] : memref<65536xf32, #tpu.memory_space<hbm>> -> memref<512xf32, #tpu.memory_space<hbm>>
      %dma_wait3A_63 = tpu.memref_slice %arg4[%mul3A_27] : memref<65536xf32, #tpu.memory_space<hbm>> -> memref<512xf32, #tpu.memory_space<hbm>>
      tpu.wait_dma2 semaphore(%run_scoped3A : memref<!tpu.dma_semaphore, #tpu.memory_space<semaphore_mem>>) src(%dma_wait3A_63 : memref<512xf32, #tpu.memory_space<hbm>>) dst(%arg13 : memref<512xf32, #tpu.memory_space<vmem>>)
      tpu.yield
    }) : () -> ()
    %dma_start3A_28 = arith.constant 0 : i32
    %dma_start3A_29 = arith.constant 0 : i32
    %dma_start3A_30 = tpu.memref_slice %arg2[%dma_start3A_28, %dma_start3A_29] : memref<12288x768xf32, #tpu.memory_space<hbm>> -> memref<12288x768xf32, #tpu.memory_space<hbm>>
    tpu.enqueue_indirect_dma source(%dma_start3A_30 : memref<12288x768xf32, #tpu.memory_space<hbm>>) target(%arg16 : memref<32x768xf32, #tpu.memory_space<vmem>>) offsets(%arg8 : memref<32xi32, #tpu.memory_space<vmem>>) semaphore(%arg18 : memref<!tpu.dma_semaphore, #tpu.memory_space<semaphore_mem>>)
    %dma_start3A_31 = arith.constant 0 : i32
    %dma_start3A_32 = arith.constant 0 : i32
    %dma_start3A_33 = tpu.memref_slice %arg2[%dma_start3A_31, %dma_start3A_32] : memref<12288x768xf32, #tpu.memory_space<hbm>> -> memref<12288x768xf32, #tpu.memory_space<hbm>>
    tpu.enqueue_indirect_dma source(%dma_start3A_33 : memref<12288x768xf32, #tpu.memory_space<hbm>>) target(%arg17 : memref<32x768xf32, #tpu.memory_space<vmem>>) offsets(%arg9 : memref<32xi32, #tpu.memory_space<vmem>>) semaphore(%arg18 : memref<!tpu.dma_semaphore, #tpu.memory_space<semaphore_mem>>)
    %add3A_34 = arith.constant 0 : i32
    %add3A_35 = arith.addi %mul3A_2, %add3A_34 : i32
    %dma_wait3A = arith.constant 0 : i32
    %dma_wait3A_36 = arith.constant 0 : i32
    %dma_wait3A_37 = tpu.memref_slice %arg2[%dma_wait3A, %dma_wait3A_36] : memref<12288x768xf32, #tpu.memory_space<hbm>> -> memref<12288x768xf32, #tpu.memory_space<hbm>>
    tpu.wait_indirect_dma semaphore(%arg18 : memref<!tpu.dma_semaphore, #tpu.memory_space<semaphore_mem>>) src(%dma_wait3A_37 : memref<12288x768xf32, #tpu.memory_space<hbm>>) dst(%arg14 : memref<32x768xf32, #tpu.memory_space<vmem>>)
    %dma_wait3A_38 = arith.constant 0 : i32
    %dma_wait3A_39 = arith.constant 0 : i32
    %dma_wait3A_40 = tpu.memref_slice %arg2[%dma_wait3A_38, %dma_wait3A_39] : memref<12288x768xf32, #tpu.memory_space<hbm>> -> memref<12288x768xf32, #tpu.memory_space<hbm>>
    tpu.wait_indirect_dma semaphore(%arg18 : memref<!tpu.dma_semaphore, #tpu.memory_space<semaphore_mem>>) src(%dma_wait3A_40 : memref<12288x768xf32, #tpu.memory_space<hbm>>) dst(%arg15 : memref<32x768xf32, #tpu.memory_space<vmem>>)
    %scan3A = arith.constant 0 : i32
    %scan3A_41 = arith.constant 0 : i32
    %scan3A_42 = arith.constant 32 : i32
    %scan3A_43 = arith.addi %scan3A_41, %scan3A_42 : i32
    %scan3A_44 = arith.constant 1 : i32
    scf.for %scan3A_60 = %scan3A_41 to %scan3A_43 step %scan3A_44  : i32 {
      %mul3A_61 = arith.constant 16 : i32
      %mul3A_62 = arith.muli %scan3A_60, %mul3A_61 : i32
      %get3A = arith.index_cast %mul3A_62 : i32 to index
      %get3A_63 = tpu.vector_load %arg10[%get3A] {strides = array<i32>} : memref<512xf32, #tpu.memory_space<vmem>>, vector<16xf32>,
      %get3A_64 = vector.shape_cast %get3A_63 : vector<16xf32> to vector<16xf32>
      %mul3A_65 = arith.constant 16 : i32
      %mul3A_66 = arith.muli %scan3A_60, %mul3A_65 : i32
      %get3A_67 = arith.index_cast %mul3A_66 : i32 to index
      %get3A_68 = tpu.vector_load %arg11[%get3A_67] {strides = array<i32>} : memref<512xf32, #tpu.memory_space<vmem>>, vector<16xf32>,
      %get3A_69 = vector.shape_cast %get3A_68 : vector<16xf32> to vector<16xf32>
      %get3A_70 = arith.index_cast %scan3A_60 : i32 to index
      %get3A_71 = arith.constant 0 : index
      %get3A_72 = tpu.vector_load %arg14[%get3A_70, %get3A_71] {strides = array<i32>} : memref<32x768xf32, #tpu.memory_space<vmem>>, vector<1x16xf32>,
      %get3A_73 = vector.shape_cast %get3A_72 : vector<1x16xf32> to vector<16xf32>
      %mul3A_74 = arith.mulf %get3A_73, %get3A_64 : vector<16xf32>
      %get3A_75 = arith.index_cast %scan3A_60 : i32 to index
      %get3A_76 = arith.constant 0 : index
      %get3A_77 = tpu.vector_load %arg15[%get3A_75, %get3A_76] {strides = array<i32>} : memref<32x768xf32, #tpu.memory_space<vmem>>, vector<1x16xf32>,
      %get3A_78 = vector.shape_cast %get3A_77 : vector<1x16xf32> to vector<16xf32>
      %mul3A_79 = arith.mulf %get3A_78, %get3A_69 : vector<16xf32>
      %add3A_80 = arith.addf %mul3A_74, %mul3A_79 : vector<16xf32>
      %swap3A = arith.index_cast %scan3A_60 : i32 to index
      %swap3A_81 = arith.constant 0 : index
      %swap3A_82 = tpu.vector_load %arg14[%swap3A, %swap3A_81] {strides = array<i32>} : memref<32x768xf32, #tpu.memory_space<vmem>>, vector<1x16xf32>,
      %swap3A_83 = vector.shape_cast %swap3A_82 : vector<1x16xf32> to vector<16xf32>
      %swap3A_84 = vector.shape_cast %add3A_80 : vector<16xf32> to vector<1x16xf32>
      tpu.vector_store %arg14[%swap3A, %swap3A_81], %swap3A_84 {strides = array<i32>} : memref<32x768xf32, #tpu.memory_space<vmem>>, vector<1x16xf32>,
      %get3A_85 = arith.index_cast %scan3A_60 : i32 to index
      %get3A_86 = arith.constant 16 : index
      %get3A_87 = tpu.vector_load %arg14[%get3A_85, %get3A_86] {strides = array<i32>} : memref<32x768xf32, #tpu.memory_space<vmem>>, vector<1x16xf32>,
      %get3A_88 = vector.shape_cast %get3A_87 : vector<1x16xf32> to vector<16xf32>
      %mul3A_89 = arith.mulf %get3A_88, %get3A_64 : vector<16xf32>
      %get3A_90 = arith.index_cast %scan3A_60 : i32 to index
      %get3A_91 = arith.constant 16 : index
      %get3A_92 = tpu.vector_load %arg15[%get3A_90, %get3A_91] {strides = array<i32>} : memref<32x768xf32, #tpu.memory_space<vmem>>, vector<1x16xf32>,
      %get3A_93 = vector.shape_cast %get3A_92 : vector<1x16xf32> to vector<16xf32>
      %mul3A_94 = arith.mulf %get3A_93, %get3A_69 : vector<16xf32>
      %add3A_95 = arith.addf %mul3A_89, %mul3A_94 : vector<16xf32>
      %swap3A_96 = arith.index_cast %scan3A_60 : i32 to index
      %swap3A_97 = arith.constant 16 : index
      %swap3A_98 = tpu.vector_load %arg14[%swap3A_96, %swap3A_97] {strides = array<i32>} : memref<32x768xf32, #tpu.memory_space<vmem>>, vector<1x16xf32>,
      %swap3A_99 = vector.shape_cast %swap3A_98 : vector<1x16xf32> to vector<16xf32>
      %swap3A_100 = vector.shape_cast %add3A_95 : vector<16xf32> to vector<1x16xf32>
      tpu.vector_store %arg14[%swap3A_96, %swap3A_97], %swap3A_100 {strides = array<i32>} : memref<32x768xf32, #tpu.memory_space<vmem>>, vector<1x16xf32>,
      %get3A_101 = arith.index_cast %scan3A_60 : i32 to index
      %get3A_102 = arith.constant 32 : index
      %get3A_103 = tpu.vector_load %arg14[%get3A_101, %get3A_102] {strides = array<i32>} : memref<32x768xf32, #tpu.memory_space<vmem>>, vector<1x16xf32>,
      %get3A_104 = vector.shape_cast %get3A_103 : vector<1x16xf32> to vector<16xf32>
      %mul3A_105 = arith.mulf %get3A_104, %get3A_64 : vector<16xf32>
      %get3A_106 = arith.index_cast %scan3A_60 : i32 to index
      %get3A_107 = arith.constant 32 : index
      %get3A_108 = tpu.vector_load %arg15[%get3A_106, %get3A_107] {strides = array<i32>} : memref<32x768xf32, #tpu.memory_space<vmem>>, vector<1x16xf32>,
      %get3A_109 = vector.shape_cast %get3A_108 : vector<1x16xf32> to vector<16xf32>
      %mul3A_110 = arith.mulf %get3A_109, %get3A_69 : vector<16xf32>
      %add3A_111 = arith.addf %mul3A_105, %mul3A_110 : vector<16xf32>
      %swap3A_112 = arith.index_cast %scan3A_60 : i32 to index
      %swap3A_113 = arith.constant 32 : index
      %swap3A_114 = tpu.vector_load %arg14[%swap3A_112, %swap3A_113] {strides = array<i32>} : memref<32x768xf32, #tpu.memory_space<vmem>>, vector<1x16xf32>,
      %swap3A_115 = vector.shape_cast %swap3A_114 : vector<1x16xf32> to vector<16xf32>
      %swap3A_116 = vector.shape_cast %add3A_111 : vector<16xf32> to vector<1x16xf32>
      tpu.vector_store %arg14[%swap3A_112, %swap3A_113], %swap3A_116 {strides = array<i32>} : memref<32x768xf32, #tpu.memory_space<vmem>>, vector<1x16xf32>,
      %get3A_117 = arith.index_cast %scan3A_60 : i32 to index
      %get3A_118 = arith.constant 48 : index
      %get3A_119 = tpu.vector_load %arg14[%get3A_117, %get3A_118] {strides = array<i32>} : memref<32x768xf32, #tpu.memory_space<vmem>>, vector<1x16xf32>,
      %get3A_120 = vector.shape_cast %get3A_119 : vector<1x16xf32> to vector<16xf32>
      %mul3A_121 = arith.mulf %get3A_120, %get3A_64 : vector<16xf32>
      %get3A_122 = arith.index_cast %scan3A_60 : i32 to index
      %get3A_123 = arith.constant 48 : index
      %get3A_124 = tpu.vector_load %arg15[%get3A_122, %get3A_123] {strides = array<i32>} : memref<32x768xf32, #tpu.memory_space<vmem>>, vector<1x16xf32>,
      %get3A_125 = vector.shape_cast %get3A_124 : vector<1x16xf32> to vector<16xf32>
      %mul3A_126 = arith.mulf %get3A_125, %get3A_69 : vector<16xf32>
      %add3A_127 = arith.addf %mul3A_121, %mul3A_126 : vector<16xf32>
      %swap3A_128 = arith.index_cast %scan3A_60 : i32 to index
      %swap3A_129 = arith.constant 48 : index
      %swap3A_130 = tpu.vector_load %arg14[%swap3A_128, %swap3A_129] {strides = array<i32>} : memref<32x768xf32, #tpu.memory_space<vmem>>, vector<1x16xf32>,
      %swap3A_131 = vector.shape_cast %swap3A_130 : vector<1x16xf32> to vector<16xf32>
      %swap3A_132 = vector.shape_cast %add3A_127 : vector<16xf32> to vector<1x16xf32>
      tpu.vector_store %arg14[%swap3A_128, %swap3A_129], %swap3A_132 {strides = array<i32>} : memref<32x768xf32, #tpu.memory_space<vmem>>, vector<1x16xf32>,
      %get3A_133 = arith.index_cast %scan3A_60 : i32 to index
      %get3A_134 = arith.constant 64 : index
      %get3A_135 = tpu.vector_load %arg14[%get3A_133, %get3A_134] {strides = array<i32>} : memref<32x768xf32, #tpu.memory_space<vmem>>, vector<1x16xf32>,
      %get3A_136 = vector.shape_cast %get3A_135 : vector<1x16xf32> to vector<16xf32>
      %mul3A_137 = arith.mulf %get3A_136, %get3A_64 : vector<16xf32>
      %get3A_138 = arith.index_cast %scan3A_60 : i32 to index
      %get3A_139 = arith.constant 64 : index
      %get3A_140 = tpu.vector_load %arg15[%get3A_138, %get3A_139] {strides = array<i32>} : memref<32x768xf32, #tpu.memory_space<vmem>>, vector<1x16xf32>,
      %get3A_141 = vector.shape_cast %get3A_140 : vector<1x16xf32> to vector<16xf32>
      %mul3A_142 = arith.mulf %get3A_141, %get3A_69 : vector<16xf32>
      %add3A_143 = arith.addf %mul3A_137, %mul3A_142 : vector<16xf32>
      %swap3A_144 = arith.index_cast %scan3A_60 : i32 to index
      %swap3A_145 = arith.constant 64 : index
      %swap3A_146 = tpu.vector_load %arg14[%swap3A_144, %swap3A_145] {strides = array<i32>} : memref<32x768xf32, #tpu.memory_space<vmem>>, vector<1x16xf32>,
      %swap3A_147 = vector.shape_cast %swap3A_146 : vector<1x16xf32> to vector<16xf32>
      %swap3A_148 = vector.shape_cast %add3A_143 : vector<16xf32> to vector<1x16xf32>
      tpu.vector_store %arg14[%swap3A_144, %swap3A_145], %swap3A_148 {strides = array<i32>} : memref<32x768xf32, #tpu.memory_space<vmem>>, vector<1x16xf32>,
      %get3A_149 = arith.index_cast %scan3A_60 : i32 to index
      %get3A_150 = arith.constant 80 : index
      %get3A_151 = tpu.vector_load %arg14[%get3A_149, %get3A_150] {strides = array<i32>} : memref<32x768xf32, #tpu.memory_space<vmem>>, vector<1x16xf32>,
      %get3A_152 = vector.shape_cast %get3A_151 : vector<1x16xf32> to vector<16xf32>
      %mul3A_153 = arith.mulf %get3A_152, %get3A_64 : vector<16xf32>
      %get3A_154 = arith.index_cast %scan3A_60 : i32 to index
      %get3A_155 = arith.constant 80 : index
      %get3A_156 = tpu.vector_load %arg15[%get3A_154, %get3A_155] {strides = array<i32>} : memref<32x768xf32, #tpu.memory_space<vmem>>, vector<1x16xf32>,
      %get3A_157 = vector.shape_cast %get3A_156 : vector<1x16xf32> to vector<16xf32>
      %mul3A_158 = arith.mulf %get3A_157, %get3A_69 : vector<16xf32>
      %add3A_159 = arith.addf %mul3A_153, %mul3A_158 : vector<16xf32>
      %swap3A_160 = arith.index_cast %scan3A_60 : i32 to index
      %swap3A_161 = arith.constant 80 : index
      %swap3A_162 = tpu.vector_load %arg14[%swap3A_160, %swap3A_161] {strides = array<i32>} : memref<32x768xf32, #tpu.memory_space<vmem>>, vector<1x16xf32>,
      %swap3A_163 = vector.shape_cast %swap3A_162 : vector<1x16xf32> to vector<16xf32>
      %swap3A_164 = vector.shape_cast %add3A_159 : vector<16xf32> to vector<1x16xf32>
      tpu.vector_store %arg14[%swap3A_160, %swap3A_161], %swap3A_164 {strides = array<i32>} : memref<32x768xf32, #tpu.memory_space<vmem>>, vector<1x16xf32>,
      %get3A_165 = arith.index_cast %scan3A_60 : i32 to index
      %get3A_166 = arith.constant 96 : index
      %get3A_167 = tpu.vector_load %arg14[%get3A_165, %get3A_166] {strides = array<i32>} : memref<32x768xf32, #tpu.memory_space<vmem>>, vector<1x16xf32>,
      %get3A_168 = vector.shape_cast %get3A_167 : vector<1x16xf32> to vector<16xf32>
      %mul3A_169 = arith.mulf %get3A_168, %get3A_64 : vector<16xf32>
      %get3A_170 = arith.index_cast %scan3A_60 : i32 to index
      %get3A_171 = arith.constant 96 : index
      %get3A_172 = tpu.vector_load %arg15[%get3A_170, %get3A_171] {strides = array<i32>} : memref<32x768xf32, #tpu.memory_space<vmem>>, vector<1x16xf32>,
      %get3A_173 = vector.shape_cast %get3A_172 : vector<1x16xf32> to vector<16xf32>
      %mul3A_174 = arith.mulf %get3A_173, %get3A_69 : vector<16xf32>
      %add3A_175 = arith.addf %mul3A_169, %mul3A_174 : vector<16xf32>
      %swap3A_176 = arith.index_cast %scan3A_60 : i32 to index
      %swap3A_177 = arith.constant 96 : index
      %swap3A_178 = tpu.vector_load %arg14[%swap3A_176, %swap3A_177] {strides = array<i32>} : memref<32x768xf32, #tpu.memory_space<vmem>>, vector<1x16xf32>,
      %swap3A_179 = vector.shape_cast %swap3A_178 : vector<1x16xf32> to vector<16xf32>
      %swap3A_180 = vector.shape_cast %add3A_175 : vector<16xf32> to vector<1x16xf32>
      tpu.vector_store %arg14[%swap3A_176, %swap3A_177], %swap3A_180 {strides = array<i32>} : memref<32x768xf32, #tpu.memory_space<vmem>>, vector<1x16xf32>,
      %get3A_181 = arith.index_cast %scan3A_60 : i32 to index
      %get3A_182 = arith.constant 112 : index
      %get3A_183 = tpu.vector_load %arg14[%get3A_181, %get3A_182] {strides = array<i32>} : memref<32x768xf32, #tpu.memory_space<vmem>>, vector<1x16xf32>,
      %get3A_184 = vector.shape_cast %get3A_183 : vector<1x16xf32> to vector<16xf32>
      %mul3A_185 = arith.mulf %get3A_184, %get3A_64 : vector<16xf32>
      %get3A_186 = arith.index_cast %scan3A_60 : i32 to index
      %get3A_187 = arith.constant 112 : index
      %get3A_188 = tpu.vector_load %arg15[%get3A_186, %get3A_187] {strides = array<i32>} : memref<32x768xf32, #tpu.memory_space<vmem>>, vector<1x16xf32>,
      %get3A_189 = vector.shape_cast %get3A_188 : vector<1x16xf32> to vector<16xf32>
      %mul3A_190 = arith.mulf %get3A_189, %get3A_69 : vector<16xf32>
      %add3A_191 = arith.addf %mul3A_185, %mul3A_190 : vector<16xf32>
      %swap3A_192 = arith.index_cast %scan3A_60 : i32 to index
      %swap3A_193 = arith.constant 112 : index
      %swap3A_194 = tpu.vector_load %arg14[%swap3A_192, %swap3A_193] {strides = array<i32>} : memref<32x768xf32, #tpu.memory_space<vmem>>, vector<1x16xf32>,
      %swap3A_195 = vector.shape_cast %swap3A_194 : vector<1x16xf32> to vector<16xf32>
      %swap3A_196 = vector.shape_cast %add3A_191 : vector<16xf32> to vector<1x16xf32>
      tpu.vector_store %arg14[%swap3A_192, %swap3A_193], %swap3A_196 {strides = array<i32>} : memref<32x768xf32, #tpu.memory_space<vmem>>, vector<1x16xf32>,
      %get3A_197 = arith.index_cast %scan3A_60 : i32 to index
      %get3A_198 = arith.constant 128 : index
      %get3A_199 = tpu.vector_load %arg14[%get3A_197, %get3A_198] {strides = array<i32>} : memref<32x768xf32, #tpu.memory_space<vmem>>, vector<1x16xf32>,
      %get3A_200 = vector.shape_cast %get3A_199 : vector<1x16xf32> to vector<16xf32>
      %mul3A_201 = arith.mulf %get3A_200, %get3A_64 : vector<16xf32>
      %get3A_202 = arith.index_cast %scan3A_60 : i32 to index
      %get3A_203 = arith.constant 128 : index
      %get3A_204 = tpu.vector_load %arg15[%get3A_202, %get3A_203] {strides = array<i32>} : memref<32x768xf32, #tpu.memory_space<vmem>>, vector<1x16xf32>,
      %get3A_205 = vector.shape_cast %get3A_204 : vector<1x16xf32> to vector<16xf32>
      %mul3A_206 = arith.mulf %get3A_205, %get3A_69 : vector<16xf32>
      %add3A_207 = arith.addf %mul3A_201, %mul3A_206 : vector<16xf32>
      %swap3A_208 = arith.index_cast %scan3A_60 : i32 to index
      %swap3A_209 = arith.constant 128 : index
      %swap3A_210 = tpu.vector_load %arg14[%swap3A_208, %swap3A_209] {strides = array<i32>} : memref<32x768xf32, #tpu.memory_space<vmem>>, vector<1x16xf32>,
      %swap3A_211 = vector.shape_cast %swap3A_210 : vector<1x16xf32> to vector<16xf32>
      %swap3A_212 = vector.shape_cast %add3A_207 : vector<16xf32> to vector<1x16xf32>
      tpu.vector_store %arg14[%swap3A_208, %swap3A_209], %swap3A_212 {strides = array<i32>} : memref<32x768xf32, #tpu.memory_space<vmem>>, vector<1x16xf32>,
      %get3A_213 = arith.index_cast %scan3A_60 : i32 to index
      %get3A_214 = arith.constant 144 : index
      %get3A_215 = tpu.vector_load %arg14[%get3A_213, %get3A_214] {strides = array<i32>} : memref<32x768xf32, #tpu.memory_space<vmem>>, vector<1x16xf32>,
      %get3A_216 = vector.shape_cast %get3A_215 : vector<1x16xf32> to vector<16xf32>
      %mul3A_217 = arith.mulf %get3A_216, %get3A_64 : vector<16xf32>
      %get3A_218 = arith.index_cast %scan3A_60 : i32 to index
      %get3A_219 = arith.constant 144 : index
      %get3A_220 = tpu.vector_load %arg15[%get3A_218, %get3A_219] {strides = array<i32>} : memref<32x768xf32, #tpu.memory_space<vmem>>, vector<1x16xf32>,
      %get3A_221 = vector.shape_cast %get3A_220 : vector<1x16xf32> to vector<16xf32>
      %mul3A_222 = arith.mulf %get3A_221, %get3A_69 : vector<16xf32>
      %add3A_223 = arith.addf %mul3A_217, %mul3A_222 : vector<16xf32>
      %swap3A_224 = arith.index_cast %scan3A_60 : i32 to index
      %swap3A_225 = arith.constant 144 : index
      %swap3A_226 = tpu.vector_load %arg14[%swap3A_224, %swap3A_225] {strides = array<i32>} : memref<32x768xf32, #tpu.memory_space<vmem>>, vector<1x16xf32>,
      %swap3A_227 = vector.shape_cast %swap3A_226 : vector<1x16xf32> to vector<16xf32>
      %swap3A_228 = vector.shape_cast %add3A_223 : vector<16xf32> to vector<1x16xf32>
      tpu.vector_store %arg14[%swap3A_224, %swap3A_225], %swap3A_228 {strides = array<i32>} : memref<32x768xf32, #tpu.memory_space<vmem>>, vector<1x16xf32>,
      %get3A_229 = arith.index_cast %scan3A_60 : i32 to index
      %get3A_230 = arith.constant 160 : index
      %get3A_231 = tpu.vector_load %arg14[%get3A_229, %get3A_230] {strides = array<i32>} : memref<32x768xf32, #tpu.memory_space<vmem>>, vector<1x16xf32>,
      %get3A_232 = vector.shape_cast %get3A_231 : vector<1x16xf32> to vector<16xf32>
      %mul3A_233 = arith.mulf %get3A_232, %get3A_64 : vector<16xf32>
      %get3A_234 = arith.index_cast %scan3A_60 : i32 to index
      %get3A_235 = arith.constant 160 : index
      %get3A_236 = tpu.vector_load %arg15[%get3A_234, %get3A_235] {strides = array<i32>} : memref<32x768xf32, #tpu.memory_space<vmem>>, vector<1x16xf32>,
      %get3A_237 = vector.shape_cast %get3A_236 : vector<1x16xf32> to vector<16xf32>
      %mul3A_238 = arith.mulf %get3A_237, %get3A_69 : vector<16xf32>
      %add3A_239 = arith.addf %mul3A_233, %mul3A_238 : vector<16xf32>
      %swap3A_240 = arith.index_cast %scan3A_60 : i32 to index
      %swap3A_241 = arith.constant 160 : index
      %swap3A_242 = tpu.vector_load %arg14[%swap3A_240, %swap3A_241] {strides = array<i32>} : memref<32x768xf32, #tpu.memory_space<vmem>>, vector<1x16xf32>,
      %swap3A_243 = vector.shape_cast %swap3A_242 : vector<1x16xf32> to vector<16xf32>
      %swap3A_244 = vector.shape_cast %add3A_239 : vector<16xf32> to vector<1x16xf32>
      tpu.vector_store %arg14[%swap3A_240, %swap3A_241], %swap3A_244 {strides = array<i32>} : memref<32x768xf32, #tpu.memory_space<vmem>>, vector<1x16xf32>,
      %get3A_245 = arith.index_cast %scan3A_60 : i32 to index
      %get3A_246 = arith.constant 176 : index
      %get3A_247 = tpu.vector_load %arg14[%get3A_245, %get3A_246] {strides = array<i32>} : memref<32x768xf32, #tpu.memory_space<vmem>>, vector<1x16xf32>,
      %get3A_248 = vector.shape_cast %get3A_247 : vector<1x16xf32> to vector<16xf32>
      %mul3A_249 = arith.mulf %get3A_248, %get3A_64 : vector<16xf32>
      %get3A_250 = arith.index_cast %scan3A_60 : i32 to index
      %get3A_251 = arith.constant 176 : index
      %get3A_252 = tpu.vector_load %arg15[%get3A_250, %get3A_251] {strides = array<i32>} : memref<32x768xf32, #tpu.memory_space<vmem>>, vector<1x16xf32>,
      %get3A_253 = vector.shape_cast %get3A_252 : vector<1x16xf32> to vector<16xf32>
      %mul3A_254 = arith.mulf %get3A_253, %get3A_69 : vector<16xf32>
      %add3A_255 = arith.addf %mul3A_249, %mul3A_254 : vector<16xf32>
      %swap3A_256 = arith.index_cast %scan3A_60 : i32 to index
      %swap3A_257 = arith.constant 176 : index
      %swap3A_258 = tpu.vector_load %arg14[%swap3A_256, %swap3A_257] {strides = array<i32>} : memref<32x768xf32, #tpu.memory_space<vmem>>, vector<1x16xf32>,
      %swap3A_259 = vector.shape_cast %swap3A_258 : vector<1x16xf32> to vector<16xf32>
      %swap3A_260 = vector.shape_cast %add3A_255 : vector<16xf32> to vector<1x16xf32>
      tpu.vector_store %arg14[%swap3A_256, %swap3A_257], %swap3A_260 {strides = array<i32>} : memref<32x768xf32, #tpu.memory_space<vmem>>, vector<1x16xf32>,
      %get3A_261 = arith.index_cast %scan3A_60 : i32 to index
      %get3A_262 = arith.constant 192 : index
      %get3A_263 = tpu.vector_load %arg14[%get3A_261, %get3A_262] {strides = array<i32>} : memref<32x768xf32, #tpu.memory_space<vmem>>, vector<1x16xf32>,
      %get3A_264 = vector.shape_cast %get3A_263 : vector<1x16xf32> to vector<16xf32>
      %mul3A_265 = arith.mulf %get3A_264, %get3A_64 : vector<16xf32>
      %get3A_266 = arith.index_cast %scan3A_60 : i32 to index
      %get3A_267 = arith.constant 192 : index
      %get3A_268 = tpu.vector_load %arg15[%get3A_266, %get3A_267] {strides = array<i32>} : memref<32x768xf32, #tpu.memory_space<vmem>>, vector<1x16xf32>,
      %get3A_269 = vector.shape_cast %get3A_268 : vector<1x16xf32> to vector<16xf32>
      %mul3A_270 = arith.mulf %get3A_269, %get3A_69 : vector<16xf32>
      %add3A_271 = arith.addf %mul3A_265, %mul3A_270 : vector<16xf32>
      %swap3A_272 = arith.index_cast %scan3A_60 : i32 to index
      %swap3A_273 = arith.constant 192 : index
      %swap3A_274 = tpu.vector_load %arg14[%swap3A_272, %swap3A_273] {strides = array<i32>} : memref<32x768xf32, #tpu.memory_space<vmem>>, vector<1x16xf32>,
      %swap3A_275 = vector.shape_cast %swap3A_274 : vector<1x16xf32> to vector<16xf32>
      %swap3A_276 = vector.shape_cast %add3A_271 : vector<16xf32> to vector<1x16xf32>
      tpu.vector_store %arg14[%swap3A_272, %swap3A_273], %swap3A_276 {strides = array<i32>} : memref<32x768xf32, #tpu.memory_space<vmem>>, vector<1x16xf32>,
      %get3A_277 = arith.index_cast %scan3A_60 : i32 to index
      %get3A_278 = arith.constant 208 : index
      %get3A_279 = tpu.vector_load %arg14[%get3A_277, %get3A_278] {strides = array<i32>} : memref<32x768xf32, #tpu.memory_space<vmem>>, vector<1x16xf32>,
      %get3A_280 = vector.shape_cast %get3A_279 : vector<1x16xf32> to vector<16xf32>
      %mul3A_281 = arith.mulf %get3A_280, %get3A_64 : vector<16xf32>
      %get3A_282 = arith.index_cast %scan3A_60 : i32 to index
      %get3A_283 = arith.constant 208 : index
      %get3A_284 = tpu.vector_load %arg15[%get3A_282, %get3A_283] {strides = array<i32>} : memref<32x768xf32, #tpu.memory_space<vmem>>, vector<1x16xf32>,
      %get3A_285 = vector.shape_cast %get3A_284 : vector<1x16xf32> to vector<16xf32>
      %mul3A_286 = arith.mulf %get3A_285, %get3A_69 : vector<16xf32>
      %add3A_287 = arith.addf %mul3A_281, %mul3A_286 : vector<16xf32>
      %swap3A_288 = arith.index_cast %scan3A_60 : i32 to index
      %swap3A_289 = arith.constant 208 : index
      %swap3A_290 = tpu.vector_load %arg14[%swap3A_288, %swap3A_289] {strides = array<i32>} : memref<32x768xf32, #tpu.memory_space<vmem>>, vector<1x16xf32>,
      %swap3A_291 = vector.shape_cast %swap3A_290 : vector<1x16xf32> to vector<16xf32>
      %swap3A_292 = vector.shape_cast %add3A_287 : vector<16xf32> to vector<1x16xf32>
      tpu.vector_store %arg14[%swap3A_288, %swap3A_289], %swap3A_292 {strides = array<i32>} : memref<32x768xf32, #tpu.memory_space<vmem>>, vector<1x16xf32>,
      %get3A_293 = arith.index_cast %scan3A_60 : i32 to index
      %get3A_294 = arith.constant 224 : index
      %get3A_295 = tpu.vector_load %arg14[%get3A_293, %get3A_294] {strides = array<i32>} : memref<32x768xf32, #tpu.memory_space<vmem>>, vector<1x16xf32>,
      %get3A_296 = vector.shape_cast %get3A_295 : vector<1x16xf32> to vector<16xf32>
      %mul3A_297 = arith.mulf %get3A_296, %get3A_64 : vector<16xf32>
      %get3A_298 = arith.index_cast %scan3A_60 : i32 to index
      %get3A_299 = arith.constant 224 : index
      %get3A_300 = tpu.vector_load %arg15[%get3A_298, %get3A_299] {strides = array<i32>} : memref<32x768xf32, #tpu.memory_space<vmem>>, vector<1x16xf32>,
      %get3A_301 = vector.shape_cast %get3A_300 : vector<1x16xf32> to vector<16xf32>
      %mul3A_302 = arith.mulf %get3A_301, %get3A_69 : vector<16xf32>
      %add3A_303 = arith.addf %mul3A_297, %mul3A_302 : vector<16xf32>
      %swap3A_304 = arith.index_cast %scan3A_60 : i32 to index
      %swap3A_305 = arith.constant 224 : index
      %swap3A_306 = tpu.vector_load %arg14[%swap3A_304, %swap3A_305] {strides = array<i32>} : memref<32x768xf32, #tpu.memory_space<vmem>>, vector<1x16xf32>,
      %swap3A_307 = vector.shape_cast %swap3A_306 : vector<1x16xf32> to vector<16xf32>
      %swap3A_308 = vector.shape_cast %add3A_303 : vector<16xf32> to vector<1x16xf32>
      tpu.vector_store %arg14[%swap3A_304, %swap3A_305], %swap3A_308 {strides = array<i32>} : memref<32x768xf32, #tpu.memory_space<vmem>>, vector<1x16xf32>,
      %get3A_309 = arith.index_cast %scan3A_60 : i32 to index
      %get3A_310 = arith.constant 240 : index
      %get3A_311 = tpu.vector_load %arg14[%get3A_309, %get3A_310] {strides = array<i32>} : memref<32x768xf32, #tpu.memory_space<vmem>>, vector<1x16xf32>,
      %get3A_312 = vector.shape_cast %get3A_311 : vector<1x16xf32> to vector<16xf32>
      %mul3A_313 = arith.mulf %get3A_312, %get3A_64 : vector<16xf32>
      %get3A_314 = arith.index_cast %scan3A_60 : i32 to index
      %get3A_315 = arith.constant 240 : index
      %get3A_316 = tpu.vector_load %arg15[%get3A_314, %get3A_315] {strides = array<i32>} : memref<32x768xf32, #tpu.memory_space<vmem>>, vector<1x16xf32>,
      %get3A_317 = vector.shape_cast %get3A_316 : vector<1x16xf32> to vector<16xf32>
      %mul3A_318 = arith.mulf %get3A_317, %get3A_69 : vector<16xf32>
      %add3A_319 = arith.addf %mul3A_313, %mul3A_318 : vector<16xf32>
      %swap3A_320 = arith.index_cast %scan3A_60 : i32 to index
      %swap3A_321 = arith.constant 240 : index
      %swap3A_322 = tpu.vector_load %arg14[%swap3A_320, %swap3A_321] {strides = array<i32>} : memref<32x768xf32, #tpu.memory_space<vmem>>, vector<1x16xf32>,
      %swap3A_323 = vector.shape_cast %swap3A_322 : vector<1x16xf32> to vector<16xf32>
      %swap3A_324 = vector.shape_cast %add3A_319 : vector<16xf32> to vector<1x16xf32>
      tpu.vector_store %arg14[%swap3A_320, %swap3A_321], %swap3A_324 {strides = array<i32>} : memref<32x768xf32, #tpu.memory_space<vmem>>, vector<1x16xf32>,
      %get3A_325 = arith.index_cast %scan3A_60 : i32 to index
      %get3A_326 = arith.constant 256 : index
      %get3A_327 = tpu.vector_load %arg14[%get3A_325, %get3A_326] {strides = array<i32>} : memref<32x768xf32, #tpu.memory_space<vmem>>, vector<1x16xf32>,
      %get3A_328 = vector.shape_cast %get3A_327 : vector<1x16xf32> to vector<16xf32>
      %mul3A_329 = arith.mulf %get3A_328, %get3A_64 : vector<16xf32>
      %get3A_330 = arith.index_cast %scan3A_60 : i32 to index
      %get3A_331 = arith.constant 256 : index
      %get3A_332 = tpu.vector_load %arg15[%get3A_330, %get3A_331] {strides = array<i32>} : memref<32x768xf32, #tpu.memory_space<vmem>>, vector<1x16xf32>,
      %get3A_333 = vector.shape_cast %get3A_332 : vector<1x16xf32> to vector<16xf32>
      %mul3A_334 = arith.mulf %get3A_333, %get3A_69 : vector<16xf32>
      %add3A_335 = arith.addf %mul3A_329, %mul3A_334 : vector<16xf32>
      %swap3A_336 = arith.index_cast %scan3A_60 : i32 to index
      %swap3A_337 = arith.constant 256 : index
      %swap3A_338 = tpu.vector_load %arg14[%swap3A_336, %swap3A_337] {strides = array<i32>} : memref<32x768xf32, #tpu.memory_space<vmem>>, vector<1x16xf32>,
      %swap3A_339 = vector.shape_cast %swap3A_338 : vector<1x16xf32> to vector<16xf32>
      %swap3A_340 = vector.shape_cast %add3A_335 : vector<16xf32> to vector<1x16xf32>
      tpu.vector_store %arg14[%swap3A_336, %swap3A_337], %swap3A_340 {strides = array<i32>} : memref<32x768xf32, #tpu.memory_space<vmem>>, vector<1x16xf32>,
      %get3A_341 = arith.index_cast %scan3A_60 : i32 to index
      %get3A_342 = arith.constant 272 : index
      %get3A_343 = tpu.vector_load %arg14[%get3A_341, %get3A_342] {strides = array<i32>} : memref<32x768xf32, #tpu.memory_space<vmem>>, vector<1x16xf32>,
      %get3A_344 = vector.shape_cast %get3A_343 : vector<1x16xf32> to vector<16xf32>
      %mul3A_345 = arith.mulf %get3A_344, %get3A_64 : vector<16xf32>
      %get3A_346 = arith.index_cast %scan3A_60 : i32 to index
      %get3A_347 = arith.constant 272 : index
      %get3A_348 = tpu.vector_load %arg15[%get3A_346, %get3A_347] {strides = array<i32>} : memref<32x768xf32, #tpu.memory_space<vmem>>, vector<1x16xf32>,
      %get3A_349 = vector.shape_cast %get3A_348 : vector<1x16xf32> to vector<16xf32>
      %mul3A_350 = arith.mulf %get3A_349, %get3A_69 : vector<16xf32>
      %add3A_351 = arith.addf %mul3A_345, %mul3A_350 : vector<16xf32>
      %swap3A_352 = arith.index_cast %scan3A_60 : i32 to index
      %swap3A_353 = arith.constant 272 : index
      %swap3A_354 = tpu.vector_load %arg14[%swap3A_352, %swap3A_353] {strides = array<i32>} : memref<32x768xf32, #tpu.memory_space<vmem>>, vector<1x16xf32>,
      %swap3A_355 = vector.shape_cast %swap3A_354 : vector<1x16xf32> to vector<16xf32>
      %swap3A_356 = vector.shape_cast %add3A_351 : vector<16xf32> to vector<1x16xf32>
      tpu.vector_store %arg14[%swap3A_352, %swap3A_353], %swap3A_356 {strides = array<i32>} : memref<32x768xf32, #tpu.memory_space<vmem>>, vector<1x16xf32>,
      %get3A_357 = arith.index_cast %scan3A_60 : i32 to index
      %get3A_358 = arith.constant 288 : index
      %get3A_359 = tpu.vector_load %arg14[%get3A_357, %get3A_358] {strides = array<i32>} : memref<32x768xf32, #tpu.memory_space<vmem>>, vector<1x16xf32>,
      %get3A_360 = vector.shape_cast %get3A_359 : vector<1x16xf32> to vector<16xf32>
      %mul3A_361 = arith.mulf %get3A_360, %get3A_64 : vector<16xf32>
      %get3A_362 = arith.index_cast %scan3A_60 : i32 to index
      %get3A_363 = arith.constant 288 : index
      %get3A_364 = tpu.vector_load %arg15[%get3A_362, %get3A_363] {strides = array<i32>} : memref<32x768xf32, #tpu.memory_space<vmem>>, vector<1x16xf32>,
      %get3A_365 = vector.shape_cast %get3A_364 : vector<1x16xf32> to vector<16xf32>
      %mul3A_366 = arith.mulf %get3A_365, %get3A_69 : vector<16xf32>
      %add3A_367 = arith.addf %mul3A_361, %mul3A_366 : vector<16xf32>
      %swap3A_368 = arith.index_cast %scan3A_60 : i32 to index
      %swap3A_369 = arith.constant 288 : index
      %swap3A_370 = tpu.vector_load %arg14[%swap3A_368, %swap3A_369] {strides = array<i32>} : memref<32x768xf32, #tpu.memory_space<vmem>>, vector<1x16xf32>,
      %swap3A_371 = vector.shape_cast %swap3A_370 : vector<1x16xf32> to vector<16xf32>
      %swap3A_372 = vector.shape_cast %add3A_367 : vector<16xf32> to vector<1x16xf32>
      tpu.vector_store %arg14[%swap3A_368, %swap3A_369], %swap3A_372 {strides = array<i32>} : memref<32x768xf32, #tpu.memory_space<vmem>>, vector<1x16xf32>,
      %get3A_373 = arith.index_cast %scan3A_60 : i32 to index
      %get3A_374 = arith.constant 304 : index
      %get3A_375 = tpu.vector_load %arg14[%get3A_373, %get3A_374] {strides = array<i32>} : memref<32x768xf32, #tpu.memory_space<vmem>>, vector<1x16xf32>,
      %get3A_376 = vector.shape_cast %get3A_375 : vector<1x16xf32> to vector<16xf32>
      %mul3A_377 = arith.mulf %get3A_376, %get3A_64 : vector<16xf32>
      %get3A_378 = arith.index_cast %scan3A_60 : i32 to index
      %get3A_379 = arith.constant 304 : index
      %get3A_380 = tpu.vector_load %arg15[%get3A_378, %get3A_379] {strides = array<i32>} : memref<32x768xf32, #tpu.memory_space<vmem>>, vector<1x16xf32>,
      %get3A_381 = vector.shape_cast %get3A_380 : vector<1x16xf32> to vector<16xf32>
      %mul3A_382 = arith.mulf %get3A_381, %get3A_69 : vector<16xf32>
      %add3A_383 = arith.addf %mul3A_377, %mul3A_382 : vector<16xf32>
      %swap3A_384 = arith.index_cast %scan3A_60 : i32 to index
      %swap3A_385 = arith.constant 304 : index
      %swap3A_386 = tpu.vector_load %arg14[%swap3A_384, %swap3A_385] {strides = array<i32>} : memref<32x768xf32, #tpu.memory_space<vmem>>, vector<1x16xf32>,
      %swap3A_387 = vector.shape_cast %swap3A_386 : vector<1x16xf32> to vector<16xf32>
      %swap3A_388 = vector.shape_cast %add3A_383 : vector<16xf32> to vector<1x16xf32>
      tpu.vector_store %arg14[%swap3A_384, %swap3A_385], %swap3A_388 {strides = array<i32>} : memref<32x768xf32, #tpu.memory_space<vmem>>, vector<1x16xf32>,
      %get3A_389 = arith.index_cast %scan3A_60 : i32 to index
      %get3A_390 = arith.constant 320 : index
      %get3A_391 = tpu.vector_load %arg14[%get3A_389, %get3A_390] {strides = array<i32>} : memref<32x768xf32, #tpu.memory_space<vmem>>, vector<1x16xf32>,
      %get3A_392 = vector.shape_cast %get3A_391 : vector<1x16xf32> to vector<16xf32>
      %mul3A_393 = arith.mulf %get3A_392, %get3A_64 : vector<16xf32>
      %get3A_394 = arith.index_cast %scan3A_60 : i32 to index
      %get3A_395 = arith.constant 320 : index
      %get3A_396 = tpu.vector_load %arg15[%get3A_394, %get3A_395] {strides = array<i32>} : memref<32x768xf32, #tpu.memory_space<vmem>>, vector<1x16xf32>,
      %get3A_397 = vector.shape_cast %get3A_396 : vector<1x16xf32> to vector<16xf32>
      %mul3A_398 = arith.mulf %get3A_397, %get3A_69 : vector<16xf32>
      %add3A_399 = arith.addf %mul3A_393, %mul3A_398 : vector<16xf32>
      %swap3A_400 = arith.index_cast %scan3A_60 : i32 to index
      %swap3A_401 = arith.constant 320 : index
      %swap3A_402 = tpu.vector_load %arg14[%swap3A_400, %swap3A_401] {strides = array<i32>} : memref<32x768xf32, #tpu.memory_space<vmem>>, vector<1x16xf32>,
      %swap3A_403 = vector.shape_cast %swap3A_402 : vector<1x16xf32> to vector<16xf32>
      %swap3A_404 = vector.shape_cast %add3A_399 : vector<16xf32> to vector<1x16xf32>
      tpu.vector_store %arg14[%swap3A_400, %swap3A_401], %swap3A_404 {strides = array<i32>} : memref<32x768xf32, #tpu.memory_space<vmem>>, vector<1x16xf32>,
      %get3A_405 = arith.index_cast %scan3A_60 : i32 to index
      %get3A_406 = arith.constant 336 : index
      %get3A_407 = tpu.vector_load %arg14[%get3A_405, %get3A_406] {strides = array<i32>} : memref<32x768xf32, #tpu.memory_space<vmem>>, vector<1x16xf32>,
      %get3A_408 = vector.shape_cast %get3A_407 : vector<1x16xf32> to vector<16xf32>
      %mul3A_409 = arith.mulf %get3A_408, %get3A_64 : vector<16xf32>
      %get3A_410 = arith.index_cast %scan3A_60 : i32 to index
      %get3A_411 = arith.constant 336 : index
      %get3A_412 = tpu.vector_load %arg15[%get3A_410, %get3A_411] {strides = array<i32>} : memref<32x768xf32, #tpu.memory_space<vmem>>, vector<1x16xf32>,
      %get3A_413 = vector.shape_cast %get3A_412 : vector<1x16xf32> to vector<16xf32>
      %mul3A_414 = arith.mulf %get3A_413, %get3A_69 : vector<16xf32>
      %add3A_415 = arith.addf %mul3A_409, %mul3A_414 : vector<16xf32>
      %swap3A_416 = arith.index_cast %scan3A_60 : i32 to index
      %swap3A_417 = arith.constant 336 : index
      %swap3A_418 = tpu.vector_load %arg14[%swap3A_416, %swap3A_417] {strides = array<i32>} : memref<32x768xf32, #tpu.memory_space<vmem>>, vector<1x16xf32>,
      %swap3A_419 = vector.shape_cast %swap3A_418 : vector<1x16xf32> to vector<16xf32>
      %swap3A_420 = vector.shape_cast %add3A_415 : vector<16xf32> to vector<1x16xf32>
      tpu.vector_store %arg14[%swap3A_416, %swap3A_417], %swap3A_420 {strides = array<i32>} : memref<32x768xf32, #tpu.memory_space<vmem>>, vector<1x16xf32>,
      %get3A_421 = arith.index_cast %scan3A_60 : i32 to index
      %get3A_422 = arith.constant 352 : index
      %get3A_423 = tpu.vector_load %arg14[%get3A_421, %get3A_422] {strides = array<i32>} : memref<32x768xf32, #tpu.memory_space<vmem>>, vector<1x16xf32>,
      %get3A_424 = vector.shape_cast %get3A_423 : vector<1x16xf32> to vector<16xf32>
      %mul3A_425 = arith.mulf %get3A_424, %get3A_64 : vector<16xf32>
      %get3A_426 = arith.index_cast %scan3A_60 : i32 to index
      %get3A_427 = arith.constant 352 : index
      %get3A_428 = tpu.vector_load %arg15[%get3A_426, %get3A_427] {strides = array<i32>} : memref<32x768xf32, #tpu.memory_space<vmem>>, vector<1x16xf32>,
      %get3A_429 = vector.shape_cast %get3A_428 : vector<1x16xf32> to vector<16xf32>
      %mul3A_430 = arith.mulf %get3A_429, %get3A_69 : vector<16xf32>
      %add3A_431 = arith.addf %mul3A_425, %mul3A_430 : vector<16xf32>
      %swap3A_432 = arith.index_cast %scan3A_60 : i32 to index
      %swap3A_433 = arith.constant 352 : index
      %swap3A_434 = tpu.vector_load %arg14[%swap3A_432, %swap3A_433] {strides = array<i32>} : memref<32x768xf32, #tpu.memory_space<vmem>>, vector<1x16xf32>,
      %swap3A_435 = vector.shape_cast %swap3A_434 : vector<1x16xf32> to vector<16xf32>
      %swap3A_436 = vector.shape_cast %add3A_431 : vector<16xf32> to vector<1x16xf32>
      tpu.vector_store %arg14[%swap3A_432, %swap3A_433], %swap3A_436 {strides = array<i32>} : memref<32x768xf32, #tpu.memory_space<vmem>>, vector<1x16xf32>,
      %get3A_437 = arith.index_cast %scan3A_60 : i32 to index
      %get3A_438 = arith.constant 368 : index
      %get3A_439 = tpu.vector_load %arg14[%get3A_437, %get3A_438] {strides = array<i32>} : memref<32x768xf32, #tpu.memory_space<vmem>>, vector<1x16xf32>,
      %get3A_440 = vector.shape_cast %get3A_439 : vector<1x16xf32> to vector<16xf32>
      %mul3A_441 = arith.mulf %get3A_440, %get3A_64 : vector<16xf32>
      %get3A_442 = arith.index_cast %scan3A_60 : i32 to index
      %get3A_443 = arith.constant 368 : index
      %get3A_444 = tpu.vector_load %arg15[%get3A_442, %get3A_443] {strides = array<i32>} : memref<32x768xf32, #tpu.memory_space<vmem>>, vector<1x16xf32>,
      %get3A_445 = vector.shape_cast %get3A_444 : vector<1x16xf32> to vector<16xf32>
      %mul3A_446 = arith.mulf %get3A_445, %get3A_69 : vector<16xf32>
      %add3A_447 = arith.addf %mul3A_441, %mul3A_446 : vector<16xf32>
      %swap3A_448 = arith.index_cast %scan3A_60 : i32 to index
      %swap3A_449 = arith.constant 368 : index
      %swap3A_450 = tpu.vector_load %arg14[%swap3A_448, %swap3A_449] {strides = array<i32>} : memref<32x768xf32, #tpu.memory_space<vmem>>, vector<1x16xf32>,
      %swap3A_451 = vector.shape_cast %swap3A_450 : vector<1x16xf32> to vector<16xf32>
      %swap3A_452 = vector.shape_cast %add3A_447 : vector<16xf32> to vector<1x16xf32>
      tpu.vector_store %arg14[%swap3A_448, %swap3A_449], %swap3A_452 {strides = array<i32>} : memref<32x768xf32, #tpu.memory_space<vmem>>, vector<1x16xf32>,
      %get3A_453 = arith.index_cast %scan3A_60 : i32 to index
      %get3A_454 = arith.constant 384 : index
      %get3A_455 = tpu.vector_load %arg14[%get3A_453, %get3A_454] {strides = array<i32>} : memref<32x768xf32, #tpu.memory_space<vmem>>, vector<1x16xf32>,
      %get3A_456 = vector.shape_cast %get3A_455 : vector<1x16xf32> to vector<16xf32>
      %mul3A_457 = arith.mulf %get3A_456, %get3A_64 : vector<16xf32>
      %get3A_458 = arith.index_cast %scan3A_60 : i32 to index
      %get3A_459 = arith.constant 384 : index
      %get3A_460 = tpu.vector_load %arg15[%get3A_458, %get3A_459] {strides = array<i32>} : memref<32x768xf32, #tpu.memory_space<vmem>>, vector<1x16xf32>,
      %get3A_461 = vector.shape_cast %get3A_460 : vector<1x16xf32> to vector<16xf32>
      %mul3A_462 = arith.mulf %get3A_461, %get3A_69 : vector<16xf32>
      %add3A_463 = arith.addf %mul3A_457, %mul3A_462 : vector<16xf32>
      %swap3A_464 = arith.index_cast %scan3A_60 : i32 to index
      %swap3A_465 = arith.constant 384 : index
      %swap3A_466 = tpu.vector_load %arg14[%swap3A_464, %swap3A_465] {strides = array<i32>} : memref<32x768xf32, #tpu.memory_space<vmem>>, vector<1x16xf32>,
      %swap3A_467 = vector.shape_cast %swap3A_466 : vector<1x16xf32> to vector<16xf32>
      %swap3A_468 = vector.shape_cast %add3A_463 : vector<16xf32> to vector<1x16xf32>
      tpu.vector_store %arg14[%swap3A_464, %swap3A_465], %swap3A_468 {strides = array<i32>} : memref<32x768xf32, #tpu.memory_space<vmem>>, vector<1x16xf32>,
      %get3A_469 = arith.index_cast %scan3A_60 : i32 to index
      %get3A_470 = arith.constant 400 : index
      %get3A_471 = tpu.vector_load %arg14[%get3A_469, %get3A_470] {strides = array<i32>} : memref<32x768xf32, #tpu.memory_space<vmem>>, vector<1x16xf32>,
      %get3A_472 = vector.shape_cast %get3A_471 : vector<1x16xf32> to vector<16xf32>
      %mul3A_473 = arith.mulf %get3A_472, %get3A_64 : vector<16xf32>
      %get3A_474 = arith.index_cast %scan3A_60 : i32 to index
      %get3A_475 = arith.constant 400 : index
      %get3A_476 = tpu.vector_load %arg15[%get3A_474, %get3A_475] {strides = array<i32>} : memref<32x768xf32, #tpu.memory_space<vmem>>, vector<1x16xf32>,
      %get3A_477 = vector.shape_cast %get3A_476 : vector<1x16xf32> to vector<16xf32>
      %mul3A_478 = arith.mulf %get3A_477, %get3A_69 : vector<16xf32>
      %add3A_479 = arith.addf %mul3A_473, %mul3A_478 : vector<16xf32>
      %swap3A_480 = arith.index_cast %scan3A_60 : i32 to index
      %swap3A_481 = arith.constant 400 : index
      %swap3A_482 = tpu.vector_load %arg14[%swap3A_480, %swap3A_481] {strides = array<i32>} : memref<32x768xf32, #tpu.memory_space<vmem>>, vector<1x16xf32>,
      %swap3A_483 = vector.shape_cast %swap3A_482 : vector<1x16xf32> to vector<16xf32>
      %swap3A_484 = vector.shape_cast %add3A_479 : vector<16xf32> to vector<1x16xf32>
      tpu.vector_store %arg14[%swap3A_480, %swap3A_481], %swap3A_484 {strides = array<i32>} : memref<32x768xf32, #tpu.memory_space<vmem>>, vector<1x16xf32>,
      %get3A_485 = arith.index_cast %scan3A_60 : i32 to index
      %get3A_486 = arith.constant 416 : index
      %get3A_487 = tpu.vector_load %arg14[%get3A_485, %get3A_486] {strides = array<i32>} : memref<32x768xf32, #tpu.memory_space<vmem>>, vector<1x16xf32>,
      %get3A_488 = vector.shape_cast %get3A_487 : vector<1x16xf32> to vector<16xf32>
      %mul3A_489 = arith.mulf %get3A_488, %get3A_64 : vector<16xf32>
      %get3A_490 = arith.index_cast %scan3A_60 : i32 to index
      %get3A_491 = arith.constant 416 : index
      %get3A_492 = tpu.vector_load %arg15[%get3A_490, %get3A_491] {strides = array<i32>} : memref<32x768xf32, #tpu.memory_space<vmem>>, vector<1x16xf32>,
      %get3A_493 = vector.shape_cast %get3A_492 : vector<1x16xf32> to vector<16xf32>
      %mul3A_494 = arith.mulf %get3A_493, %get3A_69 : vector<16xf32>
      %add3A_495 = arith.addf %mul3A_489, %mul3A_494 : vector<16xf32>
      %swap3A_496 = arith.index_cast %scan3A_60 : i32 to index
      %swap3A_497 = arith.constant 416 : index
      %swap3A_498 = tpu.vector_load %arg14[%swap3A_496, %swap3A_497] {strides = array<i32>} : memref<32x768xf32, #tpu.memory_space<vmem>>, vector<1x16xf32>,
      %swap3A_499 = vector.shape_cast %swap3A_498 : vector<1x16xf32> to vector<16xf32>
      %swap3A_500 = vector.shape_cast %add3A_495 : vector<16xf32> to vector<1x16xf32>
      tpu.vector_store %arg14[%swap3A_496, %swap3A_497], %swap3A_500 {strides = array<i32>} : memref<32x768xf32, #tpu.memory_space<vmem>>, vector<1x16xf32>,
      %get3A_501 = arith.index_cast %scan3A_60 : i32 to index
      %get3A_502 = arith.constant 432 : index
      %get3A_503 = tpu.vector_load %arg14[%get3A_501, %get3A_502] {strides = array<i32>} : memref<32x768xf32, #tpu.memory_space<vmem>>, vector<1x16xf32>,
      %get3A_504 = vector.shape_cast %get3A_503 : vector<1x16xf32> to vector<16xf32>
      %mul3A_505 = arith.mulf %get3A_504, %get3A_64 : vector<16xf32>
      %get3A_506 = arith.index_cast %scan3A_60 : i32 to index
      %get3A_507 = arith.constant 432 : index
      %get3A_508 = tpu.vector_load %arg15[%get3A_506, %get3A_507] {strides = array<i32>} : memref<32x768xf32, #tpu.memory_space<vmem>>, vector<1x16xf32>,
      %get3A_509 = vector.shape_cast %get3A_508 : vector<1x16xf32> to vector<16xf32>
      %mul3A_510 = arith.mulf %get3A_509, %get3A_69 : vector<16xf32>
      %add3A_511 = arith.addf %mul3A_505, %mul3A_510 : vector<16xf32>
      %swap3A_512 = arith.index_cast %scan3A_60 : i32 to index
      %swap3A_513 = arith.constant 432 : index
      %swap3A_514 = tpu.vector_load %arg14[%swap3A_512, %swap3A_513] {strides = array<i32>} : memref<32x768xf32, #tpu.memory_space<vmem>>, vector<1x16xf32>,
      %swap3A_515 = vector.shape_cast %swap3A_514 : vector<1x16xf32> to vector<16xf32>
      %swap3A_516 = vector.shape_cast %add3A_511 : vector<16xf32> to vector<1x16xf32>
      tpu.vector_store %arg14[%swap3A_512, %swap3A_513], %swap3A_516 {strides = array<i32>} : memref<32x768xf32, #tpu.memory_space<vmem>>, vector<1x16xf32>,
      %get3A_517 = arith.index_cast %scan3A_60 : i32 to index
      %get3A_518 = arith.constant 448 : index
      %get3A_519 = tpu.vector_load %arg14[%get3A_517, %get3A_518] {strides = array<i32>} : memref<32x768xf32, #tpu.memory_space<vmem>>, vector<1x16xf32>,
      %get3A_520 = vector.shape_cast %get3A_519 : vector<1x16xf32> to vector<16xf32>
      %mul3A_521 = arith.mulf %get3A_520, %get3A_64 : vector<16xf32>
      %get3A_522 = arith.index_cast %scan3A_60 : i32 to index
      %get3A_523 = arith.constant 448 : index
      %get3A_524 = tpu.vector_load %arg15[%get3A_522, %get3A_523] {strides = array<i32>} : memref<32x768xf32, #tpu.memory_space<vmem>>, vector<1x16xf32>,
      %get3A_525 = vector.shape_cast %get3A_524 : vector<1x16xf32> to vector<16xf32>
      %mul3A_526 = arith.mulf %get3A_525, %get3A_69 : vector<16xf32>
      %add3A_527 = arith.addf %mul3A_521, %mul3A_526 : vector<16xf32>
      %swap3A_528 = arith.index_cast %scan3A_60 : i32 to index
      %swap3A_529 = arith.constant 448 : index
      %swap3A_530 = tpu.vector_load %arg14[%swap3A_528, %swap3A_529] {strides = array<i32>} : memref<32x768xf32, #tpu.memory_space<vmem>>, vector<1x16xf32>,
      %swap3A_531 = vector.shape_cast %swap3A_530 : vector<1x16xf32> to vector<16xf32>
      %swap3A_532 = vector.shape_cast %add3A_527 : vector<16xf32> to vector<1x16xf32>
      tpu.vector_store %arg14[%swap3A_528, %swap3A_529], %swap3A_532 {strides = array<i32>} : memref<32x768xf32, #tpu.memory_space<vmem>>, vector<1x16xf32>,
      %get3A_533 = arith.index_cast %scan3A_60 : i32 to index
      %get3A_534 = arith.constant 464 : index
      %get3A_535 = tpu.vector_load %arg14[%get3A_533, %get3A_534] {strides = array<i32>} : memref<32x768xf32, #tpu.memory_space<vmem>>, vector<1x16xf32>,
      %get3A_536 = vector.shape_cast %get3A_535 : vector<1x16xf32> to vector<16xf32>
      %mul3A_537 = arith.mulf %get3A_536, %get3A_64 : vector<16xf32>
      %get3A_538 = arith.index_cast %scan3A_60 : i32 to index
      %get3A_539 = arith.constant 464 : index
      %get3A_540 = tpu.vector_load %arg15[%get3A_538, %get3A_539] {strides = array<i32>} : memref<32x768xf32, #tpu.memory_space<vmem>>, vector<1x16xf32>,
      %get3A_541 = vector.shape_cast %get3A_540 : vector<1x16xf32> to vector<16xf32>
      %mul3A_542 = arith.mulf %get3A_541, %get3A_69 : vector<16xf32>
      %add3A_543 = arith.addf %mul3A_537, %mul3A_542 : vector<16xf32>
      %swap3A_544 = arith.index_cast %scan3A_60 : i32 to index
      %swap3A_545 = arith.constant 464 : index
      %swap3A_546 = tpu.vector_load %arg14[%swap3A_544, %swap3A_545] {strides = array<i32>} : memref<32x768xf32, #tpu.memory_space<vmem>>, vector<1x16xf32>,
      %swap3A_547 = vector.shape_cast %swap3A_546 : vector<1x16xf32> to vector<16xf32>
      %swap3A_548 = vector.shape_cast %add3A_543 : vector<16xf32> to vector<1x16xf32>
      tpu.vector_store %arg14[%swap3A_544, %swap3A_545], %swap3A_548 {strides = array<i32>} : memref<32x768xf32, #tpu.memory_space<vmem>>, vector<1x16xf32>,
      %get3A_549 = arith.index_cast %scan3A_60 : i32 to index
      %get3A_550 = arith.constant 480 : index
      %get3A_551 = tpu.vector_load %arg14[%get3A_549, %get3A_550] {strides = array<i32>} : memref<32x768xf32, #tpu.memory_space<vmem>>, vector<1x16xf32>,
      %get3A_552 = vector.shape_cast %get3A_551 : vector<1x16xf32> to vector<16xf32>
      %mul3A_553 = arith.mulf %get3A_552, %get3A_64 : vector<16xf32>
      %get3A_554 = arith.index_cast %scan3A_60 : i32 to index
      %get3A_555 = arith.constant 480 : index
      %get3A_556 = tpu.vector_load %arg15[%get3A_554, %get3A_555] {strides = array<i32>} : memref<32x768xf32, #tpu.memory_space<vmem>>, vector<1x16xf32>,
      %get3A_557 = vector.shape_cast %get3A_556 : vector<1x16xf32> to vector<16xf32>
      %mul3A_558 = arith.mulf %get3A_557, %get3A_69 : vector<16xf32>
      %add3A_559 = arith.addf %mul3A_553, %mul3A_558 : vector<16xf32>
      %swap3A_560 = arith.index_cast %scan3A_60 : i32 to index
      %swap3A_561 = arith.constant 480 : index
      %swap3A_562 = tpu.vector_load %arg14[%swap3A_560, %swap3A_561] {strides = array<i32>} : memref<32x768xf32, #tpu.memory_space<vmem>>, vector<1x16xf32>,
      %swap3A_563 = vector.shape_cast %swap3A_562 : vector<1x16xf32> to vector<16xf32>
      %swap3A_564 = vector.shape_cast %add3A_559 : vector<16xf32> to vector<1x16xf32>
      tpu.vector_store %arg14[%swap3A_560, %swap3A_561], %swap3A_564 {strides = array<i32>} : memref<32x768xf32, #tpu.memory_space<vmem>>, vector<1x16xf32>,
      %get3A_565 = arith.index_cast %scan3A_60 : i32 to index
      %get3A_566 = arith.constant 496 : index
      %get3A_567 = tpu.vector_load %arg14[%get3A_565, %get3A_566] {strides = array<i32>} : memref<32x768xf32, #tpu.memory_space<vmem>>, vector<1x16xf32>,
      %get3A_568 = vector.shape_cast %get3A_567 : vector<1x16xf32> to vector<16xf32>
      %mul3A_569 = arith.mulf %get3A_568, %get3A_64 : vector<16xf32>
      %get3A_570 = arith.index_cast %scan3A_60 : i32 to index
      %get3A_571 = arith.constant 496 : index
      %get3A_572 = tpu.vector_load %arg15[%get3A_570, %get3A_571] {strides = array<i32>} : memref<32x768xf32, #tpu.memory_space<vmem>>, vector<1x16xf32>,
      %get3A_573 = vector.shape_cast %get3A_572 : vector<1x16xf32> to vector<16xf32>
      %mul3A_574 = arith.mulf %get3A_573, %get3A_69 : vector<16xf32>
      %add3A_575 = arith.addf %mul3A_569, %mul3A_574 : vector<16xf32>
      %swap3A_576 = arith.index_cast %scan3A_60 : i32 to index
      %swap3A_577 = arith.constant 496 : index
      %swap3A_578 = tpu.vector_load %arg14[%swap3A_576, %swap3A_577] {strides = array<i32>} : memref<32x768xf32, #tpu.memory_space<vmem>>, vector<1x16xf32>,
      %swap3A_579 = vector.shape_cast %swap3A_578 : vector<1x16xf32> to vector<16xf32>
      %swap3A_580 = vector.shape_cast %add3A_575 : vector<16xf32> to vector<1x16xf32>
      tpu.vector_store %arg14[%swap3A_576, %swap3A_577], %swap3A_580 {strides = array<i32>} : memref<32x768xf32, #tpu.memory_space<vmem>>, vector<1x16xf32>,
      %get3A_581 = arith.index_cast %scan3A_60 : i32 to index
      %get3A_582 = arith.constant 512 : index
      %get3A_583 = tpu.vector_load %arg14[%get3A_581, %get3A_582] {strides = array<i32>} : memref<32x768xf32, #tpu.memory_space<vmem>>, vector<1x16xf32>,
      %get3A_584 = vector.shape_cast %get3A_583 : vector<1x16xf32> to vector<16xf32>
      %mul3A_585 = arith.mulf %get3A_584, %get3A_64 : vector<16xf32>
      %get3A_586 = arith.index_cast %scan3A_60 : i32 to index
      %get3A_587 = arith.constant 512 : index
      %get3A_588 = tpu.vector_load %arg15[%get3A_586, %get3A_587] {strides = array<i32>} : memref<32x768xf32, #tpu.memory_space<vmem>>, vector<1x16xf32>,
      %get3A_589 = vector.shape_cast %get3A_588 : vector<1x16xf32> to vector<16xf32>
      %mul3A_590 = arith.mulf %get3A_589, %get3A_69 : vector<16xf32>
      %add3A_591 = arith.addf %mul3A_585, %mul3A_590 : vector<16xf32>
      %swap3A_592 = arith.index_cast %scan3A_60 : i32 to index
      %swap3A_593 = arith.constant 512 : index
      %swap3A_594 = tpu.vector_load %arg14[%swap3A_592, %swap3A_593] {strides = array<i32>} : memref<32x768xf32, #tpu.memory_space<vmem>>, vector<1x16xf32>,
      %swap3A_595 = vector.shape_cast %swap3A_594 : vector<1x16xf32> to vector<16xf32>
      %swap3A_596 = vector.shape_cast %add3A_591 : vector<16xf32> to vector<1x16xf32>
      tpu.vector_store %arg14[%swap3A_592, %swap3A_593], %swap3A_596 {strides = array<i32>} : memref<32x768xf32, #tpu.memory_space<vmem>>, vector<1x16xf32>,
      %get3A_597 = arith.index_cast %scan3A_60 : i32 to index
      %get3A_598 = arith.constant 528 : index
      %get3A_599 = tpu.vector_load %arg14[%get3A_597, %get3A_598] {strides = array<i32>} : memref<32x768xf32, #tpu.memory_space<vmem>>, vector<1x16xf32>,
      %get3A_600 = vector.shape_cast %get3A_599 : vector<1x16xf32> to vector<16xf32>
      %mul3A_601 = arith.mulf %get3A_600, %get3A_64 : vector<16xf32>
      %get3A_602 = arith.index_cast %scan3A_60 : i32 to index
      %get3A_603 = arith.constant 528 : index
      %get3A_604 = tpu.vector_load %arg15[%get3A_602, %get3A_603] {strides = array<i32>} : memref<32x768xf32, #tpu.memory_space<vmem>>, vector<1x16xf32>,
      %get3A_605 = vector.shape_cast %get3A_604 : vector<1x16xf32> to vector<16xf32>
      %mul3A_606 = arith.mulf %get3A_605, %get3A_69 : vector<16xf32>
      %add3A_607 = arith.addf %mul3A_601, %mul3A_606 : vector<16xf32>
      %swap3A_608 = arith.index_cast %scan3A_60 : i32 to index
      %swap3A_609 = arith.constant 528 : index
      %swap3A_610 = tpu.vector_load %arg14[%swap3A_608, %swap3A_609] {strides = array<i32>} : memref<32x768xf32, #tpu.memory_space<vmem>>, vector<1x16xf32>,
      %swap3A_611 = vector.shape_cast %swap3A_610 : vector<1x16xf32> to vector<16xf32>
      %swap3A_612 = vector.shape_cast %add3A_607 : vector<16xf32> to vector<1x16xf32>
      tpu.vector_store %arg14[%swap3A_608, %swap3A_609], %swap3A_612 {strides = array<i32>} : memref<32x768xf32, #tpu.memory_space<vmem>>, vector<1x16xf32>,
      %get3A_613 = arith.index_cast %scan3A_60 : i32 to index
      %get3A_614 = arith.constant 544 : index
      %get3A_615 = tpu.vector_load %arg14[%get3A_613, %get3A_614] {strides = array<i32>} : memref<32x768xf32, #tpu.memory_space<vmem>>, vector<1x16xf32>,
      %get3A_616 = vector.shape_cast %get3A_615 : vector<1x16xf32> to vector<16xf32>
      %mul3A_617 = arith.mulf %get3A_616, %get3A_64 : vector<16xf32>
      %get3A_618 = arith.index_cast %scan3A_60 : i32 to index
      %get3A_619 = arith.constant 544 : index
      %get3A_620 = tpu.vector_load %arg15[%get3A_618, %get3A_619] {strides = array<i32>} : memref<32x768xf32, #tpu.memory_space<vmem>>, vector<1x16xf32>,
      %get3A_621 = vector.shape_cast %get3A_620 : vector<1x16xf32> to vector<16xf32>
      %mul3A_622 = arith.mulf %get3A_621, %get3A_69 : vector<16xf32>
      %add3A_623 = arith.addf %mul3A_617, %mul3A_622 : vector<16xf32>
      %swap3A_624 = arith.index_cast %scan3A_60 : i32 to index
      %swap3A_625 = arith.constant 544 : index
      %swap3A_626 = tpu.vector_load %arg14[%swap3A_624, %swap3A_625] {strides = array<i32>} : memref<32x768xf32, #tpu.memory_space<vmem>>, vector<1x16xf32>,
      %swap3A_627 = vector.shape_cast %swap3A_626 : vector<1x16xf32> to vector<16xf32>
      %swap3A_628 = vector.shape_cast %add3A_623 : vector<16xf32> to vector<1x16xf32>
      tpu.vector_store %arg14[%swap3A_624, %swap3A_625], %swap3A_628 {strides = array<i32>} : memref<32x768xf32, #tpu.memory_space<vmem>>, vector<1x16xf32>,
      %get3A_629 = arith.index_cast %scan3A_60 : i32 to index
      %get3A_630 = arith.constant 560 : index
      %get3A_631 = tpu.vector_load %arg14[%get3A_629, %get3A_630] {strides = array<i32>} : memref<32x768xf32, #tpu.memory_space<vmem>>, vector<1x16xf32>,
      %get3A_632 = vector.shape_cast %get3A_631 : vector<1x16xf32> to vector<16xf32>
      %mul3A_633 = arith.mulf %get3A_632, %get3A_64 : vector<16xf32>
      %get3A_634 = arith.index_cast %scan3A_60 : i32 to index
      %get3A_635 = arith.constant 560 : index
      %get3A_636 = tpu.vector_load %arg15[%get3A_634, %get3A_635] {strides = array<i32>} : memref<32x768xf32, #tpu.memory_space<vmem>>, vector<1x16xf32>,
      %get3A_637 = vector.shape_cast %get3A_636 : vector<1x16xf32> to vector<16xf32>
      %mul3A_638 = arith.mulf %get3A_637, %get3A_69 : vector<16xf32>
      %add3A_639 = arith.addf %mul3A_633, %mul3A_638 : vector<16xf32>
      %swap3A_640 = arith.index_cast %scan3A_60 : i32 to index
      %swap3A_641 = arith.constant 560 : index
      %swap3A_642 = tpu.vector_load %arg14[%swap3A_640, %swap3A_641] {strides = array<i32>} : memref<32x768xf32, #tpu.memory_space<vmem>>, vector<1x16xf32>,
      %swap3A_643 = vector.shape_cast %swap3A_642 : vector<1x16xf32> to vector<16xf32>
      %swap3A_644 = vector.shape_cast %add3A_639 : vector<16xf32> to vector<1x16xf32>
      tpu.vector_store %arg14[%swap3A_640, %swap3A_641], %swap3A_644 {strides = array<i32>} : memref<32x768xf32, #tpu.memory_space<vmem>>, vector<1x16xf32>,
      %get3A_645 = arith.index_cast %scan3A_60 : i32 to index
      %get3A_646 = arith.constant 576 : index
      %get3A_647 = tpu.vector_load %arg14[%get3A_645, %get3A_646] {strides = array<i32>} : memref<32x768xf32, #tpu.memory_space<vmem>>, vector<1x16xf32>,
      %get3A_648 = vector.shape_cast %get3A_647 : vector<1x16xf32> to vector<16xf32>
      %mul3A_649 = arith.mulf %get3A_648, %get3A_64 : vector<16xf32>
      %get3A_650 = arith.index_cast %scan3A_60 : i32 to index
      %get3A_651 = arith.constant 576 : index
      %get3A_652 = tpu.vector_load %arg15[%get3A_650, %get3A_651] {strides = array<i32>} : memref<32x768xf32, #tpu.memory_space<vmem>>, vector<1x16xf32>,
      %get3A_653 = vector.shape_cast %get3A_652 : vector<1x16xf32> to vector<16xf32>
      %mul3A_654 = arith.mulf %get3A_653, %get3A_69 : vector<16xf32>
      %add3A_655 = arith.addf %mul3A_649, %mul3A_654 : vector<16xf32>
      %swap3A_656 = arith.index_cast %scan3A_60 : i32 to index
      %swap3A_657 = arith.constant 576 : index
      %swap3A_658 = tpu.vector_load %arg14[%swap3A_656, %swap3A_657] {strides = array<i32>} : memref<32x768xf32, #tpu.memory_space<vmem>>, vector<1x16xf32>,
      %swap3A_659 = vector.shape_cast %swap3A_658 : vector<1x16xf32> to vector<16xf32>
      %swap3A_660 = vector.shape_cast %add3A_655 : vector<16xf32> to vector<1x16xf32>
      tpu.vector_store %arg14[%swap3A_656, %swap3A_657], %swap3A_660 {strides = array<i32>} : memref<32x768xf32, #tpu.memory_space<vmem>>, vector<1x16xf32>,
      %get3A_661 = arith.index_cast %scan3A_60 : i32 to index
      %get3A_662 = arith.constant 592 : index
      %get3A_663 = tpu.vector_load %arg14[%get3A_661, %get3A_662] {strides = array<i32>} : memref<32x768xf32, #tpu.memory_space<vmem>>, vector<1x16xf32>,
      %get3A_664 = vector.shape_cast %get3A_663 : vector<1x16xf32> to vector<16xf32>
      %mul3A_665 = arith.mulf %get3A_664, %get3A_64 : vector<16xf32>
      %get3A_666 = arith.index_cast %scan3A_60 : i32 to index
      %get3A_667 = arith.constant 592 : index
      %get3A_668 = tpu.vector_load %arg15[%get3A_666, %get3A_667] {strides = array<i32>} : memref<32x768xf32, #tpu.memory_space<vmem>>, vector<1x16xf32>,
      %get3A_669 = vector.shape_cast %get3A_668 : vector<1x16xf32> to vector<16xf32>
      %mul3A_670 = arith.mulf %get3A_669, %get3A_69 : vector<16xf32>
      %add3A_671 = arith.addf %mul3A_665, %mul3A_670 : vector<16xf32>
      %swap3A_672 = arith.index_cast %scan3A_60 : i32 to index
      %swap3A_673 = arith.constant 592 : index
      %swap3A_674 = tpu.vector_load %arg14[%swap3A_672, %swap3A_673] {strides = array<i32>} : memref<32x768xf32, #tpu.memory_space<vmem>>, vector<1x16xf32>,
      %swap3A_675 = vector.shape_cast %swap3A_674 : vector<1x16xf32> to vector<16xf32>
      %swap3A_676 = vector.shape_cast %add3A_671 : vector<16xf32> to vector<1x16xf32>
      tpu.vector_store %arg14[%swap3A_672, %swap3A_673], %swap3A_676 {strides = array<i32>} : memref<32x768xf32, #tpu.memory_space<vmem>>, vector<1x16xf32>,
      %get3A_677 = arith.index_cast %scan3A_60 : i32 to index
      %get3A_678 = arith.constant 608 : index
      %get3A_679 = tpu.vector_load %arg14[%get3A_677, %get3A_678] {strides = array<i32>} : memref<32x768xf32, #tpu.memory_space<vmem>>, vector<1x16xf32>,
      %get3A_680 = vector.shape_cast %get3A_679 : vector<1x16xf32> to vector<16xf32>
      %mul3A_681 = arith.mulf %get3A_680, %get3A_64 : vector<16xf32>
      %get3A_682 = arith.index_cast %scan3A_60 : i32 to index
      %get3A_683 = arith.constant 608 : index
      %get3A_684 = tpu.vector_load %arg15[%get3A_682, %get3A_683] {strides = array<i32>} : memref<32x768xf32, #tpu.memory_space<vmem>>, vector<1x16xf32>,
      %get3A_685 = vector.shape_cast %get3A_684 : vector<1x16xf32> to vector<16xf32>
      %mul3A_686 = arith.mulf %get3A_685, %get3A_69 : vector<16xf32>
      %add3A_687 = arith.addf %mul3A_681, %mul3A_686 : vector<16xf32>
      %swap3A_688 = arith.index_cast %scan3A_60 : i32 to index
      %swap3A_689 = arith.constant 608 : index
      %swap3A_690 = tpu.vector_load %arg14[%swap3A_688, %swap3A_689] {strides = array<i32>} : memref<32x768xf32, #tpu.memory_space<vmem>>, vector<1x16xf32>,
      %swap3A_691 = vector.shape_cast %swap3A_690 : vector<1x16xf32> to vector<16xf32>
      %swap3A_692 = vector.shape_cast %add3A_687 : vector<16xf32> to vector<1x16xf32>
      tpu.vector_store %arg14[%swap3A_688, %swap3A_689], %swap3A_692 {strides = array<i32>} : memref<32x768xf32, #tpu.memory_space<vmem>>, vector<1x16xf32>,
      %get3A_693 = arith.index_cast %scan3A_60 : i32 to index
      %get3A_694 = arith.constant 624 : index
      %get3A_695 = tpu.vector_load %arg14[%get3A_693, %get3A_694] {strides = array<i32>} : memref<32x768xf32, #tpu.memory_space<vmem>>, vector<1x16xf32>,
      %get3A_696 = vector.shape_cast %get3A_695 : vector<1x16xf32> to vector<16xf32>
      %mul3A_697 = arith.mulf %get3A_696, %get3A_64 : vector<16xf32>
      %get3A_698 = arith.index_cast %scan3A_60 : i32 to index
      %get3A_699 = arith.constant 624 : index
      %get3A_700 = tpu.vector_load %arg15[%get3A_698, %get3A_699] {strides = array<i32>} : memref<32x768xf32, #tpu.memory_space<vmem>>, vector<1x16xf32>,
      %get3A_701 = vector.shape_cast %get3A_700 : vector<1x16xf32> to vector<16xf32>
      %mul3A_702 = arith.mulf %get3A_701, %get3A_69 : vector<16xf32>
      %add3A_703 = arith.addf %mul3A_697, %mul3A_702 : vector<16xf32>
      %swap3A_704 = arith.index_cast %scan3A_60 : i32 to index
      %swap3A_705 = arith.constant 624 : index
      %swap3A_706 = tpu.vector_load %arg14[%swap3A_704, %swap3A_705] {strides = array<i32>} : memref<32x768xf32, #tpu.memory_space<vmem>>, vector<1x16xf32>,
      %swap3A_707 = vector.shape_cast %swap3A_706 : vector<1x16xf32> to vector<16xf32>
      %swap3A_708 = vector.shape_cast %add3A_703 : vector<16xf32> to vector<1x16xf32>
      tpu.vector_store %arg14[%swap3A_704, %swap3A_705], %swap3A_708 {strides = array<i32>} : memref<32x768xf32, #tpu.memory_space<vmem>>, vector<1x16xf32>,
      %get3A_709 = arith.index_cast %scan3A_60 : i32 to index
      %get3A_710 = arith.constant 640 : index
      %get3A_711 = tpu.vector_load %arg14[%get3A_709, %get3A_710] {strides = array<i32>} : memref<32x768xf32, #tpu.memory_space<vmem>>, vector<1x16xf32>,
      %get3A_712 = vector.shape_cast %get3A_711 : vector<1x16xf32> to vector<16xf32>
      %mul3A_713 = arith.mulf %get3A_712, %get3A_64 : vector<16xf32>
      %get3A_714 = arith.index_cast %scan3A_60 : i32 to index
      %get3A_715 = arith.constant 640 : index
      %get3A_716 = tpu.vector_load %arg15[%get3A_714, %get3A_715] {strides = array<i32>} : memref<32x768xf32, #tpu.memory_space<vmem>>, vector<1x16xf32>,
      %get3A_717 = vector.shape_cast %get3A_716 : vector<1x16xf32> to vector<16xf32>
      %mul3A_718 = arith.mulf %get3A_717, %get3A_69 : vector<16xf32>
      %add3A_719 = arith.addf %mul3A_713, %mul3A_718 : vector<16xf32>
      %swap3A_720 = arith.index_cast %scan3A_60 : i32 to index
      %swap3A_721 = arith.constant 640 : index
      %swap3A_722 = tpu.vector_load %arg14[%swap3A_720, %swap3A_721] {strides = array<i32>} : memref<32x768xf32, #tpu.memory_space<vmem>>, vector<1x16xf32>,
      %swap3A_723 = vector.shape_cast %swap3A_722 : vector<1x16xf32> to vector<16xf32>
      %swap3A_724 = vector.shape_cast %add3A_719 : vector<16xf32> to vector<1x16xf32>
      tpu.vector_store %arg14[%swap3A_720, %swap3A_721], %swap3A_724 {strides = array<i32>} : memref<32x768xf32, #tpu.memory_space<vmem>>, vector<1x16xf32>,
      %get3A_725 = arith.index_cast %scan3A_60 : i32 to index
      %get3A_726 = arith.constant 656 : index
      %get3A_727 = tpu.vector_load %arg14[%get3A_725, %get3A_726] {strides = array<i32>} : memref<32x768xf32, #tpu.memory_space<vmem>>, vector<1x16xf32>,
      %get3A_728 = vector.shape_cast %get3A_727 : vector<1x16xf32> to vector<16xf32>
      %mul3A_729 = arith.mulf %get3A_728, %get3A_64 : vector<16xf32>
      %get3A_730 = arith.index_cast %scan3A_60 : i32 to index
      %get3A_731 = arith.constant 656 : index
      %get3A_732 = tpu.vector_load %arg15[%get3A_730, %get3A_731] {strides = array<i32>} : memref<32x768xf32, #tpu.memory_space<vmem>>, vector<1x16xf32>,
      %get3A_733 = vector.shape_cast %get3A_732 : vector<1x16xf32> to vector<16xf32>
      %mul3A_734 = arith.mulf %get3A_733, %get3A_69 : vector<16xf32>
      %add3A_735 = arith.addf %mul3A_729, %mul3A_734 : vector<16xf32>
      %swap3A_736 = arith.index_cast %scan3A_60 : i32 to index
      %swap3A_737 = arith.constant 656 : index
      %swap3A_738 = tpu.vector_load %arg14[%swap3A_736, %swap3A_737] {strides = array<i32>} : memref<32x768xf32, #tpu.memory_space<vmem>>, vector<1x16xf32>,
      %swap3A_739 = vector.shape_cast %swap3A_738 : vector<1x16xf32> to vector<16xf32>
      %swap3A_740 = vector.shape_cast %add3A_735 : vector<16xf32> to vector<1x16xf32>
      tpu.vector_store %arg14[%swap3A_736, %swap3A_737], %swap3A_740 {strides = array<i32>} : memref<32x768xf32, #tpu.memory_space<vmem>>, vector<1x16xf32>,
      %get3A_741 = arith.index_cast %scan3A_60 : i32 to index
      %get3A_742 = arith.constant 672 : index
      %get3A_743 = tpu.vector_load %arg14[%get3A_741, %get3A_742] {strides = array<i32>} : memref<32x768xf32, #tpu.memory_space<vmem>>, vector<1x16xf32>,
      %get3A_744 = vector.shape_cast %get3A_743 : vector<1x16xf32> to vector<16xf32>
      %mul3A_745 = arith.mulf %get3A_744, %get3A_64 : vector<16xf32>
      %get3A_746 = arith.index_cast %scan3A_60 : i32 to index
      %get3A_747 = arith.constant 672 : index
      %get3A_748 = tpu.vector_load %arg15[%get3A_746, %get3A_747] {strides = array<i32>} : memref<32x768xf32, #tpu.memory_space<vmem>>, vector<1x16xf32>,
      %get3A_749 = vector.shape_cast %get3A_748 : vector<1x16xf32> to vector<16xf32>
      %mul3A_750 = arith.mulf %get3A_749, %get3A_69 : vector<16xf32>
      %add3A_751 = arith.addf %mul3A_745, %mul3A_750 : vector<16xf32>
      %swap3A_752 = arith.index_cast %scan3A_60 : i32 to index
      %swap3A_753 = arith.constant 672 : index
      %swap3A_754 = tpu.vector_load %arg14[%swap3A_752, %swap3A_753] {strides = array<i32>} : memref<32x768xf32, #tpu.memory_space<vmem>>, vector<1x16xf32>,
      %swap3A_755 = vector.shape_cast %swap3A_754 : vector<1x16xf32> to vector<16xf32>
      %swap3A_756 = vector.shape_cast %add3A_751 : vector<16xf32> to vector<1x16xf32>
      tpu.vector_store %arg14[%swap3A_752, %swap3A_753], %swap3A_756 {strides = array<i32>} : memref<32x768xf32, #tpu.memory_space<vmem>>, vector<1x16xf32>,
      %get3A_757 = arith.index_cast %scan3A_60 : i32 to index
      %get3A_758 = arith.constant 688 : index
      %get3A_759 = tpu.vector_load %arg14[%get3A_757, %get3A_758] {strides = array<i32>} : memref<32x768xf32, #tpu.memory_space<vmem>>, vector<1x16xf32>,
      %get3A_760 = vector.shape_cast %get3A_759 : vector<1x16xf32> to vector<16xf32>
      %mul3A_761 = arith.mulf %get3A_760, %get3A_64 : vector<16xf32>
      %get3A_762 = arith.index_cast %scan3A_60 : i32 to index
      %get3A_763 = arith.constant 688 : index
      %get3A_764 = tpu.vector_load %arg15[%get3A_762, %get3A_763] {strides = array<i32>} : memref<32x768xf32, #tpu.memory_space<vmem>>, vector<1x16xf32>,
      %get3A_765 = vector.shape_cast %get3A_764 : vector<1x16xf32> to vector<16xf32>
      %mul3A_766 = arith.mulf %get3A_765, %get3A_69 : vector<16xf32>
      %add3A_767 = arith.addf %mul3A_761, %mul3A_766 : vector<16xf32>
      %swap3A_768 = arith.index_cast %scan3A_60 : i32 to index
      %swap3A_769 = arith.constant 688 : index
      %swap3A_770 = tpu.vector_load %arg14[%swap3A_768, %swap3A_769] {strides = array<i32>} : memref<32x768xf32, #tpu.memory_space<vmem>>, vector<1x16xf32>,
      %swap3A_771 = vector.shape_cast %swap3A_770 : vector<1x16xf32> to vector<16xf32>
      %swap3A_772 = vector.shape_cast %add3A_767 : vector<16xf32> to vector<1x16xf32>
      tpu.vector_store %arg14[%swap3A_768, %swap3A_769], %swap3A_772 {strides = array<i32>} : memref<32x768xf32, #tpu.memory_space<vmem>>, vector<1x16xf32>,
      %get3A_773 = arith.index_cast %scan3A_60 : i32 to index
      %get3A_774 = arith.constant 704 : index
      %get3A_775 = tpu.vector_load %arg14[%get3A_773, %get3A_774] {strides = array<i32>} : memref<32x768xf32, #tpu.memory_space<vmem>>, vector<1x16xf32>,
      %get3A_776 = vector.shape_cast %get3A_775 : vector<1x16xf32> to vector<16xf32>
      %mul3A_777 = arith.mulf %get3A_776, %get3A_64 : vector<16xf32>
      %get3A_778 = arith.index_cast %scan3A_60 : i32 to index
      %get3A_779 = arith.constant 704 : index
      %get3A_780 = tpu.vector_load %arg15[%get3A_778, %get3A_779] {strides = array<i32>} : memref<32x768xf32, #tpu.memory_space<vmem>>, vector<1x16xf32>,
      %get3A_781 = vector.shape_cast %get3A_780 : vector<1x16xf32> to vector<16xf32>
      %mul3A_782 = arith.mulf %get3A_781, %get3A_69 : vector<16xf32>
      %add3A_783 = arith.addf %mul3A_777, %mul3A_782 : vector<16xf32>
      %swap3A_784 = arith.index_cast %scan3A_60 : i32 to index
      %swap3A_785 = arith.constant 704 : index
      %swap3A_786 = tpu.vector_load %arg14[%swap3A_784, %swap3A_785] {strides = array<i32>} : memref<32x768xf32, #tpu.memory_space<vmem>>, vector<1x16xf32>,
      %swap3A_787 = vector.shape_cast %swap3A_786 : vector<1x16xf32> to vector<16xf32>
      %swap3A_788 = vector.shape_cast %add3A_783 : vector<16xf32> to vector<1x16xf32>
      tpu.vector_store %arg14[%swap3A_784, %swap3A_785], %swap3A_788 {strides = array<i32>} : memref<32x768xf32, #tpu.memory_space<vmem>>, vector<1x16xf32>,
      %get3A_789 = arith.index_cast %scan3A_60 : i32 to index
      %get3A_790 = arith.constant 720 : index
      %get3A_791 = tpu.vector_load %arg14[%get3A_789, %get3A_790] {strides = array<i32>} : memref<32x768xf32, #tpu.memory_space<vmem>>, vector<1x16xf32>,
      %get3A_792 = vector.shape_cast %get3A_791 : vector<1x16xf32> to vector<16xf32>
      %mul3A_793 = arith.mulf %get3A_792, %get3A_64 : vector<16xf32>
      %get3A_794 = arith.index_cast %scan3A_60 : i32 to index
      %get3A_795 = arith.constant 720 : index
      %get3A_796 = tpu.vector_load %arg15[%get3A_794, %get3A_795] {strides = array<i32>} : memref<32x768xf32, #tpu.memory_space<vmem>>, vector<1x16xf32>,
      %get3A_797 = vector.shape_cast %get3A_796 : vector<1x16xf32> to vector<16xf32>
      %mul3A_798 = arith.mulf %get3A_797, %get3A_69 : vector<16xf32>
      %add3A_799 = arith.addf %mul3A_793, %mul3A_798 : vector<16xf32>
      %swap3A_800 = arith.index_cast %scan3A_60 : i32 to index
      %swap3A_801 = arith.constant 720 : index
      %swap3A_802 = tpu.vector_load %arg14[%swap3A_800, %swap3A_801] {strides = array<i32>} : memref<32x768xf32, #tpu.memory_space<vmem>>, vector<1x16xf32>,
      %swap3A_803 = vector.shape_cast %swap3A_802 : vector<1x16xf32> to vector<16xf32>
      %swap3A_804 = vector.shape_cast %add3A_799 : vector<16xf32> to vector<1x16xf32>
      tpu.vector_store %arg14[%swap3A_800, %swap3A_801], %swap3A_804 {strides = array<i32>} : memref<32x768xf32, #tpu.memory_space<vmem>>, vector<1x16xf32>,
      %get3A_805 = arith.index_cast %scan3A_60 : i32 to index
      %get3A_806 = arith.constant 736 : index
      %get3A_807 = tpu.vector_load %arg14[%get3A_805, %get3A_806] {strides = array<i32>} : memref<32x768xf32, #tpu.memory_space<vmem>>, vector<1x16xf32>,
      %get3A_808 = vector.shape_cast %get3A_807 : vector<1x16xf32> to vector<16xf32>
      %mul3A_809 = arith.mulf %get3A_808, %get3A_64 : vector<16xf32>
      %get3A_810 = arith.index_cast %scan3A_60 : i32 to index
      %get3A_811 = arith.constant 736 : index
      %get3A_812 = tpu.vector_load %arg15[%get3A_810, %get3A_811] {strides = array<i32>} : memref<32x768xf32, #tpu.memory_space<vmem>>, vector<1x16xf32>,
      %get3A_813 = vector.shape_cast %get3A_812 : vector<1x16xf32> to vector<16xf32>
      %mul3A_814 = arith.mulf %get3A_813, %get3A_69 : vector<16xf32>
      %add3A_815 = arith.addf %mul3A_809, %mul3A_814 : vector<16xf32>
      %swap3A_816 = arith.index_cast %scan3A_60 : i32 to index
      %swap3A_817 = arith.constant 736 : index
      %swap3A_818 = tpu.vector_load %arg14[%swap3A_816, %swap3A_817] {strides = array<i32>} : memref<32x768xf32, #tpu.memory_space<vmem>>, vector<1x16xf32>,
      %swap3A_819 = vector.shape_cast %swap3A_818 : vector<1x16xf32> to vector<16xf32>
      %swap3A_820 = vector.shape_cast %add3A_815 : vector<16xf32> to vector<1x16xf32>
      tpu.vector_store %arg14[%swap3A_816, %swap3A_817], %swap3A_820 {strides = array<i32>} : memref<32x768xf32, #tpu.memory_space<vmem>>, vector<1x16xf32>,
      %get3A_821 = arith.index_cast %scan3A_60 : i32 to index
      %get3A_822 = arith.constant 752 : index
      %get3A_823 = tpu.vector_load %arg14[%get3A_821, %get3A_822] {strides = array<i32>} : memref<32x768xf32, #tpu.memory_space<vmem>>, vector<1x16xf32>,
      %get3A_824 = vector.shape_cast %get3A_823 : vector<1x16xf32> to vector<16xf32>
      %mul3A_825 = arith.mulf %get3A_824, %get3A_64 : vector<16xf32>
      %get3A_826 = arith.index_cast %scan3A_60 : i32 to index
      %get3A_827 = arith.constant 752 : index
      %get3A_828 = tpu.vector_load %arg15[%get3A_826, %get3A_827] {strides = array<i32>} : memref<32x768xf32, #tpu.memory_space<vmem>>, vector<1x16xf32>,
      %get3A_829 = vector.shape_cast %get3A_828 : vector<1x16xf32> to vector<16xf32>
      %mul3A_830 = arith.mulf %get3A_829, %get3A_69 : vector<16xf32>
      %add3A_831 = arith.addf %mul3A_825, %mul3A_830 : vector<16xf32>
      %swap3A_832 = arith.index_cast %scan3A_60 : i32 to index
      %swap3A_833 = arith.constant 752 : index
      %swap3A_834 = tpu.vector_load %arg14[%swap3A_832, %swap3A_833] {strides = array<i32>} : memref<32x768xf32, #tpu.memory_space<vmem>>, vector<1x16xf32>,
      %swap3A_835 = vector.shape_cast %swap3A_834 : vector<1x16xf32> to vector<16xf32>
      %swap3A_836 = vector.shape_cast %add3A_831 : vector<16xf32> to vector<1x16xf32>
      tpu.vector_store %arg14[%swap3A_832, %swap3A_833], %swap3A_836 {strides = array<i32>} : memref<32x768xf32, #tpu.memory_space<vmem>>, vector<1x16xf32>,
    }
    %scan3A_45 = arith.constant 32 : i32
    "tpu.region"() ({
      %run_scoped3A = tpu.sem_alloc : memref<!tpu.dma_semaphore, #tpu.memory_space<semaphore_mem>>
      %dma_start3A_60 = arith.constant 0 : i32
      %dma_start3A_61 = tpu.memref_slice %arg5[%add3A_35, %dma_start3A_60] : memref<2048x768xf32, #tpu.memory_space<hbm>> -> memref<32x768xf32, #tpu.memory_space<hbm>>
      %dma_start3A_62 = arith.constant 0 : i32
      %dma_start3A_63 = tpu.memref_slice %arg5[%add3A_35, %dma_start3A_62] : memref<2048x768xf32, #tpu.memory_space<hbm>> -> memref<32x768xf32, #tpu.memory_space<hbm>>
      tpu.enqueue_dma source(%arg14 : memref<32x768xf32, #tpu.memory_space<vmem>>) target(%dma_start3A_63 : memref<32x768xf32, #tpu.memory_space<hbm>>) target_semaphore(%run_scoped3A : memref<!tpu.dma_semaphore, #tpu.memory_space<semaphore_mem>>)
      %dma_wait3A_64 = arith.constant 0 : i32
      %dma_wait3A_65 = tpu.memref_slice %arg5[%add3A_35, %dma_wait3A_64] : memref<2048x768xf32, #tpu.memory_space<hbm>> -> memref<32x768xf32, #tpu.memory_space<hbm>>
      %dma_wait3A_66 = arith.constant 0 : i32
      %dma_wait3A_67 = tpu.memref_slice %arg5[%add3A_35, %dma_wait3A_66] : memref<2048x768xf32, #tpu.memory_space<hbm>> -> memref<32x768xf32, #tpu.memory_space<hbm>>
      tpu.wait_dma2 semaphore(%run_scoped3A : memref<!tpu.dma_semaphore, #tpu.memory_space<semaphore_mem>>) src(%arg14 : memref<32x768xf32, #tpu.memory_space<vmem>>) dst(%dma_wait3A_67 : memref<32x768xf32, #tpu.memory_space<hbm>>)
      tpu.yield
    }) : () -> ()
    %add3A_46 = arith.constant 32 : i32
    %add3A_47 = arith.addi %mul3A_2, %add3A_46 : i32
    %dma_wait3A_48 = arith.constant 0 : i32
    %dma_wait3A_49 = arith.constant 0 : i32
    %dma_wait3A_50 = tpu.memref_slice %arg2[%dma_wait3A_48, %dma_wait3A_49] : memref<12288x768xf32, #tpu.memory_space<hbm>> -> memref<12288x768xf32, #tpu.memory_space<hbm>>
    tpu.wait_indirect_dma semaphore(%arg18 : memref<!tpu.dma_semaphore, #tpu.memory_space<semaphore_mem>>) src(%dma_wait3A_50 : memref<12288x768xf32, #tpu.memory_space<hbm>>) dst(%arg16 : memref<32x768xf32, #tpu.memory_space<vmem>>)
    %dma_wait3A_51 = arith.constant 0 : i32
    %dma_wait3A_52 = arith.constant 0 : i32
    %dma_wait3A_53 = tpu.memref_slice %arg2[%dma_wait3A_51, %dma_wait3A_52] : memref<12288x768xf32, #tpu.memory_space<hbm>> -> memref<12288x768xf32, #tpu.memory_space<hbm>>
    tpu.wait_indirect_dma semaphore(%arg18 : memref<!tpu.dma_semaphore, #tpu.memory_space<semaphore_mem>>) src(%dma_wait3A_53 : memref<12288x768xf32, #tpu.memory_space<hbm>>) dst(%arg17 : memref<32x768xf32, #tpu.memory_space<vmem>>)
    %scan3A_54 = arith.constant 0 : i32
    %scan3A_55 = arith.constant 0 : i32
    %scan3A_56 = arith.constant 32 : i32
    %scan3A_57 = arith.addi %scan3A_55, %scan3A_56 : i32
    %scan3A_58 = arith.constant 1 : i32
    scf.for %scan3A_60 = %scan3A_55 to %scan3A_57 step %scan3A_58  : i32 {
      %mul3A_61 = arith.constant 16 : i32
      %mul3A_62 = arith.muli %scan3A_60, %mul3A_61 : i32
      %get3A = arith.index_cast %mul3A_62 : i32 to index
      %get3A_63 = tpu.vector_load %arg12[%get3A] {strides = array<i32>} : memref<512xf32, #tpu.memory_space<vmem>>, vector<16xf32>,
      %get3A_64 = vector.shape_cast %get3A_63 : vector<16xf32> to vector<16xf32>
      %mul3A_65 = arith.constant 16 : i32
      %mul3A_66 = arith.muli %scan3A_60, %mul3A_65 : i32
      %get3A_67 = arith.index_cast %mul3A_66 : i32 to index
      %get3A_68 = tpu.vector_load %arg13[%get3A_67] {strides = array<i32>} : memref<512xf32, #tpu.memory_space<vmem>>, vector<16xf32>,
      %get3A_69 = vector.shape_cast %get3A_68 : vector<16xf32> to vector<16xf32>
      %get3A_70 = arith.index_cast %scan3A_60 : i32 to index
      %get3A_71 = arith.constant 0 : index
      %get3A_72 = tpu.vector_load %arg16[%get3A_70, %get3A_71] {strides = array<i32>} : memref<32x768xf32, #tpu.memory_space<vmem>>, vector<1x16xf32>,
      %get3A_73 = vector.shape_cast %get3A_72 : vector<1x16xf32> to vector<16xf32>
      %mul3A_74 = arith.mulf %get3A_73, %get3A_64 : vector<16xf32>
      %get3A_75 = arith.index_cast %scan3A_60 : i32 to index
      %get3A_76 = arith.constant 0 : index
      %get3A_77 = tpu.vector_load %arg17[%get3A_75, %get3A_76] {strides = array<i32>} : memref<32x768xf32, #tpu.memory_space<vmem>>, vector<1x16xf32>,
      %get3A_78 = vector.shape_cast %get3A_77 : vector<1x16xf32> to vector<16xf32>
      %mul3A_79 = arith.mulf %get3A_78, %get3A_69 : vector<16xf32>
      %add3A_80 = arith.addf %mul3A_74, %mul3A_79 : vector<16xf32>
      %swap3A = arith.index_cast %scan3A_60 : i32 to index
      %swap3A_81 = arith.constant 0 : index
      %swap3A_82 = tpu.vector_load %arg16[%swap3A, %swap3A_81] {strides = array<i32>} : memref<32x768xf32, #tpu.memory_space<vmem>>, vector<1x16xf32>,
      %swap3A_83 = vector.shape_cast %swap3A_82 : vector<1x16xf32> to vector<16xf32>
      %swap3A_84 = vector.shape_cast %add3A_80 : vector<16xf32> to vector<1x16xf32>
      tpu.vector_store %arg16[%swap3A, %swap3A_81], %swap3A_84 {strides = array<i32>} : memref<32x768xf32, #tpu.memory_space<vmem>>, vector<1x16xf32>,
      %get3A_85 = arith.index_cast %scan3A_60 : i32 to index
      %get3A_86 = arith.constant 16 : index
      %get3A_87 = tpu.vector_load %arg16[%get3A_85, %get3A_86] {strides = array<i32>} : memref<32x768xf32, #tpu.memory_space<vmem>>, vector<1x16xf32>,
      %get3A_88 = vector.shape_cast %get3A_87 : vector<1x16xf32> to vector<16xf32>
      %mul3A_89 = arith.mulf %get3A_88, %get3A_64 : vector<16xf32>
      %get3A_90 = arith.index_cast %scan3A_60 : i32 to index
      %get3A_91 = arith.constant 16 : index
      %get3A_92 = tpu.vector_load %arg17[%get3A_90, %get3A_91] {strides = array<i32>} : memref<32x768xf32, #tpu.memory_space<vmem>>, vector<1x16xf32>,
      %get3A_93 = vector.shape_cast %get3A_92 : vector<1x16xf32> to vector<16xf32>
      %mul3A_94 = arith.mulf %get3A_93, %get3A_69 : vector<16xf32>
      %add3A_95 = arith.addf %mul3A_89, %mul3A_94 : vector<16xf32>
      %swap3A_96 = arith.index_cast %scan3A_60 : i32 to index
      %swap3A_97 = arith.constant 16 : index
      %swap3A_98 = tpu.vector_load %arg16[%swap3A_96, %swap3A_97] {strides = array<i32>} : memref<32x768xf32, #tpu.memory_space<vmem>>, vector<1x16xf32>,
      %swap3A_99 = vector.shape_cast %swap3A_98 : vector<1x16xf32> to vector<16xf32>
      %swap3A_100 = vector.shape_cast %add3A_95 : vector<16xf32> to vector<1x16xf32>
      tpu.vector_store %arg16[%swap3A_96, %swap3A_97], %swap3A_100 {strides = array<i32>} : memref<32x768xf32, #tpu.memory_space<vmem>>, vector<1x16xf32>,
      %get3A_101 = arith.index_cast %scan3A_60 : i32 to index
      %get3A_102 = arith.constant 32 : index
      %get3A_103 = tpu.vector_load %arg16[%get3A_101, %get3A_102] {strides = array<i32>} : memref<32x768xf32, #tpu.memory_space<vmem>>, vector<1x16xf32>,
      %get3A_104 = vector.shape_cast %get3A_103 : vector<1x16xf32> to vector<16xf32>
      %mul3A_105 = arith.mulf %get3A_104, %get3A_64 : vector<16xf32>
      %get3A_106 = arith.index_cast %scan3A_60 : i32 to index
      %get3A_107 = arith.constant 32 : index
      %get3A_108 = tpu.vector_load %arg17[%get3A_106, %get3A_107] {strides = array<i32>} : memref<32x768xf32, #tpu.memory_space<vmem>>, vector<1x16xf32>,
      %get3A_109 = vector.shape_cast %get3A_108 : vector<1x16xf32> to vector<16xf32>
      %mul3A_110 = arith.mulf %get3A_109, %get3A_69 : vector<16xf32>
      %add3A_111 = arith.addf %mul3A_105, %mul3A_110 : vector<16xf32>
      %swap3A_112 = arith.index_cast %scan3A_60 : i32 to index
      %swap3A_113 = arith.constant 32 : index
      %swap3A_114 = tpu.vector_load %arg16[%swap3A_112, %swap3A_113] {strides = array<i32>} : memref<32x768xf32, #tpu.memory_space<vmem>>, vector<1x16xf32>,
      %swap3A_115 = vector.shape_cast %swap3A_114 : vector<1x16xf32> to vector<16xf32>
      %swap3A_116 = vector.shape_cast %add3A_111 : vector<16xf32> to vector<1x16xf32>
      tpu.vector_store %arg16[%swap3A_112, %swap3A_113], %swap3A_116 {strides = array<i32>} : memref<32x768xf32, #tpu.memory_space<vmem>>, vector<1x16xf32>,
      %get3A_117 = arith.index_cast %scan3A_60 : i32 to index
      %get3A_118 = arith.constant 48 : index
      %get3A_119 = tpu.vector_load %arg16[%get3A_117, %get3A_118] {strides = array<i32>} : memref<32x768xf32, #tpu.memory_space<vmem>>, vector<1x16xf32>,
      %get3A_120 = vector.shape_cast %get3A_119 : vector<1x16xf32> to vector<16xf32>
      %mul3A_121 = arith.mulf %get3A_120, %get3A_64 : vector<16xf32>
      %get3A_122 = arith.index_cast %scan3A_60 : i32 to index
      %get3A_123 = arith.constant 48 : index
      %get3A_124 = tpu.vector_load %arg17[%get3A_122, %get3A_123] {strides = array<i32>} : memref<32x768xf32, #tpu.memory_space<vmem>>, vector<1x16xf32>,
      %get3A_125 = vector.shape_cast %get3A_124 : vector<1x16xf32> to vector<16xf32>
      %mul3A_126 = arith.mulf %get3A_125, %get3A_69 : vector<16xf32>
      %add3A_127 = arith.addf %mul3A_121, %mul3A_126 : vector<16xf32>
      %swap3A_128 = arith.index_cast %scan3A_60 : i32 to index
      %swap3A_129 = arith.constant 48 : index
      %swap3A_130 = tpu.vector_load %arg16[%swap3A_128, %swap3A_129] {strides = array<i32>} : memref<32x768xf32, #tpu.memory_space<vmem>>, vector<1x16xf32>,
      %swap3A_131 = vector.shape_cast %swap3A_130 : vector<1x16xf32> to vector<16xf32>
      %swap3A_132 = vector.shape_cast %add3A_127 : vector<16xf32> to vector<1x16xf32>
      tpu.vector_store %arg16[%swap3A_128, %swap3A_129], %swap3A_132 {strides = array<i32>} : memref<32x768xf32, #tpu.memory_space<vmem>>, vector<1x16xf32>,
      %get3A_133 = arith.index_cast %scan3A_60 : i32 to index
      %get3A_134 = arith.constant 64 : index
      %get3A_135 = tpu.vector_load %arg16[%get3A_133, %get3A_134] {strides = array<i32>} : memref<32x768xf32, #tpu.memory_space<vmem>>, vector<1x16xf32>,
      %get3A_136 = vector.shape_cast %get3A_135 : vector<1x16xf32> to vector<16xf32>
      %mul3A_137 = arith.mulf %get3A_136, %get3A_64 : vector<16xf32>
      %get3A_138 = arith.index_cast %scan3A_60 : i32 to index
      %get3A_139 = arith.constant 64 : index
      %get3A_140 = tpu.vector_load %arg17[%get3A_138, %get3A_139] {strides = array<i32>} : memref<32x768xf32, #tpu.memory_space<vmem>>, vector<1x16xf32>,
      %get3A_141 = vector.shape_cast %get3A_140 : vector<1x16xf32> to vector<16xf32>
      %mul3A_142 = arith.mulf %get3A_141, %get3A_69 : vector<16xf32>
      %add3A_143 = arith.addf %mul3A_137, %mul3A_142 : vector<16xf32>
      %swap3A_144 = arith.index_cast %scan3A_60 : i32 to index
      %swap3A_145 = arith.constant 64 : index
      %swap3A_146 = tpu.vector_load %arg16[%swap3A_144, %swap3A_145] {strides = array<i32>} : memref<32x768xf32, #tpu.memory_space<vmem>>, vector<1x16xf32>,
      %swap3A_147 = vector.shape_cast %swap3A_146 : vector<1x16xf32> to vector<16xf32>
      %swap3A_148 = vector.shape_cast %add3A_143 : vector<16xf32> to vector<1x16xf32>
      tpu.vector_store %arg16[%swap3A_144, %swap3A_145], %swap3A_148 {strides = array<i32>} : memref<32x768xf32, #tpu.memory_space<vmem>>, vector<1x16xf32>,
      %get3A_149 = arith.index_cast %scan3A_60 : i32 to index
      %get3A_150 = arith.constant 80 : index
      %get3A_151 = tpu.vector_load %arg16[%get3A_149, %get3A_150] {strides = array<i32>} : memref<32x768xf32, #tpu.memory_space<vmem>>, vector<1x16xf32>,
      %get3A_152 = vector.shape_cast %get3A_151 : vector<1x16xf32> to vector<16xf32>
      %mul3A_153 = arith.mulf %get3A_152, %get3A_64 : vector<16xf32>
      %get3A_154 = arith.index_cast %scan3A_60 : i32 to index
      %get3A_155 = arith.constant 80 : index
      %get3A_156 = tpu.vector_load %arg17[%get3A_154, %get3A_155] {strides = array<i32>} : memref<32x768xf32, #tpu.memory_space<vmem>>, vector<1x16xf32>,
      %get3A_157 = vector.shape_cast %get3A_156 : vector<1x16xf32> to vector<16xf32>
      %mul3A_158 = arith.mulf %get3A_157, %get3A_69 : vector<16xf32>
      %add3A_159 = arith.addf %mul3A_153, %mul3A_158 : vector<16xf32>
      %swap3A_160 = arith.index_cast %scan3A_60 : i32 to index
      %swap3A_161 = arith.constant 80 : index
      %swap3A_162 = tpu.vector_load %arg16[%swap3A_160, %swap3A_161] {strides = array<i32>} : memref<32x768xf32, #tpu.memory_space<vmem>>, vector<1x16xf32>,
      %swap3A_163 = vector.shape_cast %swap3A_162 : vector<1x16xf32> to vector<16xf32>
      %swap3A_164 = vector.shape_cast %add3A_159 : vector<16xf32> to vector<1x16xf32>
      tpu.vector_store %arg16[%swap3A_160, %swap3A_161], %swap3A_164 {strides = array<i32>} : memref<32x768xf32, #tpu.memory_space<vmem>>, vector<1x16xf32>,
      %get3A_165 = arith.index_cast %scan3A_60 : i32 to index
      %get3A_166 = arith.constant 96 : index
      %get3A_167 = tpu.vector_load %arg16[%get3A_165, %get3A_166] {strides = array<i32>} : memref<32x768xf32, #tpu.memory_space<vmem>>, vector<1x16xf32>,
      %get3A_168 = vector.shape_cast %get3A_167 : vector<1x16xf32> to vector<16xf32>
      %mul3A_169 = arith.mulf %get3A_168, %get3A_64 : vector<16xf32>
      %get3A_170 = arith.index_cast %scan3A_60 : i32 to index
      %get3A_171 = arith.constant 96 : index
      %get3A_172 = tpu.vector_load %arg17[%get3A_170, %get3A_171] {strides = array<i32>} : memref<32x768xf32, #tpu.memory_space<vmem>>, vector<1x16xf32>,
      %get3A_173 = vector.shape_cast %get3A_172 : vector<1x16xf32> to vector<16xf32>
      %mul3A_174 = arith.mulf %get3A_173, %get3A_69 : vector<16xf32>
      %add3A_175 = arith.addf %mul3A_169, %mul3A_174 : vector<16xf32>
      %swap3A_176 = arith.index_cast %scan3A_60 : i32 to index
      %swap3A_177 = arith.constant 96 : index
      %swap3A_178 = tpu.vector_load %arg16[%swap3A_176, %swap3A_177] {strides = array<i32>} : memref<32x768xf32, #tpu.memory_space<vmem>>, vector<1x16xf32>,
      %swap3A_179 = vector.shape_cast %swap3A_178 : vector<1x16xf32> to vector<16xf32>
      %swap3A_180 = vector.shape_cast %add3A_175 : vector<16xf32> to vector<1x16xf32>
      tpu.vector_store %arg16[%swap3A_176, %swap3A_177], %swap3A_180 {strides = array<i32>} : memref<32x768xf32, #tpu.memory_space<vmem>>, vector<1x16xf32>,
      %get3A_181 = arith.index_cast %scan3A_60 : i32 to index
      %get3A_182 = arith.constant 112 : index
      %get3A_183 = tpu.vector_load %arg16[%get3A_181, %get3A_182] {strides = array<i32>} : memref<32x768xf32, #tpu.memory_space<vmem>>, vector<1x16xf32>,
      %get3A_184 = vector.shape_cast %get3A_183 : vector<1x16xf32> to vector<16xf32>
      %mul3A_185 = arith.mulf %get3A_184, %get3A_64 : vector<16xf32>
      %get3A_186 = arith.index_cast %scan3A_60 : i32 to index
      %get3A_187 = arith.constant 112 : index
      %get3A_188 = tpu.vector_load %arg17[%get3A_186, %get3A_187] {strides = array<i32>} : memref<32x768xf32, #tpu.memory_space<vmem>>, vector<1x16xf32>,
      %get3A_189 = vector.shape_cast %get3A_188 : vector<1x16xf32> to vector<16xf32>
      %mul3A_190 = arith.mulf %get3A_189, %get3A_69 : vector<16xf32>
      %add3A_191 = arith.addf %mul3A_185, %mul3A_190 : vector<16xf32>
      %swap3A_192 = arith.index_cast %scan3A_60 : i32 to index
      %swap3A_193 = arith.constant 112 : index
      %swap3A_194 = tpu.vector_load %arg16[%swap3A_192, %swap3A_193] {strides = array<i32>} : memref<32x768xf32, #tpu.memory_space<vmem>>, vector<1x16xf32>,
      %swap3A_195 = vector.shape_cast %swap3A_194 : vector<1x16xf32> to vector<16xf32>
      %swap3A_196 = vector.shape_cast %add3A_191 : vector<16xf32> to vector<1x16xf32>
      tpu.vector_store %arg16[%swap3A_192, %swap3A_193], %swap3A_196 {strides = array<i32>} : memref<32x768xf32, #tpu.memory_space<vmem>>, vector<1x16xf32>,
      %get3A_197 = arith.index_cast %scan3A_60 : i32 to index
      %get3A_198 = arith.constant 128 : index
      %get3A_199 = tpu.vector_load %arg16[%get3A_197, %get3A_198] {strides = array<i32>} : memref<32x768xf32, #tpu.memory_space<vmem>>, vector<1x16xf32>,
      %get3A_200 = vector.shape_cast %get3A_199 : vector<1x16xf32> to vector<16xf32>
      %mul3A_201 = arith.mulf %get3A_200, %get3A_64 : vector<16xf32>
      %get3A_202 = arith.index_cast %scan3A_60 : i32 to index
      %get3A_203 = arith.constant 128 : index
      %get3A_204 = tpu.vector_load %arg17[%get3A_202, %get3A_203] {strides = array<i32>} : memref<32x768xf32, #tpu.memory_space<vmem>>, vector<1x16xf32>,
      %get3A_205 = vector.shape_cast %get3A_204 : vector<1x16xf32> to vector<16xf32>
      %mul3A_206 = arith.mulf %get3A_205, %get3A_69 : vector<16xf32>
      %add3A_207 = arith.addf %mul3A_201, %mul3A_206 : vector<16xf32>
      %swap3A_208 = arith.index_cast %scan3A_60 : i32 to index
      %swap3A_209 = arith.constant 128 : index
      %swap3A_210 = tpu.vector_load %arg16[%swap3A_208, %swap3A_209] {strides = array<i32>} : memref<32x768xf32, #tpu.memory_space<vmem>>, vector<1x16xf32>,
      %swap3A_211 = vector.shape_cast %swap3A_210 : vector<1x16xf32> to vector<16xf32>
      %swap3A_212 = vector.shape_cast %add3A_207 : vector<16xf32> to vector<1x16xf32>
      tpu.vector_store %arg16[%swap3A_208, %swap3A_209], %swap3A_212 {strides = array<i32>} : memref<32x768xf32, #tpu.memory_space<vmem>>, vector<1x16xf32>,
      %get3A_213 = arith.index_cast %scan3A_60 : i32 to index
      %get3A_214 = arith.constant 144 : index
      %get3A_215 = tpu.vector_load %arg16[%get3A_213, %get3A_214] {strides = array<i32>} : memref<32x768xf32, #tpu.memory_space<vmem>>, vector<1x16xf32>,
      %get3A_216 = vector.shape_cast %get3A_215 : vector<1x16xf32> to vector<16xf32>
      %mul3A_217 = arith.mulf %get3A_216, %get3A_64 : vector<16xf32>
      %get3A_218 = arith.index_cast %scan3A_60 : i32 to index
      %get3A_219 = arith.constant 144 : index
      %get3A_220 = tpu.vector_load %arg17[%get3A_218, %get3A_219] {strides = array<i32>} : memref<32x768xf32, #tpu.memory_space<vmem>>, vector<1x16xf32>,
      %get3A_221 = vector.shape_cast %get3A_220 : vector<1x16xf32> to vector<16xf32>
      %mul3A_222 = arith.mulf %get3A_221, %get3A_69 : vector<16xf32>
      %add3A_223 = arith.addf %mul3A_217, %mul3A_222 : vector<16xf32>
      %swap3A_224 = arith.index_cast %scan3A_60 : i32 to index
      %swap3A_225 = arith.constant 144 : index
      %swap3A_226 = tpu.vector_load %arg16[%swap3A_224, %swap3A_225] {strides = array<i32>} : memref<32x768xf32, #tpu.memory_space<vmem>>, vector<1x16xf32>,
      %swap3A_227 = vector.shape_cast %swap3A_226 : vector<1x16xf32> to vector<16xf32>
      %swap3A_228 = vector.shape_cast %add3A_223 : vector<16xf32> to vector<1x16xf32>
      tpu.vector_store %arg16[%swap3A_224, %swap3A_225], %swap3A_228 {strides = array<i32>} : memref<32x768xf32, #tpu.memory_space<vmem>>, vector<1x16xf32>,
      %get3A_229 = arith.index_cast %scan3A_60 : i32 to index
      %get3A_230 = arith.constant 160 : index
      %get3A_231 = tpu.vector_load %arg16[%get3A_229, %get3A_230] {strides = array<i32>} : memref<32x768xf32, #tpu.memory_space<vmem>>, vector<1x16xf32>,
      %get3A_232 = vector.shape_cast %get3A_231 : vector<1x16xf32> to vector<16xf32>
      %mul3A_233 = arith.mulf %get3A_232, %get3A_64 : vector<16xf32>
      %get3A_234 = arith.index_cast %scan3A_60 : i32 to index
      %get3A_235 = arith.constant 160 : index
      %get3A_236 = tpu.vector_load %arg17[%get3A_234, %get3A_235] {strides = array<i32>} : memref<32x768xf32, #tpu.memory_space<vmem>>, vector<1x16xf32>,
      %get3A_237 = vector.shape_cast %get3A_236 : vector<1x16xf32> to vector<16xf32>
      %mul3A_238 = arith.mulf %get3A_237, %get3A_69 : vector<16xf32>
      %add3A_239 = arith.addf %mul3A_233, %mul3A_238 : vector<16xf32>
      %swap3A_240 = arith.index_cast %scan3A_60 : i32 to index
      %swap3A_241 = arith.constant 160 : index
      %swap3A_242 = tpu.vector_load %arg16[%swap3A_240, %swap3A_241] {strides = array<i32>} : memref<32x768xf32, #tpu.memory_space<vmem>>, vector<1x16xf32>,
      %swap3A_243 = vector.shape_cast %swap3A_242 : vector<1x16xf32> to vector<16xf32>
      %swap3A_244 = vector.shape_cast %add3A_239 : vector<16xf32> to vector<1x16xf32>
      tpu.vector_store %arg16[%swap3A_240, %swap3A_241], %swap3A_244 {strides = array<i32>} : memref<32x768xf32, #tpu.memory_space<vmem>>, vector<1x16xf32>,
      %get3A_245 = arith.index_cast %scan3A_60 : i32 to index
      %get3A_246 = arith.constant 176 : index
      %get3A_247 = tpu.vector_load %arg16[%get3A_245, %get3A_246] {strides = array<i32>} : memref<32x768xf32, #tpu.memory_space<vmem>>, vector<1x16xf32>,
      %get3A_248 = vector.shape_cast %get3A_247 : vector<1x16xf32> to vector<16xf32>
      %mul3A_249 = arith.mulf %get3A_248, %get3A_64 : vector<16xf32>
      %get3A_250 = arith.index_cast %scan3A_60 : i32 to index
      %get3A_251 = arith.constant 176 : index
      %get3A_252 = tpu.vector_load %arg17[%get3A_250, %get3A_251] {strides = array<i32>} : memref<32x768xf32, #tpu.memory_space<vmem>>, vector<1x16xf32>,
      %get3A_253 = vector.shape_cast %get3A_252 : vector<1x16xf32> to vector<16xf32>
      %mul3A_254 = arith.mulf %get3A_253, %get3A_69 : vector<16xf32>
      %add3A_255 = arith.addf %mul3A_249, %mul3A_254 : vector<16xf32>
      %swap3A_256 = arith.index_cast %scan3A_60 : i32 to index
      %swap3A_257 = arith.constant 176 : index
      %swap3A_258 = tpu.vector_load %arg16[%swap3A_256, %swap3A_257] {strides = array<i32>} : memref<32x768xf32, #tpu.memory_space<vmem>>, vector<1x16xf32>,
      %swap3A_259 = vector.shape_cast %swap3A_258 : vector<1x16xf32> to vector<16xf32>
      %swap3A_260 = vector.shape_cast %add3A_255 : vector<16xf32> to vector<1x16xf32>
      tpu.vector_store %arg16[%swap3A_256, %swap3A_257], %swap3A_260 {strides = array<i32>} : memref<32x768xf32, #tpu.memory_space<vmem>>, vector<1x16xf32>,
      %get3A_261 = arith.index_cast %scan3A_60 : i32 to index
      %get3A_262 = arith.constant 192 : index
      %get3A_263 = tpu.vector_load %arg16[%get3A_261, %get3A_262] {strides = array<i32>} : memref<32x768xf32, #tpu.memory_space<vmem>>, vector<1x16xf32>,
      %get3A_264 = vector.shape_cast %get3A_263 : vector<1x16xf32> to vector<16xf32>
      %mul3A_265 = arith.mulf %get3A_264, %get3A_64 : vector<16xf32>
      %get3A_266 = arith.index_cast %scan3A_60 : i32 to index
      %get3A_267 = arith.constant 192 : index
      %get3A_268 = tpu.vector_load %arg17[%get3A_266, %get3A_267] {strides = array<i32>} : memref<32x768xf32, #tpu.memory_space<vmem>>, vector<1x16xf32>,
      %get3A_269 = vector.shape_cast %get3A_268 : vector<1x16xf32> to vector<16xf32>
      %mul3A_270 = arith.mulf %get3A_269, %get3A_69 : vector<16xf32>
      %add3A_271 = arith.addf %mul3A_265, %mul3A_270 : vector<16xf32>
      %swap3A_272 = arith.index_cast %scan3A_60 : i32 to index
      %swap3A_273 = arith.constant 192 : index
      %swap3A_274 = tpu.vector_load %arg16[%swap3A_272, %swap3A_273] {strides = array<i32>} : memref<32x768xf32, #tpu.memory_space<vmem>>, vector<1x16xf32>,
      %swap3A_275 = vector.shape_cast %swap3A_274 : vector<1x16xf32> to vector<16xf32>
      %swap3A_276 = vector.shape_cast %add3A_271 : vector<16xf32> to vector<1x16xf32>
      tpu.vector_store %arg16[%swap3A_272, %swap3A_273], %swap3A_276 {strides = array<i32>} : memref<32x768xf32, #tpu.memory_space<vmem>>, vector<1x16xf32>,
      %get3A_277 = arith.index_cast %scan3A_60 : i32 to index
      %get3A_278 = arith.constant 208 : index
      %get3A_279 = tpu.vector_load %arg16[%get3A_277, %get3A_278] {strides = array<i32>} : memref<32x768xf32, #tpu.memory_space<vmem>>, vector<1x16xf32>,
      %get3A_280 = vector.shape_cast %get3A_279 : vector<1x16xf32> to vector<16xf32>
      %mul3A_281 = arith.mulf %get3A_280, %get3A_64 : vector<16xf32>
      %get3A_282 = arith.index_cast %scan3A_60 : i32 to index
      %get3A_283 = arith.constant 208 : index
      %get3A_284 = tpu.vector_load %arg17[%get3A_282, %get3A_283] {strides = array<i32>} : memref<32x768xf32, #tpu.memory_space<vmem>>, vector<1x16xf32>,
      %get3A_285 = vector.shape_cast %get3A_284 : vector<1x16xf32> to vector<16xf32>
      %mul3A_286 = arith.mulf %get3A_285, %get3A_69 : vector<16xf32>
      %add3A_287 = arith.addf %mul3A_281, %mul3A_286 : vector<16xf32>
      %swap3A_288 = arith.index_cast %scan3A_60 : i32 to index
      %swap3A_289 = arith.constant 208 : index
      %swap3A_290 = tpu.vector_load %arg16[%swap3A_288, %swap3A_289] {strides = array<i32>} : memref<32x768xf32, #tpu.memory_space<vmem>>, vector<1x16xf32>,
      %swap3A_291 = vector.shape_cast %swap3A_290 : vector<1x16xf32> to vector<16xf32>
      %swap3A_292 = vector.shape_cast %add3A_287 : vector<16xf32> to vector<1x16xf32>
      tpu.vector_store %arg16[%swap3A_288, %swap3A_289], %swap3A_292 {strides = array<i32>} : memref<32x768xf32, #tpu.memory_space<vmem>>, vector<1x16xf32>,
      %get3A_293 = arith.index_cast %scan3A_60 : i32 to index
      %get3A_294 = arith.constant 224 : index
      %get3A_295 = tpu.vector_load %arg16[%get3A_293, %get3A_294] {strides = array<i32>} : memref<32x768xf32, #tpu.memory_space<vmem>>, vector<1x16xf32>,
      %get3A_296 = vector.shape_cast %get3A_295 : vector<1x16xf32> to vector<16xf32>
      %mul3A_297 = arith.mulf %get3A_296, %get3A_64 : vector<16xf32>
      %get3A_298 = arith.index_cast %scan3A_60 : i32 to index
      %get3A_299 = arith.constant 224 : index
      %get3A_300 = tpu.vector_load %arg17[%get3A_298, %get3A_299] {strides = array<i32>} : memref<32x768xf32, #tpu.memory_space<vmem>>, vector<1x16xf32>,
      %get3A_301 = vector.shape_cast %get3A_300 : vector<1x16xf32> to vector<16xf32>
      %mul3A_302 = arith.mulf %get3A_301, %get3A_69 : vector<16xf32>
      %add3A_303 = arith.addf %mul3A_297, %mul3A_302 : vector<16xf32>
      %swap3A_304 = arith.index_cast %scan3A_60 : i32 to index
      %swap3A_305 = arith.constant 224 : index
      %swap3A_306 = tpu.vector_load %arg16[%swap3A_304, %swap3A_305] {strides = array<i32>} : memref<32x768xf32, #tpu.memory_space<vmem>>, vector<1x16xf32>,
      %swap3A_307 = vector.shape_cast %swap3A_306 : vector<1x16xf32> to vector<16xf32>
      %swap3A_308 = vector.shape_cast %add3A_303 : vector<16xf32> to vector<1x16xf32>
      tpu.vector_store %arg16[%swap3A_304, %swap3A_305], %swap3A_308 {strides = array<i32>} : memref<32x768xf32, #tpu.memory_space<vmem>>, vector<1x16xf32>,
      %get3A_309 = arith.index_cast %scan3A_60 : i32 to index
      %get3A_310 = arith.constant 240 : index
      %get3A_311 = tpu.vector_load %arg16[%get3A_309, %get3A_310] {strides = array<i32>} : memref<32x768xf32, #tpu.memory_space<vmem>>, vector<1x16xf32>,
      %get3A_312 = vector.shape_cast %get3A_311 : vector<1x16xf32> to vector<16xf32>
      %mul3A_313 = arith.mulf %get3A_312, %get3A_64 : vector<16xf32>
      %get3A_314 = arith.index_cast %scan3A_60 : i32 to index
      %get3A_315 = arith.constant 240 : index
      %get3A_316 = tpu.vector_load %arg17[%get3A_314, %get3A_315] {strides = array<i32>} : memref<32x768xf32, #tpu.memory_space<vmem>>, vector<1x16xf32>,
      %get3A_317 = vector.shape_cast %get3A_316 : vector<1x16xf32> to vector<16xf32>
      %mul3A_318 = arith.mulf %get3A_317, %get3A_69 : vector<16xf32>
      %add3A_319 = arith.addf %mul3A_313, %mul3A_318 : vector<16xf32>
      %swap3A_320 = arith.index_cast %scan3A_60 : i32 to index
      %swap3A_321 = arith.constant 240 : index
      %swap3A_322 = tpu.vector_load %arg16[%swap3A_320, %swap3A_321] {strides = array<i32>} : memref<32x768xf32, #tpu.memory_space<vmem>>, vector<1x16xf32>,
      %swap3A_323 = vector.shape_cast %swap3A_322 : vector<1x16xf32> to vector<16xf32>
      %swap3A_324 = vector.shape_cast %add3A_319 : vector<16xf32> to vector<1x16xf32>
      tpu.vector_store %arg16[%swap3A_320, %swap3A_321], %swap3A_324 {strides = array<i32>} : memref<32x768xf32, #tpu.memory_space<vmem>>, vector<1x16xf32>,
      %get3A_325 = arith.index_cast %scan3A_60 : i32 to index
      %get3A_326 = arith.constant 256 : index
      %get3A_327 = tpu.vector_load %arg16[%get3A_325, %get3A_326] {strides = array<i32>} : memref<32x768xf32, #tpu.memory_space<vmem>>, vector<1x16xf32>,
      %get3A_328 = vector.shape_cast %get3A_327 : vector<1x16xf32> to vector<16xf32>
      %mul3A_329 = arith.mulf %get3A_328, %get3A_64 : vector<16xf32>
      %get3A_330 = arith.index_cast %scan3A_60 : i32 to index
      %get3A_331 = arith.constant 256 : index
      %get3A_332 = tpu.vector_load %arg17[%get3A_330, %get3A_331] {strides = array<i32>} : memref<32x768xf32, #tpu.memory_space<vmem>>, vector<1x16xf32>,
      %get3A_333 = vector.shape_cast %get3A_332 : vector<1x16xf32> to vector<16xf32>
      %mul3A_334 = arith.mulf %get3A_333, %get3A_69 : vector<16xf32>
      %add3A_335 = arith.addf %mul3A_329, %mul3A_334 : vector<16xf32>
      %swap3A_336 = arith.index_cast %scan3A_60 : i32 to index
      %swap3A_337 = arith.constant 256 : index
      %swap3A_338 = tpu.vector_load %arg16[%swap3A_336, %swap3A_337] {strides = array<i32>} : memref<32x768xf32, #tpu.memory_space<vmem>>, vector<1x16xf32>,
      %swap3A_339 = vector.shape_cast %swap3A_338 : vector<1x16xf32> to vector<16xf32>
      %swap3A_340 = vector.shape_cast %add3A_335 : vector<16xf32> to vector<1x16xf32>
      tpu.vector_store %arg16[%swap3A_336, %swap3A_337], %swap3A_340 {strides = array<i32>} : memref<32x768xf32, #tpu.memory_space<vmem>>, vector<1x16xf32>,
      %get3A_341 = arith.index_cast %scan3A_60 : i32 to index
      %get3A_342 = arith.constant 272 : index
      %get3A_343 = tpu.vector_load %arg16[%get3A_341, %get3A_342] {strides = array<i32>} : memref<32x768xf32, #tpu.memory_space<vmem>>, vector<1x16xf32>,
      %get3A_344 = vector.shape_cast %get3A_343 : vector<1x16xf32> to vector<16xf32>
      %mul3A_345 = arith.mulf %get3A_344, %get3A_64 : vector<16xf32>
      %get3A_346 = arith.index_cast %scan3A_60 : i32 to index
      %get3A_347 = arith.constant 272 : index
      %get3A_348 = tpu.vector_load %arg17[%get3A_346, %get3A_347] {strides = array<i32>} : memref<32x768xf32, #tpu.memory_space<vmem>>, vector<1x16xf32>,
      %get3A_349 = vector.shape_cast %get3A_348 : vector<1x16xf32> to vector<16xf32>
      %mul3A_350 = arith.mulf %get3A_349, %get3A_69 : vector<16xf32>
      %add3A_351 = arith.addf %mul3A_345, %mul3A_350 : vector<16xf32>
      %swap3A_352 = arith.index_cast %scan3A_60 : i32 to index
      %swap3A_353 = arith.constant 272 : index
      %swap3A_354 = tpu.vector_load %arg16[%swap3A_352, %swap3A_353] {strides = array<i32>} : memref<32x768xf32, #tpu.memory_space<vmem>>, vector<1x16xf32>,
      %swap3A_355 = vector.shape_cast %swap3A_354 : vector<1x16xf32> to vector<16xf32>
      %swap3A_356 = vector.shape_cast %add3A_351 : vector<16xf32> to vector<1x16xf32>
      tpu.vector_store %arg16[%swap3A_352, %swap3A_353], %swap3A_356 {strides = array<i32>} : memref<32x768xf32, #tpu.memory_space<vmem>>, vector<1x16xf32>,
      %get3A_357 = arith.index_cast %scan3A_60 : i32 to index
      %get3A_358 = arith.constant 288 : index
      %get3A_359 = tpu.vector_load %arg16[%get3A_357, %get3A_358] {strides = array<i32>} : memref<32x768xf32, #tpu.memory_space<vmem>>, vector<1x16xf32>,
      %get3A_360 = vector.shape_cast %get3A_359 : vector<1x16xf32> to vector<16xf32>
      %mul3A_361 = arith.mulf %get3A_360, %get3A_64 : vector<16xf32>
      %get3A_362 = arith.index_cast %scan3A_60 : i32 to index
      %get3A_363 = arith.constant 288 : index
      %get3A_364 = tpu.vector_load %arg17[%get3A_362, %get3A_363] {strides = array<i32>} : memref<32x768xf32, #tpu.memory_space<vmem>>, vector<1x16xf32>,
      %get3A_365 = vector.shape_cast %get3A_364 : vector<1x16xf32> to vector<16xf32>
      %mul3A_366 = arith.mulf %get3A_365, %get3A_69 : vector<16xf32>
      %add3A_367 = arith.addf %mul3A_361, %mul3A_366 : vector<16xf32>
      %swap3A_368 = arith.index_cast %scan3A_60 : i32 to index
      %swap3A_369 = arith.constant 288 : index
      %swap3A_370 = tpu.vector_load %arg16[%swap3A_368, %swap3A_369] {strides = array<i32>} : memref<32x768xf32, #tpu.memory_space<vmem>>, vector<1x16xf32>,
      %swap3A_371 = vector.shape_cast %swap3A_370 : vector<1x16xf32> to vector<16xf32>
      %swap3A_372 = vector.shape_cast %add3A_367 : vector<16xf32> to vector<1x16xf32>
      tpu.vector_store %arg16[%swap3A_368, %swap3A_369], %swap3A_372 {strides = array<i32>} : memref<32x768xf32, #tpu.memory_space<vmem>>, vector<1x16xf32>,
      %get3A_373 = arith.index_cast %scan3A_60 : i32 to index
      %get3A_374 = arith.constant 304 : index
      %get3A_375 = tpu.vector_load %arg16[%get3A_373, %get3A_374] {strides = array<i32>} : memref<32x768xf32, #tpu.memory_space<vmem>>, vector<1x16xf32>,
      %get3A_376 = vector.shape_cast %get3A_375 : vector<1x16xf32> to vector<16xf32>
      %mul3A_377 = arith.mulf %get3A_376, %get3A_64 : vector<16xf32>
      %get3A_378 = arith.index_cast %scan3A_60 : i32 to index
      %get3A_379 = arith.constant 304 : index
      %get3A_380 = tpu.vector_load %arg17[%get3A_378, %get3A_379] {strides = array<i32>} : memref<32x768xf32, #tpu.memory_space<vmem>>, vector<1x16xf32>,
      %get3A_381 = vector.shape_cast %get3A_380 : vector<1x16xf32> to vector<16xf32>
      %mul3A_382 = arith.mulf %get3A_381, %get3A_69 : vector<16xf32>
      %add3A_383 = arith.addf %mul3A_377, %mul3A_382 : vector<16xf32>
      %swap3A_384 = arith.index_cast %scan3A_60 : i32 to index
      %swap3A_385 = arith.constant 304 : index
      %swap3A_386 = tpu.vector_load %arg16[%swap3A_384, %swap3A_385] {strides = array<i32>} : memref<32x768xf32, #tpu.memory_space<vmem>>, vector<1x16xf32>,
      %swap3A_387 = vector.shape_cast %swap3A_386 : vector<1x16xf32> to vector<16xf32>
      %swap3A_388 = vector.shape_cast %add3A_383 : vector<16xf32> to vector<1x16xf32>
      tpu.vector_store %arg16[%swap3A_384, %swap3A_385], %swap3A_388 {strides = array<i32>} : memref<32x768xf32, #tpu.memory_space<vmem>>, vector<1x16xf32>,
      %get3A_389 = arith.index_cast %scan3A_60 : i32 to index
      %get3A_390 = arith.constant 320 : index
      %get3A_391 = tpu.vector_load %arg16[%get3A_389, %get3A_390] {strides = array<i32>} : memref<32x768xf32, #tpu.memory_space<vmem>>, vector<1x16xf32>,
      %get3A_392 = vector.shape_cast %get3A_391 : vector<1x16xf32> to vector<16xf32>
      %mul3A_393 = arith.mulf %get3A_392, %get3A_64 : vector<16xf32>
      %get3A_394 = arith.index_cast %scan3A_60 : i32 to index
      %get3A_395 = arith.constant 320 : index
      %get3A_396 = tpu.vector_load %arg17[%get3A_394, %get3A_395] {strides = array<i32>} : memref<32x768xf32, #tpu.memory_space<vmem>>, vector<1x16xf32>,
      %get3A_397 = vector.shape_cast %get3A_396 : vector<1x16xf32> to vector<16xf32>
      %mul3A_398 = arith.mulf %get3A_397, %get3A_69 : vector<16xf32>
      %add3A_399 = arith.addf %mul3A_393, %mul3A_398 : vector<16xf32>
      %swap3A_400 = arith.index_cast %scan3A_60 : i32 to index
      %swap3A_401 = arith.constant 320 : index
      %swap3A_402 = tpu.vector_load %arg16[%swap3A_400, %swap3A_401] {strides = array<i32>} : memref<32x768xf32, #tpu.memory_space<vmem>>, vector<1x16xf32>,
      %swap3A_403 = vector.shape_cast %swap3A_402 : vector<1x16xf32> to vector<16xf32>
      %swap3A_404 = vector.shape_cast %add3A_399 : vector<16xf32> to vector<1x16xf32>
      tpu.vector_store %arg16[%swap3A_400, %swap3A_401], %swap3A_404 {strides = array<i32>} : memref<32x768xf32, #tpu.memory_space<vmem>>, vector<1x16xf32>,
      %get3A_405 = arith.index_cast %scan3A_60 : i32 to index
      %get3A_406 = arith.constant 336 : index
      %get3A_407 = tpu.vector_load %arg16[%get3A_405, %get3A_406] {strides = array<i32>} : memref<32x768xf32, #tpu.memory_space<vmem>>, vector<1x16xf32>,
      %get3A_408 = vector.shape_cast %get3A_407 : vector<1x16xf32> to vector<16xf32>
      %mul3A_409 = arith.mulf %get3A_408, %get3A_64 : vector<16xf32>
      %get3A_410 = arith.index_cast %scan3A_60 : i32 to index
      %get3A_411 = arith.constant 336 : index
      %get3A_412 = tpu.vector_load %arg17[%get3A_410, %get3A_411] {strides = array<i32>} : memref<32x768xf32, #tpu.memory_space<vmem>>, vector<1x16xf32>,
      %get3A_413 = vector.shape_cast %get3A_412 : vector<1x16xf32> to vector<16xf32>
      %mul3A_414 = arith.mulf %get3A_413, %get3A_69 : vector<16xf32>
      %add3A_415 = arith.addf %mul3A_409, %mul3A_414 : vector<16xf32>
      %swap3A_416 = arith.index_cast %scan3A_60 : i32 to index
      %swap3A_417 = arith.constant 336 : index
      %swap3A_418 = tpu.vector_load %arg16[%swap3A_416, %swap3A_417] {strides = array<i32>} : memref<32x768xf32, #tpu.memory_space<vmem>>, vector<1x16xf32>,
      %swap3A_419 = vector.shape_cast %swap3A_418 : vector<1x16xf32> to vector<16xf32>
      %swap3A_420 = vector.shape_cast %add3A_415 : vector<16xf32> to vector<1x16xf32>
      tpu.vector_store %arg16[%swap3A_416, %swap3A_417], %swap3A_420 {strides = array<i32>} : memref<32x768xf32, #tpu.memory_space<vmem>>, vector<1x16xf32>,
      %get3A_421 = arith.index_cast %scan3A_60 : i32 to index
      %get3A_422 = arith.constant 352 : index
      %get3A_423 = tpu.vector_load %arg16[%get3A_421, %get3A_422] {strides = array<i32>} : memref<32x768xf32, #tpu.memory_space<vmem>>, vector<1x16xf32>,
      %get3A_424 = vector.shape_cast %get3A_423 : vector<1x16xf32> to vector<16xf32>
      %mul3A_425 = arith.mulf %get3A_424, %get3A_64 : vector<16xf32>
      %get3A_426 = arith.index_cast %scan3A_60 : i32 to index
      %get3A_427 = arith.constant 352 : index
      %get3A_428 = tpu.vector_load %arg17[%get3A_426, %get3A_427] {strides = array<i32>} : memref<32x768xf32, #tpu.memory_space<vmem>>, vector<1x16xf32>,
      %get3A_429 = vector.shape_cast %get3A_428 : vector<1x16xf32> to vector<16xf32>
      %mul3A_430 = arith.mulf %get3A_429, %get3A_69 : vector<16xf32>
      %add3A_431 = arith.addf %mul3A_425, %mul3A_430 : vector<16xf32>
      %swap3A_432 = arith.index_cast %scan3A_60 : i32 to index
      %swap3A_433 = arith.constant 352 : index
      %swap3A_434 = tpu.vector_load %arg16[%swap3A_432, %swap3A_433] {strides = array<i32>} : memref<32x768xf32, #tpu.memory_space<vmem>>, vector<1x16xf32>,
      %swap3A_435 = vector.shape_cast %swap3A_434 : vector<1x16xf32> to vector<16xf32>
      %swap3A_436 = vector.shape_cast %add3A_431 : vector<16xf32> to vector<1x16xf32>
      tpu.vector_store %arg16[%swap3A_432, %swap3A_433], %swap3A_436 {strides = array<i32>} : memref<32x768xf32, #tpu.memory_space<vmem>>, vector<1x16xf32>,
      %get3A_437 = arith.index_cast %scan3A_60 : i32 to index
      %get3A_438 = arith.constant 368 : index
      %get3A_439 = tpu.vector_load %arg16[%get3A_437, %get3A_438] {strides = array<i32>} : memref<32x768xf32, #tpu.memory_space<vmem>>, vector<1x16xf32>,
      %get3A_440 = vector.shape_cast %get3A_439 : vector<1x16xf32> to vector<16xf32>
      %mul3A_441 = arith.mulf %get3A_440, %get3A_64 : vector<16xf32>
      %get3A_442 = arith.index_cast %scan3A_60 : i32 to index
      %get3A_443 = arith.constant 368 : index
      %get3A_444 = tpu.vector_load %arg17[%get3A_442, %get3A_443] {strides = array<i32>} : memref<32x768xf32, #tpu.memory_space<vmem>>, vector<1x16xf32>,
      %get3A_445 = vector.shape_cast %get3A_444 : vector<1x16xf32> to vector<16xf32>
      %mul3A_446 = arith.mulf %get3A_445, %get3A_69 : vector<16xf32>
      %add3A_447 = arith.addf %mul3A_441, %mul3A_446 : vector<16xf32>
      %swap3A_448 = arith.index_cast %scan3A_60 : i32 to index
      %swap3A_449 = arith.constant 368 : index
      %swap3A_450 = tpu.vector_load %arg16[%swap3A_448, %swap3A_449] {strides = array<i32>} : memref<32x768xf32, #tpu.memory_space<vmem>>, vector<1x16xf32>,
      %swap3A_451 = vector.shape_cast %swap3A_450 : vector<1x16xf32> to vector<16xf32>
      %swap3A_452 = vector.shape_cast %add3A_447 : vector<16xf32> to vector<1x16xf32>
      tpu.vector_store %arg16[%swap3A_448, %swap3A_449], %swap3A_452 {strides = array<i32>} : memref<32x768xf32, #tpu.memory_space<vmem>>, vector<1x16xf32>,
      %get3A_453 = arith.index_cast %scan3A_60 : i32 to index
      %get3A_454 = arith.constant 384 : index
      %get3A_455 = tpu.vector_load %arg16[%get3A_453, %get3A_454] {strides = array<i32>} : memref<32x768xf32, #tpu.memory_space<vmem>>, vector<1x16xf32>,
      %get3A_456 = vector.shape_cast %get3A_455 : vector<1x16xf32> to vector<16xf32>
      %mul3A_457 = arith.mulf %get3A_456, %get3A_64 : vector<16xf32>
      %get3A_458 = arith.index_cast %scan3A_60 : i32 to index
      %get3A_459 = arith.constant 384 : index
      %get3A_460 = tpu.vector_load %arg17[%get3A_458, %get3A_459] {strides = array<i32>} : memref<32x768xf32, #tpu.memory_space<vmem>>, vector<1x16xf32>,
      %get3A_461 = vector.shape_cast %get3A_460 : vector<1x16xf32> to vector<16xf32>
      %mul3A_462 = arith.mulf %get3A_461, %get3A_69 : vector<16xf32>
      %add3A_463 = arith.addf %mul3A_457, %mul3A_462 : vector<16xf32>
      %swap3A_464 = arith.index_cast %scan3A_60 : i32 to index
      %swap3A_465 = arith.constant 384 : index
      %swap3A_466 = tpu.vector_load %arg16[%swap3A_464, %swap3A_465] {strides = array<i32>} : memref<32x768xf32, #tpu.memory_space<vmem>>, vector<1x16xf32>,
      %swap3A_467 = vector.shape_cast %swap3A_466 : vector<1x16xf32> to vector<16xf32>
      %swap3A_468 = vector.shape_cast %add3A_463 : vector<16xf32> to vector<1x16xf32>
      tpu.vector_store %arg16[%swap3A_464, %swap3A_465], %swap3A_468 {strides = array<i32>} : memref<32x768xf32, #tpu.memory_space<vmem>>, vector<1x16xf32>,
      %get3A_469 = arith.index_cast %scan3A_60 : i32 to index
      %get3A_470 = arith.constant 400 : index
      %get3A_471 = tpu.vector_load %arg16[%get3A_469, %get3A_470] {strides = array<i32>} : memref<32x768xf32, #tpu.memory_space<vmem>>, vector<1x16xf32>,
      %get3A_472 = vector.shape_cast %get3A_471 : vector<1x16xf32> to vector<16xf32>
      %mul3A_473 = arith.mulf %get3A_472, %get3A_64 : vector<16xf32>
      %get3A_474 = arith.index_cast %scan3A_60 : i32 to index
      %get3A_475 = arith.constant 400 : index
      %get3A_476 = tpu.vector_load %arg17[%get3A_474, %get3A_475] {strides = array<i32>} : memref<32x768xf32, #tpu.memory_space<vmem>>, vector<1x16xf32>,
      %get3A_477 = vector.shape_cast %get3A_476 : vector<1x16xf32> to vector<16xf32>
      %mul3A_478 = arith.mulf %get3A_477, %get3A_69 : vector<16xf32>
      %add3A_479 = arith.addf %mul3A_473, %mul3A_478 : vector<16xf32>
      %swap3A_480 = arith.index_cast %scan3A_60 : i32 to index
      %swap3A_481 = arith.constant 400 : index
      %swap3A_482 = tpu.vector_load %arg16[%swap3A_480, %swap3A_481] {strides = array<i32>} : memref<32x768xf32, #tpu.memory_space<vmem>>, vector<1x16xf32>,
      %swap3A_483 = vector.shape_cast %swap3A_482 : vector<1x16xf32> to vector<16xf32>
      %swap3A_484 = vector.shape_cast %add3A_479 : vector<16xf32> to vector<1x16xf32>
      tpu.vector_store %arg16[%swap3A_480, %swap3A_481], %swap3A_484 {strides = array<i32>} : memref<32x768xf32, #tpu.memory_space<vmem>>, vector<1x16xf32>,
      %get3A_485 = arith.index_cast %scan3A_60 : i32 to index
      %get3A_486 = arith.constant 416 : index
      %get3A_487 = tpu.vector_load %arg16[%get3A_485, %get3A_486] {strides = array<i32>} : memref<32x768xf32, #tpu.memory_space<vmem>>, vector<1x16xf32>,
      %get3A_488 = vector.shape_cast %get3A_487 : vector<1x16xf32> to vector<16xf32>
      %mul3A_489 = arith.mulf %get3A_488, %get3A_64 : vector<16xf32>
      %get3A_490 = arith.index_cast %scan3A_60 : i32 to index
      %get3A_491 = arith.constant 416 : index
      %get3A_492 = tpu.vector_load %arg17[%get3A_490, %get3A_491] {strides = array<i32>} : memref<32x768xf32, #tpu.memory_space<vmem>>, vector<1x16xf32>,
      %get3A_493 = vector.shape_cast %get3A_492 : vector<1x16xf32> to vector<16xf32>
      %mul3A_494 = arith.mulf %get3A_493, %get3A_69 : vector<16xf32>
      %add3A_495 = arith.addf %mul3A_489, %mul3A_494 : vector<16xf32>
      %swap3A_496 = arith.index_cast %scan3A_60 : i32 to index
      %swap3A_497 = arith.constant 416 : index
      %swap3A_498 = tpu.vector_load %arg16[%swap3A_496, %swap3A_497] {strides = array<i32>} : memref<32x768xf32, #tpu.memory_space<vmem>>, vector<1x16xf32>,
      %swap3A_499 = vector.shape_cast %swap3A_498 : vector<1x16xf32> to vector<16xf32>
      %swap3A_500 = vector.shape_cast %add3A_495 : vector<16xf32> to vector<1x16xf32>
      tpu.vector_store %arg16[%swap3A_496, %swap3A_497], %swap3A_500 {strides = array<i32>} : memref<32x768xf32, #tpu.memory_space<vmem>>, vector<1x16xf32>,
      %get3A_501 = arith.index_cast %scan3A_60 : i32 to index
      %get3A_502 = arith.constant 432 : index
      %get3A_503 = tpu.vector_load %arg16[%get3A_501, %get3A_502] {strides = array<i32>} : memref<32x768xf32, #tpu.memory_space<vmem>>, vector<1x16xf32>,
      %get3A_504 = vector.shape_cast %get3A_503 : vector<1x16xf32> to vector<16xf32>
      %mul3A_505 = arith.mulf %get3A_504, %get3A_64 : vector<16xf32>
      %get3A_506 = arith.index_cast %scan3A_60 : i32 to index
      %get3A_507 = arith.constant 432 : index
      %get3A_508 = tpu.vector_load %arg17[%get3A_506, %get3A_507] {strides = array<i32>} : memref<32x768xf32, #tpu.memory_space<vmem>>, vector<1x16xf32>,
      %get3A_509 = vector.shape_cast %get3A_508 : vector<1x16xf32> to vector<16xf32>
      %mul3A_510 = arith.mulf %get3A_509, %get3A_69 : vector<16xf32>
      %add3A_511 = arith.addf %mul3A_505, %mul3A_510 : vector<16xf32>
      %swap3A_512 = arith.index_cast %scan3A_60 : i32 to index
      %swap3A_513 = arith.constant 432 : index
      %swap3A_514 = tpu.vector_load %arg16[%swap3A_512, %swap3A_513] {strides = array<i32>} : memref<32x768xf32, #tpu.memory_space<vmem>>, vector<1x16xf32>,
      %swap3A_515 = vector.shape_cast %swap3A_514 : vector<1x16xf32> to vector<16xf32>
      %swap3A_516 = vector.shape_cast %add3A_511 : vector<16xf32> to vector<1x16xf32>
      tpu.vector_store %arg16[%swap3A_512, %swap3A_513], %swap3A_516 {strides = array<i32>} : memref<32x768xf32, #tpu.memory_space<vmem>>, vector<1x16xf32>,
      %get3A_517 = arith.index_cast %scan3A_60 : i32 to index
      %get3A_518 = arith.constant 448 : index
      %get3A_519 = tpu.vector_load %arg16[%get3A_517, %get3A_518] {strides = array<i32>} : memref<32x768xf32, #tpu.memory_space<vmem>>, vector<1x16xf32>,
      %get3A_520 = vector.shape_cast %get3A_519 : vector<1x16xf32> to vector<16xf32>
      %mul3A_521 = arith.mulf %get3A_520, %get3A_64 : vector<16xf32>
      %get3A_522 = arith.index_cast %scan3A_60 : i32 to index
      %get3A_523 = arith.constant 448 : index
      %get3A_524 = tpu.vector_load %arg17[%get3A_522, %get3A_523] {strides = array<i32>} : memref<32x768xf32, #tpu.memory_space<vmem>>, vector<1x16xf32>,
      %get3A_525 = vector.shape_cast %get3A_524 : vector<1x16xf32> to vector<16xf32>
      %mul3A_526 = arith.mulf %get3A_525, %get3A_69 : vector<16xf32>
      %add3A_527 = arith.addf %mul3A_521, %mul3A_526 : vector<16xf32>
      %swap3A_528 = arith.index_cast %scan3A_60 : i32 to index
      %swap3A_529 = arith.constant 448 : index
      %swap3A_530 = tpu.vector_load %arg16[%swap3A_528, %swap3A_529] {strides = array<i32>} : memref<32x768xf32, #tpu.memory_space<vmem>>, vector<1x16xf32>,
      %swap3A_531 = vector.shape_cast %swap3A_530 : vector<1x16xf32> to vector<16xf32>
      %swap3A_532 = vector.shape_cast %add3A_527 : vector<16xf32> to vector<1x16xf32>
      tpu.vector_store %arg16[%swap3A_528, %swap3A_529], %swap3A_532 {strides = array<i32>} : memref<32x768xf32, #tpu.memory_space<vmem>>, vector<1x16xf32>,
      %get3A_533 = arith.index_cast %scan3A_60 : i32 to index
      %get3A_534 = arith.constant 464 : index
      %get3A_535 = tpu.vector_load %arg16[%get3A_533, %get3A_534] {strides = array<i32>} : memref<32x768xf32, #tpu.memory_space<vmem>>, vector<1x16xf32>,
      %get3A_536 = vector.shape_cast %get3A_535 : vector<1x16xf32> to vector<16xf32>
      %mul3A_537 = arith.mulf %get3A_536, %get3A_64 : vector<16xf32>
      %get3A_538 = arith.index_cast %scan3A_60 : i32 to index
      %get3A_539 = arith.constant 464 : index
      %get3A_540 = tpu.vector_load %arg17[%get3A_538, %get3A_539] {strides = array<i32>} : memref<32x768xf32, #tpu.memory_space<vmem>>, vector<1x16xf32>,
      %get3A_541 = vector.shape_cast %get3A_540 : vector<1x16xf32> to vector<16xf32>
      %mul3A_542 = arith.mulf %get3A_541, %get3A_69 : vector<16xf32>
      %add3A_543 = arith.addf %mul3A_537, %mul3A_542 : vector<16xf32>
      %swap3A_544 = arith.index_cast %scan3A_60 : i32 to index
      %swap3A_545 = arith.constant 464 : index
      %swap3A_546 = tpu.vector_load %arg16[%swap3A_544, %swap3A_545] {strides = array<i32>} : memref<32x768xf32, #tpu.memory_space<vmem>>, vector<1x16xf32>,
      %swap3A_547 = vector.shape_cast %swap3A_546 : vector<1x16xf32> to vector<16xf32>
      %swap3A_548 = vector.shape_cast %add3A_543 : vector<16xf32> to vector<1x16xf32>
      tpu.vector_store %arg16[%swap3A_544, %swap3A_545], %swap3A_548 {strides = array<i32>} : memref<32x768xf32, #tpu.memory_space<vmem>>, vector<1x16xf32>,
      %get3A_549 = arith.index_cast %scan3A_60 : i32 to index
      %get3A_550 = arith.constant 480 : index
      %get3A_551 = tpu.vector_load %arg16[%get3A_549, %get3A_550] {strides = array<i32>} : memref<32x768xf32, #tpu.memory_space<vmem>>, vector<1x16xf32>,
      %get3A_552 = vector.shape_cast %get3A_551 : vector<1x16xf32> to vector<16xf32>
      %mul3A_553 = arith.mulf %get3A_552, %get3A_64 : vector<16xf32>
      %get3A_554 = arith.index_cast %scan3A_60 : i32 to index
      %get3A_555 = arith.constant 480 : index
      %get3A_556 = tpu.vector_load %arg17[%get3A_554, %get3A_555] {strides = array<i32>} : memref<32x768xf32, #tpu.memory_space<vmem>>, vector<1x16xf32>,
      %get3A_557 = vector.shape_cast %get3A_556 : vector<1x16xf32> to vector<16xf32>
      %mul3A_558 = arith.mulf %get3A_557, %get3A_69 : vector<16xf32>
      %add3A_559 = arith.addf %mul3A_553, %mul3A_558 : vector<16xf32>
      %swap3A_560 = arith.index_cast %scan3A_60 : i32 to index
      %swap3A_561 = arith.constant 480 : index
      %swap3A_562 = tpu.vector_load %arg16[%swap3A_560, %swap3A_561] {strides = array<i32>} : memref<32x768xf32, #tpu.memory_space<vmem>>, vector<1x16xf32>,
      %swap3A_563 = vector.shape_cast %swap3A_562 : vector<1x16xf32> to vector<16xf32>
      %swap3A_564 = vector.shape_cast %add3A_559 : vector<16xf32> to vector<1x16xf32>
      tpu.vector_store %arg16[%swap3A_560, %swap3A_561], %swap3A_564 {strides = array<i32>} : memref<32x768xf32, #tpu.memory_space<vmem>>, vector<1x16xf32>,
      %get3A_565 = arith.index_cast %scan3A_60 : i32 to index
      %get3A_566 = arith.constant 496 : index
      %get3A_567 = tpu.vector_load %arg16[%get3A_565, %get3A_566] {strides = array<i32>} : memref<32x768xf32, #tpu.memory_space<vmem>>, vector<1x16xf32>,
      %get3A_568 = vector.shape_cast %get3A_567 : vector<1x16xf32> to vector<16xf32>
      %mul3A_569 = arith.mulf %get3A_568, %get3A_64 : vector<16xf32>
      %get3A_570 = arith.index_cast %scan3A_60 : i32 to index
      %get3A_571 = arith.constant 496 : index
      %get3A_572 = tpu.vector_load %arg17[%get3A_570, %get3A_571] {strides = array<i32>} : memref<32x768xf32, #tpu.memory_space<vmem>>, vector<1x16xf32>,
      %get3A_573 = vector.shape_cast %get3A_572 : vector<1x16xf32> to vector<16xf32>
      %mul3A_574 = arith.mulf %get3A_573, %get3A_69 : vector<16xf32>
      %add3A_575 = arith.addf %mul3A_569, %mul3A_574 : vector<16xf32>
      %swap3A_576 = arith.index_cast %scan3A_60 : i32 to index
      %swap3A_577 = arith.constant 496 : index
      %swap3A_578 = tpu.vector_load %arg16[%swap3A_576, %swap3A_577] {strides = array<i32>} : memref<32x768xf32, #tpu.memory_space<vmem>>, vector<1x16xf32>,
      %swap3A_579 = vector.shape_cast %swap3A_578 : vector<1x16xf32> to vector<16xf32>
      %swap3A_580 = vector.shape_cast %add3A_575 : vector<16xf32> to vector<1x16xf32>
      tpu.vector_store %arg16[%swap3A_576, %swap3A_577], %swap3A_580 {strides = array<i32>} : memref<32x768xf32, #tpu.memory_space<vmem>>, vector<1x16xf32>,
      %get3A_581 = arith.index_cast %scan3A_60 : i32 to index
      %get3A_582 = arith.constant 512 : index
      %get3A_583 = tpu.vector_load %arg16[%get3A_581, %get3A_582] {strides = array<i32>} : memref<32x768xf32, #tpu.memory_space<vmem>>, vector<1x16xf32>,
      %get3A_584 = vector.shape_cast %get3A_583 : vector<1x16xf32> to vector<16xf32>
      %mul3A_585 = arith.mulf %get3A_584, %get3A_64 : vector<16xf32>
      %get3A_586 = arith.index_cast %scan3A_60 : i32 to index
      %get3A_587 = arith.constant 512 : index
      %get3A_588 = tpu.vector_load %arg17[%get3A_586, %get3A_587] {strides = array<i32>} : memref<32x768xf32, #tpu.memory_space<vmem>>, vector<1x16xf32>,
      %get3A_589 = vector.shape_cast %get3A_588 : vector<1x16xf32> to vector<16xf32>
      %mul3A_590 = arith.mulf %get3A_589, %get3A_69 : vector<16xf32>
      %add3A_591 = arith.addf %mul3A_585, %mul3A_590 : vector<16xf32>
      %swap3A_592 = arith.index_cast %scan3A_60 : i32 to index
      %swap3A_593 = arith.constant 512 : index
      %swap3A_594 = tpu.vector_load %arg16[%swap3A_592, %swap3A_593] {strides = array<i32>} : memref<32x768xf32, #tpu.memory_space<vmem>>, vector<1x16xf32>,
      %swap3A_595 = vector.shape_cast %swap3A_594 : vector<1x16xf32> to vector<16xf32>
      %swap3A_596 = vector.shape_cast %add3A_591 : vector<16xf32> to vector<1x16xf32>
      tpu.vector_store %arg16[%swap3A_592, %swap3A_593], %swap3A_596 {strides = array<i32>} : memref<32x768xf32, #tpu.memory_space<vmem>>, vector<1x16xf32>,
      %get3A_597 = arith.index_cast %scan3A_60 : i32 to index
      %get3A_598 = arith.constant 528 : index
      %get3A_599 = tpu.vector_load %arg16[%get3A_597, %get3A_598] {strides = array<i32>} : memref<32x768xf32, #tpu.memory_space<vmem>>, vector<1x16xf32>,
      %get3A_600 = vector.shape_cast %get3A_599 : vector<1x16xf32> to vector<16xf32>
      %mul3A_601 = arith.mulf %get3A_600, %get3A_64 : vector<16xf32>
      %get3A_602 = arith.index_cast %scan3A_60 : i32 to index
      %get3A_603 = arith.constant 528 : index
      %get3A_604 = tpu.vector_load %arg17[%get3A_602, %get3A_603] {strides = array<i32>} : memref<32x768xf32, #tpu.memory_space<vmem>>, vector<1x16xf32>,
      %get3A_605 = vector.shape_cast %get3A_604 : vector<1x16xf32> to vector<16xf32>
      %mul3A_606 = arith.mulf %get3A_605, %get3A_69 : vector<16xf32>
      %add3A_607 = arith.addf %mul3A_601, %mul3A_606 : vector<16xf32>
      %swap3A_608 = arith.index_cast %scan3A_60 : i32 to index
      %swap3A_609 = arith.constant 528 : index
      %swap3A_610 = tpu.vector_load %arg16[%swap3A_608, %swap3A_609] {strides = array<i32>} : memref<32x768xf32, #tpu.memory_space<vmem>>, vector<1x16xf32>,
      %swap3A_611 = vector.shape_cast %swap3A_610 : vector<1x16xf32> to vector<16xf32>
      %swap3A_612 = vector.shape_cast %add3A_607 : vector<16xf32> to vector<1x16xf32>
      tpu.vector_store %arg16[%swap3A_608, %swap3A_609], %swap3A_612 {strides = array<i32>} : memref<32x768xf32, #tpu.memory_space<vmem>>, vector<1x16xf32>,
      %get3A_613 = arith.index_cast %scan3A_60 : i32 to index
      %get3A_614 = arith.constant 544 : index
      %get3A_615 = tpu.vector_load %arg16[%get3A_613, %get3A_614] {strides = array<i32>} : memref<32x768xf32, #tpu.memory_space<vmem>>, vector<1x16xf32>,
      %get3A_616 = vector.shape_cast %get3A_615 : vector<1x16xf32> to vector<16xf32>
      %mul3A_617 = arith.mulf %get3A_616, %get3A_64 : vector<16xf32>
      %get3A_618 = arith.index_cast %scan3A_60 : i32 to index
      %get3A_619 = arith.constant 544 : index
      %get3A_620 = tpu.vector_load %arg17[%get3A_618, %get3A_619] {strides = array<i32>} : memref<32x768xf32, #tpu.memory_space<vmem>>, vector<1x16xf32>,
      %get3A_621 = vector.shape_cast %get3A_620 : vector<1x16xf32> to vector<16xf32>
      %mul3A_622 = arith.mulf %get3A_621, %get3A_69 : vector<16xf32>
      %add3A_623 = arith.addf %mul3A_617, %mul3A_622 : vector<16xf32>
      %swap3A_624 = arith.index_cast %scan3A_60 : i32 to index
      %swap3A_625 = arith.constant 544 : index
      %swap3A_626 = tpu.vector_load %arg16[%swap3A_624, %swap3A_625] {strides = array<i32>} : memref<32x768xf32, #tpu.memory_space<vmem>>, vector<1x16xf32>,
      %swap3A_627 = vector.shape_cast %swap3A_626 : vector<1x16xf32> to vector<16xf32>
      %swap3A_628 = vector.shape_cast %add3A_623 : vector<16xf32> to vector<1x16xf32>
      tpu.vector_store %arg16[%swap3A_624, %swap3A_625], %swap3A_628 {strides = array<i32>} : memref<32x768xf32, #tpu.memory_space<vmem>>, vector<1x16xf32>,
      %get3A_629 = arith.index_cast %scan3A_60 : i32 to index
      %get3A_630 = arith.constant 560 : index
      %get3A_631 = tpu.vector_load %arg16[%get3A_629, %get3A_630] {strides = array<i32>} : memref<32x768xf32, #tpu.memory_space<vmem>>, vector<1x16xf32>,
      %get3A_632 = vector.shape_cast %get3A_631 : vector<1x16xf32> to vector<16xf32>
      %mul3A_633 = arith.mulf %get3A_632, %get3A_64 : vector<16xf32>
      %get3A_634 = arith.index_cast %scan3A_60 : i32 to index
      %get3A_635 = arith.constant 560 : index
      %get3A_636 = tpu.vector_load %arg17[%get3A_634, %get3A_635] {strides = array<i32>} : memref<32x768xf32, #tpu.memory_space<vmem>>, vector<1x16xf32>,
      %get3A_637 = vector.shape_cast %get3A_636 : vector<1x16xf32> to vector<16xf32>
      %mul3A_638 = arith.mulf %get3A_637, %get3A_69 : vector<16xf32>
      %add3A_639 = arith.addf %mul3A_633, %mul3A_638 : vector<16xf32>
      %swap3A_640 = arith.index_cast %scan3A_60 : i32 to index
      %swap3A_641 = arith.constant 560 : index
      %swap3A_642 = tpu.vector_load %arg16[%swap3A_640, %swap3A_641] {strides = array<i32>} : memref<32x768xf32, #tpu.memory_space<vmem>>, vector<1x16xf32>,
      %swap3A_643 = vector.shape_cast %swap3A_642 : vector<1x16xf32> to vector<16xf32>
      %swap3A_644 = vector.shape_cast %add3A_639 : vector<16xf32> to vector<1x16xf32>
      tpu.vector_store %arg16[%swap3A_640, %swap3A_641], %swap3A_644 {strides = array<i32>} : memref<32x768xf32, #tpu.memory_space<vmem>>, vector<1x16xf32>,
      %get3A_645 = arith.index_cast %scan3A_60 : i32 to index
      %get3A_646 = arith.constant 576 : index
      %get3A_647 = tpu.vector_load %arg16[%get3A_645, %get3A_646] {strides = array<i32>} : memref<32x768xf32, #tpu.memory_space<vmem>>, vector<1x16xf32>,
      %get3A_648 = vector.shape_cast %get3A_647 : vector<1x16xf32> to vector<16xf32>
      %mul3A_649 = arith.mulf %get3A_648, %get3A_64 : vector<16xf32>
      %get3A_650 = arith.index_cast %scan3A_60 : i32 to index
      %get3A_651 = arith.constant 576 : index
      %get3A_652 = tpu.vector_load %arg17[%get3A_650, %get3A_651] {strides = array<i32>} : memref<32x768xf32, #tpu.memory_space<vmem>>, vector<1x16xf32>,
      %get3A_653 = vector.shape_cast %get3A_652 : vector<1x16xf32> to vector<16xf32>
      %mul3A_654 = arith.mulf %get3A_653, %get3A_69 : vector<16xf32>
      %add3A_655 = arith.addf %mul3A_649, %mul3A_654 : vector<16xf32>
      %swap3A_656 = arith.index_cast %scan3A_60 : i32 to index
      %swap3A_657 = arith.constant 576 : index
      %swap3A_658 = tpu.vector_load %arg16[%swap3A_656, %swap3A_657] {strides = array<i32>} : memref<32x768xf32, #tpu.memory_space<vmem>>, vector<1x16xf32>,
      %swap3A_659 = vector.shape_cast %swap3A_658 : vector<1x16xf32> to vector<16xf32>
      %swap3A_660 = vector.shape_cast %add3A_655 : vector<16xf32> to vector<1x16xf32>
      tpu.vector_store %arg16[%swap3A_656, %swap3A_657], %swap3A_660 {strides = array<i32>} : memref<32x768xf32, #tpu.memory_space<vmem>>, vector<1x16xf32>,
      %get3A_661 = arith.index_cast %scan3A_60 : i32 to index
      %get3A_662 = arith.constant 592 : index
      %get3A_663 = tpu.vector_load %arg16[%get3A_661, %get3A_662] {strides = array<i32>} : memref<32x768xf32, #tpu.memory_space<vmem>>, vector<1x16xf32>,
      %get3A_664 = vector.shape_cast %get3A_663 : vector<1x16xf32> to vector<16xf32>
      %mul3A_665 = arith.mulf %get3A_664, %get3A_64 : vector<16xf32>
      %get3A_666 = arith.index_cast %scan3A_60 : i32 to index
      %get3A_667 = arith.constant 592 : index
      %get3A_668 = tpu.vector_load %arg17[%get3A_666, %get3A_667] {strides = array<i32>} : memref<32x768xf32, #tpu.memory_space<vmem>>, vector<1x16xf32>,
      %get3A_669 = vector.shape_cast %get3A_668 : vector<1x16xf32> to vector<16xf32>
      %mul3A_670 = arith.mulf %get3A_669, %get3A_69 : vector<16xf32>
      %add3A_671 = arith.addf %mul3A_665, %mul3A_670 : vector<16xf32>
      %swap3A_672 = arith.index_cast %scan3A_60 : i32 to index
      %swap3A_673 = arith.constant 592 : index
      %swap3A_674 = tpu.vector_load %arg16[%swap3A_672, %swap3A_673] {strides = array<i32>} : memref<32x768xf32, #tpu.memory_space<vmem>>, vector<1x16xf32>,
      %swap3A_675 = vector.shape_cast %swap3A_674 : vector<1x16xf32> to vector<16xf32>
      %swap3A_676 = vector.shape_cast %add3A_671 : vector<16xf32> to vector<1x16xf32>
      tpu.vector_store %arg16[%swap3A_672, %swap3A_673], %swap3A_676 {strides = array<i32>} : memref<32x768xf32, #tpu.memory_space<vmem>>, vector<1x16xf32>,
      %get3A_677 = arith.index_cast %scan3A_60 : i32 to index
      %get3A_678 = arith.constant 608 : index
      %get3A_679 = tpu.vector_load %arg16[%get3A_677, %get3A_678] {strides = array<i32>} : memref<32x768xf32, #tpu.memory_space<vmem>>, vector<1x16xf32>,
      %get3A_680 = vector.shape_cast %get3A_679 : vector<1x16xf32> to vector<16xf32>
      %mul3A_681 = arith.mulf %get3A_680, %get3A_64 : vector<16xf32>
      %get3A_682 = arith.index_cast %scan3A_60 : i32 to index
      %get3A_683 = arith.constant 608 : index
      %get3A_684 = tpu.vector_load %arg17[%get3A_682, %get3A_683] {strides = array<i32>} : memref<32x768xf32, #tpu.memory_space<vmem>>, vector<1x16xf32>,
      %get3A_685 = vector.shape_cast %get3A_684 : vector<1x16xf32> to vector<16xf32>
      %mul3A_686 = arith.mulf %get3A_685, %get3A_69 : vector<16xf32>
      %add3A_687 = arith.addf %mul3A_681, %mul3A_686 : vector<16xf32>
      %swap3A_688 = arith.index_cast %scan3A_60 : i32 to index
      %swap3A_689 = arith.constant 608 : index
      %swap3A_690 = tpu.vector_load %arg16[%swap3A_688, %swap3A_689] {strides = array<i32>} : memref<32x768xf32, #tpu.memory_space<vmem>>, vector<1x16xf32>,
      %swap3A_691 = vector.shape_cast %swap3A_690 : vector<1x16xf32> to vector<16xf32>
      %swap3A_692 = vector.shape_cast %add3A_687 : vector<16xf32> to vector<1x16xf32>
      tpu.vector_store %arg16[%swap3A_688, %swap3A_689], %swap3A_692 {strides = array<i32>} : memref<32x768xf32, #tpu.memory_space<vmem>>, vector<1x16xf32>,
      %get3A_693 = arith.index_cast %scan3A_60 : i32 to index
      %get3A_694 = arith.constant 624 : index
      %get3A_695 = tpu.vector_load %arg16[%get3A_693, %get3A_694] {strides = array<i32>} : memref<32x768xf32, #tpu.memory_space<vmem>>, vector<1x16xf32>,
      %get3A_696 = vector.shape_cast %get3A_695 : vector<1x16xf32> to vector<16xf32>
      %mul3A_697 = arith.mulf %get3A_696, %get3A_64 : vector<16xf32>
      %get3A_698 = arith.index_cast %scan3A_60 : i32 to index
      %get3A_699 = arith.constant 624 : index
      %get3A_700 = tpu.vector_load %arg17[%get3A_698, %get3A_699] {strides = array<i32>} : memref<32x768xf32, #tpu.memory_space<vmem>>, vector<1x16xf32>,
      %get3A_701 = vector.shape_cast %get3A_700 : vector<1x16xf32> to vector<16xf32>
      %mul3A_702 = arith.mulf %get3A_701, %get3A_69 : vector<16xf32>
      %add3A_703 = arith.addf %mul3A_697, %mul3A_702 : vector<16xf32>
      %swap3A_704 = arith.index_cast %scan3A_60 : i32 to index
      %swap3A_705 = arith.constant 624 : index
      %swap3A_706 = tpu.vector_load %arg16[%swap3A_704, %swap3A_705] {strides = array<i32>} : memref<32x768xf32, #tpu.memory_space<vmem>>, vector<1x16xf32>,
      %swap3A_707 = vector.shape_cast %swap3A_706 : vector<1x16xf32> to vector<16xf32>
      %swap3A_708 = vector.shape_cast %add3A_703 : vector<16xf32> to vector<1x16xf32>
      tpu.vector_store %arg16[%swap3A_704, %swap3A_705], %swap3A_708 {strides = array<i32>} : memref<32x768xf32, #tpu.memory_space<vmem>>, vector<1x16xf32>,
      %get3A_709 = arith.index_cast %scan3A_60 : i32 to index
      %get3A_710 = arith.constant 640 : index
      %get3A_711 = tpu.vector_load %arg16[%get3A_709, %get3A_710] {strides = array<i32>} : memref<32x768xf32, #tpu.memory_space<vmem>>, vector<1x16xf32>,
      %get3A_712 = vector.shape_cast %get3A_711 : vector<1x16xf32> to vector<16xf32>
      %mul3A_713 = arith.mulf %get3A_712, %get3A_64 : vector<16xf32>
      %get3A_714 = arith.index_cast %scan3A_60 : i32 to index
      %get3A_715 = arith.constant 640 : index
      %get3A_716 = tpu.vector_load %arg17[%get3A_714, %get3A_715] {strides = array<i32>} : memref<32x768xf32, #tpu.memory_space<vmem>>, vector<1x16xf32>,
      %get3A_717 = vector.shape_cast %get3A_716 : vector<1x16xf32> to vector<16xf32>
      %mul3A_718 = arith.mulf %get3A_717, %get3A_69 : vector<16xf32>
      %add3A_719 = arith.addf %mul3A_713, %mul3A_718 : vector<16xf32>
      %swap3A_720 = arith.index_cast %scan3A_60 : i32 to index
      %swap3A_721 = arith.constant 640 : index
      %swap3A_722 = tpu.vector_load %arg16[%swap3A_720, %swap3A_721] {strides = array<i32>} : memref<32x768xf32, #tpu.memory_space<vmem>>, vector<1x16xf32>,
      %swap3A_723 = vector.shape_cast %swap3A_722 : vector<1x16xf32> to vector<16xf32>
      %swap3A_724 = vector.shape_cast %add3A_719 : vector<16xf32> to vector<1x16xf32>
      tpu.vector_store %arg16[%swap3A_720, %swap3A_721], %swap3A_724 {strides = array<i32>} : memref<32x768xf32, #tpu.memory_space<vmem>>, vector<1x16xf32>,
      %get3A_725 = arith.index_cast %scan3A_60 : i32 to index
      %get3A_726 = arith.constant 656 : index
      %get3A_727 = tpu.vector_load %arg16[%get3A_725, %get3A_726] {strides = array<i32>} : memref<32x768xf32, #tpu.memory_space<vmem>>, vector<1x16xf32>,
      %get3A_728 = vector.shape_cast %get3A_727 : vector<1x16xf32> to vector<16xf32>
      %mul3A_729 = arith.mulf %get3A_728, %get3A_64 : vector<16xf32>
      %get3A_730 = arith.index_cast %scan3A_60 : i32 to index
      %get3A_731 = arith.constant 656 : index
      %get3A_732 = tpu.vector_load %arg17[%get3A_730, %get3A_731] {strides = array<i32>} : memref<32x768xf32, #tpu.memory_space<vmem>>, vector<1x16xf32>,
      %get3A_733 = vector.shape_cast %get3A_732 : vector<1x16xf32> to vector<16xf32>
      %mul3A_734 = arith.mulf %get3A_733, %get3A_69 : vector<16xf32>
      %add3A_735 = arith.addf %mul3A_729, %mul3A_734 : vector<16xf32>
      %swap3A_736 = arith.index_cast %scan3A_60 : i32 to index
      %swap3A_737 = arith.constant 656 : index
      %swap3A_738 = tpu.vector_load %arg16[%swap3A_736, %swap3A_737] {strides = array<i32>} : memref<32x768xf32, #tpu.memory_space<vmem>>, vector<1x16xf32>,
      %swap3A_739 = vector.shape_cast %swap3A_738 : vector<1x16xf32> to vector<16xf32>
      %swap3A_740 = vector.shape_cast %add3A_735 : vector<16xf32> to vector<1x16xf32>
      tpu.vector_store %arg16[%swap3A_736, %swap3A_737], %swap3A_740 {strides = array<i32>} : memref<32x768xf32, #tpu.memory_space<vmem>>, vector<1x16xf32>,
      %get3A_741 = arith.index_cast %scan3A_60 : i32 to index
      %get3A_742 = arith.constant 672 : index
      %get3A_743 = tpu.vector_load %arg16[%get3A_741, %get3A_742] {strides = array<i32>} : memref<32x768xf32, #tpu.memory_space<vmem>>, vector<1x16xf32>,
      %get3A_744 = vector.shape_cast %get3A_743 : vector<1x16xf32> to vector<16xf32>
      %mul3A_745 = arith.mulf %get3A_744, %get3A_64 : vector<16xf32>
      %get3A_746 = arith.index_cast %scan3A_60 : i32 to index
      %get3A_747 = arith.constant 672 : index
      %get3A_748 = tpu.vector_load %arg17[%get3A_746, %get3A_747] {strides = array<i32>} : memref<32x768xf32, #tpu.memory_space<vmem>>, vector<1x16xf32>,
      %get3A_749 = vector.shape_cast %get3A_748 : vector<1x16xf32> to vector<16xf32>
      %mul3A_750 = arith.mulf %get3A_749, %get3A_69 : vector<16xf32>
      %add3A_751 = arith.addf %mul3A_745, %mul3A_750 : vector<16xf32>
      %swap3A_752 = arith.index_cast %scan3A_60 : i32 to index
      %swap3A_753 = arith.constant 672 : index
      %swap3A_754 = tpu.vector_load %arg16[%swap3A_752, %swap3A_753] {strides = array<i32>} : memref<32x768xf32, #tpu.memory_space<vmem>>, vector<1x16xf32>,
      %swap3A_755 = vector.shape_cast %swap3A_754 : vector<1x16xf32> to vector<16xf32>
      %swap3A_756 = vector.shape_cast %add3A_751 : vector<16xf32> to vector<1x16xf32>
      tpu.vector_store %arg16[%swap3A_752, %swap3A_753], %swap3A_756 {strides = array<i32>} : memref<32x768xf32, #tpu.memory_space<vmem>>, vector<1x16xf32>,
      %get3A_757 = arith.index_cast %scan3A_60 : i32 to index
      %get3A_758 = arith.constant 688 : index
      %get3A_759 = tpu.vector_load %arg16[%get3A_757, %get3A_758] {strides = array<i32>} : memref<32x768xf32, #tpu.memory_space<vmem>>, vector<1x16xf32>,
      %get3A_760 = vector.shape_cast %get3A_759 : vector<1x16xf32> to vector<16xf32>
      %mul3A_761 = arith.mulf %get3A_760, %get3A_64 : vector<16xf32>
      %get3A_762 = arith.index_cast %scan3A_60 : i32 to index
      %get3A_763 = arith.constant 688 : index
      %get3A_764 = tpu.vector_load %arg17[%get3A_762, %get3A_763] {strides = array<i32>} : memref<32x768xf32, #tpu.memory_space<vmem>>, vector<1x16xf32>,
      %get3A_765 = vector.shape_cast %get3A_764 : vector<1x16xf32> to vector<16xf32>
      %mul3A_766 = arith.mulf %get3A_765, %get3A_69 : vector<16xf32>
      %add3A_767 = arith.addf %mul3A_761, %mul3A_766 : vector<16xf32>
      %swap3A_768 = arith.index_cast %scan3A_60 : i32 to index
      %swap3A_769 = arith.constant 688 : index
      %swap3A_770 = tpu.vector_load %arg16[%swap3A_768, %swap3A_769] {strides = array<i32>} : memref<32x768xf32, #tpu.memory_space<vmem>>, vector<1x16xf32>,
      %swap3A_771 = vector.shape_cast %swap3A_770 : vector<1x16xf32> to vector<16xf32>
      %swap3A_772 = vector.shape_cast %add3A_767 : vector<16xf32> to vector<1x16xf32>
      tpu.vector_store %arg16[%swap3A_768, %swap3A_769], %swap3A_772 {strides = array<i32>} : memref<32x768xf32, #tpu.memory_space<vmem>>, vector<1x16xf32>,
      %get3A_773 = arith.index_cast %scan3A_60 : i32 to index
      %get3A_774 = arith.constant 704 : index
      %get3A_775 = tpu.vector_load %arg16[%get3A_773, %get3A_774] {strides = array<i32>} : memref<32x768xf32, #tpu.memory_space<vmem>>, vector<1x16xf32>,
      %get3A_776 = vector.shape_cast %get3A_775 : vector<1x16xf32> to vector<16xf32>
      %mul3A_777 = arith.mulf %get3A_776, %get3A_64 : vector<16xf32>
      %get3A_778 = arith.index_cast %scan3A_60 : i32 to index
      %get3A_779 = arith.constant 704 : index
      %get3A_780 = tpu.vector_load %arg17[%get3A_778, %get3A_779] {strides = array<i32>} : memref<32x768xf32, #tpu.memory_space<vmem>>, vector<1x16xf32>,
      %get3A_781 = vector.shape_cast %get3A_780 : vector<1x16xf32> to vector<16xf32>
      %mul3A_782 = arith.mulf %get3A_781, %get3A_69 : vector<16xf32>
      %add3A_783 = arith.addf %mul3A_777, %mul3A_782 : vector<16xf32>
      %swap3A_784 = arith.index_cast %scan3A_60 : i32 to index
      %swap3A_785 = arith.constant 704 : index
      %swap3A_786 = tpu.vector_load %arg16[%swap3A_784, %swap3A_785] {strides = array<i32>} : memref<32x768xf32, #tpu.memory_space<vmem>>, vector<1x16xf32>,
      %swap3A_787 = vector.shape_cast %swap3A_786 : vector<1x16xf32> to vector<16xf32>
      %swap3A_788 = vector.shape_cast %add3A_783 : vector<16xf32> to vector<1x16xf32>
      tpu.vector_store %arg16[%swap3A_784, %swap3A_785], %swap3A_788 {strides = array<i32>} : memref<32x768xf32, #tpu.memory_space<vmem>>, vector<1x16xf32>,
      %get3A_789 = arith.index_cast %scan3A_60 : i32 to index
      %get3A_790 = arith.constant 720 : index
      %get3A_791 = tpu.vector_load %arg16[%get3A_789, %get3A_790] {strides = array<i32>} : memref<32x768xf32, #tpu.memory_space<vmem>>, vector<1x16xf32>,
      %get3A_792 = vector.shape_cast %get3A_791 : vector<1x16xf32> to vector<16xf32>
      %mul3A_793 = arith.mulf %get3A_792, %get3A_64 : vector<16xf32>
      %get3A_794 = arith.index_cast %scan3A_60 : i32 to index
      %get3A_795 = arith.constant 720 : index
      %get3A_796 = tpu.vector_load %arg17[%get3A_794, %get3A_795] {strides = array<i32>} : memref<32x768xf32, #tpu.memory_space<vmem>>, vector<1x16xf32>,
      %get3A_797 = vector.shape_cast %get3A_796 : vector<1x16xf32> to vector<16xf32>
      %mul3A_798 = arith.mulf %get3A_797, %get3A_69 : vector<16xf32>
      %add3A_799 = arith.addf %mul3A_793, %mul3A_798 : vector<16xf32>
      %swap3A_800 = arith.index_cast %scan3A_60 : i32 to index
      %swap3A_801 = arith.constant 720 : index
      %swap3A_802 = tpu.vector_load %arg16[%swap3A_800, %swap3A_801] {strides = array<i32>} : memref<32x768xf32, #tpu.memory_space<vmem>>, vector<1x16xf32>,
      %swap3A_803 = vector.shape_cast %swap3A_802 : vector<1x16xf32> to vector<16xf32>
      %swap3A_804 = vector.shape_cast %add3A_799 : vector<16xf32> to vector<1x16xf32>
      tpu.vector_store %arg16[%swap3A_800, %swap3A_801], %swap3A_804 {strides = array<i32>} : memref<32x768xf32, #tpu.memory_space<vmem>>, vector<1x16xf32>,
      %get3A_805 = arith.index_cast %scan3A_60 : i32 to index
      %get3A_806 = arith.constant 736 : index
      %get3A_807 = tpu.vector_load %arg16[%get3A_805, %get3A_806] {strides = array<i32>} : memref<32x768xf32, #tpu.memory_space<vmem>>, vector<1x16xf32>,
      %get3A_808 = vector.shape_cast %get3A_807 : vector<1x16xf32> to vector<16xf32>
      %mul3A_809 = arith.mulf %get3A_808, %get3A_64 : vector<16xf32>
      %get3A_810 = arith.index_cast %scan3A_60 : i32 to index
      %get3A_811 = arith.constant 736 : index
      %get3A_812 = tpu.vector_load %arg17[%get3A_810, %get3A_811] {strides = array<i32>} : memref<32x768xf32, #tpu.memory_space<vmem>>, vector<1x16xf32>,
      %get3A_813 = vector.shape_cast %get3A_812 : vector<1x16xf32> to vector<16xf32>
      %mul3A_814 = arith.mulf %get3A_813, %get3A_69 : vector<16xf32>
      %add3A_815 = arith.addf %mul3A_809, %mul3A_814 : vector<16xf32>
      %swap3A_816 = arith.index_cast %scan3A_60 : i32 to index
      %swap3A_817 = arith.constant 736 : index
      %swap3A_818 = tpu.vector_load %arg16[%swap3A_816, %swap3A_817] {strides = array<i32>} : memref<32x768xf32, #tpu.memory_space<vmem>>, vector<1x16xf32>,
      %swap3A_819 = vector.shape_cast %swap3A_818 : vector<1x16xf32> to vector<16xf32>
      %swap3A_820 = vector.shape_cast %add3A_815 : vector<16xf32> to vector<1x16xf32>
      tpu.vector_store %arg16[%swap3A_816, %swap3A_817], %swap3A_820 {strides = array<i32>} : memref<32x768xf32, #tpu.memory_space<vmem>>, vector<1x16xf32>,
      %get3A_821 = arith.index_cast %scan3A_60 : i32 to index
      %get3A_822 = arith.constant 752 : index
      %get3A_823 = tpu.vector_load %arg16[%get3A_821, %get3A_822] {strides = array<i32>} : memref<32x768xf32, #tpu.memory_space<vmem>>, vector<1x16xf32>,
      %get3A_824 = vector.shape_cast %get3A_823 : vector<1x16xf32> to vector<16xf32>
      %mul3A_825 = arith.mulf %get3A_824, %get3A_64 : vector<16xf32>
      %get3A_826 = arith.index_cast %scan3A_60 : i32 to index
      %get3A_827 = arith.constant 752 : index
      %get3A_828 = tpu.vector_load %arg17[%get3A_826, %get3A_827] {strides = array<i32>} : memref<32x768xf32, #tpu.memory_space<vmem>>, vector<1x16xf32>,
      %get3A_829 = vector.shape_cast %get3A_828 : vector<1x16xf32> to vector<16xf32>
      %mul3A_830 = arith.mulf %get3A_829, %get3A_69 : vector<16xf32>
      %add3A_831 = arith.addf %mul3A_825, %mul3A_830 : vector<16xf32>
      %swap3A_832 = arith.index_cast %scan3A_60 : i32 to index
      %swap3A_833 = arith.constant 752 : index
      %swap3A_834 = tpu.vector_load %arg16[%swap3A_832, %swap3A_833] {strides = array<i32>} : memref<32x768xf32, #tpu.memory_space<vmem>>, vector<1x16xf32>,
      %swap3A_835 = vector.shape_cast %swap3A_834 : vector<1x16xf32> to vector<16xf32>
      %swap3A_836 = vector.shape_cast %add3A_831 : vector<16xf32> to vector<1x16xf32>
      tpu.vector_store %arg16[%swap3A_832, %swap3A_833], %swap3A_836 {strides = array<i32>} : memref<32x768xf32, #tpu.memory_space<vmem>>, vector<1x16xf32>,
    }
    %scan3A_59 = arith.constant 32 : i32
    "tpu.region"() ({
      %run_scoped3A = tpu.sem_alloc : memref<!tpu.dma_semaphore, #tpu.memory_space<semaphore_mem>>
      %dma_start3A_60 = arith.constant 0 : i32
      %dma_start3A_61 = tpu.memref_slice %arg5[%add3A_47, %dma_start3A_60] : memref<2048x768xf32, #tpu.memory_space<hbm>> -> memref<32x768xf32, #tpu.memory_space<hbm>>
      %dma_start3A_62 = arith.constant 0 : i32
      %dma_start3A_63 = tpu.memref_slice %arg5[%add3A_47, %dma_start3A_62] : memref<2048x768xf32, #tpu.memory_space<hbm>> -> memref<32x768xf32, #tpu.memory_space<hbm>>
      tpu.enqueue_dma source(%arg16 : memref<32x768xf32, #tpu.memory_space<vmem>>) target(%dma_start3A_63 : memref<32x768xf32, #tpu.memory_space<hbm>>) target_semaphore(%run_scoped3A : memref<!tpu.dma_semaphore, #tpu.memory_space<semaphore_mem>>)
      %dma_wait3A_64 = arith.constant 0 : i32
      %dma_wait3A_65 = tpu.memref_slice %arg5[%add3A_47, %dma_wait3A_64] : memref<2048x768xf32, #tpu.memory_space<hbm>> -> memref<32x768xf32, #tpu.memory_space<hbm>>
      %dma_wait3A_66 = arith.constant 0 : i32
      %dma_wait3A_67 = tpu.memref_slice %arg5[%add3A_47, %dma_wait3A_66] : memref<2048x768xf32, #tpu.memory_space<hbm>> -> memref<32x768xf32, #tpu.memory_space<hbm>>
      tpu.wait_dma2 semaphore(%run_scoped3A : memref<!tpu.dma_semaphore, #tpu.memory_space<semaphore_mem>>) src(%arg16 : memref<32x768xf32, #tpu.memory_space<vmem>>) dst(%dma_wait3A_67 : memref<32x768xf32, #tpu.memory_space<hbm>>)
      tpu.yield
    }) : () -> ()
    return
  }
}

module attributes {stable_mosaic.version = 14 : i64} {
  func.func @_ffn_body(%arg0: i32, %arg1: memref<128xi32, #tpu.memory_space<smem>>, %arg2: memref<1xi32, #tpu.memory_space<smem>>, %arg3: memref<128x768xf32, #tpu.memory_space<vmem>>, %arg4: memref<1x1024x768xf32, #tpu.memory_space<vmem>>, %arg5: memref<1x1024x768xf32, #tpu.memory_space<vmem>>, %arg6: memref<1x768x1024xf32, #tpu.memory_space<vmem>>, %arg7: memref<128x768xf32, #tpu.memory_space<vmem>>) attributes {dimension_semantics = [#tpu.dimension_semantics<arbitrary>], iteration_bounds = array<i64: 96>, scalar_prefetch = 2 : i64, scratch_operands = 0 : i64, tpu.core_type = #tpu.core_type<tc>, window_params = [{transform_indices = @transform_0, window_bounds = array<i64: 128, 768>}, {transform_indices = @transform_1, window_bounds = array<i64: 1, 1024, 768>}, {transform_indices = @transform_2, window_bounds = array<i64: 1, 1024, 768>}, {transform_indices = @transform_3, window_bounds = array<i64: 1, 768, 1024>}, {transform_indices = @transform_4, window_bounds = array<i64: 128, 768>}]} {
    %get3A = arith.constant 0 : index
    %get3A_0 = memref.load %arg2[%get3A] : memref<1xi32, #tpu.memory_space<smem>>
    %lt3A = arith.cmpi slt, %arg0, %get3A_0 : i32
    %convert_element_type3A = arith.extui %lt3A : i1 to i32
    %cond3A = arith.constant 0 : i32
    %cond3A_1 = arith.cmpi ne, %convert_element_type3A, %cond3A : i32
    scf.if %cond3A_1 {
      %get3A_2 = arith.constant 0 : index
      %get3A_3 = arith.constant 0 : index
      %get3A_4 = vector.load %arg3[%get3A_2, %get3A_3] : memref<128x768xf32, #tpu.memory_space<vmem>>, vector<128x768xf32>
      %convert_element_type3A_5 = arith.truncf %get3A_4 : vector<128x768xf32> to vector<128x768xbf16>
      %get3A_6 = arith.constant 0 : index
      %get3A_7 = arith.constant 0 : index
      %get3A_8 = arith.constant 0 : index
      %get3A_9 = vector.load %arg4[%get3A_6, %get3A_7, %get3A_8] : memref<1x1024x768xf32, #tpu.memory_space<vmem>>, vector<1x1024x768xf32>
      %get3A_10 = vector.shape_cast %get3A_9 : vector<1x1024x768xf32> to vector<1024x768xf32>
      %convert_element_type3A_11 = arith.truncf %get3A_10 : vector<1024x768xf32> to vector<1024x768xbf16>
      %dot_general3A = arith.constant dense<0.000000e+00> : vector<128x1024xf32>
      %dot_general3A_12 = tpu.matmul %convert_element_type3A_5, %convert_element_type3A_11, %dot_general3A {dimension_numbers = #tpu.dot_dimension_numbers<[1], [1], [0], [0], [0, 0, 1, 0], [], []>, transpose_lhs_hint = false} : vector<128x768xbf16>, vector<1024x768xbf16>, vector<128x1024xf32> -> vector<128x1024xf32>
      %logistic3A = arith.negf %dot_general3A_12 : vector<128x1024xf32>
      %logistic3A_13 = math.exp %logistic3A : vector<128x1024xf32>
      %logistic3A_14 = arith.constant 1.000000e+00 : f32
      %logistic3A_15 = vector.broadcast %logistic3A_14 : f32 to vector<128x1024xf32>
      %logistic3A_16 = arith.addf %logistic3A_15, %logistic3A_13 : vector<128x1024xf32>
      %logistic3A_17 = arith.divf %logistic3A_15, %logistic3A_16 : vector<128x1024xf32>
      %mul3A = arith.mulf %dot_general3A_12, %logistic3A_17 : vector<128x1024xf32>
      %get3A_18 = arith.constant 0 : index
      %get3A_19 = arith.constant 0 : index
      %get3A_20 = arith.constant 0 : index
      %get3A_21 = vector.load %arg5[%get3A_18, %get3A_19, %get3A_20] : memref<1x1024x768xf32, #tpu.memory_space<vmem>>, vector<1x1024x768xf32>
      %get3A_22 = vector.shape_cast %get3A_21 : vector<1x1024x768xf32> to vector<1024x768xf32>
      %convert_element_type3A_23 = arith.truncf %get3A_22 : vector<1024x768xf32> to vector<1024x768xbf16>
      %dot_general3A_24 = arith.constant dense<0.000000e+00> : vector<128x1024xf32>
      %dot_general3A_25 = tpu.matmul %convert_element_type3A_5, %convert_element_type3A_23, %dot_general3A_24 {dimension_numbers = #tpu.dot_dimension_numbers<[1], [1], [0], [0], [0, 0, 1, 0], [], []>, transpose_lhs_hint = false} : vector<128x768xbf16>, vector<1024x768xbf16>, vector<128x1024xf32> -> vector<128x1024xf32>
      %mul3A_26 = arith.mulf %mul3A, %dot_general3A_25 : vector<128x1024xf32>
      %convert_element_type3A_27 = arith.truncf %mul3A_26 : vector<128x1024xf32> to vector<128x1024xbf16>
      %get3A_28 = arith.constant 0 : index
      %get3A_29 = arith.constant 0 : index
      %get3A_30 = arith.constant 0 : index
      %get3A_31 = vector.load %arg6[%get3A_28, %get3A_29, %get3A_30] : memref<1x768x1024xf32, #tpu.memory_space<vmem>>, vector<1x768x1024xf32>
      %get3A_32 = vector.shape_cast %get3A_31 : vector<1x768x1024xf32> to vector<768x1024xf32>
      %convert_element_type3A_33 = arith.truncf %get3A_32 : vector<768x1024xf32> to vector<768x1024xbf16>
      %dot_general3A_34 = arith.constant dense<0.000000e+00> : vector<128x768xf32>
      %dot_general3A_35 = tpu.matmul %convert_element_type3A_27, %convert_element_type3A_33, %dot_general3A_34 {dimension_numbers = #tpu.dot_dimension_numbers<[1], [1], [0], [0], [0, 0, 1, 0], [], []>, transpose_lhs_hint = false} : vector<128x1024xbf16>, vector<768x1024xbf16>, vector<128x768xf32> -> vector<128x768xf32>
      %swap3A = arith.constant 0 : index
      %swap3A_36 = arith.constant 0 : index
      %swap3A_37 = vector.load %arg7[%swap3A, %swap3A_36] : memref<128x768xf32, #tpu.memory_space<vmem>>, vector<128x768xf32>
      tpu.vector_store %arg7[%swap3A, %swap3A_36], %dot_general3A_35 {strides = array<i32>} : memref<128x768xf32, #tpu.memory_space<vmem>>, vector<128x768xf32>,
    } else {
    }
    return
  }
  func.func @transform_0(%arg0: i32, %arg1: memref<128xi32, #tpu.memory_space<smem>>, %arg2: memref<1xi32, #tpu.memory_space<smem>>) -> (i32, i32) {
    %get3A = arith.constant 0 : index
    %get3A_0 = memref.load %arg2[%get3A] : memref<1xi32, #tpu.memory_space<smem>>
    %sub3A = arith.constant 1 : i32
    %sub3A_1 = arith.subi %get3A_0, %sub3A : i32
    %min3A = arith.minsi %arg0, %sub3A_1 : i32
    %c0_i32 = arith.constant 0 : i32
    %c0_i32_2 = arith.constant 0 : i32
    return %min3A, %c0_i32 : i32, i32
  }
  func.func @transform_1(%arg0: i32, %arg1: memref<128xi32, #tpu.memory_space<smem>>, %arg2: memref<1xi32, #tpu.memory_space<smem>>) -> (i32, i32, i32) {
    %get3A = arith.constant 0 : index
    %get3A_0 = memref.load %arg2[%get3A] : memref<1xi32, #tpu.memory_space<smem>>
    %sub3A = arith.constant 1 : i32
    %sub3A_1 = arith.subi %get3A_0, %sub3A : i32
    %min3A = arith.minsi %arg0, %sub3A_1 : i32
    %get3A_2 = arith.index_cast %min3A : i32 to index
    %get3A_3 = memref.load %arg1[%get3A_2] : memref<128xi32, #tpu.memory_space<smem>>
    %c0_i32 = arith.constant 0 : i32
    %c0_i32_4 = arith.constant 0 : i32
    %c0_i32_5 = arith.constant 0 : i32
    return %get3A_3, %c0_i32, %c0_i32_4 : i32, i32, i32
  }
  func.func @transform_2(%arg0: i32, %arg1: memref<128xi32, #tpu.memory_space<smem>>, %arg2: memref<1xi32, #tpu.memory_space<smem>>) -> (i32, i32, i32) {
    %get3A = arith.constant 0 : index
    %get3A_0 = memref.load %arg2[%get3A] : memref<1xi32, #tpu.memory_space<smem>>
    %sub3A = arith.constant 1 : i32
    %sub3A_1 = arith.subi %get3A_0, %sub3A : i32
    %min3A = arith.minsi %arg0, %sub3A_1 : i32
    %get3A_2 = arith.index_cast %min3A : i32 to index
    %get3A_3 = memref.load %arg1[%get3A_2] : memref<128xi32, #tpu.memory_space<smem>>
    %c0_i32 = arith.constant 0 : i32
    %c0_i32_4 = arith.constant 0 : i32
    %c0_i32_5 = arith.constant 0 : i32
    return %get3A_3, %c0_i32, %c0_i32_4 : i32, i32, i32
  }
  func.func @transform_3(%arg0: i32, %arg1: memref<128xi32, #tpu.memory_space<smem>>, %arg2: memref<1xi32, #tpu.memory_space<smem>>) -> (i32, i32, i32) {
    %get3A = arith.constant 0 : index
    %get3A_0 = memref.load %arg2[%get3A] : memref<1xi32, #tpu.memory_space<smem>>
    %sub3A = arith.constant 1 : i32
    %sub3A_1 = arith.subi %get3A_0, %sub3A : i32
    %min3A = arith.minsi %arg0, %sub3A_1 : i32
    %get3A_2 = arith.index_cast %min3A : i32 to index
    %get3A_3 = memref.load %arg1[%get3A_2] : memref<128xi32, #tpu.memory_space<smem>>
    %c0_i32 = arith.constant 0 : i32
    %c0_i32_4 = arith.constant 0 : i32
    %c0_i32_5 = arith.constant 0 : i32
    return %get3A_3, %c0_i32, %c0_i32_4 : i32, i32, i32
  }
  func.func @transform_4(%arg0: i32, %arg1: memref<128xi32, #tpu.memory_space<smem>>, %arg2: memref<1xi32, #tpu.memory_space<smem>>) -> (i32, i32) {
    %get3A = arith.constant 0 : index
    %get3A_0 = memref.load %arg2[%get3A] : memref<1xi32, #tpu.memory_space<smem>>
    %sub3A = arith.constant 1 : i32
    %sub3A_1 = arith.subi %get3A_0, %sub3A : i32
    %min3A = arith.minsi %arg0, %sub3A_1 : i32
    %c0_i32 = arith.constant 0 : i32
    %c0_i32_2 = arith.constant 0 : i32
    return %min3A, %c0_i32 : i32, i32
  }
}

module attributes {stable_mosaic.version = 14 : i64} {
  func.func @_gate_route_body(%arg0: memref<2048x768xf32, #tpu.memory_space<vmem>>, %arg1: memref<64x768xf32, #tpu.memory_space<vmem>>, %arg2: memref<4096x1xi32, #tpu.memory_space<vmem>>, %arg3: memref<128x1xi32, #tpu.memory_space<vmem>>, %arg4: memref<1x1xi32, #tpu.memory_space<vmem>>, %arg5: memref<4096x16xf32, #tpu.memory_space<vmem>>, %arg6: memref<4096x64xf32, #tpu.memory_space<vmem>>, %arg7: memref<4096x1xf32, #tpu.memory_space<vmem>>) attributes {dimension_semantics = [], scalar_prefetch = 0 : i64, scratch_operands = 2 : i64, tpu.core_type = #tpu.core_type<tc>} {
    %get3A = arith.constant 0 : index
    %get3A_0 = arith.constant 0 : index
    %get3A_1 = vector.load %arg0[%get3A, %get3A_0] : memref<2048x768xf32, #tpu.memory_space<vmem>>, vector<2048x768xf32>
    %get3A_2 = arith.constant 0 : index
    %get3A_3 = arith.constant 0 : index
    %get3A_4 = vector.load %arg1[%get3A_2, %get3A_3] : memref<64x768xf32, #tpu.memory_space<vmem>>, vector<64x768xf32>
    %dot_general3A = arith.constant dense<0.000000e+00> : vector<2048x64xf32>
    %dot_general3A_5 = tpu.matmul %get3A_1, %get3A_4, %dot_general3A {dimension_numbers = #tpu.dot_dimension_numbers<[1], [1], [0], [0], [0, 0, 1, 0], [], []>, transpose_lhs_hint = false} : vector<2048x768xf32>, vector<64x768xf32>, vector<2048x64xf32> -> vector<2048x64xf32>
    %iota3A = tpu.iota {dimensions = array<i32: 1>} : vector<2048x64xi32>
    %reduce_max3A = arith.constant dense<0xFF800000> : vector<2048xf32>
    %reduce_max3A_6 = vector.multi_reduction <maximumf>, %dot_general3A_5, %reduce_max3A [1] : vector<2048x64xf32> to vector<2048xf32>
    %broadcast_in_dim3A = vector.shape_cast %reduce_max3A_6 : vector<2048xf32> to vector<2048x1xf32>
    %eq3A = vector.broadcast %broadcast_in_dim3A : vector<2048x1xf32> to vector<2048x64xf32>
    %eq3A_7 = arith.cmpf oeq, %dot_general3A_5, %eq3A : vector<2048x64xf32>
    %jit3A = arith.constant 64 : i32
    %broadcast_in_dim3A_8 = vector.broadcast %jit3A : i32 to vector<2048x64xi32>
    %select_n3A = arith.select %eq3A_7, %iota3A, %broadcast_in_dim3A_8 : vector<2048x64xi1>, vector<2048x64xi32>
    %reduce_min3A = arith.constant dense<2147483647> : vector<2048xi32>
    %reduce_min3A_9 = vector.multi_reduction <minsi>, %select_n3A, %reduce_min3A [1] : vector<2048x64xi32> to vector<2048xi32>
    %broadcast_in_dim3A_10 = vector.shape_cast %reduce_min3A_9 : vector<2048xi32> to vector<2048x1xi32>
    %eq3A_11 = vector.broadcast %broadcast_in_dim3A_10 : vector<2048x1xi32> to vector<2048x64xi32>
    %eq3A_12 = arith.cmpi eq, %iota3A, %eq3A_11 : vector<2048x64xi32>
    %jit3A_13 = arith.constant -1.000000e+30 : f32
    %broadcast_in_dim3A_14 = vector.broadcast %jit3A_13 : f32 to vector<2048x64xf32>
    %select_n3A_15 = arith.select %eq3A_12, %broadcast_in_dim3A_14, %dot_general3A_5 : vector<2048x64xi1>, vector<2048x64xf32>
    %reduce_max3A_16 = arith.constant dense<0xFF800000> : vector<2048xf32>
    %reduce_max3A_17 = vector.multi_reduction <maximumf>, %select_n3A_15, %reduce_max3A_16 [1] : vector<2048x64xf32> to vector<2048xf32>
    %broadcast_in_dim3A_18 = vector.shape_cast %reduce_max3A_17 : vector<2048xf32> to vector<2048x1xf32>
    %eq3A_19 = vector.broadcast %broadcast_in_dim3A_18 : vector<2048x1xf32> to vector<2048x64xf32>
    %eq3A_20 = arith.cmpf oeq, %select_n3A_15, %eq3A_19 : vector<2048x64xf32>
    %jit3A_21 = arith.constant 64 : i32
    %broadcast_in_dim3A_22 = vector.broadcast %jit3A_21 : i32 to vector<2048x64xi32>
    %select_n3A_23 = arith.select %eq3A_20, %iota3A, %broadcast_in_dim3A_22 : vector<2048x64xi1>, vector<2048x64xi32>
    %reduce_min3A_24 = arith.constant dense<2147483647> : vector<2048xi32>
    %reduce_min3A_25 = vector.multi_reduction <minsi>, %select_n3A_23, %reduce_min3A_24 [1] : vector<2048x64xi32> to vector<2048xi32>
    %broadcast_in_dim3A_26 = vector.shape_cast %reduce_min3A_25 : vector<2048xi32> to vector<2048x1xi32>
    %sub3A = arith.subf %broadcast_in_dim3A_18, %broadcast_in_dim3A : vector<2048x1xf32>
    %exp3A = math.exp %sub3A : vector<2048x1xf32>
    %add3A = arith.constant 1.000000e+00 : f32
    %add3A_27 = vector.broadcast %add3A : f32 to vector<2048x1xf32>
    %add3A_28 = arith.addf %add3A_27, %exp3A : vector<2048x1xf32>
    %div3A = arith.constant 1.000000e+00 : f32
    %div3A_29 = vector.broadcast %div3A : f32 to vector<2048x1xf32>
    %div3A_30 = arith.divf %div3A_29, %add3A_28 : vector<2048x1xf32>
    %broadcast_in_dim3A_31 = vector.shape_cast %div3A_30 : vector<2048x1xf32> to vector<2048x1xf32>
    %broadcast_in_dim3A_32 = vector.broadcast %broadcast_in_dim3A_31 : vector<2048x1xf32> to vector<2048x16xf32>
    %swap3A = arith.constant 0 : index
    %swap3A_33 = arith.constant 0 : index
    %swap3A_34 = vector.load %arg5[%swap3A, %swap3A_33] : memref<4096x16xf32, #tpu.memory_space<vmem>>, vector<2048x16xf32>
    tpu.vector_store %arg5[%swap3A, %swap3A_33], %broadcast_in_dim3A_32 {strides = array<i32>} : memref<4096x16xf32, #tpu.memory_space<vmem>>, vector<2048x16xf32>,
    %div3A_35 = arith.divf %exp3A, %add3A_28 : vector<2048x1xf32>
    %broadcast_in_dim3A_36 = vector.shape_cast %div3A_35 : vector<2048x1xf32> to vector<2048x1xf32>
    %broadcast_in_dim3A_37 = vector.broadcast %broadcast_in_dim3A_36 : vector<2048x1xf32> to vector<2048x16xf32>
    %swap3A_38 = arith.constant 2048 : index
    %swap3A_39 = arith.constant 0 : index
    %swap3A_40 = vector.load %arg5[%swap3A_38, %swap3A_39] : memref<4096x16xf32, #tpu.memory_space<vmem>>, vector<2048x16xf32>
    tpu.vector_store %arg5[%swap3A_38, %swap3A_39], %broadcast_in_dim3A_37 {strides = array<i32>} : memref<4096x16xf32, #tpu.memory_space<vmem>>, vector<2048x16xf32>,
    %iota3A_41 = tpu.iota {dimensions = array<i32: 1>} : vector<2048x64xi32>
    %eq3A_42 = vector.broadcast %broadcast_in_dim3A_10 : vector<2048x1xi32> to vector<2048x64xi32>
    %eq3A_43 = arith.cmpi eq, %eq3A_42, %iota3A_41 : vector<2048x64xi32>
    %convert_element_type3A = arith.extui %eq3A_43 : vector<2048x64xi1> to vector<2048x64xi32>
    %convert_element_type3A_44 = arith.sitofp %convert_element_type3A : vector<2048x64xi32> to vector<2048x64xf32>
    %swap3A_45 = arith.constant 0 : index
    %swap3A_46 = arith.constant 0 : index
    %swap3A_47 = vector.load %arg6[%swap3A_45, %swap3A_46] : memref<4096x64xf32, #tpu.memory_space<vmem>>, vector<2048x64xf32>
    tpu.vector_store %arg6[%swap3A_45, %swap3A_46], %convert_element_type3A_44 {strides = array<i32>} : memref<4096x64xf32, #tpu.memory_space<vmem>>, vector<2048x64xf32>,
    %eq3A_48 = vector.broadcast %broadcast_in_dim3A_26 : vector<2048x1xi32> to vector<2048x64xi32>
    %eq3A_49 = arith.cmpi eq, %eq3A_48, %iota3A_41 : vector<2048x64xi32>
    %convert_element_type3A_50 = arith.extui %eq3A_49 : vector<2048x64xi1> to vector<2048x64xi32>
    %convert_element_type3A_51 = arith.sitofp %convert_element_type3A_50 : vector<2048x64xi32> to vector<2048x64xf32>
    %swap3A_52 = arith.constant 2048 : index
    %swap3A_53 = arith.constant 0 : index
    %swap3A_54 = vector.load %arg6[%swap3A_52, %swap3A_53] : memref<4096x64xf32, #tpu.memory_space<vmem>>, vector<2048x64xf32>
    tpu.vector_store %arg6[%swap3A_52, %swap3A_53], %convert_element_type3A_51 {strides = array<i32>} : memref<4096x64xf32, #tpu.memory_space<vmem>>, vector<2048x64xf32>,
    %iota3A_55 = tpu.iota {dimensions = array<i32: 0>} : vector<1024x1024xi32>
    %iota3A_56 = tpu.iota {dimensions = array<i32: 1>} : vector<1024x1024xi32>
    %ge3A = arith.cmpi sge, %iota3A_55, %iota3A_56 : vector<1024x1024xi32>
    %convert_element_type3A_57 = arith.extui %ge3A : vector<1024x1024xi1> to vector<1024x1024xi32>
    %convert_element_type3A_58 = arith.sitofp %convert_element_type3A_57 : vector<1024x1024xi32> to vector<1024x1024xf32>
    %convert_element_type3A_59 = arith.truncf %convert_element_type3A_58 : vector<1024x1024xf32> to vector<1024x1024xbf16>
    %broadcast_in_dim3A_60 = arith.constant 0.000000e+00 : f32
    %broadcast_in_dim3A_61 = vector.broadcast %broadcast_in_dim3A_60 : f32 to vector<1x64xf32>
    %scan3A = arith.constant 0 : i32
    %scan3A_62 = arith.constant 4 : i32
    %scan3A_63 = arith.addi %scan3A, %scan3A_62 : i32
    %scan3A_64 = arith.constant 1 : i32
    %scan3A_65 = scf.for %scan3A_118 = %scan3A to %scan3A_63 step %scan3A_64 iter_args(%scan3A_119 = %broadcast_in_dim3A_61) -> (vector<1x64xf32>)  : i32 {
      %mul3A_120 = arith.constant 1024 : i32
      %mul3A_121 = arith.muli %scan3A_118, %mul3A_120 : i32
      %get3A_122 = arith.index_cast %mul3A_121 : i32 to index
      %get3A_123 = arith.constant 0 : index
      %get3A_124 = vector.load %arg6[%get3A_122, %get3A_123] : memref<4096x64xf32, #tpu.memory_space<vmem>>, vector<1024x64xf32>
      %convert_element_type3A_125 = arith.truncf %get3A_124 : vector<1024x64xf32> to vector<1024x64xbf16>
      %dot_general3A_126 = arith.constant dense<0.000000e+00> : vector<1024x64xf32>
      %dot_general3A_127 = tpu.matmul %convert_element_type3A_59, %convert_element_type3A_125, %dot_general3A_126 {dimension_numbers = #tpu.dot_dimension_numbers<[1], [0], [0], [1], [0, 0, 1, 1], [], []>, transpose_lhs_hint = false} : vector<1024x1024xbf16>, vector<1024x64xbf16>, vector<1024x64xf32> -> vector<1024x64xf32>
      %add3A_128 = vector.broadcast %scan3A_119 : vector<1x64xf32> to vector<1024x64xf32>
      %add3A_129 = arith.addf %dot_general3A_127, %add3A_128 : vector<1024x64xf32>
      %mul3A_130 = arith.mulf %add3A_129, %get3A_124 : vector<1024x64xf32>
      %reduce_sum3A_131 = arith.constant dense<0.000000e+00> : vector<1024xf32>
      %reduce_sum3A_132 = vector.multi_reduction <add>, %mul3A_130, %reduce_sum3A_131 [1] : vector<1024x64xf32> to vector<1024xf32>
      %broadcast_in_dim3A_133 = vector.shape_cast %reduce_sum3A_132 : vector<1024xf32> to vector<1024x1xf32>
      %sub3A_134 = arith.constant 1.000000e+00 : f32
      %sub3A_135 = vector.broadcast %sub3A_134 : f32 to vector<1024x1xf32>
      %sub3A_136 = arith.subf %broadcast_in_dim3A_133, %sub3A_135 : vector<1024x1xf32>
      %mul3A_137 = arith.constant 1024 : i32
      %mul3A_138 = arith.muli %scan3A_118, %mul3A_137 : i32
      %swap3A_139 = arith.index_cast %mul3A_138 : i32 to index
      %swap3A_140 = arith.constant 0 : index
      %swap3A_141 = vector.load %arg7[%swap3A_139, %swap3A_140] : memref<4096x1xf32, #tpu.memory_space<vmem>>, vector<1024x1xf32>
      tpu.vector_store %arg7[%swap3A_139, %swap3A_140], %sub3A_136 {strides = array<i32>} : memref<4096x1xf32, #tpu.memory_space<vmem>>, vector<1024x1xf32>,
      %reduce_sum3A_142 = arith.constant dense<0.000000e+00> : vector<64xf32>
      %reduce_sum3A_143 = vector.multi_reduction <add>, %get3A_124, %reduce_sum3A_142 [0] : vector<1024x64xf32> to vector<64xf32>
      %broadcast_in_dim3A_144 = vector.shape_cast %reduce_sum3A_143 : vector<64xf32> to vector<1x64xf32>
      %add3A_145 = arith.addf %scan3A_119, %broadcast_in_dim3A_144 : vector<1x64xf32>
      scf.yield %add3A_145 : vector<1x64xf32>
    }
    %scan3A_66 = arith.constant 4 : i32
    %add3A_67 = arith.constant 1.270000e+02 : f32
    %add3A_68 = vector.broadcast %add3A_67 : f32 to vector<1x64xf32>
    %add3A_69 = arith.addf %scan3A_65, %add3A_68 : vector<1x64xf32>
    %mul3A = arith.constant 7.812500e-03 : f32
    %mul3A_70 = vector.broadcast %mul3A : f32 to vector<1x64xf32>
    %mul3A_71 = arith.mulf %add3A_69, %mul3A_70 : vector<1x64xf32>
    %floor3A = math.floor %mul3A_71 : vector<1x64xf32>
    %iota3A_72 = tpu.iota {dimensions = array<i32: 0>} : vector<64x64xi32>
    %iota3A_73 = tpu.iota {dimensions = array<i32: 1>} : vector<64x64xi32>
    %lt3A = arith.cmpi slt, %iota3A_72, %iota3A_73 : vector<64x64xi32>
    %convert_element_type3A_74 = arith.extui %lt3A : vector<64x64xi1> to vector<64x64xi32>
    %convert_element_type3A_75 = arith.sitofp %convert_element_type3A_74 : vector<64x64xi32> to vector<64x64xf32>
    %dot_general3A_76 = arith.constant dense<0.000000e+00> : vector<1x64xf32>
    %dot_general3A_77 = tpu.matmul %floor3A, %convert_element_type3A_75, %dot_general3A_76 {dimension_numbers = #tpu.dot_dimension_numbers<[1], [0], [0], [1], [0, 0, 1, 1], [], []>, transpose_lhs_hint = false} : vector<1x64xf32>, vector<64x64xf32>, vector<1x64xf32> -> vector<1x64xf32>
    %mul3A_78 = arith.constant 1.280000e+02 : f32
    %mul3A_79 = vector.broadcast %mul3A_78 : f32 to vector<1x64xf32>
    %mul3A_80 = arith.mulf %dot_general3A_77, %mul3A_79 : vector<1x64xf32>
    %reduce_sum3A = arith.constant dense<0.000000e+00> : vector<1xf32>
    %reduce_sum3A_81 = vector.multi_reduction <add>, %floor3A, %reduce_sum3A [1] : vector<1x64xf32> to vector<1xf32>
    %broadcast_in_dim3A_82 = vector.shape_cast %reduce_sum3A_81 : vector<1xf32> to vector<1x1xf32>
    %convert_element_type3A_83 = arith.fptosi %broadcast_in_dim3A_82 : vector<1x1xf32> to vector<1x1xi32>
    %swap3A_84 = arith.constant 0 : index
    %swap3A_85 = arith.constant 0 : index
    %swap3A_86 = vector.load %arg4[%swap3A_84, %swap3A_85] : memref<1x1xi32, #tpu.memory_space<vmem>>, vector<1x1xi32>
    tpu.vector_store %arg4[%swap3A_84, %swap3A_85], %convert_element_type3A_83 {strides = array<i32>} : memref<1x1xi32, #tpu.memory_space<vmem>>, vector<1x1xi32>,
    %get3A_87 = arith.constant 0 : index
    %get3A_88 = arith.constant 0 : index
    %get3A_89 = vector.load %arg6[%get3A_87, %get3A_88] : memref<4096x64xf32, #tpu.memory_space<vmem>>, vector<4096x64xf32>
    %mul3A_90 = vector.broadcast %mul3A_80 : vector<1x64xf32> to vector<4096x64xf32>
    %mul3A_91 = arith.mulf %get3A_89, %mul3A_90 : vector<4096x64xf32>
    %reduce_sum3A_92 = arith.constant dense<0.000000e+00> : vector<4096xf32>
    %reduce_sum3A_93 = vector.multi_reduction <add>, %mul3A_91, %reduce_sum3A_92 [1] : vector<4096x64xf32> to vector<4096xf32>
    %broadcast_in_dim3A_94 = vector.shape_cast %reduce_sum3A_93 : vector<4096xf32> to vector<4096x1xf32>
    %get3A_95 = arith.constant 0 : index
    %get3A_96 = arith.constant 0 : index
    %get3A_97 = vector.load %arg7[%get3A_95, %get3A_96] : memref<4096x1xf32, #tpu.memory_space<vmem>>, vector<4096x1xf32>
    %add3A_98 = arith.addf %get3A_97, %broadcast_in_dim3A_94 : vector<4096x1xf32>
    %convert_element_type3A_99 = arith.fptosi %add3A_98 : vector<4096x1xf32> to vector<4096x1xi32>
    %swap3A_100 = arith.constant 0 : index
    %swap3A_101 = arith.constant 0 : index
    %swap3A_102 = vector.load %arg2[%swap3A_100, %swap3A_101] : memref<4096x1xi32, #tpu.memory_space<vmem>>, vector<4096x1xi32>
    tpu.vector_store %arg2[%swap3A_100, %swap3A_101], %convert_element_type3A_99 {strides = array<i32>} : memref<4096x1xi32, #tpu.memory_space<vmem>>, vector<4096x1xi32>,
    %iota3A_103 = tpu.iota {dimensions = array<i32: 0>} : vector<128x64xi32>
    %convert_element_type3A_104 = arith.sitofp %iota3A_103 : vector<128x64xi32> to vector<128x64xf32>
    %le3A = vector.broadcast %dot_general3A_77 : vector<1x64xf32> to vector<128x64xf32>
    %le3A_105 = arith.cmpf ole, %le3A, %convert_element_type3A_104 : vector<128x64xf32>
    %convert_element_type3A_106 = arith.extui %le3A_105 : vector<128x64xi1> to vector<128x64xi32>
    %convert_element_type3A_107 = arith.sitofp %convert_element_type3A_106 : vector<128x64xi32> to vector<128x64xf32>
    %reduce_sum3A_108 = arith.constant dense<0.000000e+00> : vector<128xf32>
    %reduce_sum3A_109 = vector.multi_reduction <add>, %convert_element_type3A_107, %reduce_sum3A_108 [1] : vector<128x64xf32> to vector<128xf32>
    %broadcast_in_dim3A_110 = vector.shape_cast %reduce_sum3A_109 : vector<128xf32> to vector<128x1xf32>
    %sub3A_111 = arith.constant 1.000000e+00 : f32
    %sub3A_112 = vector.broadcast %sub3A_111 : f32 to vector<128x1xf32>
    %sub3A_113 = arith.subf %broadcast_in_dim3A_110, %sub3A_112 : vector<128x1xf32>
    %convert_element_type3A_114 = arith.fptosi %sub3A_113 : vector<128x1xf32> to vector<128x1xi32>
    %swap3A_115 = arith.constant 0 : index
    %swap3A_116 = arith.constant 0 : index
    %swap3A_117 = vector.load %arg3[%swap3A_115, %swap3A_116] : memref<128x1xi32, #tpu.memory_space<vmem>>, vector<128x1xi32>
    tpu.vector_store %arg3[%swap3A_115, %swap3A_116], %convert_element_type3A_114 {strides = array<i32>} : memref<128x1xi32, #tpu.memory_space<vmem>>, vector<128x1xi32>,
    return
  }
}

</mosaic_0001>

<sc_bundles>
// kernel: kernel.6.cloned.1.call-start
scs
__scs_entry_jumppad:
0x0: {  	(pc) =	sbr.rel $0x88, $3  }
0x1: {  	(tag) =	ssettag $0x0;
	lr =	simm.s32 $0x1  }
0x2: {  	[smem:$0x3F9C] =	sst lr;
	_ =	strace $0xD0000000  }
0x3: {  	_ = 	snop  }
0x4: {  	_ = 	snop  }
0x5: {  	_ = 	snop  }
0x6: {  	_ = 	snop  }
0x7: {  	_ = 	snop  }
__scs_overlays_trampoline_lowered:
0x8: {  	[smem:$0x3FAB] =	sst s0  }
0x9: {  	[smem:$0x3FAC] =	sst s1  }
0xa: {  	[smem:$0x3FAD] =	sst s2  }
0xb: {  	[smem:$0x3FAE] =	sst s3  }
0xc: {  	[smem:$0x3FAF] =	sst s4  }
0xd: {  	[smem:$0x3FB0] =	sst s5  }
0xe: {  	[smem:$0x3FB1] =	sst s6  }
0xf: {  	[smem:$0x3FB2] =	sst s7  }
0x10: {  	[smem:$0x3FB3] =	sst s8  }
0x11: {  	[smem:$0x3FB4] =	sst s9;
	s0 =	simm.s32 @!p0 $0x0  }
0x12: {  	s1 =	sld [smem:$0x3F9A];
	s0 =	simm.s32 @p0 $0x1  }
0x13: {  	[smem:$0x3FB5] =	sst s0;
	s0 =	simm.s32 @!p1 $0x0  }
0x14: {  	s2 =	sld [smem:$0x3F99];
	s0 =	simm.s32 @p1 $0x1  }
0x15: {  	[smem:$0x3FB6] =	sst s0;
	s0 =	simm.s32 @!p2 $0x0  }
0x16: {  	s3 =	sld [smem:$0x3FDB];
	s0 =	simm.s32 @p2 $0x1  }
0x17: {  	s4 =	simm.s32 $0x1BF5;
	[smem:$0x3FB8] =	sst s0  }
0x18: {  	s0 =	sld [smem:$0x3F9B];
	_ =	swait.ge [sflag:s4], $0x0  }
0x19: {  	s7 =	sld [smem:$0x3F9C]  }
0x1a: {  	s8 =	sadd.s32 $0xFFFFE003, lr  }
0x1b: {  	s9 =	sadd.s32 $0xFFFFFEF7, lr;
	s5 =	simm.s32 $0xFFFFFFFF;
	p2 =	slt.u32 s8, $0xFFFFF086  }
0x1c: {  	p1 =	slt.u32 s9, $0xF7A;
	s5 =	simm.s32 @!p2 $0x0  }
0x1d: {  	s5 =	simm.s32 @p1 $0x1;
	p0 =	seq.s32 s7, s2  }
0x1e: {  	s7 =	smul.u32 @!p0 $0xF7A, s2;
	p2 =	seq.s32 @!p0 s5, $0x0  }
0x1f: {  	s9 =	smul.u32 $0xF7A, s1;
	s8 =	simm.s32 @!p0 $0x1BF5;
	p2 =	por !p2, p0  }
0x20: {  	[sflag:s8] =	ssyncset.s32 @!p0 $0xFFFFF086;
	s6 =	sadd.s32 @!p0 s3, s7;
	s7 =	simm.s32 @!p0 $0x108  }
0x21: {  	s3 =	sadd.s32 s3, s9;
	s6 =	sadd.s32 @!p0 $0x88, s6;
	s7 =	simm.s32 @p2 $0x1082  }
0x22: {  	[simem:s7], [sflag:s8] =	dma.local @!p0 [hbm:s6], $0xF7A  }
0x23: {  	s9 =	sor.u32 $0xD0000000, s2;
	s6 =	simm.s32 $0x108;
	_ =	swait.ge @!p0 [sflag:s8], $0x0  }
0x24: {  	s3 =	sadd.s32 $0x88, s3;
	s6 =	simm.s32 @!p1 $0x1082;
	[sflag:s4] =	ssyncset.s32 $0xFFFFF086  }
0x25: {  	[simem:s6], [sflag:s4] =	dma.local [hbm:s3], $0xF7A  }
0x26: {  	[smem:$0x3F9C] =	sst s1;
	(tag) =	ssettag s2;
	_ =	strace s9  }
0x27: {  	s1 =	sld [smem:$0x3FAC]  }
0x28: {  	s2 =	sld [smem:$0x3FAD]  }
0x29: {  	s4 =	sld [smem:$0x3FAF]  }
0x2a: {  	p0 =	seq.s32 s5, $0x0;
	s5 =	sld [smem:$0x3FB0]  }
0x2b: {  	s6 =	sld [smem:$0x3FB1]  }
0x2c: {  	s7 =	sld [smem:$0x3FB2]  }
0x2d: {  	s3 =	simm.s32 $0x108;
	s8 =	sld [smem:$0x3FB3]  }
0x2e: {  	s3 =	simm.s32 @!p0 $0x1082;
	s9 =	sld [smem:$0x3FB4]  }
0x2f: {  	lr =	sadd.s32 s0, s3;
	s0 =	sld [smem:$0x3FAB]  }
0x30: {  	s3 =	sld [smem:$0x3FAE]  }
0x31: {  	[smem:$0x3FB7] =	sst s10  }
0x32: {  	s10 =	sld [smem:$0x3FB5];
	_ =	sdelay $0x3  }
0x33: {  	p0 =	seq.s32 s10, $0x1;
	s10 =	sld [smem:$0x3FB7];
	_ =	sdelay $0x3  }
0x34: {  	[smem:$0x3FB7] =	sst s10  }
0x35: {  	s10 =	sld [smem:$0x3FB6];
	_ =	sdelay $0x3  }
0x36: {  	p1 =	seq.s32 s10, $0x1;
	s10 =	sld [smem:$0x3FB7];
	_ =	sdelay $0x3  }
0x37: {  	[smem:$0x3FB7] =	sst s10  }
0x38: {  	s10 =	sld [smem:$0x3FB8]  }
0x39: {  	_ = 	snop;
	(pc) =	sbr.ind lr, $3  }
0x3a: {  	_ = 	snop  }
0x3b: {  	_ = 	snop  }
0x3c: {  	p2 =	seq.s32 s10, $0x1;
	s10 =	sld [smem:$0x3FB7]  }
0x3d: {  	_ =	shalt  }
0x3e: {  	_ =	shalt  }
0x3f: {  	_ =	shalt  }
0x40: {  	_ =	shalt  }
0x41: {  	_ =	shalt  }
0x42: {  	_ =	shalt  }
0x43: {  	_ =	shalt  }
0x44: {  	_ =	shalt  }
0x45: {  	_ =	shalt  }
0x46: {  	_ =	shalt  }
0x47: {  	_ =	shalt  }
0x48: {  	_ =	shalt  }
0x49: {  	_ =	shalt  }
0x4a: {  	_ =	shalt  }
0x4b: {  	_ =	shalt  }
0x4c: {  	_ =	shalt  }
0x4d: {  	_ =	shalt  }
0x4e: {  	_ =	shalt  }
0x4f: {  	_ =	shalt  }
0x50: {  	_ =	shalt  }
0x51: {  	_ =	shalt  }
0x52: {  	_ =	shalt  }
0x53: {  	_ =	shalt  }
0x54: {  	_ =	shalt  }
0x55: {  	_ =	shalt  }
0x56: {  	_ =	shalt  }
0x57: {  	_ =	shalt  }
0x58: {  	_ =	shalt  }
0x59: {  	_ =	shalt  }
0x5a: {  	_ =	shalt  }
0x5b: {  	_ =	shalt  }
0x5c: {  	_ =	shalt  }
0x5d: {  	_ =	shalt  }
0x5e: {  	_ =	shalt  }
0x5f: {  	_ =	shalt  }
0x60: {  	_ =	shalt  }
0x61: {  	_ =	shalt  }
0x62: {  	_ =	shalt  }
0x63: {  	_ =	shalt  }
0x64: {  	_ =	shalt  }
0x65: {  	_ =	shalt  }
0x66: {  	_ =	shalt  }
0x67: {  	_ =	shalt  }
0x68: {  	_ =	shalt  }
0x69: {  	_ =	shalt  }
0x6a: {  	_ =	shalt  }
0x6b: {  	_ =	shalt  }
0x6c: {  	_ =	shalt  }
0x6d: {  	_ =	shalt  }
0x6e: {  	_ =	shalt  }
0x6f: {  	_ =	shalt  }
0x70: {  	_ =	shalt  }
0x71: {  	_ =	shalt  }
0x72: {  	_ =	shalt  }
0x73: {  	_ =	shalt  }
0x74: {  	_ =	shalt  }
0x75: {  	_ =	shalt  }
0x76: {  	_ =	shalt  }
0x77: {  	_ =	shalt  }
0x78: {  	_ =	shalt  }
0x79: {  	_ =	shalt  }
0x7a: {  	_ =	shalt  }
0x7b: {  	_ =	shalt  }
0x7c: {  	_ =	shalt  }
0x7d: {  	_ =	shalt  }
0x7e: {  	_ =	shalt  }
0x7f: {  	_ =	shalt  }
0x80: {  	_ =	shalt  }
0x81: {  	_ =	shalt  }
0x82: {  	_ =	shalt  }
0x83: {  	_ =	shalt  }
0x84: {  	_ =	shalt  }
0x85: {  	_ =	shalt  }
0x86: {  	_ =	shalt  }
0x87: {  	_ =	shalt  }
.Lfunc_end0:
.L_simem_size_0:
called_computation_lowered:
.L_overlay_start_0:
0x88: {  	s2 =	sld [smem:$0x3FD9]  }
0x89: {  	s3 =	sld [smem:$0x3FFE];
	_ =	sdelay $0x1  }
0x8a: {  	s1 =	srdreg.scid  }
0x8b: {  	s0 =	sand.u32 $0x1, s1  }
0x8c: {  	s17 =	sshll.u32 s0, $0xA;
	s2 =	sadd.s32 s3, s2  }
0x8d: {  	s2 =	sadd.s32 s2, s17  }
0x8e: {  	[smem:$0x3FC3] =	sst s2  }
0x8f: {  	_ = 	snop  }
0x90: {  	s2 =	sld [smem:$0x3FC9];
	(tm) =	ssettm $0x1  }
0x91: {  	s18 =	sld [smem:$0x3FFB];
	_ =	sdelay $0x3  }
0x92: {  	_ =	strace s18  }
0x93: {  	s3 =	sld [smem:$0x3FFC];
	_ =	sdelay $0x3  }
0x94: {  	_ =	strace s3  }
0x95: {  	s3 =	sld [smem:$0x3FFD];
	_ =	sdelay $0x3  }
0x96: {  	_ =	strace s3  }
0x97: {  	_ =	strace $0x8FFFFFFF  }
0x98: {  	s19 =	sld [smem:$0x3FDB];
	_ =	sdelay $0x1  }
0x99: {  	s4 =	simm.s32 $_scs_section_size  }
0x9a: {  	s5 =	simm.s32 $_size__tile_overlayer_lowered;
	s6 =	simm.s32 $_tile_overlayer_lowered  }
0x9b: {  	s22 =	simm.s32 $0x1BFF;
	s21 =	sshll.u32 s6, $0x1;
	s3 =	sadd.s32 s4, s19  }
0x9c: {  	s7 =	simm.s32 $0x0;
	s20 =	sshll.u32 s5, $0x1;
	s5 =	sadd.s32 s21, s3  }
0x9d: {  	[timem:s7], [sflag:s22] =	dma.local [hbm:s5], s20  }
0x9e: {  	_ =	swait.ge [sflag:s22], s20  }
0x9f: {  	s4 =	ssub.s32 $0x0, s20;
	[sflag:s22] =	ssyncset.done $0x0  }
0xa0: {  	[sflag:s22] =	ssyncadd.s32 s4;
	_ =	sdelay $0x1  }
0xa1: {  	s23 =	simm.s32 $0x1B8B  }
0xa2: {  	_ =	swait.ge [sflag:s23], $0x1  }
0xa3: {  	[sflag:s23] =	ssyncset.done $0x0  }
0xa4: {  	s25 =	simm.s32 $0x1B8E;
	s24 =	sld [smem:$0x3FFE];
	[sflag:s23] =	ssyncadd.s32 $0xFFFFFFFF  }
0xa5: {  	s26 =	simm.s32 $execute0_lowered;
	[smem:$0x3FD2] =	sst s25  }
0xa6: {  	s5 =	sshll.u32 s26, $0x1;
	_ =	strace $0x80000046;
	[dreg:$0x1] =	wrdreg $0xFFFFFFFF  }
0xa7: {  	s28 =	simm.s32 $_size_execute0_lowered;
	s3 =	sadd.s32 s3, s5;
	[dreg:$0x0] =	wrdreg $0x0  }
0xa8: {  	s5 =	sshll.u32 s28, $0x1;
	[dreg:$0x2] =	wrdreg s3  }
0xa9: {  	[dreg:$0x3] =	wrdreg s5  }
0xaa: {  	[dreg:$0x4] =	wrdreg $0xC0  }
0xab: {  	_ =	task [dreg:s7], $0x5FFFF  }
0xac: {  	[dreg:$0x1] =	wrdreg $0xFFFFFFFF  }
0xad: {  	[dreg:$0x0] =	wrdreg $0x60  }
0xae: {  	[dreg:$0x2] =	wrdreg s2  }
0xaf: {  	[dreg:$0x3] =	wrdreg s24  }
0xb0: {  	[dreg:$0x4] =	wrdreg $0x9  }
0xb1: {  	_ =	task.clear_ibuf [dreg:s7], $0x5FFFF;
	_ =	strace $0x90000046  }
0xb2: {  	s29 =	simm.s32 $0x9;
	_ =	strace $0x80000048  }
0xb3: {  	_ =	swait.ge [sflag:s29], $0x1  }
0xb4: {  	[sflag:s29] =	ssyncadd.s32 $0xFFFFFFFF  }
0xb5: {  	_ =	strace $0x90000048  }
0xb6: {  	_ =	sfence  }
0xb7: {  	s30 =	sld [smem:$0x0];
	_ =	sdelay $0x2  }
0xb8: {  	s31 =	sshll.u32 s1, $0xD;
	s1 =	sshrl.u32 s1, $0x2  }
0xb9: {  	s3 =	sand.u32 $0x4000, s31;
	s1 =	sadd.s32 s1, s30  }
0xba: {  	s0 =	sor.u32 s3, s0;
	s1 =	sshll.u32 s1, $0x11  }
0xbb: {  	s0 =	sor.u32 s1, s0  }
0xbc: {  	s0 =	sadd.s32 $0x8F2B, s0  }
0xbd: {  	[sflag:s0] =	ssyncadd.remote.s32 $0x1  }
0xbe: {  	_ =	sfence.sel $0xFFFF  }
0xbf: {  	[dreg:$0x0] =	wrdreg $0xFFFFFFFF;
	(pc) =	sbr.abs _section_cstart, $3  }
0xc0: {  	[dreg:$0x1] =	wrdreg $0xFFFFFFFF  }
0xc1: {  	_ =	task.clear_ibuf [dreg:s7], $0x2FFFF;
	_ =	strace $0x9FFFFFFF  }
0xc2: {  	(tm) =	ssettm $0x7FFFFFFF  }
0xc3: {  	_ =	shalt  }
tec
execute0_lowered:
.L_overlay_start_1:
0x0: {  	(tag) =	ssettag $0x1  }
0x1: {  	s1 =	rddreg [dreg:$0x0]  }
0x2: {  	s0 =	rddreg [dreg:$0x1];
	s3 =	simm.s32 $0x0  }
0x3: {  	s2 =	srdreg.scid;
	s4 =	stileid.u32;
	s25 =	simm.s32 $0x100  }
0x4: {  	s26 =	simm.s32 $0x180;
	s10 =	simm.s32 $0xE200;
	s19 =	simm.s32 $0x10A00  }
0x5: {  	s20 =	simm.s32 $0x11200;
	s21 =	simm.s32 $0x11A00;
	s22 =	simm.s32 $0x12200  }
0x6: {  	s23 =	simm.s32 $0x12A00;
	s28 =	simm.s32 $0x14A00;
	s29 =	simm.s32 $0x15200  }
0x7: {  	s30 =	simm.s32 $0x15A00;
	s31 =	simm.s32 $0x16200;
	[smem:$0x7FF] =	sst s3  }
0x8: {  	s2 =	sand.u32 $0x1, s2;
	s4 =	sshll.u32 s4, $0x8;
	s7 =	sadd.s32 $0x400, s0  }
0x9: {  	_ =	strace $0x80000047;
	s5 =	ssub.s32 $0x2, s2;
	[dreg:$0x5] =	wrdreg s25  }
0xa: {  	s2 =	sshll.u32 s2, $0x7;
	[dreg:$0x6] =	wrdreg s26;
	s25 =	simm.s32 $0x13A00  }
0xb: {  	s26 =	simm.s32 $0x14200;
	s6 =	sshrl.u32 s5, $0x1;
	s2 =	sor.u32 s2, s4  }
0xc: {  	s4 =	sadd.s32 $0x600, s0;
	s9 =	ssub.s32 s5, s6;
	s24 =	sshrl.u32 s2, $0x3  }
0xd: {  	v10 =	vlaneseq.u32;
	s11 =	sor.u32 $0x10, s2;
	s12 =	sor.u32 $0x20, s2;
	s13 =	sor.u32 $0x30, s2  }
0xe: {  	vm0 =	vmmov $0xffff;
	v8 =	vand.u32 $0x7, v10;
	v9 =	vshrl.u32 v10, $0x3;
	s14 =	sor.u32 $0x40, s2;
	s6 =	sadd.s32 $0x200, s1;
	s15 =	sor.u32 $0x50, s2  }
0xf: {  	v9 =	vmul.u32 $0x8, v9;
	s16 =	sor.u32 $0x60, s2;
	v0 =	vor.u32 s2, v10;
	s5 =	sadd.s32 s7, s24;
	s8 =	sshrl.u32 s14, $0x3;
	v1 =	vor.u32 s11, v10  }
0x10: {  	s24 =	sor.u32 $0x70, s2;
	s9 =	smax.u32 s9, $0x1;
	v2 =	vor.u32 s12, v10;
	v3 =	vor.u32 s13, v10;
	v5 =	vor.u32 s15, v10;
	s15 =	simm.s32 $0x1  }
0x11: {  	v4 =	vor.u32 s14, v10;
	v6 =	vor.u32 s16, v10;
	v0 =	vand.u32 $0x78F, v0;
	s16 =	simm.s32 $0x2;
	s11 =	simm.s32 $0xEA00;
	s12 =	simm.s32 $0xF200  }
0x12: {  	s13 =	simm.s32 $0xFA00;
	s14 =	simm.s32 $0x10200;
	[dreg:$0x3] =	wrdreg s5;
	v7 =	vor.u32 s24, v10;
	v1 =	vand.u32 $0x79F, v1;
	v2 =	vand.u32 $0x7AF, v2  }
0x13: {  	s5 =	sadd.s32 $0x100, s1;
	s7 =	sadd.s32 s7, s8;
	s8 =	sadd.s32 $0x800, s0;
	v3 =	vand.u32 $0x7BF, v3;
	v4 =	vand.u32 $0x7CF, v4;
	v5 =	vand.u32 $0x7DF, v5  }
0x14: {  	v6 =	vand.u32 $0x7EF, v6;
	v10 =	vor.u32 $0x8, v10;
	s24 =	simm.s32 $0x13200;
	[dreg:$0x4] =	wrdreg s7;
	s7 =	sadd.s32 $0x700, s0;
	v7 =	vand.u32 $0x7FF, v7  }
.LBB2_1:
0x15: {  	[tilespmem:$0x0] =	vst v0  }
0x16: {  	[tilespmem:$0x10] =	vst v1  }
0x17: {  	s17 =	rddreg [dreg:$0x3];
	[tilespmem:$0x20] =	vst v2  }
0x18: {  	s18 =	rddreg [dreg:$0x5];
	[tilespmem:$0x30] =	vst v3;
	s0 =	simm.s32 $0x3  }
0x19: {  	[tilespmem:s18], [sflag:$0x3] =	stream.linear.gather [hbm4b:s17+s3], $0x40, $0x38;
	[tilespmem:$0x18200] =	vst v63  }
0x1a: {  	_ =	swait.ge [sflag:s0], $0x40  }
0x1b: {  	[sflag:s0] =	ssyncset.done $0x0  }
0x1c: {  	[sflag:s0] =	ssyncadd.s32 $0xFFFFFFC0  }
0x1d: {  	v11 =	vld [tilespmem:$0x0];
	_ =	sdelay $0x4  }
0x1e: {  	v12 =	vshrl.u32 v11, $0x3  }
0x1f: {  	v12 =	vmul.u32 $0x30, v12  }
0x20: {  	v11 =	vand.u32 $0x7, v11  }
0x21: {  	v11 =	vor.u32 v11, v12  }
0x22: {  	v12 =	vperm.xlane v11, v8;
	_ =	sdelay $0x1  }
0x23: {  	v12 =	vadd.s32 v9, v12;
	_ =	sdelay $0x3  }
0x24: {  	s2 =	simm.s32 $0x200;
	v11 =	vperm.xlane v11, v10  }
0x25: {  	[tilespmem:s2], [sflag:$0x1] =	stream.indirect_vreg.gather [hbm4b:s1+s3], $0x80, v12, vm0, $0xb8;
	[tilespmem:$0x18200] =	vst v63  }
0x26: {  	s17 =	simm.s32 $0xA00;
	v11 =	vadd.s32 v9, v11  }
0x27: {  	[tilespmem:s17], [sflag:$0x1] =	stream.indirect_vreg.gather [hbm4b:s5+s3], $0x80, v12, vm0, $0xb8;
	[tilespmem:$0x18200] =	vst v63  }
0x28: {  	s18 =	simm.s32 $0x1200  }
0x29: {  	[tilespmem:s18], [sflag:$0x1] =	stream.indirect_vreg.gather [hbm4b:s6+s3], $0x80, v12, vm0, $0xb8;
	[tilespmem:$0x18200] =	vst v63  }
0x2a: {  	s17 =	simm.s32 $0x1A00  }
0x2b: {  	[tilespmem:s17], [sflag:$0x1] =	stream.indirect_vreg.gather [hbm4b:s1+s3], $0x80, v11, vm0, $0xb8;
	[tilespmem:$0x18200] =	vst v63  }
0x2c: {  	s18 =	simm.s32 $0x2200  }
0x2d: {  	[tilespmem:s18], [sflag:$0x1] =	stream.indirect_vreg.gather [hbm4b:s5+s3], $0x80, v11, vm0, $0xb8;
	[tilespmem:$0x18200] =	vst v63  }
0x2e: {  	s17 =	simm.s32 $0x2A00  }
0x2f: {  	[tilespmem:s17], [sflag:$0x1] =	stream.indirect_vreg.gather [hbm4b:s6+s3], $0x80, v11, vm0, $0xb8;
	[tilespmem:$0x18200] =	vst v63  }
0x30: {  	v11 =	vld [tilespmem:$0x10];
	_ =	sdelay $0x4  }
0x31: {  	v49 =	vshrl.u32 v11, $0x3  }
0x32: {  	v12 =	vmul.u32 $0x30, v49  }
0x33: {  	v11 =	vand.u32 $0x7, v11  }
0x34: {  	v11 =	vor.u32 v11, v12  }
0x35: {  	v12 =	vperm.xlane v11, v8;
	_ =	sdelay $0x1  }
0x36: {  	v12 =	vadd.s32 v9, v12;
	_ =	sdelay $0x3  }
0x37: {  	s18 =	simm.s32 $0x3200;
	v11 =	vperm.xlane v11, v10  }
0x38: {  	[tilespmem:s18], [sflag:$0x1] =	stream.indirect_vreg.gather [hbm4b:s1+s3], $0x80, v12, vm0, $0xb8;
	[tilespmem:$0x18200] =	vst v63  }
0x39: {  	s17 =	simm.s32 $0x3A00;
	v11 =	vadd.s32 v9, v11  }
0x3a: {  	[tilespmem:s17], [sflag:$0x1] =	stream.indirect_vreg.gather [hbm4b:s5+s3], $0x80, v12, vm0, $0xb8;
	[tilespmem:$0x18200] =	vst v63  }
0x3b: {  	s18 =	simm.s32 $0x4200  }
0x3c: {  	[tilespmem:s18], [sflag:$0x1] =	stream.indirect_vreg.gather [hbm4b:s6+s3], $0x80, v12, vm0, $0xb8;
	[tilespmem:$0x18200] =	vst v63  }
0x3d: {  	s17 =	simm.s32 $0x4A00  }
0x3e: {  	[tilespmem:s17], [sflag:$0x1] =	stream.indirect_vreg.gather [hbm4b:s1+s3], $0x80, v11, vm0, $0xb8;
	[tilespmem:$0x18200] =	vst v63  }
0x3f: {  	s18 =	simm.s32 $0x5200  }
0x40: {  	[tilespmem:s18], [sflag:$0x1] =	stream.indirect_vreg.gather [hbm4b:s5+s3], $0x80, v11, vm0, $0xb8;
	[tilespmem:$0x18200] =	vst v63  }
0x41: {  	s17 =	simm.s32 $0x5A00  }
0x42: {  	[tilespmem:s17], [sflag:$0x1] =	stream.indirect_vreg.gather [hbm4b:s6+s3], $0x80, v11, vm0, $0xb8;
	[tilespmem:$0x18200] =	vst v63  }
0x43: {  	v11 =	vld [tilespmem:$0x20];
	_ =	sdelay $0x4  }
0x44: {  	v50 =	vshrl.u32 v11, $0x3  }
0x45: {  	v12 =	vmul.u32 $0x30, v50  }
0x46: {  	v11 =	vand.u32 $0x7, v11  }
0x47: {  	v11 =	vor.u32 v11, v12  }
0x48: {  	v12 =	vperm.xlane v11, v8;
	_ =	sdelay $0x1  }
0x49: {  	v12 =	vadd.s32 v9, v12;
	_ =	sdelay $0x3  }
0x4a: {  	s18 =	simm.s32 $0x6200;
	v11 =	vperm.xlane v11, v10  }
0x4b: {  	[tilespmem:s18], [sflag:$0x1] =	stream.indirect_vreg.gather [hbm4b:s1+s3], $0x80, v12, vm0, $0xb8;
	[tilespmem:$0x18200] =	vst v63  }
0x4c: {  	s17 =	simm.s32 $0x6A00;
	v11 =	vadd.s32 v9, v11  }
0x4d: {  	[tilespmem:s17], [sflag:$0x1] =	stream.indirect_vreg.gather [hbm4b:s5+s3], $0x80, v12, vm0, $0xb8;
	[tilespmem:$0x18200] =	vst v63  }
0x4e: {  	s18 =	simm.s32 $0x7200  }
0x4f: {  	[tilespmem:s18], [sflag:$0x1] =	stream.indirect_vreg.gather [hbm4b:s6+s3], $0x80, v12, vm0, $0xb8;
	[tilespmem:$0x18200] =	vst v63  }
0x50: {  	s17 =	simm.s32 $0x7A00  }
0x51: {  	[tilespmem:s17], [sflag:$0x1] =	stream.indirect_vreg.gather [hbm4b:s1+s3], $0x80, v11, vm0, $0xb8;
	[tilespmem:$0x18200] =	vst v63  }
0x52: {  	s18 =	simm.s32 $0x8200  }
0x53: {  	[tilespmem:s18], [sflag:$0x1] =	stream.indirect_vreg.gather [hbm4b:s5+s3], $0x80, v11, vm0, $0xb8;
	[tilespmem:$0x18200] =	vst v63  }
0x54: {  	s17 =	simm.s32 $0x8A00  }
0x55: {  	[tilespmem:s17], [sflag:$0x1] =	stream.indirect_vreg.gather [hbm4b:s6+s3], $0x80, v11, vm0, $0xb8;
	[tilespmem:$0x18200] =	vst v63  }
0x56: {  	v11 =	vld [tilespmem:$0x30];
	_ =	sdelay $0x4  }
0x57: {  	v51 =	vshrl.u32 v11, $0x3  }
0x58: {  	v12 =	vmul.u32 $0x30, v51  }
0x59: {  	v11 =	vand.u32 $0x7, v11  }
0x5a: {  	v11 =	vor.u32 v11, v12  }
0x5b: {  	v12 =	vperm.xlane v11, v8;
	_ =	sdelay $0x1  }
0x5c: {  	v12 =	vadd.s32 v9, v12;
	_ =	sdelay $0x3  }
0x5d: {  	s18 =	simm.s32 $0x9200;
	v11 =	vperm.xlane v11, v10  }
0x5e: {  	[tilespmem:s18], [sflag:$0x1] =	stream.indirect_vreg.gather [hbm4b:s1+s3], $0x80, v12, vm0, $0xb8;
	[tilespmem:$0x18200] =	vst v63  }
0x5f: {  	s17 =	simm.s32 $0x9A00;
	v11 =	vadd.s32 v9, v11  }
0x60: {  	[tilespmem:s17], [sflag:$0x1] =	stream.indirect_vreg.gather [hbm4b:s5+s3], $0x80, v12, vm0, $0xb8;
	[tilespmem:$0x18200] =	vst v63  }
0x61: {  	s18 =	simm.s32 $0xA200  }
0x62: {  	[tilespmem:s18], [sflag:$0x1] =	stream.indirect_vreg.gather [hbm4b:s6+s3], $0x80, v12, vm0, $0xb8;
	[tilespmem:$0x18200] =	vst v63  }
0x63: {  	s17 =	simm.s32 $0xAA00  }
0x64: {  	[tilespmem:s17], [sflag:$0x1] =	stream.indirect_vreg.gather [hbm4b:s1+s3], $0x80, v11, vm0, $0xb8;
	[tilespmem:$0x18200] =	vst v63  }
0x65: {  	s18 =	simm.s32 $0xB200  }
0x66: {  	[tilespmem:s18], [sflag:$0x1] =	stream.indirect_vreg.gather [hbm4b:s5+s3], $0x80, v11, vm0, $0xb8;
	[tilespmem:$0x18200] =	vst v63  }
0x67: {  	s17 =	simm.s32 $0xBA00  }
0x68: {  	[tilespmem:s17], [sflag:$0x1] =	stream.indirect_vreg.gather [hbm4b:s6+s3], $0x80, v11, vm0, $0xb8;
	[tilespmem:$0x18200] =	vst v63  }
0x69: {  	[tilespmem:$0x80] =	vst v4  }
0x6a: {  	[tilespmem:$0x90] =	vst v5  }
0x6b: {  	s2 =	rddreg [dreg:$0x6];
	[tilespmem:$0xA0] =	vst v6  }
0x6c: {  	s18 =	rddreg [dreg:$0x4];
	[tilespmem:$0xB0] =	vst v7  }
0x6d: {  	[tilespmem:s2], [sflag:$0x3] =	stream.linear.gather [hbm4b:s18+s3], $0x40, $0x38;
	[tilespmem:$0x18200] =	vst v63  }
0x6e: {  	_ =	swait.ge [sflag:s0], $0x40  }
0x6f: {  	[sflag:s0] =	ssyncset.done $0x0  }
0x70: {  	[sflag:s0] =	ssyncadd.s32 $0xFFFFFFC0  }
0x71: {  	v11 =	vld [tilespmem:$0x80];
	_ =	sdelay $0x4  }
0x72: {  	v52 =	vshrl.u32 v11, $0x3  }
0x73: {  	v12 =	vmul.u32 $0x30, v52  }
0x74: {  	v11 =	vand.u32 $0x7, v11  }
0x75: {  	v11 =	vor.u32 v11, v12  }
0x76: {  	v12 =	vperm.xlane v11, v8;
	_ =	sdelay $0x1  }
0x77: {  	v12 =	vadd.s32 v9, v12;
	_ =	sdelay $0x3  }
0x78: {  	s18 =	simm.s32 $0xC200;
	v11 =	vperm.xlane v11, v10  }
0x79: {  	[tilespmem:s18], [sflag:$0x1] =	stream.indirect_vreg.gather [hbm4b:s1+s3], $0x80, v12, vm0, $0xb8;
	[tilespmem:$0x18200] =	vst v63  }
0x7a: {  	s17 =	simm.s32 $0xCA00;
	v11 =	vadd.s32 v9, v11  }
0x7b: {  	[tilespmem:s17], [sflag:$0x1] =	stream.indirect_vreg.gather [hbm4b:s5+s3], $0x80, v12, vm0, $0xb8;
	[tilespmem:$0x18200] =	vst v63  }
0x7c: {  	s18 =	simm.s32 $0xD200  }
0x7d: {  	[tilespmem:s18], [sflag:$0x1] =	stream.indirect_vreg.gather [hbm4b:s6+s3], $0x80, v12, vm0, $0xb8;
	[tilespmem:$0x18200] =	vst v63  }
0x7e: {  	s2 =	simm.s32 $0xDA00  }
0x7f: {  	[tilespmem:s2], [sflag:$0x1] =	stream.indirect_vreg.gather [hbm4b:s1+s3], $0x80, v11, vm0, $0xb8;
	[tilespmem:$0x18200] =	vst v63  }
0x80: {  	_ = 	snop  }
0x81: {  	[tilespmem:s10], [sflag:$0x1] =	stream.indirect_vreg.gather [hbm4b:s5+s3], $0x80, v11, vm0, $0xb8;
	[tilespmem:$0x18200] =	vst v63  }
0x82: {  	_ = 	snop  }
0x83: {  	[tilespmem:s11], [sflag:$0x1] =	stream.indirect_vreg.gather [hbm4b:s6+s3], $0x80, v11, vm0, $0xb8;
	[tilespmem:$0x18200] =	vst v63  }
0x84: {  	v11 =	vld [tilespmem:$0x90];
	_ =	sdelay $0x4  }
0x85: {  	v53 =	vshrl.u32 v11, $0x3  }
0x86: {  	v12 =	vmul.u32 $0x30, v53  }
0x87: {  	v11 =	vand.u32 $0x7, v11  }
0x88: {  	v11 =	vor.u32 v11, v12  }
0x89: {  	v12 =	vperm.xlane v11, v8;
	_ =	sdelay $0x1  }
0x8a: {  	v12 =	vadd.s32 v9, v12;
	_ =	sdelay $0x3  }
0x8b: {  	v11 =	vperm.xlane v11, v10  }
0x8c: {  	[tilespmem:s12], [sflag:$0x1] =	stream.indirect_vreg.gather [hbm4b:s1+s3], $0x80, v12, vm0, $0xb8;
	[tilespmem:$0x18200] =	vst v63  }
0x8d: {  	v11 =	vadd.s32 v9, v11  }
0x8e: {  	[tilespmem:s13], [sflag:$0x1] =	stream.indirect_vreg.gather [hbm4b:s5+s3], $0x80, v12, vm0, $0xb8;
	[tilespmem:$0x18200] =	vst v63  }
0x8f: {  	_ = 	snop  }
0x90: {  	[tilespmem:s14], [sflag:$0x1] =	stream.indirect_vreg.gather [hbm4b:s6+s3], $0x80, v12, vm0, $0xb8;
	[tilespmem:$0x18200] =	vst v63  }
0x91: {  	_ = 	snop  }
0x92: {  	[tilespmem:s19], [sflag:$0x1] =	stream.indirect_vreg.gather [hbm4b:s1+s3], $0x80, v11, vm0, $0xb8;
	[tilespmem:$0x18200] =	vst v63  }
0x93: {  	_ = 	snop  }
0x94: {  	[tilespmem:s20], [sflag:$0x1] =	stream.indirect_vreg.gather [hbm4b:s5+s3], $0x80, v11, vm0, $0xb8;
	[tilespmem:$0x18200] =	vst v63  }
0x95: {  	_ = 	snop  }
0x96: {  	[tilespmem:s21], [sflag:$0x1] =	stream.indirect_vreg.gather [hbm4b:s6+s3], $0x80, v11, vm0, $0xb8;
	[tilespmem:$0x18200] =	vst v63  }
0x97: {  	v11 =	vld [tilespmem:$0xA0];
	_ =	sdelay $0x4  }
0x98: {  	v54 =	vshrl.u32 v11, $0x3  }
0x99: {  	v12 =	vmul.u32 $0x30, v54  }
0x9a: {  	v11 =	vand.u32 $0x7, v11  }
0x9b: {  	v11 =	vor.u32 v11, v12  }
0x9c: {  	v12 =	vperm.xlane v11, v8;
	_ =	sdelay $0x1  }
0x9d: {  	v12 =	vadd.s32 v9, v12;
	_ =	sdelay $0x3  }
0x9e: {  	v11 =	vperm.xlane v11, v10  }
0x9f: {  	[tilespmem:s22], [sflag:$0x1] =	stream.indirect_vreg.gather [hbm4b:s1+s3], $0x80, v12, vm0, $0xb8;
	[tilespmem:$0x18200] =	vst v63  }
0xa0: {  	v11 =	vadd.s32 v9, v11  }
0xa1: {  	[tilespmem:s23], [sflag:$0x1] =	stream.indirect_vreg.gather [hbm4b:s5+s3], $0x80, v12, vm0, $0xb8;
	[tilespmem:$0x18200] =	vst v63  }
0xa2: {  	_ = 	snop  }
0xa3: {  	[tilespmem:s24], [sflag:$0x1] =	stream.indirect_vreg.gather [hbm4b:s6+s3], $0x80, v12, vm0, $0xb8;
	[tilespmem:$0x18200] =	vst v63  }
0xa4: {  	_ = 	snop  }
0xa5: {  	[tilespmem:s25], [sflag:$0x1] =	stream.indirect_vreg.gather [hbm4b:s1+s3], $0x80, v11, vm0, $0xb8;
	[tilespmem:$0x18200] =	vst v63  }
0xa6: {  	_ = 	snop  }
0xa7: {  	[tilespmem:s26], [sflag:$0x1] =	stream.indirect_vreg.gather [hbm4b:s5+s3], $0x80, v11, vm0, $0xb8;
	[tilespmem:$0x18200] =	vst v63  }
0xa8: {  	_ = 	snop  }
0xa9: {  	[tilespmem:s28], [sflag:$0x1] =	stream.indirect_vreg.gather [hbm4b:s6+s3], $0x80, v11, vm0, $0xb8;
	[tilespmem:$0x18200] =	vst v63  }
0xaa: {  	v11 =	vld [tilespmem:$0xB0];
	_ =	sdelay $0x4  }
0xab: {  	v55 =	vshrl.u32 v11, $0x3  }
0xac: {  	v12 =	vmul.u32 $0x30, v55  }
0xad: {  	v11 =	vand.u32 $0x7, v11  }
0xae: {  	v11 =	vor.u32 v11, v12  }
0xaf: {  	v12 =	vperm.xlane v11, v8;
	_ =	sdelay $0x1  }
0xb0: {  	v12 =	vadd.s32 v9, v12;
	_ =	sdelay $0x3  }
0xb1: {  	v11 =	vperm.xlane v11, v10  }
0xb2: {  	[tilespmem:s29], [sflag:$0x1] =	stream.indirect_vreg.gather [hbm4b:s1+s3], $0x80, v12, vm0, $0xb8;
	[tilespmem:$0x18200] =	vst v63  }
0xb3: {  	v11 =	vadd.s32 v9, v11  }
0xb4: {  	[tilespmem:s30], [sflag:$0x1] =	stream.indirect_vreg.gather [hbm4b:s5+s3], $0x80, v12, vm0, $0xb8;
	[tilespmem:$0x18200] =	vst v63  }
0xb5: {  	_ = 	snop  }
0xb6: {  	[tilespmem:s31], [sflag:$0x1] =	stream.indirect_vreg.gather [hbm4b:s6+s3], $0x80, v12, vm0, $0xb8;
	[tilespmem:$0x18200] =	vst v63  }
0xb7: {  	s0 =	simm.s32 $0x16A00  }
0xb8: {  	[tilespmem:s0], [sflag:$0x1] =	stream.indirect_vreg.gather [hbm4b:s1+s3], $0x80, v11, vm0, $0xb8;
	[tilespmem:$0x18200] =	vst v63  }
0xb9: {  	s0 =	simm.s32 $0x17200  }
0xba: {  	[tilespmem:s0], [sflag:$0x1] =	stream.indirect_vreg.gather [hbm4b:s5+s3], $0x80, v11, vm0, $0xb8;
	[tilespmem:$0x18200] =	vst v63  }
0xbb: {  	s0 =	simm.s32 $0x17A00  }
0xbc: {  	[tilespmem:s0], [sflag:$0x1] =	stream.indirect_vreg.gather [hbm4b:s6+s3], $0x80, v11, vm0, $0xb8;
	[tilespmem:$0x18200] =	vst v63  }
0xbd: {  	_ =	swait.ge [sflag:s15], $0xC000  }
0xbe: {  	[sflag:s15] =	ssyncset.done $0x0  }
0xbf: {  	[sflag:s15] =	ssyncadd.s32 $0xFFFF4000  }
0xc0: {  	v11 =	vld [tilespmem:$0x100];
	_ =	sdelay $0x4  }
0xc1: {  	v56 =	vshrl.u32 v11, $0x3  }
0xc2: {  	v12 =	vmul.u32 $0x30, v56  }
0xc3: {  	v11 =	vand.u32 $0x7, v11  }
0xc4: {  	v11 =	vor.u32 v11, v12  }
0xc5: {  	v12 =	vperm.xlane v11, v8;
	_ =	sdelay $0x1  }
0xc6: {  	v12 =	vadd.s32 v9, v12;
	_ =	sdelay $0x3  }
0xc7: {  	s0 =	simm.s32 $0x200;
	v11 =	vperm.xlane v11, v10  }
0xc8: {  	[hbm4b:s4+s3] =	stream.indirect_vreg.scatter [tilespmem:s0], [sflag:$0x2], $0x80, v12, vm0, $0xb8;
	[tilespmem:$0x18200] =	vst v63  }
0xc9: {  	v11 =	vadd.s32 v9, v11;
	s0 =	simm.s32 $0xA00  }
0xca: {  	[hbm4b:s7+s3] =	stream.indirect_vreg.scatter [tilespmem:s0], [sflag:$0x2], $0x80, v12, vm0, $0xb8;
	[tilespmem:$0x18200] =	vst v63  }
0xcb: {  	s0 =	simm.s32 $0x1200  }
0xcc: {  	[hbm4b:s8+s3] =	stream.indirect_vreg.scatter [tilespmem:s0], [sflag:$0x2], $0x80, v12, vm0, $0xb8;
	[tilespmem:$0x18200] =	vst v63  }
0xcd: {  	s0 =	simm.s32 $0x1A00  }
0xce: {  	[hbm4b:s4+s3] =	stream.indirect_vreg.scatter [tilespmem:s0], [sflag:$0x2], $0x80, v11, vm0, $0xb8;
	[tilespmem:$0x18200] =	vst v63  }
0xcf: {  	s0 =	simm.s32 $0x2200  }
0xd0: {  	[hbm4b:s7+s3] =	stream.indirect_vreg.scatter [tilespmem:s0], [sflag:$0x2], $0x80, v11, vm0, $0xb8;
	[tilespmem:$0x18200] =	vst v63  }
0xd1: {  	s0 =	simm.s32 $0x2A00  }
0xd2: {  	[hbm4b:s8+s3] =	stream.indirect_vreg.scatter [tilespmem:s0], [sflag:$0x2], $0x80, v11, vm0, $0xb8;
	[tilespmem:$0x18200] =	vst v63  }
0xd3: {  	v11 =	vld [tilespmem:$0x110];
	_ =	sdelay $0x4  }
0xd4: {  	v57 =	vshrl.u32 v11, $0x3  }
0xd5: {  	v12 =	vmul.u32 $0x30, v57  }
0xd6: {  	v11 =	vand.u32 $0x7, v11  }
0xd7: {  	v11 =	vor.u32 v11, v12  }
0xd8: {  	v12 =	vperm.xlane v11, v8;
	_ =	sdelay $0x1  }
0xd9: {  	v12 =	vadd.s32 v9, v12;
	_ =	sdelay $0x3  }
0xda: {  	s0 =	simm.s32 $0x3200;
	v11 =	vperm.xlane v11, v10  }
0xdb: {  	[hbm4b:s4+s3] =	stream.indirect_vreg.scatter [tilespmem:s0], [sflag:$0x2], $0x80, v12, vm0, $0xb8;
	[tilespmem:$0x18200] =	vst v63  }
0xdc: {  	v11 =	vadd.s32 v9, v11;
	s0 =	simm.s32 $0x3A00  }
0xdd: {  	[hbm4b:s7+s3] =	stream.indirect_vreg.scatter [tilespmem:s0], [sflag:$0x2], $0x80, v12, vm0, $0xb8;
	[tilespmem:$0x18200] =	vst v63  }
0xde: {  	s0 =	simm.s32 $0x4200  }
0xdf: {  	[hbm4b:s8+s3] =	stream.indirect_vreg.scatter [tilespmem:s0], [sflag:$0x2], $0x80, v12, vm0, $0xb8;
	[tilespmem:$0x18200] =	vst v63  }
0xe0: {  	s0 =	simm.s32 $0x4A00  }
0xe1: {  	[hbm4b:s4+s3] =	stream.indirect_vreg.scatter [tilespmem:s0], [sflag:$0x2], $0x80, v11, vm0, $0xb8;
	[tilespmem:$0x18200] =	vst v63  }
0xe2: {  	s0 =	simm.s32 $0x5200  }
0xe3: {  	[hbm4b:s7+s3] =	stream.indirect_vreg.scatter [tilespmem:s0], [sflag:$0x2], $0x80, v11, vm0, $0xb8;
	[tilespmem:$0x18200] =	vst v63  }
0xe4: {  	s0 =	simm.s32 $0x5A00  }
0xe5: {  	[hbm4b:s8+s3] =	stream.indirect_vreg.scatter [tilespmem:s0], [sflag:$0x2], $0x80, v11, vm0, $0xb8;
	[tilespmem:$0x18200] =	vst v63  }
0xe6: {  	v11 =	vld [tilespmem:$0x120];
	_ =	sdelay $0x4  }
0xe7: {  	v58 =	vshrl.u32 v11, $0x3  }
0xe8: {  	v12 =	vmul.u32 $0x30, v58  }
0xe9: {  	v11 =	vand.u32 $0x7, v11  }
0xea: {  	v11 =	vor.u32 v11, v12  }
0xeb: {  	v12 =	vperm.xlane v11, v8;
	_ =	sdelay $0x1  }
0xec: {  	v12 =	vadd.s32 v9, v12;
	_ =	sdelay $0x3  }
0xed: {  	s0 =	simm.s32 $0x6200;
	v11 =	vperm.xlane v11, v10  }
0xee: {  	[hbm4b:s4+s3] =	stream.indirect_vreg.scatter [tilespmem:s0], [sflag:$0x2], $0x80, v12, vm0, $0xb8;
	[tilespmem:$0x18200] =	vst v63  }
0xef: {  	v11 =	vadd.s32 v9, v11;
	s0 =	simm.s32 $0x6A00  }
0xf0: {  	[hbm4b:s7+s3] =	stream.indirect_vreg.scatter [tilespmem:s0], [sflag:$0x2], $0x80, v12, vm0, $0xb8;
	[tilespmem:$0x18200] =	vst v63  }
0xf1: {  	s0 =	simm.s32 $0x7200  }
0xf2: {  	[hbm4b:s8+s3] =	stream.indirect_vreg.scatter [tilespmem:s0], [sflag:$0x2], $0x80, v12, vm0, $0xb8;
	[tilespmem:$0x18200] =	vst v63  }
0xf3: {  	s0 =	simm.s32 $0x7A00  }
0xf4: {  	[hbm4b:s4+s3] =	stream.indirect_vreg.scatter [tilespmem:s0], [sflag:$0x2], $0x80, v11, vm0, $0xb8;
	[tilespmem:$0x18200] =	vst v63  }
0xf5: {  	s0 =	simm.s32 $0x8200  }
0xf6: {  	[hbm4b:s7+s3] =	stream.indirect_vreg.scatter [tilespmem:s0], [sflag:$0x2], $0x80, v11, vm0, $0xb8;
	[tilespmem:$0x18200] =	vst v63  }
0xf7: {  	s0 =	simm.s32 $0x8A00  }
0xf8: {  	[hbm4b:s8+s3] =	stream.indirect_vreg.scatter [tilespmem:s0], [sflag:$0x2], $0x80, v11, vm0, $0xb8;
	[tilespmem:$0x18200] =	vst v63  }
0xf9: {  	v11 =	vld [tilespmem:$0x130];
	_ =	sdelay $0x4  }
0xfa: {  	v59 =	vshrl.u32 v11, $0x3  }
0xfb: {  	v12 =	vmul.u32 $0x30, v59  }
0xfc: {  	v11 =	vand.u32 $0x7, v11  }
0xfd: {  	v11 =	vor.u32 v11, v12  }
0xfe: {  	v12 =	vperm.xlane v11, v8;
	_ =	sdelay $0x1  }
0xff: {  	v12 =	vadd.s32 v9, v12;
	_ =	sdelay $0x3  }
0x100: {  	s0 =	simm.s32 $0x9200;
	v11 =	vperm.xlane v11, v10  }
0x101: {  	[hbm4b:s4+s3] =	stream.indirect_vreg.scatter [tilespmem:s0], [sflag:$0x2], $0x80, v12, vm0, $0xb8;
	[tilespmem:$0x18200] =	vst v63  }
0x102: {  	v11 =	vadd.s32 v9, v11;
	s0 =	simm.s32 $0x9A00  }
0x103: {  	[hbm4b:s7+s3] =	stream.indirect_vreg.scatter [tilespmem:s0], [sflag:$0x2], $0x80, v12, vm0, $0xb8;
	[tilespmem:$0x18200] =	vst v63  }
0x104: {  	s0 =	simm.s32 $0xA200  }
0x105: {  	[hbm4b:s8+s3] =	stream.indirect_vreg.scatter [tilespmem:s0], [sflag:$0x2], $0x80, v12, vm0, $0xb8;
	[tilespmem:$0x18200] =	vst v63  }
0x106: {  	s0 =	simm.s32 $0xAA00  }
0x107: {  	[hbm4b:s4+s3] =	stream.indirect_vreg.scatter [tilespmem:s0], [sflag:$0x2], $0x80, v11, vm0, $0xb8;
	[tilespmem:$0x18200] =	vst v63  }
0x108: {  	s0 =	simm.s32 $0xB200  }
0x109: {  	[hbm4b:s7+s3] =	stream.indirect_vreg.scatter [tilespmem:s0], [sflag:$0x2], $0x80, v11, vm0, $0xb8;
	[tilespmem:$0x18200] =	vst v63  }
0x10a: {  	s0 =	simm.s32 $0xBA00  }
0x10b: {  	[hbm4b:s8+s3] =	stream.indirect_vreg.scatter [tilespmem:s0], [sflag:$0x2], $0x80, v11, vm0, $0xb8;
	[tilespmem:$0x18200] =	vst v63  }
0x10c: {  	_ =	swait.ge [sflag:s15], $0xC000  }
0x10d: {  	[sflag:s15] =	ssyncset.done $0x0  }
0x10e: {  	[sflag:s15] =	ssyncadd.s32 $0xFFFF4000  }
0x10f: {  	v11 =	vld [tilespmem:$0x180];
	_ =	sdelay $0x4  }
0x110: {  	v60 =	vshrl.u32 v11, $0x3  }
0x111: {  	v12 =	vmul.u32 $0x30, v60  }
0x112: {  	v11 =	vand.u32 $0x7, v11  }
0x113: {  	v11 =	vor.u32 v11, v12  }
0x114: {  	v12 =	vperm.xlane v11, v8;
	_ =	sdelay $0x1  }
0x115: {  	v12 =	vadd.s32 v9, v12;
	_ =	sdelay $0x3  }
0x116: {  	s0 =	simm.s32 $0xC200;
	v11 =	vperm.xlane v11, v10  }
0x117: {  	[hbm4b:s4+s3] =	stream.indirect_vreg.scatter [tilespmem:s0], [sflag:$0x2], $0x80, v12, vm0, $0xb8;
	[tilespmem:$0x18200] =	vst v63  }
0x118: {  	v11 =	vadd.s32 v9, v11  }
0x119: {  	[hbm4b:s7+s3] =	stream.indirect_vreg.scatter [tilespmem:s17], [sflag:$0x2], $0x80, v12, vm0, $0xb8;
	[tilespmem:$0x18200] =	vst v63  }
0x11a: {  	_ = 	snop  }
0x11b: {  	[hbm4b:s8+s3] =	stream.indirect_vreg.scatter [tilespmem:s18], [sflag:$0x2], $0x80, v12, vm0, $0xb8;
	[tilespmem:$0x18200] =	vst v63  }
0x11c: {  	_ = 	snop  }
0x11d: {  	[hbm4b:s4+s3] =	stream.indirect_vreg.scatter [tilespmem:s2], [sflag:$0x2], $0x80, v11, vm0, $0xb8;
	[tilespmem:$0x18200] =	vst v63  }
0x11e: {  	_ = 	snop  }
0x11f: {  	[hbm4b:s7+s3] =	stream.indirect_vreg.scatter [tilespmem:s10], [sflag:$0x2], $0x80, v11, vm0, $0xb8;
	[tilespmem:$0x18200] =	vst v63  }
0x120: {  	_ = 	snop  }
0x121: {  	[hbm4b:s8+s3] =	stream.indirect_vreg.scatter [tilespmem:s11], [sflag:$0x2], $0x80, v11, vm0, $0xb8;
	[tilespmem:$0x18200] =	vst v63  }
0x122: {  	v11 =	vld [tilespmem:$0x190];
	_ =	sdelay $0x4  }
0x123: {  	v61 =	vshrl.u32 v11, $0x3  }
0x124: {  	v12 =	vmul.u32 $0x30, v61  }
0x125: {  	v11 =	vand.u32 $0x7, v11  }
0x126: {  	v11 =	vor.u32 v11, v12  }
0x127: {  	v12 =	vperm.xlane v11, v8;
	_ =	sdelay $0x1  }
0x128: {  	v12 =	vadd.s32 v9, v12;
	_ =	sdelay $0x3  }
0x129: {  	v11 =	vperm.xlane v11, v10  }
0x12a: {  	[hbm4b:s4+s3] =	stream.indirect_vreg.scatter [tilespmem:s12], [sflag:$0x2], $0x80, v12, vm0, $0xb8;
	[tilespmem:$0x18200] =	vst v63  }
0x12b: {  	v11 =	vadd.s32 v9, v11  }
0x12c: {  	[hbm4b:s7+s3] =	stream.indirect_vreg.scatter [tilespmem:s13], [sflag:$0x2], $0x80, v12, vm0, $0xb8;
	[tilespmem:$0x18200] =	vst v63  }
0x12d: {  	_ = 	snop  }
0x12e: {  	[hbm4b:s8+s3] =	stream.indirect_vreg.scatter [tilespmem:s14], [sflag:$0x2], $0x80, v12, vm0, $0xb8;
	[tilespmem:$0x18200] =	vst v63  }
0x12f: {  	_ = 	snop  }
0x130: {  	[hbm4b:s4+s3] =	stream.indirect_vreg.scatter [tilespmem:s19], [sflag:$0x2], $0x80, v11, vm0, $0xb8;
	[tilespmem:$0x18200] =	vst v63  }
0x131: {  	_ = 	snop  }
0x132: {  	[hbm4b:s7+s3] =	stream.indirect_vreg.scatter [tilespmem:s20], [sflag:$0x2], $0x80, v11, vm0, $0xb8;
	[tilespmem:$0x18200] =	vst v63  }
0x133: {  	_ = 	snop  }
0x134: {  	[hbm4b:s8+s3] =	stream.indirect_vreg.scatter [tilespmem:s21], [sflag:$0x2], $0x80, v11, vm0, $0xb8;
	[tilespmem:$0x18200] =	vst v63  }
0x135: {  	v11 =	vld [tilespmem:$0x1A0];
	_ =	sdelay $0x4  }
0x136: {  	v62 =	vshrl.u32 v11, $0x3  }
0x137: {  	v12 =	vmul.u32 $0x30, v62  }
0x138: {  	v11 =	vand.u32 $0x7, v11  }
0x139: {  	v11 =	vor.u32 v11, v12  }
0x13a: {  	v12 =	vperm.xlane v11, v8;
	_ =	sdelay $0x1  }
0x13b: {  	v12 =	vadd.s32 v9, v12;
	_ =	sdelay $0x3  }
0x13c: {  	v11 =	vperm.xlane v11, v10  }
0x13d: {  	[hbm4b:s4+s3] =	stream.indirect_vreg.scatter [tilespmem:s22], [sflag:$0x2], $0x80, v12, vm0, $0xb8;
	[tilespmem:$0x18200] =	vst v63  }
0x13e: {  	v11 =	vadd.s32 v9, v11  }
0x13f: {  	[hbm4b:s7+s3] =	stream.indirect_vreg.scatter [tilespmem:s23], [sflag:$0x2], $0x80, v12, vm0, $0xb8;
	[tilespmem:$0x18200] =	vst v63  }
0x140: {  	_ = 	snop  }
0x141: {  	[hbm4b:s8+s3] =	stream.indirect_vreg.scatter [tilespmem:s24], [sflag:$0x2], $0x80, v12, vm0, $0xb8;
	[tilespmem:$0x18200] =	vst v63  }
0x142: {  	_ = 	snop  }
0x143: {  	[hbm4b:s4+s3] =	stream.indirect_vreg.scatter [tilespmem:s25], [sflag:$0x2], $0x80, v11, vm0, $0xb8;
	[tilespmem:$0x18200] =	vst v63  }
0x144: {  	_ = 	snop  }
0x145: {  	[hbm4b:s7+s3] =	stream.indirect_vreg.scatter [tilespmem:s26], [sflag:$0x2], $0x80, v11, vm0, $0xb8;
	[tilespmem:$0x18200] =	vst v63  }
0x146: {  	_ = 	snop  }
0x147: {  	[hbm4b:s8+s3] =	stream.indirect_vreg.scatter [tilespmem:s28], [sflag:$0x2], $0x80, v11, vm0, $0xb8;
	[tilespmem:$0x18200] =	vst v63  }
0x148: {  	v11 =	vld [tilespmem:$0x1B0];
	_ =	sdelay $0x4  }
0x149: {  	v63 =	vshrl.u32 v11, $0x3  }
0x14a: {  	v12 =	vmul.u32 $0x30, v63  }
0x14b: {  	v11 =	vand.u32 $0x7, v11  }
0x14c: {  	v11 =	vor.u32 v11, v12  }
0x14d: {  	v12 =	vperm.xlane v11, v8;
	_ =	sdelay $0x1  }
0x14e: {  	v12 =	vadd.s32 v9, v12;
	_ =	sdelay $0x3  }
0x14f: {  	v11 =	vperm.xlane v11, v10  }
0x150: {  	[hbm4b:s4+s3] =	stream.indirect_vreg.scatter [tilespmem:s29], [sflag:$0x2], $0x80, v12, vm0, $0xb8;
	[tilespmem:$0x18200] =	vst v63  }
0x151: {  	v11 =	vadd.s32 v9, v11  }
0x152: {  	[hbm4b:s7+s3] =	stream.indirect_vreg.scatter [tilespmem:s30], [sflag:$0x2], $0x80, v12, vm0, $0xb8;
	[tilespmem:$0x18200] =	vst v63  }
0x153: {  	_ = 	snop  }
0x154: {  	[hbm4b:s8+s3] =	stream.indirect_vreg.scatter [tilespmem:s31], [sflag:$0x2], $0x80, v12, vm0, $0xb8;
	[tilespmem:$0x18200] =	vst v63  }
0x155: {  	s2 =	simm.s32 $0x16A00  }
0x156: {  	[hbm4b:s4+s3] =	stream.indirect_vreg.scatter [tilespmem:s2], [sflag:$0x2], $0x80, v11, vm0, $0xb8;
	[tilespmem:$0x18200] =	vst v63  }
0x157: {  	s17 =	simm.s32 $0x17200  }
0x158: {  	[hbm4b:s7+s3] =	stream.indirect_vreg.scatter [tilespmem:s17], [sflag:$0x2], $0x80, v11, vm0, $0xb8;
	[tilespmem:$0x18200] =	vst v63  }
0x159: {  	s18 =	simm.s32 $0x17A00  }
0x15a: {  	[hbm4b:s8+s3] =	stream.indirect_vreg.scatter [tilespmem:s18], [sflag:$0x2], $0x80, v11, vm0, $0xb8;
	[tilespmem:$0x18200] =	vst v63  }
0x15b: {  	p0 =	sne.s32 s9, $0x1;
	_ =	swait.ge [sflag:s16], $0xC000  }
.Ltmp0:
0x15c: {  	[sflag:s16] =	ssyncset.done $0x0;
	(pc) =	sbr.rel @p0 .LBB2_1-.Ltmp0, $4  }
0x15d: {  	[sflag:s16] =	ssyncadd.s32 $0xFFFF4000  }
0x15e: {  	_ =	swait.ge [sflag:s16], $0xC000  }
0x15f: {  	[sflag:s16] =	ssyncset.done $0x0  }
0x160: {  	s9 =	sadd.s32 $0xFFFFFFFF, s9;
	[sflag:s16] =	ssyncadd.s32 $0xFFFF4000  }
0x161: {  	_ =	sfence.sel $0x180000  }
0x162: {  	[bflag:$0x0] =	sbarrier.arrive $0xFFFF  }
0x163: {  	_ =	strace $0x90000047  }
0x164: {  	s0 =	stileid.u32;
	[bflag:$0x2] =	sbarrier.arrive $0xFFFF  }
0x165: {  	p0 =	sne.s32 s0, $0x0;
	s0 =	rddreg [dreg:$0x2]  }
0x166: {  	s0 =	sadd.s32 @!p0 $0x100000, s0  }
0x167: {  	[sflag:s0] =	ssyncadd.tile.s32 @!p0 $0x1;
	_ =	shalt  }
.Lfunc_end2:
_tile_overlayer_lowered:
.L_overlay_start_2:
0x168: {  	(tag) =	ssettag $0x2  }
0x169: {  	s0 =	rddreg [dreg:$0x0];
	s2 =	stileid.u32  }
0x16a: {  	s1 =	rddreg [dreg:$0x1];
	p0 =	sne.s32 s2, $0x0  }
0x16b: {  	s3 =	rddreg [dreg:$0x2];
	[bflag:$0x3] =	sbarrier.arrive $0xFFFF;
	s2 =	simm.s32 @!p0 $0x1C03  }
0x16c: {  	[timem:s3], [sflag:s2] =	dma.local @!p0 [hbm:s0], s1  }
0x16d: {  	s0 =	simm.s32 @!p0 $0x3  }
0x16e: {  	_ =	swait.ge @!p0 [sflag:s0], s1  }
0x16f: {  	s1 =	ssub.s32 @!p0 $0x0, s1;
	[sflag:s0] =	ssyncset.done @!p0 $0x0  }
0x170: {  	[sflag:s0] =	ssyncadd.s32 @!p0 s1  }
0x171: {  	[bflag:$0x3] =	sbarrier.arrive $0xFFFF  }
0x172: {  	_ =	shalt  }

// kernel: kernel.9.cloned.1.call-start
scs
__scs_entry_jumppad:
0x0: {  	(pc) =	sbr.rel $0x88, $3  }
0x1: {  	(tag) =	ssettag $0x0;
	lr =	simm.s32 $0x1  }
0x2: {  	[smem:$0x3F9C] =	sst lr;
	_ =	strace $0xD0000000  }
0x3: {  	_ = 	snop  }
0x4: {  	_ = 	snop  }
0x5: {  	_ = 	snop  }
0x6: {  	_ = 	snop  }
0x7: {  	_ = 	snop  }
__scs_overlays_trampoline_lowered:
0x8: {  	[smem:$0x3FAB] =	sst s0  }
0x9: {  	[smem:$0x3FAC] =	sst s1  }
0xa: {  	[smem:$0x3FAD] =	sst s2  }
0xb: {  	[smem:$0x3FAE] =	sst s3  }
0xc: {  	[smem:$0x3FAF] =	sst s4  }
0xd: {  	[smem:$0x3FB0] =	sst s5  }
0xe: {  	[smem:$0x3FB1] =	sst s6  }
0xf: {  	[smem:$0x3FB2] =	sst s7  }
0x10: {  	[smem:$0x3FB3] =	sst s8  }
0x11: {  	[smem:$0x3FB4] =	sst s9;
	s0 =	simm.s32 @!p0 $0x0  }
0x12: {  	s1 =	sld [smem:$0x3F9A];
	s0 =	simm.s32 @p0 $0x1  }
0x13: {  	[smem:$0x3FB5] =	sst s0;
	s0 =	simm.s32 @!p1 $0x0  }
0x14: {  	s2 =	sld [smem:$0x3F99];
	s0 =	simm.s32 @p1 $0x1  }
0x15: {  	[smem:$0x3FB6] =	sst s0;
	s0 =	simm.s32 @!p2 $0x0  }
0x16: {  	s3 =	sld [smem:$0x3FDB];
	s0 =	simm.s32 @p2 $0x1  }
0x17: {  	s4 =	simm.s32 $0x1BF5;
	[smem:$0x3FB8] =	sst s0  }
0x18: {  	s0 =	sld [smem:$0x3F9B];
	_ =	swait.ge [sflag:s4], $0x0  }
0x19: {  	s7 =	sld [smem:$0x3F9C]  }
0x1a: {  	s8 =	sadd.s32 $0xFFFFE003, lr  }
0x1b: {  	s9 =	sadd.s32 $0xFFFFFEF7, lr;
	s5 =	simm.s32 $0xFFFFFFFF;
	p2 =	slt.u32 s8, $0xFFFFF086  }
0x1c: {  	p1 =	slt.u32 s9, $0xF7A;
	s5 =	simm.s32 @!p2 $0x0  }
0x1d: {  	s5 =	simm.s32 @p1 $0x1;
	p0 =	seq.s32 s7, s2  }
0x1e: {  	s7 =	smul.u32 @!p0 $0xF7A, s2;
	p2 =	seq.s32 @!p0 s5, $0x0  }
0x1f: {  	s9 =	smul.u32 $0xF7A, s1;
	s8 =	simm.s32 @!p0 $0x1BF5;
	p2 =	por !p2, p0  }
0x20: {  	[sflag:s8] =	ssyncset.s32 @!p0 $0xFFFFF086;
	s6 =	sadd.s32 @!p0 s3, s7;
	s7 =	simm.s32 @!p0 $0x108  }
0x21: {  	s3 =	sadd.s32 s3, s9;
	s6 =	sadd.s32 @!p0 $0x88, s6;
	s7 =	simm.s32 @p2 $0x1082  }
0x22: {  	[simem:s7], [sflag:s8] =	dma.local @!p0 [hbm:s6], $0xF7A  }
0x23: {  	s9 =	sor.u32 $0xD0000000, s2;
	s6 =	simm.s32 $0x108;
	_ =	swait.ge @!p0 [sflag:s8], $0x0  }
0x24: {  	s3 =	sadd.s32 $0x88, s3;
	s6 =	simm.s32 @!p1 $0x1082;
	[sflag:s4] =	ssyncset.s32 $0xFFFFF086  }
0x25: {  	[simem:s6], [sflag:s4] =	dma.local [hbm:s3], $0xF7A  }
0x26: {  	[smem:$0x3F9C] =	sst s1;
	(tag) =	ssettag s2;
	_ =	strace s9  }
0x27: {  	s1 =	sld [smem:$0x3FAC]  }
0x28: {  	s2 =	sld [smem:$0x3FAD]  }
0x29: {  	s4 =	sld [smem:$0x3FAF]  }
0x2a: {  	p0 =	seq.s32 s5, $0x0;
	s5 =	sld [smem:$0x3FB0]  }
0x2b: {  	s6 =	sld [smem:$0x3FB1]  }
0x2c: {  	s7 =	sld [smem:$0x3FB2]  }
0x2d: {  	s3 =	simm.s32 $0x108;
	s8 =	sld [smem:$0x3FB3]  }
0x2e: {  	s3 =	simm.s32 @!p0 $0x1082;
	s9 =	sld [smem:$0x3FB4]  }
0x2f: {  	lr =	sadd.s32 s0, s3;
	s0 =	sld [smem:$0x3FAB]  }
0x30: {  	s3 =	sld [smem:$0x3FAE]  }
0x31: {  	[smem:$0x3FB7] =	sst s10  }
0x32: {  	s10 =	sld [smem:$0x3FB5];
	_ =	sdelay $0x3  }
0x33: {  	p0 =	seq.s32 s10, $0x1;
	s10 =	sld [smem:$0x3FB7];
	_ =	sdelay $0x3  }
0x34: {  	[smem:$0x3FB7] =	sst s10  }
0x35: {  	s10 =	sld [smem:$0x3FB6];
	_ =	sdelay $0x3  }
0x36: {  	p1 =	seq.s32 s10, $0x1;
	s10 =	sld [smem:$0x3FB7];
	_ =	sdelay $0x3  }
0x37: {  	[smem:$0x3FB7] =	sst s10  }
0x38: {  	s10 =	sld [smem:$0x3FB8]  }
0x39: {  	_ = 	snop;
	(pc) =	sbr.ind lr, $3  }
0x3a: {  	_ = 	snop  }
0x3b: {  	_ = 	snop  }
0x3c: {  	p2 =	seq.s32 s10, $0x1;
	s10 =	sld [smem:$0x3FB7]  }
0x3d: {  	_ =	shalt  }
0x3e: {  	_ =	shalt  }
0x3f: {  	_ =	shalt  }
0x40: {  	_ =	shalt  }
0x41: {  	_ =	shalt  }
0x42: {  	_ =	shalt  }
0x43: {  	_ =	shalt  }
0x44: {  	_ =	shalt  }
0x45: {  	_ =	shalt  }
0x46: {  	_ =	shalt  }
0x47: {  	_ =	shalt  }
0x48: {  	_ =	shalt  }
0x49: {  	_ =	shalt  }
0x4a: {  	_ =	shalt  }
0x4b: {  	_ =	shalt  }
0x4c: {  	_ =	shalt  }
0x4d: {  	_ =	shalt  }
0x4e: {  	_ =	shalt  }
0x4f: {  	_ =	shalt  }
0x50: {  	_ =	shalt  }
0x51: {  	_ =	shalt  }
0x52: {  	_ =	shalt  }
0x53: {  	_ =	shalt  }
0x54: {  	_ =	shalt  }
0x55: {  	_ =	shalt  }
0x56: {  	_ =	shalt  }
0x57: {  	_ =	shalt  }
0x58: {  	_ =	shalt  }
0x59: {  	_ =	shalt  }
0x5a: {  	_ =	shalt  }
0x5b: {  	_ =	shalt  }
0x5c: {  	_ =	shalt  }
0x5d: {  	_ =	shalt  }
0x5e: {  	_ =	shalt  }
0x5f: {  	_ =	shalt  }
0x60: {  	_ =	shalt  }
0x61: {  	_ =	shalt  }
0x62: {  	_ =	shalt  }
0x63: {  	_ =	shalt  }
0x64: {  	_ =	shalt  }
0x65: {  	_ =	shalt  }
0x66: {  	_ =	shalt  }
0x67: {  	_ =	shalt  }
0x68: {  	_ =	shalt  }
0x69: {  	_ =	shalt  }
0x6a: {  	_ =	shalt  }
0x6b: {  	_ =	shalt  }
0x6c: {  	_ =	shalt  }
0x6d: {  	_ =	shalt  }
0x6e: {  	_ =	shalt  }
0x6f: {  	_ =	shalt  }
0x70: {  	_ =	shalt  }
0x71: {  	_ =	shalt  }
0x72: {  	_ =	shalt  }
0x73: {  	_ =	shalt  }
0x74: {  	_ =	shalt  }
0x75: {  	_ =	shalt  }
0x76: {  	_ =	shalt  }
0x77: {  	_ =	shalt  }
0x78: {  	_ =	shalt  }
0x79: {  	_ =	shalt  }
0x7a: {  	_ =	shalt  }
0x7b: {  	_ =	shalt  }
0x7c: {  	_ =	shalt  }
0x7d: {  	_ =	shalt  }
0x7e: {  	_ =	shalt  }
0x7f: {  	_ =	shalt  }
0x80: {  	_ =	shalt  }
0x81: {  	_ =	shalt  }
0x82: {  	_ =	shalt  }
0x83: {  	_ =	shalt  }
0x84: {  	_ =	shalt  }
0x85: {  	_ =	shalt  }
0x86: {  	_ =	shalt  }
0x87: {  	_ =	shalt  }
.Lfunc_end0:
.L_simem_size_0:
called_computation.1_lowered:
.L_overlay_start_0:
0x88: {  	s2 =	sld [smem:$0x3FD9]  }
0x89: {  	s3 =	sld [smem:$0x3FFE];
	_ =	sdelay $0x1  }
0x8a: {  	s1 =	srdreg.scid  }
0x8b: {  	s0 =	sand.u32 $0x1, s1  }
0x8c: {  	s17 =	sshll.u32 s0, $0xA;
	s2 =	sadd.s32 s3, s2  }
0x8d: {  	s2 =	sadd.s32 s2, s17  }
0x8e: {  	[smem:$0x3FC3] =	sst s2  }
0x8f: {  	_ = 	snop  }
0x90: {  	s2 =	sld [smem:$0x3FD0];
	(tm) =	ssettm $0x1  }
0x91: {  	s18 =	sld [smem:$0x3FFB];
	_ =	sdelay $0x3  }
0x92: {  	_ =	strace s18  }
0x93: {  	s3 =	sld [smem:$0x3FFC];
	_ =	sdelay $0x3  }
0x94: {  	_ =	strace s3  }
0x95: {  	s3 =	sld [smem:$0x3FFD];
	_ =	sdelay $0x3  }
0x96: {  	_ =	strace s3  }
0x97: {  	_ =	strace $0x8FFFFFFF  }
0x98: {  	s19 =	sld [smem:$0x3FDB];
	_ =	sdelay $0x1  }
0x99: {  	s4 =	simm.s32 $_scs_section_size  }
0x9a: {  	s5 =	simm.s32 $_size__tile_overlayer_lowered;
	s6 =	simm.s32 $_tile_overlayer_lowered  }
0x9b: {  	s22 =	simm.s32 $0x1BFF;
	s21 =	sshll.u32 s6, $0x1;
	s3 =	sadd.s32 s4, s19  }
0x9c: {  	s7 =	simm.s32 $0x0;
	s20 =	sshll.u32 s5, $0x1;
	s5 =	sadd.s32 s21, s3  }
0x9d: {  	[timem:s7], [sflag:s22] =	dma.local [hbm:s5], s20  }
0x9e: {  	_ =	swait.ge [sflag:s22], s20  }
0x9f: {  	s4 =	ssub.s32 $0x0, s20;
	[sflag:s22] =	ssyncset.done $0x0  }
0xa0: {  	[sflag:s22] =	ssyncadd.s32 s4;
	_ =	sdelay $0x1  }
0xa1: {  	s23 =	simm.s32 $0x1B8B  }
0xa2: {  	_ =	swait.ge [sflag:s23], $0x1  }
0xa3: {  	[sflag:s23] =	ssyncset.done $0x0  }
0xa4: {  	s25 =	simm.s32 $0x1B8E;
	s24 =	sld [smem:$0x3FFE];
	[sflag:s23] =	ssyncadd.s32 $0xFFFFFFFF  }
0xa5: {  	s26 =	simm.s32 $execute0_lowered;
	[smem:$0x3FD2] =	sst s25  }
0xa6: {  	s5 =	sshll.u32 s26, $0x1;
	_ =	strace $0x80000049;
	[dreg:$0x1] =	wrdreg $0xFFFFFFFF  }
0xa7: {  	s28 =	simm.s32 $_size_execute0_lowered;
	s3 =	sadd.s32 s3, s5;
	[dreg:$0x0] =	wrdreg $0x0  }
0xa8: {  	s5 =	sshll.u32 s28, $0x1;
	[dreg:$0x2] =	wrdreg s3  }
0xa9: {  	[dreg:$0x3] =	wrdreg s5  }
0xaa: {  	[dreg:$0x4] =	wrdreg $0xC0  }
0xab: {  	_ =	task [dreg:s7], $0x5FFFF  }
0xac: {  	[dreg:$0x1] =	wrdreg $0xFFFFFFFF  }
0xad: {  	[dreg:$0x0] =	wrdreg $0x60  }
0xae: {  	[dreg:$0x2] =	wrdreg s24  }
0xaf: {  	[dreg:$0x3] =	wrdreg s2  }
0xb0: {  	[dreg:$0x4] =	wrdreg $0x9  }
0xb1: {  	_ =	task.clear_ibuf [dreg:s7], $0x5FFFF;
	_ =	strace $0x90000049  }
0xb2: {  	s29 =	simm.s32 $0x9;
	_ =	strace $0x8000004B  }
0xb3: {  	_ =	swait.ge [sflag:s29], $0x1  }
0xb4: {  	[sflag:s29] =	ssyncadd.s32 $0xFFFFFFFF  }
0xb5: {  	_ =	strace $0x9000004B  }
0xb6: {  	_ =	sfence  }
0xb7: {  	s30 =	sld [smem:$0x0];
	_ =	sdelay $0x2  }
0xb8: {  	s31 =	sshll.u32 s1, $0xD;
	s1 =	sshrl.u32 s1, $0x2  }
0xb9: {  	s3 =	sand.u32 $0x4000, s31;
	s1 =	sadd.s32 s1, s30  }
0xba: {  	s0 =	sor.u32 s3, s0;
	s1 =	sshll.u32 s1, $0x11  }
0xbb: {  	s0 =	sor.u32 s1, s0  }
0xbc: {  	s0 =	sadd.s32 $0x8F2B, s0  }
0xbd: {  	[sflag:s0] =	ssyncadd.remote.s32 $0x1  }
0xbe: {  	_ =	sfence.sel $0xFFFF  }
0xbf: {  	[dreg:$0x0] =	wrdreg $0xFFFFFFFF;
	(pc) =	sbr.abs _section_cstart, $3  }
0xc0: {  	[dreg:$0x1] =	wrdreg $0xFFFFFFFF  }
0xc1: {  	_ =	task.clear_ibuf [dreg:s7], $0x2FFFF;
	_ =	strace $0x9FFFFFFF  }
0xc2: {  	(tm) =	ssettm $0x7FFFFFFF  }
0xc3: {  	_ =	shalt  }
tec
execute0_lowered:
.L_overlay_start_1:
0x0: {  	(tag) =	ssettag $0x1  }
0x1: {  	s0 =	rddreg [dreg:$0x0]  }
0x2: {  	s1 =	rddreg [dreg:$0x1];
	s2 =	simm.s32 $0x0;
	s3 =	srdreg.scid  }
0x3: {  	s5 =	stileid.u32;
	s19 =	simm.s32 $0xA00;
	s18 =	simm.s32 $0xCA00  }
0x4: {  	s28 =	simm.s32 $0x17200;
	s29 =	simm.s32 $0x17A00;
	s30 =	simm.s32 $0x18200  }
0x5: {  	s31 =	simm.s32 $0x1;
	s4 =	sand.u32 $0x1, s3;
	s3 =	sadd.s32 $0x122600, s0  }
0x6: {  	[smem:$0x7FF] =	sst s2;
	s11 =	sadd.s32 $0x400, s0;
	s13 =	sadd.s32 $0x120600, s0  }
0x7: {  	s5 =	sshll.u32 s5, $0x1;
	s8 =	sadd.s32 $0x122700, s0;
	s9 =	sadd.s32 $0x122800, s0  }
0x8: {  	_ =	strace $0x8000004A;
	s12 =	sor.u32 s4, s5;
	s4 =	ssub.s32 $0x2, s4  }
0x9: {  	s14 =	sshll.u32 s12, $0x6;
	s22 =	sshrl.u32 s4, $0x1;
	s6 =	sshll.u32 s12, $0x3  }
0xa: {  	s24 =	sshll.u32 s12, $0x7;
	s17 =	smul.u32 $0x1800, s12;
	s7 =	sor.u32 $0x800, s14  }
0xb: {  	s16 =	ssub.s32 s4, s22;
	s4 =	sadd.s32 s11, s6;
	s6 =	sadd.s32 s13, s24  }
0xc: {  	s15 =	sor.u32 $0x20, s14;
	s14 =	sor.u32 $0x820, s14;
	s23 =	sshrl.u32 s7, $0x3  }
0xd: {  	s7 =	sshll.u32 s7, $0x1;
	s25 =	sshrl.u32 s15, $0x3;
	s26 =	sshrl.u32 s14, $0x3  }
0xe: {  	s15 =	sshll.u32 s15, $0x1;
	s14 =	sshll.u32 s14, $0x1;
	s16 =	smax.u32 s16, $0x1  }
0xf: {  	s5 =	sadd.s32 s11, s23;
	s7 =	sadd.s32 s13, s7;
	s10 =	sadd.s32 s11, s25  }
0x10: {  	v2 =	vlaneseq.u32;
	s0 =	smul.u32 $0x300, s25;
	s11 =	sadd.s32 s11, s26;
	s12 =	sadd.s32 s13, s15  }
0x11: {  	vm0 =	vmmov $0xffff;
	v1 =	vshrl.u32 v2, $0x3;
	s13 =	sadd.s32 s13, s14;
	s14 =	sadd.s32 s1, s17;
	s17 =	simm.s32 $0x2  }
0x12: {  	v0 =	vand.u32 $0x7, v2;
	v2 =	vor.u32 $0x8, v2;
	v1 =	vmul.u32 $0x8, v1;
	s26 =	simm.s32 $0x16A00;
	s15 =	sadd.s32 s1, s0;
	s0 =	simm.s32 $0x0  }
.LBB2_1:
0x13: {  	[tilespmem:s2], [sflag:$0x2] =	stream.linear.gather [hbm4b:s4+s2], $0x20, $0x38;
	[tilespmem:$0x18A00] =	vst v63  }
0x14: {  	_ =	swait.ge [sflag:s17], $0x20  }
0x15: {  	[sflag:s17] =	ssyncset.done $0x0  }
0x16: {  	s1 =	simm.s32 $0x80;
	[sflag:s17] =	ssyncadd.s32 $0xFFFFFFE0  }
0x17: {  	[tilespmem:s1], [sflag:$0x2] =	stream.linear.gather [hbm4b:s5+s2], $0x20, $0x38;
	[tilespmem:$0x18A00] =	vst v63  }
0x18: {  	_ =	swait.ge [sflag:s17], $0x20  }
0x19: {  	[sflag:s17] =	ssyncset.done $0x0  }
0x1a: {  	s1 =	simm.s32 $0x200;
	[sflag:s17] =	ssyncadd.s32 $0xFFFFFFE0  }
0x1b: {  	[tilespmem:s1], [sflag:$0x2] =	stream.linear.gather [hbm4b:s6+s2], $0x200, $0x38;
	[tilespmem:$0x18A00] =	vst v63  }
0x1c: {  	_ =	swait.ge [sflag:s17], $0x200  }
0x1d: {  	[sflag:s17] =	ssyncset.done $0x0  }
0x1e: {  	s20 =	simm.s32 $0x400;
	[sflag:s17] =	ssyncadd.s32 $0xFFFFFE00  }
0x1f: {  	[tilespmem:s20], [sflag:$0x2] =	stream.linear.gather [hbm4b:s7+s2], $0x200, $0x38;
	[tilespmem:$0x18A00] =	vst v63  }
0x20: {  	_ =	swait.ge [sflag:s17], $0x200  }
0x21: {  	[sflag:s17] =	ssyncset.done $0x0  }
0x22: {  	[sflag:s17] =	ssyncadd.s32 $0xFFFFFE00  }
0x23: {  	v3 =	vld [tilespmem:$0x0];
	_ =	sdelay $0x4  }
0x24: {  	v4 =	vshrl.u32 v3, $0x3  }
0x25: {  	v4 =	vmul.u32 $0x30, v4  }
0x26: {  	v3 =	vand.u32 $0x7, v3  }
0x27: {  	v3 =	vor.u32 v3, v4  }
0x28: {  	v4 =	vperm.xlane v3, v0;
	_ =	sdelay $0x1  }
0x29: {  	v4 =	vadd.s32 v1, v4;
	_ =	sdelay $0x3  }
0x2a: {  	v3 =	vperm.xlane v3, v2  }
0x2b: {  	[tilespmem:s19], [sflag:$0x1] =	stream.indirect_vreg.gather [hbm4b:s3+s2], $0x80, v4, vm0, $0xb8;
	[tilespmem:$0x18A00] =	vst v63  }
0x2c: {  	s21 =	simm.s32 $0x1200;
	v3 =	vadd.s32 v1, v3  }
0x2d: {  	[tilespmem:s21], [sflag:$0x1] =	stream.indirect_vreg.gather [hbm4b:s8+s2], $0x80, v4, vm0, $0xb8;
	[tilespmem:$0x18A00] =	vst v63  }
0x2e: {  	s23 =	simm.s32 $0x1A00  }
0x2f: {  	[tilespmem:s23], [sflag:$0x1] =	stream.indirect_vreg.gather [hbm4b:s9+s2], $0x80, v4, vm0, $0xb8;
	[tilespmem:$0x18A00] =	vst v63  }
0x30: {  	s24 =	simm.s32 $0x2200  }
0x31: {  	[tilespmem:s24], [sflag:$0x1] =	stream.indirect_vreg.gather [hbm4b:s3+s2], $0x80, v3, vm0, $0xb8;
	[tilespmem:$0x18A00] =	vst v63  }
0x32: {  	s25 =	simm.s32 $0x2A00  }
0x33: {  	[tilespmem:s25], [sflag:$0x1] =	stream.indirect_vreg.gather [hbm4b:s8+s2], $0x80, v3, vm0, $0xb8;
	[tilespmem:$0x18A00] =	vst v63  }
0x34: {  	s22 =	simm.s32 $0x3200  }
0x35: {  	[tilespmem:s22], [sflag:$0x1] =	stream.indirect_vreg.gather [hbm4b:s9+s2], $0x80, v3, vm0, $0xb8;
	[tilespmem:$0x18A00] =	vst v63  }
0x36: {  	v3 =	vld [tilespmem:$0x10];
	_ =	sdelay $0x4  }
0x37: {  	v4 =	vshrl.u32 v3, $0x3  }
0x38: {  	v4 =	vmul.u32 $0x30, v4  }
0x39: {  	v3 =	vand.u32 $0x7, v3  }
0x3a: {  	v3 =	vor.u32 v3, v4  }
0x3b: {  	v4 =	vperm.xlane v3, v0;
	_ =	sdelay $0x1  }
0x3c: {  	v4 =	vadd.s32 v1, v4;
	_ =	sdelay $0x3  }
0x3d: {  	s23 =	simm.s32 $0x3A00;
	v3 =	vperm.xlane v3, v2  }
0x3e: {  	[tilespmem:s23], [sflag:$0x1] =	stream.indirect_vreg.gather [hbm4b:s3+s2], $0x80, v4, vm0, $0xb8;
	[tilespmem:$0x18A00] =	vst v63  }
0x3f: {  	s24 =	simm.s32 $0x4200;
	v3 =	vadd.s32 v1, v3  }
0x40: {  	[tilespmem:s24], [sflag:$0x1] =	stream.indirect_vreg.gather [hbm4b:s8+s2], $0x80, v4, vm0, $0xb8;
	[tilespmem:$0x18A00] =	vst v63  }
0x41: {  	s25 =	simm.s32 $0x4A00  }
0x42: {  	[tilespmem:s25], [sflag:$0x1] =	stream.indirect_vreg.gather [hbm4b:s9+s2], $0x80, v4, vm0, $0xb8;
	[tilespmem:$0x18A00] =	vst v63  }
0x43: {  	s22 =	simm.s32 $0x5200  }
0x44: {  	[tilespmem:s22], [sflag:$0x1] =	stream.indirect_vreg.gather [hbm4b:s3+s2], $0x80, v3, vm0, $0xb8;
	[tilespmem:$0x18A00] =	vst v63  }
0x45: {  	s23 =	simm.s32 $0x5A00  }
0x46: {  	[tilespmem:s23], [sflag:$0x1] =	stream.indirect_vreg.gather [hbm4b:s8+s2], $0x80, v3, vm0, $0xb8;
	[tilespmem:$0x18A00] =	vst v63  }
0x47: {  	s24 =	simm.s32 $0x6200  }
0x48: {  	[tilespmem:s24], [sflag:$0x1] =	stream.indirect_vreg.gather [hbm4b:s9+s2], $0x80, v3, vm0, $0xb8;
	[tilespmem:$0x18A00] =	vst v63  }
0x49: {  	v3 =	vld [tilespmem:$0x80];
	_ =	sdelay $0x4  }
0x4a: {  	v4 =	vshrl.u32 v3, $0x3  }
0x4b: {  	v4 =	vmul.u32 $0x30, v4  }
0x4c: {  	v3 =	vand.u32 $0x7, v3  }
0x4d: {  	v3 =	vor.u32 v3, v4  }
0x4e: {  	v4 =	vperm.xlane v3, v0;
	_ =	sdelay $0x1  }
0x4f: {  	v4 =	vadd.s32 v1, v4;
	_ =	sdelay $0x3  }
0x50: {  	s25 =	simm.s32 $0x6A00;
	v3 =	vperm.xlane v3, v2  }
0x51: {  	[tilespmem:s25], [sflag:$0x1] =	stream.indirect_vreg.gather [hbm4b:s3+s2], $0x80, v4, vm0, $0xb8;
	[tilespmem:$0x18A00] =	vst v63  }
0x52: {  	s22 =	simm.s32 $0x7200;
	v3 =	vadd.s32 v1, v3  }
0x53: {  	[tilespmem:s22], [sflag:$0x1] =	stream.indirect_vreg.gather [hbm4b:s8+s2], $0x80, v4, vm0, $0xb8;
	[tilespmem:$0x18A00] =	vst v63  }
0x54: {  	s23 =	simm.s32 $0x7A00  }
0x55: {  	[tilespmem:s23], [sflag:$0x1] =	stream.indirect_vreg.gather [hbm4b:s9+s2], $0x80, v4, vm0, $0xb8;
	[tilespmem:$0x18A00] =	vst v63  }
0x56: {  	s24 =	simm.s32 $0x8200  }
0x57: {  	[tilespmem:s24], [sflag:$0x1] =	stream.indirect_vreg.gather [hbm4b:s3+s2], $0x80, v3, vm0, $0xb8;
	[tilespmem:$0x18A00] =	vst v63  }
0x58: {  	s25 =	simm.s32 $0x8A00  }
0x59: {  	[tilespmem:s25], [sflag:$0x1] =	stream.indirect_vreg.gather [hbm4b:s8+s2], $0x80, v3, vm0, $0xb8;
	[tilespmem:$0x18A00] =	vst v63  }
0x5a: {  	s22 =	simm.s32 $0x9200  }
0x5b: {  	[tilespmem:s22], [sflag:$0x1] =	stream.indirect_vreg.gather [hbm4b:s9+s2], $0x80, v3, vm0, $0xb8;
	[tilespmem:$0x18A00] =	vst v63  }
0x5c: {  	v3 =	vld [tilespmem:$0x90];
	_ =	sdelay $0x4  }
0x5d: {  	v4 =	vshrl.u32 v3, $0x3  }
0x5e: {  	v4 =	vmul.u32 $0x30, v4  }
0x5f: {  	v3 =	vand.u32 $0x7, v3  }
0x60: {  	v3 =	vor.u32 v3, v4  }
0x61: {  	v4 =	vperm.xlane v3, v0;
	_ =	sdelay $0x1  }
0x62: {  	v4 =	vadd.s32 v1, v4;
	_ =	sdelay $0x3  }
0x63: {  	s23 =	simm.s32 $0x9A00;
	v3 =	vperm.xlane v3, v2  }
0x64: {  	[tilespmem:s23], [sflag:$0x1] =	stream.indirect_vreg.gather [hbm4b:s3+s2], $0x80, v4, vm0, $0xb8;
	[tilespmem:$0x18A00] =	vst v63  }
0x65: {  	s24 =	simm.s32 $0xA200;
	v3 =	vadd.s32 v1, v3  }
0x66: {  	[tilespmem:s24], [sflag:$0x1] =	stream.indirect_vreg.gather [hbm4b:s8+s2], $0x80, v4, vm0, $0xb8;
	[tilespmem:$0x18A00] =	vst v63  }
0x67: {  	s25 =	simm.s32 $0xAA00  }
0x68: {  	[tilespmem:s25], [sflag:$0x1] =	stream.indirect_vreg.gather [hbm4b:s9+s2], $0x80, v4, vm0, $0xb8;
	[tilespmem:$0x18A00] =	vst v63  }
0x69: {  	s22 =	simm.s32 $0xB200  }
0x6a: {  	[tilespmem:s22], [sflag:$0x1] =	stream.indirect_vreg.gather [hbm4b:s3+s2], $0x80, v3, vm0, $0xb8;
	[tilespmem:$0x18A00] =	vst v63  }
0x6b: {  	s23 =	simm.s32 $0xBA00  }
0x6c: {  	[tilespmem:s23], [sflag:$0x1] =	stream.indirect_vreg.gather [hbm4b:s8+s2], $0x80, v3, vm0, $0xb8;
	[tilespmem:$0x18A00] =	vst v63  }
0x6d: {  	s24 =	simm.s32 $0xC200  }
0x6e: {  	[tilespmem:s24], [sflag:$0x1] =	stream.indirect_vreg.gather [hbm4b:s9+s2], $0x80, v3, vm0, $0xb8;
	[tilespmem:$0x18A00] =	vst v63  }
0x6f: {  	s25 =	simm.s32 $0x100  }
0x70: {  	[tilespmem:s25], [sflag:$0x2] =	stream.linear.gather [hbm4b:s10+s2], $0x20, $0x38;
	[tilespmem:$0x18A00] =	vst v63  }
0x71: {  	_ =	swait.ge [sflag:s17], $0x20  }
0x72: {  	[sflag:s17] =	ssyncset.done $0x0  }
0x73: {  	s22 =	simm.s32 $0x180;
	[sflag:s17] =	ssyncadd.s32 $0xFFFFFFE0  }
0x74: {  	[tilespmem:s22], [sflag:$0x2] =	stream.linear.gather [hbm4b:s11+s2], $0x20, $0x38;
	[tilespmem:$0x18A00] =	vst v63  }
0x75: {  	_ =	swait.ge [sflag:s17], $0x20  }
0x76: {  	[sflag:s17] =	ssyncset.done $0x0  }
0x77: {  	s23 =	simm.s32 $0x600;
	[sflag:s17] =	ssyncadd.s32 $0xFFFFFFE0  }
0x78: {  	[tilespmem:s23], [sflag:$0x2] =	stream.linear.gather [hbm4b:s12+s2], $0x200, $0x38;
	[tilespmem:$0x18A00] =	vst v63  }
0x79: {  	_ =	swait.ge [sflag:s17], $0x200  }
0x7a: {  	[sflag:s17] =	ssyncset.done $0x0  }
0x7b: {  	s24 =	simm.s32 $0x800;
	[sflag:s17] =	ssyncadd.s32 $0xFFFFFE00  }
0x7c: {  	[tilespmem:s24], [sflag:$0x2] =	stream.linear.gather [hbm4b:s13+s2], $0x200, $0x38;
	[tilespmem:$0x18A00] =	vst v63  }
0x7d: {  	_ =	swait.ge [sflag:s17], $0x200  }
0x7e: {  	[sflag:s17] =	ssyncset.done $0x0  }
0x7f: {  	[sflag:s17] =	ssyncadd.s32 $0xFFFFFE00  }
0x80: {  	v3 =	vld [tilespmem:$0x100];
	_ =	sdelay $0x4  }
0x81: {  	v4 =	vshrl.u32 v3, $0x3  }
0x82: {  	v4 =	vmul.u32 $0x30, v4  }
0x83: {  	v3 =	vand.u32 $0x7, v3  }
0x84: {  	v3 =	vor.u32 v3, v4  }
0x85: {  	v4 =	vperm.xlane v3, v0;
	_ =	sdelay $0x1  }
0x86: {  	v4 =	vadd.s32 v1, v4;
	_ =	sdelay $0x3  }
0x87: {  	v3 =	vperm.xlane v3, v2  }
0x88: {  	[tilespmem:s18], [sflag:$0x1] =	stream.indirect_vreg.gather [hbm4b:s3+s2], $0x80, v4, vm0, $0xb8;
	[tilespmem:$0x18A00] =	vst v63  }
0x89: {  	s25 =	simm.s32 $0xD200;
	v3 =	vadd.s32 v1, v3  }
0x8a: {  	[tilespmem:s25], [sflag:$0x1] =	stream.indirect_vreg.gather [hbm4b:s8+s2], $0x80, v4, vm0, $0xb8;
	[tilespmem:$0x18A00] =	vst v63  }
0x8b: {  	s22 =	simm.s32 $0xDA00  }
0x8c: {  	[tilespmem:s22], [sflag:$0x1] =	stream.indirect_vreg.gather [hbm4b:s9+s2], $0x80, v4, vm0, $0xb8;
	[tilespmem:$0x18A00] =	vst v63  }
0x8d: {  	s23 =	simm.s32 $0xE200  }
0x8e: {  	[tilespmem:s23], [sflag:$0x1] =	stream.indirect_vreg.gather [hbm4b:s3+s2], $0x80, v3, vm0, $0xb8;
	[tilespmem:$0x18A00] =	vst v63  }
0x8f: {  	s24 =	simm.s32 $0xEA00  }
0x90: {  	[tilespmem:s24], [sflag:$0x1] =	stream.indirect_vreg.gather [hbm4b:s8+s2], $0x80, v3, vm0, $0xb8;
	[tilespmem:$0x18A00] =	vst v63  }
0x91: {  	s25 =	simm.s32 $0xF200  }
0x92: {  	[tilespmem:s25], [sflag:$0x1] =	stream.indirect_vreg.gather [hbm4b:s9+s2], $0x80, v3, vm0, $0xb8;
	[tilespmem:$0x18A00] =	vst v63  }
0x93: {  	v3 =	vld [tilespmem:$0x110];
	_ =	sdelay $0x4  }
0x94: {  	v4 =	vshrl.u32 v3, $0x3  }
0x95: {  	v4 =	vmul.u32 $0x30, v4  }
0x96: {  	v3 =	vand.u32 $0x7, v3  }
0x97: {  	v3 =	vor.u32 v3, v4  }
0x98: {  	v4 =	vperm.xlane v3, v0;
	_ =	sdelay $0x1  }
0x99: {  	v4 =	vadd.s32 v1, v4;
	_ =	sdelay $0x3  }
0x9a: {  	s22 =	simm.s32 $0xFA00;
	v3 =	vperm.xlane v3, v2  }
0x9b: {  	[tilespmem:s22], [sflag:$0x1] =	stream.indirect_vreg.gather [hbm4b:s3+s2], $0x80, v4, vm0, $0xb8;
	[tilespmem:$0x18A00] =	vst v63  }
0x9c: {  	s23 =	simm.s32 $0x10200;
	v3 =	vadd.s32 v1, v3  }
0x9d: {  	[tilespmem:s23], [sflag:$0x1] =	stream.indirect_vreg.gather [hbm4b:s8+s2], $0x80, v4, vm0, $0xb8;
	[tilespmem:$0x18A00] =	vst v63  }
0x9e: {  	s24 =	simm.s32 $0x10A00  }
0x9f: {  	[tilespmem:s24], [sflag:$0x1] =	stream.indirect_vreg.gather [hbm4b:s9+s2], $0x80, v4, vm0, $0xb8;
	[tilespmem:$0x18A00] =	vst v63  }
0xa0: {  	s25 =	simm.s32 $0x11200  }
0xa1: {  	[tilespmem:s25], [sflag:$0x1] =	stream.indirect_vreg.gather [hbm4b:s3+s2], $0x80, v3, vm0, $0xb8;
	[tilespmem:$0x18A00] =	vst v63  }
0xa2: {  	s22 =	simm.s32 $0x11A00  }
0xa3: {  	[tilespmem:s22], [sflag:$0x1] =	stream.indirect_vreg.gather [hbm4b:s8+s2], $0x80, v3, vm0, $0xb8;
	[tilespmem:$0x18A00] =	vst v63  }
0xa4: {  	s23 =	simm.s32 $0x12200  }
0xa5: {  	[tilespmem:s23], [sflag:$0x1] =	stream.indirect_vreg.gather [hbm4b:s9+s2], $0x80, v3, vm0, $0xb8;
	[tilespmem:$0x18A00] =	vst v63  }
0xa6: {  	v3 =	vld [tilespmem:$0x180];
	_ =	sdelay $0x4  }
0xa7: {  	v4 =	vshrl.u32 v3, $0x3  }
0xa8: {  	v4 =	vmul.u32 $0x30, v4  }
0xa9: {  	v3 =	vand.u32 $0x7, v3  }
0xaa: {  	v3 =	vor.u32 v3, v4  }
0xab: {  	v4 =	vperm.xlane v3, v0;
	_ =	sdelay $0x1  }
0xac: {  	v4 =	vadd.s32 v1, v4;
	_ =	sdelay $0x3  }
0xad: {  	s24 =	simm.s32 $0x12A00;
	v3 =	vperm.xlane v3, v2  }
0xae: {  	[tilespmem:s24], [sflag:$0x1] =	stream.indirect_vreg.gather [hbm4b:s3+s2], $0x80, v4, vm0, $0xb8;
	[tilespmem:$0x18A00] =	vst v63  }
0xaf: {  	s25 =	simm.s32 $0x13200;
	v3 =	vadd.s32 v1, v3  }
0xb0: {  	[tilespmem:s25], [sflag:$0x1] =	stream.indirect_vreg.gather [hbm4b:s8+s2], $0x80, v4, vm0, $0xb8;
	[tilespmem:$0x18A00] =	vst v63  }
0xb1: {  	s22 =	simm.s32 $0x13A00  }
0xb2: {  	[tilespmem:s22], [sflag:$0x1] =	stream.indirect_vreg.gather [hbm4b:s9+s2], $0x80, v4, vm0, $0xb8;
	[tilespmem:$0x18A00] =	vst v63  }
0xb3: {  	s23 =	simm.s32 $0x14200  }
0xb4: {  	[tilespmem:s23], [sflag:$0x1] =	stream.indirect_vreg.gather [hbm4b:s3+s2], $0x80, v3, vm0, $0xb8;
	[tilespmem:$0x18A00] =	vst v63  }
0xb5: {  	s24 =	simm.s32 $0x14A00  }
0xb6: {  	[tilespmem:s24], [sflag:$0x1] =	stream.indirect_vreg.gather [hbm4b:s8+s2], $0x80, v3, vm0, $0xb8;
	[tilespmem:$0x18A00] =	vst v63  }
0xb7: {  	s25 =	simm.s32 $0x15200  }
0xb8: {  	[tilespmem:s25], [sflag:$0x1] =	stream.indirect_vreg.gather [hbm4b:s9+s2], $0x80, v3, vm0, $0xb8;
	[tilespmem:$0x18A00] =	vst v63  }
0xb9: {  	v3 =	vld [tilespmem:$0x190];
	_ =	sdelay $0x4  }
0xba: {  	v4 =	vshrl.u32 v3, $0x3  }
0xbb: {  	v4 =	vmul.u32 $0x30, v4  }
0xbc: {  	v3 =	vand.u32 $0x7, v3  }
0xbd: {  	v3 =	vor.u32 v3, v4  }
0xbe: {  	v4 =	vperm.xlane v3, v0;
	_ =	sdelay $0x1  }
0xbf: {  	v4 =	vadd.s32 v1, v4;
	_ =	sdelay $0x3  }
0xc0: {  	s22 =	simm.s32 $0x15A00;
	v3 =	vperm.xlane v3, v2  }
0xc1: {  	[tilespmem:s22], [sflag:$0x1] =	stream.indirect_vreg.gather [hbm4b:s3+s2], $0x80, v4, vm0, $0xb8;
	[tilespmem:$0x18A00] =	vst v63  }
0xc2: {  	s23 =	simm.s32 $0x16200;
	v3 =	vadd.s32 v1, v3  }
0xc3: {  	[tilespmem:s23], [sflag:$0x1] =	stream.indirect_vreg.gather [hbm4b:s8+s2], $0x80, v4, vm0, $0xb8;
	[tilespmem:$0x18A00] =	vst v63  }
0xc4: {  	_ = 	snop  }
0xc5: {  	[tilespmem:s26], [sflag:$0x1] =	stream.indirect_vreg.gather [hbm4b:s9+s2], $0x80, v4, vm0, $0xb8;
	[tilespmem:$0x18A00] =	vst v63  }
0xc6: {  	_ = 	snop  }
0xc7: {  	[tilespmem:s28], [sflag:$0x1] =	stream.indirect_vreg.gather [hbm4b:s3+s2], $0x80, v3, vm0, $0xb8;
	[tilespmem:$0x18A00] =	vst v63  }
0xc8: {  	_ = 	snop  }
0xc9: {  	[tilespmem:s29], [sflag:$0x1] =	stream.indirect_vreg.gather [hbm4b:s8+s2], $0x80, v3, vm0, $0xb8;
	[tilespmem:$0x18A00] =	vst v63  }
0xca: {  	_ = 	snop  }
0xcb: {  	[tilespmem:s30], [sflag:$0x1] =	stream.indirect_vreg.gather [hbm4b:s9+s2], $0x80, v3, vm0, $0xb8;
	[tilespmem:$0x18A00] =	vst v63  }
0xcc: {  	_ =	swait.ge [sflag:s31], $0x6000  }
0xcd: {  	[sflag:s31] =	ssyncset.done $0x0  }
0xce: {  	s24 =	simm.s32 $0x0;
	[sflag:s31] =	ssyncadd.s32 $0xFFFFA000  }
0xcf: {  	s21 =	smul.u32 $0x1800, s24;
	_ =	swait.ge [sflag:s31], $0x6000  }
0xd0: {  	s22 =	sand.u32 $0x380, s2;
	[sflag:s31] =	ssyncset.done $0x0  }
0xd1: {  	s23 =	sor.u32 s22, s21;
	[sflag:s31] =	ssyncadd.s32 $0xFFFFA000  }
0xd2: {  	v4 =	vld [tilespmem:s23+$0xA10]  }
0xd3: {  	v3 =	vld [tilespmem:s23+$0x6A10]  }
0xd4: {  	v6 =	vld [tilespmem:s23+$0xA20]  }
0xd5: {  	v5 =	vld [tilespmem:s23+$0x6A20]  }
0xd6: {  	v10 =	vld [tilespmem:s23+$0xA30]  }
0xd7: {  	v9 =	vld [tilespmem:s23+$0x6A30]  }
0xd8: {  	v12 =	vld [tilespmem:s23+$0xA40]  }
0xd9: {  	v11 =	vld [tilespmem:s23+$0x6A40]  }
0xda: {  	v13 =	vld [tilespmem:s23+$0xA60]  }
0xdb: {  	v14 =	vld [tilespmem:s23+$0xA70]  }
0xdc: {  	v15 =	vld [tilespmem:s23+$0xE00]  }
0xdd: {  	v16 =	vld [tilespmem:s23+$0xE10]  }
0xde: {  	v17 =	vld [tilespmem:s23+$0xE20]  }
0xdf: {  	v18 =	vld [tilespmem:s23+$0xE30]  }
0xe0: {  	v19 =	vld [tilespmem:s23+$0xE40]  }
0xe1: {  	v20 =	vld [tilespmem:s23+$0xE50]  }
0xe2: {  	v21 =	vld [tilespmem:s23+$0xE60]  }
0xe3: {  	v22 =	vld [tilespmem:s23+$0xE70]  }
0xe4: {  	v23 =	vld [tilespmem:s23+$0x1200]  }
0xe5: {  	v24 =	vld [tilespmem:s23+$0x1210]  }
0xe6: {  	v25 =	vld [tilespmem:s23+$0x1220]  }
0xe7: {  	v26 =	vld [tilespmem:s23+$0x1230]  }
0xe8: {  	v27 =	vld [tilespmem:s23+$0x1240]  }
0xe9: {  	v28 =	vld [tilespmem:s23+$0x1250]  }
0xea: {  	v29 =	vld [tilespmem:s23+$0x1260]  }
0xeb: {  	v30 =	vld [tilespmem:s23+$0x1270]  }
0xec: {  	v31 =	vld [tilespmem:s23+$0x1600]  }
0xed: {  	v32 =	vld [tilespmem:s23+$0x1610]  }
0xee: {  	v33 =	vld [tilespmem:s23+$0x1620]  }
0xef: {  	v34 =	vld [tilespmem:s23+$0x1630]  }
0xf0: {  	v35 =	vld [tilespmem:s23+$0x1640]  }
0xf1: {  	v36 =	vld [tilespmem:s23+$0x1650]  }
0xf2: {  	v37 =	vld [tilespmem:s23+$0x1660]  }
0xf3: {  	v38 =	vld [tilespmem:s23+$0x1670]  }
0xf4: {  	v39 =	vld [tilespmem:s23+$0x1A00]  }
0xf5: {  	v40 =	vld [tilespmem:s23+$0x1A10]  }
0xf6: {  	v41 =	vld [tilespmem:s23+$0x1A20]  }
0xf7: {  	v42 =	vld [tilespmem:s23+$0x1A30]  }
0xf8: {  	v43 =	vld [tilespmem:s23+$0x1A40]  }
0xf9: {  	v44 =	vld [tilespmem:s23+$0x1A50]  }
0xfa: {  	v45 =	vld [tilespmem:s23+$0x1A60]  }
0xfb: {  	v46 =	vld [tilespmem:s23+$0x1E00]  }
0xfc: {  	v47 =	vld [tilespmem:s23+$0x1E10]  }
0xfd: {  	v48 =	vld [tilespmem:s23+$0x7E10]  }
0xfe: {  	v49 =	vld [tilespmem:s23+$0x7E30]  }
0xff: {  	v50 =	vld [tilespmem:s23+$0x1E30]  }
0x100: {  	v51 =	vld [tilespmem:s23+$0x1E20]  }
0x101: {  	v7 =	vld [tilespmem:s1+$0x0]  }
0x102: {  	v8 =	vld [tilespmem:s20+$0x0]  }
0x103: {  	v52 =	vld [tilespmem:s23+$0x7E20]  }
0x104: {  	v53 =	vld [tilespmem:s23+$0x7E00]  }
0x105: {  	v54 =	vld [tilespmem:s23+$0x1A70]  }
0x106: {  	v55 =	vld [tilespmem:s23+$0x7A70];
	v50 =	vmul.f32 v50, v7  }
0x107: {  	v56 =	vld [tilespmem:s23+$0x7A60];
	v49 =	vmul.f32 v49, v8;
	v51 =	vmul.f32 v51, v7  }
0x108: {  	v57 =	vld [tilespmem:s23+$0x7A50];
	v52 =	vmul.f32 v52, v8;
	v47 =	vmul.f32 v47, v7  }
0x109: {  	v61 =	vld [tilespmem:s23+$0x7A00];
	v48 =	vmul.f32 v48, v8;
	v46 =	vmul.f32 v46, v7  }
0x10a: {  	v58 =	vld [tilespmem:s23+$0x7A40];
	v62 =	vmul.f32 v53, v8;
	v63 =	vmul.f32 v54, v7;
	v49 =	vadd.f32 v49, v50  }
0x10b: {  	v53 =	vld [tilespmem:s23+$0x7A30];
	v59 =	vmul.f32 v55, v8;
	v45 =	vmul.f32 v45, v7;
	v51 =	vadd.f32 v52, v51  }
0x10c: {  	v60 =	vmul.f32 v56, v8;
	v44 =	vmul.f32 v44, v7;
	v56 =	vld [tilespmem:s23+$0x7660];
	v47 =	vadd.f32 v48, v47;
	[tilespmem:s23+$0x1E30] =	vst v49  }
0x10d: {  	v43 =	vmul.f32 v43, v7;
	v39 =	vmul.f32 v39, v7;
	v55 =	vld [tilespmem:s23+$0x7270];
	v46 =	vadd.f32 v62, v46;
	[tilespmem:s23+$0x1E20] =	vst v51  }
0x10e: {  	v61 =	vmul.f32 v61, v8;
	v12 =	vmul.f32 v12, v7;
	v48 =	vld [tilespmem:s23+$0x7A20];
	v52 =	vadd.f32 v59, v63;
	[tilespmem:s23+$0x1E10] =	vst v47  }
0x10f: {  	v11 =	vmul.f32 v11, v8;
	v63 =	vmul.f32 v58, v8;
	v45 =	vadd.f32 v60, v45;
	v58 =	vld [tilespmem:s23+$0x7650];
	[tilespmem:s23+$0x1E00] =	vst v46  }
0x110: {  	v42 =	vmul.f32 v42, v7;
	v62 =	vmul.f32 v57, v8;
	v59 =	vld [tilespmem:s23+$0x7640];
	v39 =	vadd.f32 v61, v39;
	[tilespmem:s23+$0x1A70] =	vst v52  }
0x111: {  	v41 =	vmul.f32 v41, v7;
	v40 =	vmul.f32 v40, v7;
	v60 =	vld [tilespmem:s23+$0x7630];
	v11 =	vadd.f32 v11, v12;
	[tilespmem:s23+$0x1A60] =	vst v45  }
0x112: {  	v38 =	vmul.f32 v38, v7;
	v61 =	vld [tilespmem:s23+$0x7210];
	v44 =	vadd.f32 v62, v44;
	[tilespmem:s23+$0x1A00] =	vst v39;
	v57 =	vmul.f32 v53, v8  }
0x113: {  	v37 =	vmul.f32 v37, v7;
	v49 =	vld [tilespmem:s23+$0x7A10];
	v43 =	vadd.f32 v63, v43;
	[tilespmem:s23+$0xA40] =	vst v11;
	v46 =	vmul.f32 v56, v8  }
0x114: {  	v36 =	vmul.f32 v36, v7;
	v47 =	vld [tilespmem:s23+$0x7670];
	[tilespmem:s23+$0x1A50] =	vst v44;
	v48 =	vmul.f32 v48, v8;
	v42 =	vadd.f32 v57, v42  }
0x115: {  	v35 =	vmul.f32 v35, v7;
	v62 =	vld [tilespmem:s23+$0x7620];
	[tilespmem:s23+$0x1A40] =	vst v43;
	v54 =	vmul.f32 v58, v8;
	v37 =	vadd.f32 v46, v37  }
0x116: {  	v34 =	vmul.f32 v34, v7;
	v63 =	vld [tilespmem:s23+$0x7610];
	v45 =	vmul.f32 v59, v8;
	v41 =	vadd.f32 v48, v41;
	[tilespmem:s23+$0x1A30] =	vst v42  }
0x117: {  	v33 =	vmul.f32 v33, v7;
	v56 =	vld [tilespmem:s23+$0x7260];
	v44 =	vmul.f32 v60, v8;
	v36 =	vadd.f32 v54, v36;
	[tilespmem:s23+$0x1660] =	vst v37  }
0x118: {  	v32 =	vmul.f32 v32, v7;
	v53 =	vld [tilespmem:s23+$0x7600];
	v49 =	vmul.f32 v49, v8;
	v35 =	vadd.f32 v45, v35;
	[tilespmem:s23+$0x1A20] =	vst v41  }
0x119: {  	v6 =	vmul.f32 v6, v7;
	v12 =	vld [tilespmem:s23+$0x1E60];
	v47 =	vmul.f32 v47, v8;
	v34 =	vadd.f32 v44, v34;
	[tilespmem:s23+$0x1650] =	vst v36  }
0x11a: {  	v5 =	vmul.f32 v5, v8;
	v58 =	vld [tilespmem:s23+$0x7240];
	v43 =	vmul.f32 v62, v8;
	v40 =	vadd.f32 v49, v40;
	[tilespmem:s23+$0x1640] =	vst v35  }
0x11b: {  	v29 =	vmul.f32 v29, v7;
	v59 =	vld [tilespmem:s23+$0x7230];
	v42 =	vmul.f32 v63, v8;
	v38 =	vadd.f32 v47, v38;
	[tilespmem:s23+$0x1630] =	vst v34  }
0x11c: {  	v5 =	vadd.f32 v5, v6;
	v6 =	vld [tilespmem:s23+$0xA00];
	v39 =	vmul.f32 v56, v8;
	v33 =	vadd.f32 v43, v33;
	[tilespmem:s23+$0x1A10] =	vst v40  }
0x11d: {  	v31 =	vmul.f32 v31, v7;
	v60 =	vld [tilespmem:s23+$0x7220];
	v41 =	vmul.f32 v53, v8;
	v32 =	vadd.f32 v42, v32;
	[tilespmem:s23+$0x1670] =	vst v38  }
0x11e: {  	v24 =	vmul.f32 v24, v7;
	v57 =	vld [tilespmem:s23+$0x7250];
	v34 =	vmul.f32 v61, v8;
	v29 =	vadd.f32 v39, v29;
	[tilespmem:s23+$0x1620] =	vst v33  }
0x11f: {  	v27 =	vmul.f32 v27, v7;
	v62 =	vld [tilespmem:s23+$0x7200];
	v37 =	vmul.f32 v58, v8;
	v31 =	vadd.f32 v41, v31;
	[tilespmem:s23+$0x1610] =	vst v32  }
0x120: {  	v26 =	vmul.f32 v26, v7;
	v63 =	vld [tilespmem:s23+$0x6E70];
	v36 =	vmul.f32 v59, v8;
	v24 =	vadd.f32 v34, v24;
	[tilespmem:s23+$0x1260] =	vst v29  }
0x121: {  	v30 =	vmul.f32 v30, v7;
	v40 =	vmul.f32 v55, v8;
	v27 =	vadd.f32 v37, v27;
	v29 =	vld [tilespmem:s23+$0x6E40];
	[tilespmem:s23+$0x1600] =	vst v31  }
0x122: {  	v25 =	vmul.f32 v25, v7;
	v35 =	vmul.f32 v60, v8;
	v26 =	vadd.f32 v36, v26;
	v31 =	vld [tilespmem:s23+$0x6E60];
	[tilespmem:s23+$0x1210] =	vst v24  }
0x123: {  	v28 =	vmul.f32 v28, v7;
	v38 =	vmul.f32 v57, v8;
	v30 =	vadd.f32 v40, v30;
	v24 =	vld [tilespmem:s23+$0x6A70];
	[tilespmem:s23+$0x1240] =	vst v27  }
0x124: {  	v23 =	vmul.f32 v23, v7;
	v33 =	vmul.f32 v62, v8;
	v25 =	vadd.f32 v35, v25;
	v27 =	vld [tilespmem:s23+$0x6E20];
	[tilespmem:s23+$0x1230] =	vst v26  }
0x125: {  	v22 =	vmul.f32 v22, v7;
	v32 =	vmul.f32 v63, v8;
	v28 =	vadd.f32 v38, v28;
	[tilespmem:s23+$0x1270] =	vst v30;
	v30 =	vld [tilespmem:s23+$0x6E50]  }
0x126: {  	v19 =	vmul.f32 v19, v7;
	v23 =	vadd.f32 v33, v23;
	[tilespmem:s23+$0x1220] =	vst v25;
	v25 =	vld [tilespmem:s23+$0x6E00];
	v29 =	vmul.f32 v29, v8  }
0x127: {  	v21 =	vmul.f32 v21, v7;
	v22 =	vadd.f32 v32, v22;
	[tilespmem:s23+$0x1250] =	vst v28;
	v28 =	vld [tilespmem:s23+$0x6E30];
	v31 =	vmul.f32 v31, v8  }
0x128: {  	v14 =	vmul.f32 v14, v7;
	[tilespmem:s23+$0x1200] =	vst v23;
	v23 =	vld [tilespmem:s23+$0x6A60];
	v24 =	vmul.f32 v24, v8;
	v19 =	vadd.f32 v29, v19  }
0x129: {  	v17 =	vmul.f32 v17, v7;
	v26 =	vld [tilespmem:s23+$0x6E10];
	[tilespmem:s23+$0xE70] =	vst v22;
	v27 =	vmul.f32 v27, v8;
	v21 =	vadd.f32 v31, v21  }
0x12a: {  	v20 =	vmul.f32 v20, v7;
	v22 =	vld [tilespmem:s23+$0xA50];
	v30 =	vmul.f32 v30, v8;
	v14 =	vadd.f32 v24, v14;
	[tilespmem:s23+$0xE40] =	vst v19  }
0x12b: {  	v15 =	vmul.f32 v15, v7;
	v25 =	vmul.f32 v25, v8;
	v17 =	vadd.f32 v27, v17;
	v19 =	vld [tilespmem:s23+$0x7E50];
	[tilespmem:s23+$0xE60] =	vst v21  }
0x12c: {  	v18 =	vmul.f32 v18, v7;
	v28 =	vmul.f32 v28, v8;
	v20 =	vadd.f32 v30, v20;
	v21 =	vld [tilespmem:s23+$0x6A50];
	[tilespmem:s23+$0xA70] =	vst v14  }
0x12d: {  	v13 =	vmul.f32 v13, v7;
	v23 =	vmul.f32 v23, v8;
	v15 =	vadd.f32 v25, v15;
	[tilespmem:s23+$0xE20] =	vst v17;
	v17 =	vld [tilespmem:s23+$0x1E40]  }
0x12e: {  	v16 =	vmul.f32 v16, v7;
	v26 =	vmul.f32 v26, v8;
	v18 =	vadd.f32 v28, v18;
	[tilespmem:s23+$0xE50] =	vst v20;
	v20 =	vld [tilespmem:s23+$0x7E40]  }
0x12f: {  	v10 =	vmul.f32 v10, v7;
	v9 =	vmul.f32 v9, v8;
	v13 =	vadd.f32 v23, v13;
	[tilespmem:s23+$0xE00] =	vst v15;
	v15 =	vld [tilespmem:s23+$0x1E50]  }
0x130: {  	v4 =	vmul.f32 v4, v7;
	v3 =	vmul.f32 v3, v8;
	v16 =	vadd.f32 v26, v16;
	[tilespmem:s23+$0xE30] =	vst v18;
	v18 =	vld [tilespmem:s23+$0x7E60]  }
0x131: {  	v9 =	vadd.f32 v9, v10;
	v10 =	vmul.f32 v22, v7;
	v14 =	vld [tilespmem:s23+$0x1E70];
	[tilespmem:s23+$0xA60] =	vst v13;
	v13 =	vmul.f32 v21, v8  }
0x132: {  	v3 =	vadd.f32 v3, v4;
	[tilespmem:s23+$0xE10] =	vst v16;
	v16 =	vld [tilespmem:s23+$0x7E70]  }
0x133: {  	s25 =	simm.s32 $0x0;
	[tilespmem:s23+$0xA30] =	vst v9;
	v9 =	vld [tilespmem:s23+$0x6A00];
	v11 =	vmul.f32 v17, v7;
	v17 =	vmul.f32 v20, v8;
	v4 =	vadd.f32 v13, v10  }
0x134: {  	s21 =	smul.u32 $0x1800, s25;
	s22 =	simm.s32 $0x80;
	[tilespmem:s23+$0xA20] =	vst v5;
	v5 =	vmul.f32 v15, v7;
	v10 =	vmul.f32 v19, v8  }
0x135: {  	s24 =	sand.u32 $0x380, s22;
	v11 =	vadd.f32 v17, v11;
	[tilespmem:s23+$0xA50] =	vst v4;
	v4 =	vmul.f32 v12, v7;
	v12 =	vmul.f32 v18, v8  }
0x136: {  	s21 =	sor.u32 s24, s21;
	[tilespmem:s23+$0xA10] =	vst v3;
	v5 =	vadd.f32 v10, v5  }
0x137: {  	v3 =	vld [tilespmem:s21+$0xA10];
	v10 =	vmul.f32 v14, v7;
	[tilespmem:s23+$0x1E40] =	vst v11;
	v11 =	vmul.f32 v16, v8;
	v12 =	vadd.f32 v12, v4  }
0x138: {  	v7 =	vmul.f32 v6, v7;
	v8 =	vmul.f32 v9, v8;
	v4 =	vld [tilespmem:s21+$0x6A10];
	[tilespmem:s23+$0x1E50] =	vst v5  }
0x139: {  	v9 =	vadd.f32 v11, v10;
	v6 =	vld [tilespmem:s21+$0xA20];
	[tilespmem:s23+$0x1E60] =	vst v12  }
0x13a: {  	v7 =	vadd.f32 v8, v7;
	v5 =	vld [tilespmem:s21+$0x6A20]  }
0x13b: {  	v8 =	vld [tilespmem:s21+$0xA30];
	[tilespmem:s23+$0x1E70] =	vst v9  }
0x13c: {  	v18 =	vld [tilespmem:s21+$0xE30];
	[tilespmem:s23+$0xA00] =	vst v7  }
0x13d: {  	v7 =	vld [tilespmem:s21+$0x6A30]  }
0x13e: {  	v10 =	vld [tilespmem:s21+$0xA40]  }
0x13f: {  	v9 =	vld [tilespmem:s21+$0x6A40]  }
0x140: {  	v12 =	vld [tilespmem:s21+$0xA50]  }
0x141: {  	v11 =	vld [tilespmem:s21+$0x6A50]  }
0x142: {  	v13 =	vld [tilespmem:s21+$0xA60]  }
0x143: {  	v14 =	vld [tilespmem:s21+$0xA70]  }
0x144: {  	v15 =	vld [tilespmem:s21+$0xE00]  }
0x145: {  	v16 =	vld [tilespmem:s21+$0xE10]  }
0x146: {  	v17 =	vld [tilespmem:s21+$0xE20]  }
0x147: {  	v19 =	vld [tilespmem:s21+$0xE40]  }
0x148: {  	v20 =	vld [tilespmem:s21+$0xE50]  }
0x149: {  	v21 =	vld [tilespmem:s21+$0xE60]  }
0x14a: {  	v22 =	vld [tilespmem:s21+$0xE70]  }
0x14b: {  	v23 =	vld [tilespmem:s21+$0x1200]  }
0x14c: {  	v24 =	vld [tilespmem:s21+$0x1210]  }
0x14d: {  	v25 =	vld [tilespmem:s21+$0x1220]  }
0x14e: {  	v26 =	vld [tilespmem:s21+$0x1230]  }
0x14f: {  	v27 =	vld [tilespmem:s21+$0x1240]  }
0x150: {  	v28 =	vld [tilespmem:s21+$0x1250]  }
0x151: {  	v29 =	vld [tilespmem:s21+$0x1260]  }
0x152: {  	v30 =	vld [tilespmem:s21+$0x1270]  }
0x153: {  	v31 =	vld [tilespmem:s21+$0x1600]  }
0x154: {  	v34 =	vld [tilespmem:s21+$0x1610]  }
0x155: {  	v35 =	vld [tilespmem:s21+$0x1620]  }
0x156: {  	v36 =	vld [tilespmem:s21+$0x1630]  }
0x157: {  	v37 =	vld [tilespmem:s21+$0x1640]  }
0x158: {  	v38 =	vld [tilespmem:s21+$0x1650]  }
0x159: {  	v39 =	vld [tilespmem:s21+$0x1660]  }
0x15a: {  	v40 =	vld [tilespmem:s21+$0x1670]  }
0x15b: {  	v41 =	vld [tilespmem:s21+$0x1A00]  }
0x15c: {  	v42 =	vld [tilespmem:s21+$0x1A10]  }
0x15d: {  	v43 =	vld [tilespmem:s21+$0x1A20]  }
0x15e: {  	v44 =	vld [tilespmem:s21+$0x1A30]  }
0x15f: {  	v45 =	vld [tilespmem:s21+$0x1A40]  }
0x160: {  	v46 =	vld [tilespmem:s21+$0x1A50]  }
0x161: {  	v47 =	vld [tilespmem:s21+$0x1A60]  }
0x162: {  	v48 =	vld [tilespmem:s21+$0x1E00]  }
0x163: {  	v50 =	vld [tilespmem:s21+$0x1E10]  }
0x164: {  	v49 =	vld [tilespmem:s21+$0x7E10]  }
0x165: {  	s23 =	simm.s32 $0x2;
	v51 =	vld [tilespmem:s21+$0x7E30]  }
.LBB2_2:
0x166: {  	p0 =	sne.s32 s23, $0x1F;
	v52 =	vld [tilespmem:s21+$0x1E30]  }
0x167: {  	s1 =	sadd.s32 $0x10, s1;
	v53 =	vld [tilespmem:s21+$0x1E20]  }
0x168: {  	s20 =	sadd.s32 $0x10, s20;
	v33 =	vld [tilespmem:s1+$0x0]  }
0x169: {  	v32 =	vld [tilespmem:s20+$0x0]  }
0x16a: {  	v54 =	vld [tilespmem:s21+$0x7E20]  }
0x16b: {  	v55 =	vld [tilespmem:s21+$0x7E00]  }
0x16c: {  	v56 =	vld [tilespmem:s21+$0x1A70]  }
0x16d: {  	v57 =	vld [tilespmem:s21+$0x7A70];
	v50 =	vmul.f32 v50, v33;
	v53 =	vmul.f32 v53, v33  }
0x16e: {  	v52 =	vmul.f32 v52, v33;
	v58 =	vld [tilespmem:s21+$0x7A60];
	v51 =	vmul.f32 v51, v32  }
0x16f: {  	v49 =	vmul.f32 v49, v32;
	v59 =	vld [tilespmem:s21+$0x7A50];
	v54 =	vmul.f32 v54, v32  }
0x170: {  	v48 =	vmul.f32 v48, v33;
	v60 =	vld [tilespmem:s21+$0x7A40];
	v55 =	vmul.f32 v55, v32;
	v51 =	vadd.f32 v51, v52  }
0x171: {  	v49 =	vadd.f32 v49, v50;
	v52 =	vld [tilespmem:s21+$0x7A30];
	v56 =	vmul.f32 v56, v33;
	v50 =	vadd.f32 v54, v53  }
0x172: {  	v47 =	vmul.f32 v47, v33;
	v53 =	vld [tilespmem:s21+$0x7A20];
	v54 =	vmul.f32 v57, v32;
	v48 =	vadd.f32 v55, v48;
	[tilespmem:s21+$0x1E30] =	vst v51  }
0x173: {  	v46 =	vmul.f32 v46, v33;
	v51 =	vld [tilespmem:s21+$0x7A10];
	v55 =	vmul.f32 v58, v32;
	[tilespmem:s21+$0x1E20] =	vst v50  }
0x174: {  	v45 =	vmul.f32 v45, v33;
	v50 =	vld [tilespmem:s21+$0x7A00];
	v57 =	vmul.f32 v59, v32;
	v54 =	vadd.f32 v54, v56;
	[tilespmem:s21+$0x1E10] =	vst v49  }
0x175: {  	v44 =	vmul.f32 v44, v33;
	v49 =	vld [tilespmem:s21+$0x7670];
	v56 =	vmul.f32 v60, v32;
	v47 =	vadd.f32 v55, v47;
	[tilespmem:s21+$0x1E00] =	vst v48  }
0x176: {  	v43 =	vmul.f32 v43, v33;
	v48 =	vld [tilespmem:s21+$0x7660];
	v52 =	vmul.f32 v52, v32;
	v46 =	vadd.f32 v57, v46;
	[tilespmem:s21+$0x1A70] =	vst v54  }
0x177: {  	v42 =	vmul.f32 v42, v33;
	v54 =	vld [tilespmem:s21+$0x7650];
	v53 =	vmul.f32 v53, v32;
	v45 =	vadd.f32 v56, v45;
	[tilespmem:s21+$0x1A60] =	vst v47  }
0x178: {  	v41 =	vmul.f32 v41, v33;
	v47 =	vld [tilespmem:s21+$0x7640];
	v51 =	vmul.f32 v51, v32;
	v44 =	vadd.f32 v52, v44;
	[tilespmem:s21+$0x1A50] =	vst v46  }
0x179: {  	v40 =	vmul.f32 v40, v33;
	v46 =	vld [tilespmem:s21+$0x7630];
	v50 =	vmul.f32 v50, v32;
	v43 =	vadd.f32 v53, v43;
	[tilespmem:s21+$0x1A40] =	vst v45  }
0x17a: {  	v39 =	vmul.f32 v39, v33;
	v45 =	vld [tilespmem:s21+$0x7620];
	v49 =	vmul.f32 v49, v32;
	v42 =	vadd.f32 v51, v42;
	[tilespmem:s21+$0x1A30] =	vst v44  }
0x17b: {  	v38 =	vmul.f32 v38, v33;
	v44 =	vld [tilespmem:s21+$0x7610];
	v48 =	vmul.f32 v48, v32;
	v41 =	vadd.f32 v50, v41;
	[tilespmem:s21+$0x1A20] =	vst v43  }
0x17c: {  	v37 =	vmul.f32 v37, v33;
	v43 =	vld [tilespmem:s21+$0x7600];
	v50 =	vmul.f32 v54, v32;
	v40 =	vadd.f32 v49, v40;
	[tilespmem:s21+$0x1A10] =	vst v42  }
0x17d: {  	v36 =	vmul.f32 v36, v33;
	v42 =	vld [tilespmem:s21+$0x7270];
	v47 =	vmul.f32 v47, v32;
	v39 =	vadd.f32 v48, v39;
	[tilespmem:s21+$0x1A00] =	vst v41  }
0x17e: {  	v35 =	vmul.f32 v35, v33;
	v41 =	vld [tilespmem:s21+$0x7260];
	v46 =	vmul.f32 v46, v32;
	v38 =	vadd.f32 v50, v38;
	[tilespmem:s21+$0x1670] =	vst v40  }
0x17f: {  	v34 =	vmul.f32 v34, v33;
	v40 =	vld [tilespmem:s21+$0x7250];
	v45 =	vmul.f32 v45, v32;
	v37 =	vadd.f32 v47, v37;
	[tilespmem:s21+$0x1660] =	vst v39  }
0x180: {  	v31 =	vmul.f32 v31, v33;
	v39 =	vld [tilespmem:s21+$0x7240];
	v44 =	vmul.f32 v44, v32;
	v36 =	vadd.f32 v46, v36;
	[tilespmem:s21+$0x1650] =	vst v38  }
0x181: {  	v30 =	vmul.f32 v30, v33;
	v38 =	vld [tilespmem:s21+$0x7230];
	v43 =	vmul.f32 v43, v32;
	v35 =	vadd.f32 v45, v35;
	[tilespmem:s21+$0x1640] =	vst v37  }
0x182: {  	v29 =	vmul.f32 v29, v33;
	v37 =	vld [tilespmem:s21+$0x7220];
	v42 =	vmul.f32 v42, v32;
	v34 =	vadd.f32 v44, v34;
	[tilespmem:s21+$0x1630] =	vst v36  }
0x183: {  	v28 =	vmul.f32 v28, v33;
	v36 =	vld [tilespmem:s21+$0x7210];
	v41 =	vmul.f32 v41, v32;
	v31 =	vadd.f32 v43, v31;
	[tilespmem:s21+$0x1620] =	vst v35  }
0x184: {  	v27 =	vmul.f32 v27, v33;
	v35 =	vld [tilespmem:s21+$0x7200];
	v40 =	vmul.f32 v40, v32;
	v30 =	vadd.f32 v42, v30;
	[tilespmem:s21+$0x1610] =	vst v34  }
0x185: {  	v26 =	vmul.f32 v26, v33;
	v34 =	vld [tilespmem:s21+$0x6E70];
	v39 =	vmul.f32 v39, v32;
	v29 =	vadd.f32 v41, v29;
	[tilespmem:s21+$0x1600] =	vst v31  }
0x186: {  	v25 =	vmul.f32 v25, v33;
	v31 =	vld [tilespmem:s21+$0x6E60];
	v38 =	vmul.f32 v38, v32;
	v28 =	vadd.f32 v40, v28;
	[tilespmem:s21+$0x1270] =	vst v30  }
0x187: {  	v24 =	vmul.f32 v24, v33;
	v30 =	vld [tilespmem:s21+$0x6E50];
	v37 =	vmul.f32 v37, v32;
	v27 =	vadd.f32 v39, v27;
	[tilespmem:s21+$0x1260] =	vst v29  }
0x188: {  	v23 =	vmul.f32 v23, v33;
	v29 =	vld [tilespmem:s21+$0x6E40];
	v36 =	vmul.f32 v36, v32;
	v26 =	vadd.f32 v38, v26;
	[tilespmem:s21+$0x1250] =	vst v28  }
0x189: {  	v22 =	vmul.f32 v22, v33;
	v28 =	vld [tilespmem:s21+$0x6E30];
	v35 =	vmul.f32 v35, v32;
	v25 =	vadd.f32 v37, v25;
	[tilespmem:s21+$0x1240] =	vst v27  }
0x18a: {  	v21 =	vmul.f32 v21, v33;
	v27 =	vld [tilespmem:s21+$0x6E20];
	v34 =	vmul.f32 v34, v32;
	v24 =	vadd.f32 v36, v24;
	[tilespmem:s21+$0x1230] =	vst v26  }
0x18b: {  	v20 =	vmul.f32 v20, v33;
	v26 =	vld [tilespmem:s21+$0x6E10];
	v31 =	vmul.f32 v31, v32;
	v23 =	vadd.f32 v35, v23;
	[tilespmem:s21+$0x1220] =	vst v25  }
0x18c: {  	v19 =	vmul.f32 v19, v33;
	v25 =	vld [tilespmem:s21+$0x6E00];
	v30 =	vmul.f32 v30, v32;
	v22 =	vadd.f32 v34, v22;
	[tilespmem:s21+$0x1210] =	vst v24  }
0x18d: {  	v18 =	vmul.f32 v18, v33;
	v24 =	vld [tilespmem:s21+$0x6A70];
	v29 =	vmul.f32 v29, v32;
	v21 =	vadd.f32 v31, v21;
	[tilespmem:s21+$0x1200] =	vst v23  }
0x18e: {  	v17 =	vmul.f32 v17, v33;
	v23 =	vld [tilespmem:s21+$0x6A60];
	v28 =	vmul.f32 v28, v32;
	v20 =	vadd.f32 v30, v20;
	[tilespmem:s21+$0xE70] =	vst v22  }
0x18f: {  	v16 =	vmul.f32 v16, v33;
	v22 =	vmul.f32 v27, v32;
	v19 =	vadd.f32 v29, v19;
	[tilespmem:s21+$0xE60] =	vst v21;
	v21 =	vld [tilespmem:s21+$0x7E40]  }
0x190: {  	v15 =	vmul.f32 v15, v33;
	v26 =	vmul.f32 v26, v32;
	v18 =	vadd.f32 v28, v18;
	[tilespmem:s21+$0xE50] =	vst v20;
	v20 =	vld [tilespmem:s21+$0x7E50]  }
0x191: {  	v14 =	vmul.f32 v14, v33;
	v25 =	vmul.f32 v25, v32;
	v17 =	vadd.f32 v22, v17;
	[tilespmem:s21+$0xE40] =	vst v19;
	v19 =	vld [tilespmem:s21+$0x7E60]  }
0x192: {  	v13 =	vmul.f32 v13, v33;
	v22 =	vmul.f32 v24, v32;
	v16 =	vadd.f32 v26, v16;
	[tilespmem:s21+$0xE30] =	vst v18;
	v18 =	vld [tilespmem:s21+$0x7E70]  }
0x193: {  	v12 =	vmul.f32 v12, v33;
	v23 =	vmul.f32 v23, v32;
	v15 =	vadd.f32 v25, v15;
	[tilespmem:s21+$0xE20] =	vst v17;
	v17 =	vld [tilespmem:s21+$0x1E40]  }
0x194: {  	v10 =	vmul.f32 v10, v33;
	v11 =	vmul.f32 v11, v32;
	v14 =	vadd.f32 v22, v14;
	[tilespmem:s21+$0xE10] =	vst v16;
	v16 =	vld [tilespmem:s21+$0x1E50]  }
0x195: {  	v8 =	vmul.f32 v8, v33;
	v9 =	vmul.f32 v9, v32;
	v13 =	vadd.f32 v23, v13;
	[tilespmem:s21+$0xE00] =	vst v15;
	v15 =	vld [tilespmem:s21+$0x1E60]  }
0x196: {  	v6 =	vmul.f32 v6, v33;
	v7 =	vmul.f32 v7, v32;
	v11 =	vadd.f32 v11, v12;
	[tilespmem:s21+$0xA70] =	vst v14;
	v12 =	vld [tilespmem:s21+$0x1E70]  }
0x197: {  	v3 =	vmul.f32 v3, v33;
	v5 =	vmul.f32 v5, v32;
	v9 =	vadd.f32 v9, v10;
	v14 =	vld [tilespmem:s21+$0xA00];
	[tilespmem:s21+$0xA60] =	vst v13  }
0x198: {  	v4 =	vmul.f32 v4, v32;
	v7 =	vadd.f32 v7, v8;
	v10 =	vld [tilespmem:s21+$0x6A00];
	[tilespmem:s21+$0xA50] =	vst v11;
	v8 =	vmul.f32 v17, v33  }
0x199: {  	s24 =	sshrl.u32 s23, $0x3;
	v5 =	vadd.f32 v5, v6;
	v6 =	vmul.f32 v21, v32;
	[tilespmem:s21+$0xA40] =	vst v9;
	v9 =	vmul.f32 v16, v33  }
0x19a: {  	s22 =	sadd.s32 $0x80, s22;
	s24 =	smul.u32 $0x1800, s24;
	v3 =	vadd.f32 v4, v3;
	v4 =	vmul.f32 v20, v32;
	[tilespmem:s21+$0xA30] =	vst v7;
	v7 =	vmul.f32 v15, v33  }
0x19b: {  	s25 =	sand.u32 $0x380, s22;
	[tilespmem:s21+$0xA20] =	vst v5;
	v5 =	vadd.f32 v6, v8;
	v6 =	vmul.f32 v19, v32;
	v8 =	vmul.f32 v12, v33  }
0x19c: {  	s24 =	sor.u32 s25, s24;
	v9 =	vadd.f32 v4, v9;
	v12 =	vmul.f32 v18, v32;
	v11 =	vmul.f32 v14, v33;
	[tilespmem:s21+$0xA10] =	vst v3  }
0x19d: {  	v3 =	vld [tilespmem:s24+$0xA10];
	v10 =	vmul.f32 v10, v32;
	[tilespmem:s21+$0x1E40] =	vst v5;
	v5 =	vadd.f32 v6, v7  }
0x19e: {  	v7 =	vadd.f32 v12, v8;
	v4 =	vld [tilespmem:s24+$0x6A10];
	[tilespmem:s21+$0x1E50] =	vst v9  }
0x19f: {  	v6 =	vld [tilespmem:s24+$0xA20];
	v9 =	vadd.f32 v10, v11;
	[tilespmem:s21+$0x1E60] =	vst v5  }
0x1a0: {  	v5 =	vld [tilespmem:s24+$0x6A20];
	[tilespmem:s21+$0x1E70] =	vst v7  }
0x1a1: {  	v8 =	vld [tilespmem:s24+$0xA30];
	[tilespmem:s21+$0xA00] =	vst v9;
	s21 =	smov.u32 s24  }
0x1a2: {  	v7 =	vld [tilespmem:s21+$0x6A30]  }
0x1a3: {  	v10 =	vld [tilespmem:s21+$0xA40]  }
0x1a4: {  	v9 =	vld [tilespmem:s21+$0x6A40]  }
0x1a5: {  	v12 =	vld [tilespmem:s21+$0xA50]  }
0x1a6: {  	v11 =	vld [tilespmem:s21+$0x6A50]  }
0x1a7: {  	v13 =	vld [tilespmem:s21+$0xA60]  }
0x1a8: {  	v14 =	vld [tilespmem:s21+$0xA70]  }
0x1a9: {  	v15 =	vld [tilespmem:s21+$0xE00]  }
0x1aa: {  	v16 =	vld [tilespmem:s21+$0xE10]  }
0x1ab: {  	v17 =	vld [tilespmem:s21+$0xE20]  }
0x1ac: {  	v18 =	vld [tilespmem:s21+$0xE30]  }
0x1ad: {  	v19 =	vld [tilespmem:s21+$0xE40]  }
0x1ae: {  	v20 =	vld [tilespmem:s21+$0xE50]  }
0x1af: {  	v21 =	vld [tilespmem:s21+$0xE60]  }
0x1b0: {  	v22 =	vld [tilespmem:s21+$0xE70]  }
0x1b1: {  	v23 =	vld [tilespmem:s21+$0x1200]  }
0x1b2: {  	v24 =	vld [tilespmem:s21+$0x1210]  }
0x1b3: {  	v25 =	vld [tilespmem:s21+$0x1220]  }
0x1b4: {  	v26 =	vld [tilespmem:s21+$0x1230]  }
0x1b5: {  	v27 =	vld [tilespmem:s21+$0x1240]  }
0x1b6: {  	v28 =	vld [tilespmem:s21+$0x1250]  }
0x1b7: {  	v29 =	vld [tilespmem:s21+$0x1260]  }
0x1b8: {  	v30 =	vld [tilespmem:s21+$0x1270]  }
0x1b9: {  	v31 =	vld [tilespmem:s21+$0x1600]  }
0x1ba: {  	v34 =	vld [tilespmem:s21+$0x1610]  }
0x1bb: {  	v35 =	vld [tilespmem:s21+$0x1620]  }
0x1bc: {  	v36 =	vld [tilespmem:s21+$0x1630]  }
0x1bd: {  	v37 =	vld [tilespmem:s21+$0x1640]  }
0x1be: {  	v38 =	vld [tilespmem:s21+$0x1650]  }
0x1bf: {  	v39 =	vld [tilespmem:s21+$0x1660]  }
0x1c0: {  	v40 =	vld [tilespmem:s21+$0x1670]  }
0x1c1: {  	v41 =	vld [tilespmem:s21+$0x1A00]  }
0x1c2: {  	v42 =	vld [tilespmem:s21+$0x1A10]  }
0x1c3: {  	v43 =	vld [tilespmem:s21+$0x1A20]  }
0x1c4: {  	v44 =	vld [tilespmem:s21+$0x1A30]  }
0x1c5: {  	v45 =	vld [tilespmem:s21+$0x1A40]  }
0x1c6: {  	v46 =	vld [tilespmem:s21+$0x1A50]  }
.Ltmp0:
0x1c7: {  	v47 =	vld [tilespmem:s21+$0x1A60];
	(pc) =	sbr.rel @p0 .LBB2_2-.Ltmp0, $4  }
0x1c8: {  	v48 =	vld [tilespmem:s21+$0x1E00]  }
0x1c9: {  	v50 =	vld [tilespmem:s21+$0x1E10]  }
0x1ca: {  	v49 =	vld [tilespmem:s21+$0x7E10]  }
0x1cb: {  	s23 =	sadd.s32 $0x1, s23;
	v51 =	vld [tilespmem:s21+$0x7E30]  }
0x1cc: {  	v52 =	vld [tilespmem:s21+$0x1E30]  }
0x1cd: {  	v53 =	vld [tilespmem:s21+$0x1E20];
	s1 =	sadd.s32 $0x10, s1  }
0x1ce: {  	s22 =	sadd.s32 $0x10, s20;
	v32 =	vld [tilespmem:s1+$0x0]  }
0x1cf: {  	v33 =	vld [tilespmem:s22+$0x0]  }
0x1d0: {  	v54 =	vld [tilespmem:s21+$0x7E20]  }
0x1d1: {  	v55 =	vld [tilespmem:s21+$0x7E00]  }
0x1d2: {  	v56 =	vld [tilespmem:s21+$0x1A70]  }
0x1d3: {  	v57 =	vld [tilespmem:s21+$0x7A70]  }
0x1d4: {  	v58 =	vld [tilespmem:s21+$0x7A60];
	v52 =	vmul.f32 v52, v32;
	v51 =	vmul.f32 v51, v33  }
0x1d5: {  	v53 =	vmul.f32 v53, v32;
	v54 =	vmul.f32 v54, v33  }
0x1d6: {  	v59 =	vld [tilespmem:s21+$0x7A50];
	v50 =	vmul.f32 v50, v32;
	v49 =	vmul.f32 v49, v33  }
0x1d7: {  	v61 =	vld [tilespmem:s21+$0x7A20];
	v48 =	vmul.f32 v48, v32;
	v62 =	vmul.f32 v55, v33;
	v51 =	vadd.f32 v51, v52  }
0x1d8: {  	v60 =	vld [tilespmem:s21+$0x7A40];
	v63 =	vmul.f32 v56, v32;
	v57 =	vmul.f32 v57, v33;
	v53 =	vadd.f32 v54, v53  }
0x1d9: {  	v47 =	vmul.f32 v47, v32;
	v58 =	vmul.f32 v58, v33;
	v52 =	vld [tilespmem:s21+$0x7A30];
	v49 =	vadd.f32 v49, v50;
	[tilespmem:s21+$0x1E30] =	vst v51  }
0x1da: {  	v46 =	vmul.f32 v46, v32;
	v45 =	vmul.f32 v45, v32;
	v50 =	vld [tilespmem:s21+$0x7A00];
	v48 =	vadd.f32 v62, v48;
	[tilespmem:s21+$0x1E20] =	vst v53  }
0x1db: {  	v44 =	vmul.f32 v44, v32;
	v62 =	vmul.f32 v59, v33;
	v47 =	vadd.f32 v58, v47;
	v58 =	vld [tilespmem:s21+$0x7630];
	[tilespmem:s21+$0x1E10] =	vst v49  }
0x1dc: {  	v43 =	vmul.f32 v43, v32;
	v59 =	vmul.f32 v61, v33;
	v51 =	vld [tilespmem:s21+$0x7A10];
	v53 =	vadd.f32 v57, v63;
	[tilespmem:s21+$0x1E00] =	vst v48  }
0x1dd: {  	v42 =	vmul.f32 v42, v32;
	v49 =	vld [tilespmem:s21+$0x7670];
	v63 =	vmul.f32 v60, v33;
	v46 =	vadd.f32 v62, v46;
	[tilespmem:s21+$0x1A60] =	vst v47  }
0x1de: {  	v41 =	vmul.f32 v41, v32;
	v48 =	vld [tilespmem:s21+$0x7660];
	v43 =	vadd.f32 v59, v43;
	[tilespmem:s21+$0x1A70] =	vst v53;
	v52 =	vmul.f32 v52, v33  }
0x1df: {  	v40 =	vmul.f32 v40, v32;
	v57 =	vld [tilespmem:s21+$0x7640];
	v45 =	vadd.f32 v63, v45;
	[tilespmem:s21+$0x1A50] =	vst v46;
	v50 =	vmul.f32 v50, v33  }
0x1e0: {  	v36 =	vmul.f32 v36, v32;
	v60 =	vld [tilespmem:s21+$0x7620];
	[tilespmem:s21+$0x1A20] =	vst v43;
	v46 =	vmul.f32 v58, v33;
	v44 =	vadd.f32 v52, v44  }
0x1e1: {  	v39 =	vmul.f32 v39, v32;
	v62 =	vld [tilespmem:s21+$0x7600];
	[tilespmem:s21+$0x1A40] =	vst v45;
	v51 =	vmul.f32 v51, v33;
	v41 =	vadd.f32 v50, v41  }
0x1e2: {  	v38 =	vmul.f32 v38, v32;
	v53 =	vld [tilespmem:s21+$0x7650];
	v49 =	vmul.f32 v49, v33;
	v36 =	vadd.f32 v46, v36;
	[tilespmem:s21+$0x1A30] =	vst v44  }
0x1e3: {  	v37 =	vmul.f32 v37, v32;
	v61 =	vld [tilespmem:s21+$0x7610];
	v48 =	vmul.f32 v48, v33;
	v42 =	vadd.f32 v51, v42;
	[tilespmem:s21+$0x1A00] =	vst v41  }
0x1e4: {  	v35 =	vmul.f32 v35, v32;
	v59 =	vld [tilespmem:s21+$0x7210];
	v47 =	vmul.f32 v57, v33;
	v40 =	vadd.f32 v49, v40;
	[tilespmem:s21+$0x1630] =	vst v36  }
0x1e5: {  	v34 =	vmul.f32 v34, v32;
	v63 =	vld [tilespmem:s21+$0x7270];
	v45 =	vmul.f32 v60, v33;
	v39 =	vadd.f32 v48, v39;
	[tilespmem:s21+$0x1A10] =	vst v42  }
0x1e6: {  	v55 =	vld [tilespmem:s21+$0x7250];
	v31 =	vmul.f32 v31, v32;
	v43 =	vmul.f32 v62, v33;
	v37 =	vadd.f32 v47, v37;
	[tilespmem:s21+$0x1670] =	vst v40  }
0x1e7: {  	v30 =	vmul.f32 v30, v32;
	v52 =	vld [tilespmem:s21+$0x7260];
	v54 =	vmul.f32 v53, v33;
	v35 =	vadd.f32 v45, v35;
	[tilespmem:s21+$0x1660] =	vst v39  }
0x1e8: {  	v56 =	vld [tilespmem:s21+$0x7240];
	v29 =	vmul.f32 v29, v32;
	v44 =	vmul.f32 v61, v33;
	v31 =	vadd.f32 v43, v31;
	[tilespmem:s21+$0x1640] =	vst v37  }
0x1e9: {  	v24 =	vmul.f32 v24, v32;
	v58 =	vld [tilespmem:s21+$0x7220];
	v36 =	vmul.f32 v59, v33;
	v38 =	vadd.f32 v54, v38;
	[tilespmem:s21+$0x1620] =	vst v35  }
0x1ea: {  	v28 =	vmul.f32 v28, v32;
	v60 =	vld [tilespmem:s21+$0x7200];
	v34 =	vadd.f32 v44, v34;
	v42 =	vmul.f32 v63, v33;
	[tilespmem:s21+$0x1600] =	vst v31  }
0x1eb: {  	v27 =	vmul.f32 v27, v32;
	v57 =	vld [tilespmem:s21+$0x7230];
	v40 =	vmul.f32 v55, v33;
	v24 =	vadd.f32 v36, v24;
	[tilespmem:s21+$0x1650] =	vst v38  }
0x1ec: {  	v26 =	vmul.f32 v26, v32;
	v61 =	vld [tilespmem:s21+$0x6E70];
	v41 =	vmul.f32 v52, v33;
	[tilespmem:s21+$0x1610] =	vst v34;
	v30 =	vadd.f32 v42, v30  }
0x1ed: {  	v25 =	vmul.f32 v25, v32;
	v39 =	vmul.f32 v56, v33;
	v28 =	vadd.f32 v40, v28;
	[tilespmem:s21+$0x1210] =	vst v24  }
0x1ee: {  	v23 =	vmul.f32 v23, v32;
	v31 =	vld [tilespmem:s21+$0x6E60];
	v37 =	vmul.f32 v58, v33;
	v29 =	vadd.f32 v41, v29;
	[tilespmem:s21+$0x1270] =	vst v30  }
0x1ef: {  	v22 =	vmul.f32 v22, v32;
	v35 =	vmul.f32 v60, v33;
	v27 =	vadd.f32 v39, v27;
	v30 =	vld [tilespmem:s21+$0x6E50];
	[tilespmem:s21+$0x1250] =	vst v28  }
0x1f0: {  	v10 =	vmul.f32 v10, v32;
	v38 =	vmul.f32 v57, v33;
	v25 =	vadd.f32 v37, v25;
	[tilespmem:s21+$0x1260] =	vst v29;
	v29 =	vld [tilespmem:s21+$0x6E40]  }
0x1f1: {  	v9 =	vmul.f32 v9, v33;
	v34 =	vmul.f32 v61, v33;
	v23 =	vadd.f32 v35, v23;
	v28 =	vld [tilespmem:s21+$0x6E30];
	[tilespmem:s21+$0x1240] =	vst v27  }
0x1f2: {  	v21 =	vmul.f32 v21, v32;
	v26 =	vadd.f32 v38, v26;
	v27 =	vld [tilespmem:s21+$0x6E20];
	[tilespmem:s21+$0x1220] =	vst v25  }
0x1f3: {  	v9 =	vadd.f32 v9, v10;
	v10 =	vld [tilespmem:s21+$0x6A00];
	v24 =	vmul.f32 v31, v33;
	v22 =	vadd.f32 v34, v22;
	[tilespmem:s21+$0x1200] =	vst v23  }
0x1f4: {  	v20 =	vmul.f32 v20, v32;
	[tilespmem:s21+$0x1230] =	vst v26;
	v26 =	vld [tilespmem:s21+$0x6E10];
	v23 =	vmul.f32 v30, v33  }
0x1f5: {  	v19 =	vmul.f32 v19, v32;
	v25 =	vld [tilespmem:s21+$0x6E00];
	v21 =	vadd.f32 v24, v21;
	[tilespmem:s21+$0xE70] =	vst v22;
	v22 =	vmul.f32 v29, v33  }
0x1f6: {  	v18 =	vmul.f32 v18, v32;
	v31 =	vld [tilespmem:s21+$0x6A70];
	v20 =	vadd.f32 v23, v20;
	v23 =	vmul.f32 v28, v33  }
0x1f7: {  	v17 =	vmul.f32 v17, v32;
	v24 =	vld [tilespmem:s21+$0x6A60];
	[tilespmem:s21+$0xE60] =	vst v21;
	v19 =	vadd.f32 v22, v19;
	v22 =	vmul.f32 v27, v33  }
0x1f8: {  	v12 =	vmul.f32 v12, v32;
	v11 =	vmul.f32 v11, v33;
	v21 =	vld [tilespmem:s21+$0x7E40];
	[tilespmem:s21+$0xE50] =	vst v20;
	v18 =	vadd.f32 v23, v18  }
0x1f9: {  	v16 =	vmul.f32 v16, v32;
	v20 =	vld [tilespmem:s21+$0x7E50];
	v23 =	vmul.f32 v26, v33;
	[tilespmem:s21+$0xE40] =	vst v19;
	v17 =	vadd.f32 v22, v17  }
0x1fa: {  	v15 =	vmul.f32 v15, v32;
	v11 =	vadd.f32 v11, v12;
	v19 =	vld [tilespmem:s21+$0x7E60];
	[tilespmem:s21+$0xE30] =	vst v18;
	v18 =	vmul.f32 v25, v33  }
0x1fb: {  	v14 =	vmul.f32 v14, v32;
	v22 =	vld [tilespmem:s21+$0x7E70];
	v16 =	vadd.f32 v23, v16;
	[tilespmem:s21+$0xE20] =	vst v17;
	v17 =	vmul.f32 v31, v33  }
0x1fc: {  	[tilespmem:s21+$0xA50] =	vst v11;
	v15 =	vadd.f32 v18, v15;
	v18 =	vld [tilespmem:s21+$0x1E40]  }
0x1fd: {  	v8 =	vmul.f32 v8, v32;
	v7 =	vmul.f32 v7, v33;
	[tilespmem:s21+$0xE10] =	vst v16;
	v16 =	vld [tilespmem:s21+$0x1E50];
	v14 =	vadd.f32 v17, v14  }
0x1fe: {  	v6 =	vmul.f32 v6, v32;
	v5 =	vmul.f32 v5, v33;
	[tilespmem:s21+$0xE00] =	vst v15;
	v15 =	vld [tilespmem:s21+$0x1E60]  }
0x1ff: {  	v3 =	vmul.f32 v3, v32;
	v4 =	vmul.f32 v4, v33;
	v7 =	vadd.f32 v7, v8;
	[tilespmem:s21+$0xA70] =	vst v14;
	v14 =	vld [tilespmem:s21+$0x1E70]  }
0x200: {  	v13 =	vmul.f32 v13, v32;
	v12 =	vld [tilespmem:s21+$0xA00];
	v5 =	vadd.f32 v5, v6;
	[tilespmem:s21+$0xA40] =	vst v9;
	v23 =	vmul.f32 v24, v33  }
0x201: {  	v3 =	vadd.f32 v4, v3;
	[tilespmem:s21+$0xA30] =	vst v7;
	v6 =	vmul.f32 v21, v33;
	v8 =	vmul.f32 v18, v32  }
0x202: {  	[tilespmem:s21+$0xA20] =	vst v5;
	v13 =	vadd.f32 v23, v13;
	v4 =	vmul.f32 v20, v33;
	v9 =	vmul.f32 v16, v32  }
0x203: {  	[tilespmem:s21+$0xA10] =	vst v3;
	v7 =	vmul.f32 v15, v32;
	v5 =	vadd.f32 v6, v8;
	v6 =	vmul.f32 v19, v33  }
0x204: {  	[tilespmem:s21+$0xA60] =	vst v13;
	v3 =	vadd.f32 v4, v9;
	v4 =	vmul.f32 v22, v33;
	v8 =	vmul.f32 v14, v32  }
0x205: {  	v10 =	vmul.f32 v10, v33;
	v9 =	vmul.f32 v12, v32;
	[tilespmem:s21+$0x1E40] =	vst v5;
	v5 =	vadd.f32 v6, v7  }
0x206: {  	[tilespmem:s21+$0x1E50] =	vst v3;
	v3 =	vadd.f32 v4, v8  }
0x207: {  	v4 =	vadd.f32 v10, v9;
	[tilespmem:s21+$0x1E60] =	vst v5  }
0x208: {  	[tilespmem:s21+$0x1E70] =	vst v3  }
0x209: {  	s23 =	simm.s32 $0x0;
	[tilespmem:s21+$0xA00] =	vst v4  }
0x20a: {  	[hbm4b:s14+s23] =	stream.linear.scatter [tilespmem:s19], [sflag:$0x2], $0x6000, $0x38;
	[tilespmem:$0x18A00] =	vst v63  }
0x20b: {  	_ =	swait.ge [sflag:s17], $0x6000  }
0x20c: {  	[sflag:s17] =	ssyncset.done $0x0  }
0x20d: {  	[sflag:s17] =	ssyncadd.s32 $0xFFFFA000  }
0x20e: {  	_ =	swait.ge [sflag:s31], $0x6000  }
0x20f: {  	[sflag:s31] =	ssyncset.done $0x0  }
0x210: {  	s24 =	simm.s32 $0x0;
	[sflag:s31] =	ssyncadd.s32 $0xFFFFA000  }
0x211: {  	s20 =	smul.u32 $0x1800, s24;
	_ =	swait.ge [sflag:s31], $0x6000  }
0x212: {  	s1 =	sand.u32 $0x380, s23;
	[sflag:s31] =	ssyncset.done $0x0  }
0x213: {  	s23 =	sor.u32 s1, s20;
	[sflag:s31] =	ssyncadd.s32 $0xFFFFA000  }
0x214: {  	v4 =	vld [tilespmem:s23+$0xCA10]  }
0x215: {  	v3 =	vld [tilespmem:s23+$0x12A10]  }
0x216: {  	v6 =	vld [tilespmem:s23+$0xCA20]  }
0x217: {  	v5 =	vld [tilespmem:s23+$0x12A20]  }
0x218: {  	v10 =	vld [tilespmem:s23+$0xCA30]  }
0x219: {  	v7 =	vld [tilespmem:s23+$0x12A30]  }
0x21a: {  	v12 =	vld [tilespmem:s23+$0xCA40]  }
0x21b: {  	v11 =	vld [tilespmem:s23+$0x12A40]  }
0x21c: {  	v13 =	vld [tilespmem:s23+$0xCA60]  }
0x21d: {  	v14 =	vld [tilespmem:s23+$0xCA70]  }
0x21e: {  	v15 =	vld [tilespmem:s23+$0xCE00]  }
0x21f: {  	v16 =	vld [tilespmem:s23+$0xCE10]  }
0x220: {  	v17 =	vld [tilespmem:s23+$0xCE20]  }
0x221: {  	v18 =	vld [tilespmem:s23+$0xCE30]  }
0x222: {  	v19 =	vld [tilespmem:s23+$0xCE40]  }
0x223: {  	v20 =	vld [tilespmem:s23+$0xCE50]  }
0x224: {  	v21 =	vld [tilespmem:s23+$0xCE60]  }
0x225: {  	v22 =	vld [tilespmem:s23+$0xCE70]  }
0x226: {  	v23 =	vld [tilespmem:s23+$0xD200]  }
0x227: {  	v24 =	vld [tilespmem:s23+$0xD210]  }
0x228: {  	v25 =	vld [tilespmem:s23+$0xD220]  }
0x229: {  	v26 =	vld [tilespmem:s23+$0xD230]  }
0x22a: {  	v27 =	vld [tilespmem:s23+$0xD240]  }
0x22b: {  	v28 =	vld [tilespmem:s23+$0xD250]  }
0x22c: {  	v29 =	vld [tilespmem:s23+$0xD260]  }
0x22d: {  	v30 =	vld [tilespmem:s23+$0xD270]  }
0x22e: {  	v31 =	vld [tilespmem:s23+$0xD600]  }
0x22f: {  	v32 =	vld [tilespmem:s23+$0xD610]  }
0x230: {  	v33 =	vld [tilespmem:s23+$0xD620]  }
0x231: {  	v34 =	vld [tilespmem:s23+$0xD630]  }
0x232: {  	v35 =	vld [tilespmem:s23+$0xD640]  }
0x233: {  	v36 =	vld [tilespmem:s23+$0xD650]  }
0x234: {  	v37 =	vld [tilespmem:s23+$0xD660]  }
0x235: {  	v38 =	vld [tilespmem:s23+$0xD670]  }
0x236: {  	v39 =	vld [tilespmem:s23+$0xDA00]  }
0x237: {  	v40 =	vld [tilespmem:s23+$0xDA10]  }
0x238: {  	v41 =	vld [tilespmem:s23+$0xDA20]  }
0x239: {  	v42 =	vld [tilespmem:s23+$0xDA30]  }
0x23a: {  	v43 =	vld [tilespmem:s23+$0xDA40]  }
0x23b: {  	v44 =	vld [tilespmem:s23+$0xDA50]  }
0x23c: {  	v45 =	vld [tilespmem:s23+$0xDA60]  }
0x23d: {  	v46 =	vld [tilespmem:s23+$0xDE00]  }
0x23e: {  	v47 =	vld [tilespmem:s23+$0xDE10]  }
0x23f: {  	v48 =	vld [tilespmem:s23+$0x13E10]  }
0x240: {  	v49 =	vld [tilespmem:s23+$0x13E30]  }
0x241: {  	v50 =	vld [tilespmem:s23+$0xDE30]  }
0x242: {  	s20 =	simm.s32 $0x600;
	v51 =	vld [tilespmem:s23+$0xDE20]  }
0x243: {  	s21 =	simm.s32 $0x800;
	v8 =	vld [tilespmem:s20+$0x0]  }
0x244: {  	v9 =	vld [tilespmem:s21+$0x0]  }
0x245: {  	v52 =	vld [tilespmem:s23+$0x13E20]  }
0x246: {  	v62 =	vld [tilespmem:s23+$0x13E00]  }
0x247: {  	v63 =	vld [tilespmem:s23+$0xDA70]  }
0x248: {  	v60 =	vld [tilespmem:s23+$0x13A70];
	v50 =	vmul.f32 v50, v8  }
0x249: {  	v61 =	vld [tilespmem:s23+$0x13A60];
	v49 =	vmul.f32 v49, v9;
	v51 =	vmul.f32 v51, v8  }
0x24a: {  	v57 =	vld [tilespmem:s23+$0x13A50];
	v52 =	vmul.f32 v52, v9;
	v47 =	vmul.f32 v47, v8  }
0x24b: {  	v58 =	vld [tilespmem:s23+$0x13A40];
	v48 =	vmul.f32 v48, v9;
	v46 =	vmul.f32 v46, v8;
	v49 =	vadd.f32 v49, v50  }
0x24c: {  	v53 =	vld [tilespmem:s23+$0x13A30];
	v62 =	vmul.f32 v62, v9;
	v63 =	vmul.f32 v63, v8;
	v51 =	vadd.f32 v52, v51  }
0x24d: {  	v56 =	vld [tilespmem:s23+$0x13660];
	v59 =	vmul.f32 v60, v9;
	v45 =	vmul.f32 v45, v8;
	v47 =	vadd.f32 v48, v47;
	[tilespmem:s23+$0xDE30] =	vst v49  }
0x24e: {  	v55 =	vld [tilespmem:s23+$0x13270];
	v60 =	vmul.f32 v61, v9;
	v44 =	vmul.f32 v44, v8;
	v46 =	vadd.f32 v62, v46;
	[tilespmem:s23+$0xDE20] =	vst v51  }
0x24f: {  	v61 =	vld [tilespmem:s23+$0x13A00];
	v12 =	vmul.f32 v12, v8;
	v11 =	vmul.f32 v11, v9;
	v52 =	vadd.f32 v59, v63;
	[tilespmem:s23+$0xDE10] =	vst v47  }
0x250: {  	v10 =	vmul.f32 v10, v8;
	v7 =	vmul.f32 v7, v9;
	v48 =	vld [tilespmem:s23+$0x13A20];
	v45 =	vadd.f32 v60, v45;
	[tilespmem:s23+$0xDE00] =	vst v46  }
0x251: {  	v62 =	vmul.f32 v57, v9;
	v63 =	vmul.f32 v58, v9;
	v58 =	vld [tilespmem:s23+$0x13650];
	v11 =	vadd.f32 v11, v12;
	[tilespmem:s23+$0xDA70] =	vst v52  }
0x252: {  	v43 =	vmul.f32 v43, v8;
	v59 =	vld [tilespmem:s23+$0x13640];
	v7 =	vadd.f32 v7, v10;
	[tilespmem:s23+$0xDA60] =	vst v45  }
0x253: {  	v42 =	vmul.f32 v42, v8;
	v57 =	vmul.f32 v53, v9;
	v60 =	vld [tilespmem:s23+$0x13630];
	v44 =	vadd.f32 v62, v44;
	[tilespmem:s23+$0xCA40] =	vst v11  }
0x254: {  	v37 =	vmul.f32 v37, v8;
	v53 =	vld [tilespmem:s23+$0x13600];
	v43 =	vadd.f32 v63, v43;
	v46 =	vmul.f32 v56, v9;
	[tilespmem:s23+$0xCA30] =	vst v7  }
0x255: {  	v39 =	vmul.f32 v39, v8;
	v49 =	vld [tilespmem:s23+$0x13A10];
	v42 =	vadd.f32 v57, v42;
	v61 =	vmul.f32 v61, v9;
	[tilespmem:s23+$0xDA50] =	vst v44  }
0x256: {  	v41 =	vmul.f32 v41, v8;
	v47 =	vld [tilespmem:s23+$0x13670];
	[tilespmem:s23+$0xDA40] =	vst v43;
	v37 =	vadd.f32 v46, v37;
	v48 =	vmul.f32 v48, v9  }
0x257: {  	v36 =	vmul.f32 v36, v8;
	v62 =	vld [tilespmem:s23+$0x13620];
	[tilespmem:s23+$0xDA30] =	vst v42;
	v39 =	vadd.f32 v61, v39;
	v54 =	vmul.f32 v58, v9  }
0x258: {  	v35 =	vmul.f32 v35, v8;
	v63 =	vld [tilespmem:s23+$0x13610];
	v45 =	vmul.f32 v59, v9;
	[tilespmem:s23+$0xD660] =	vst v37;
	v41 =	vadd.f32 v48, v41  }
0x259: {  	v34 =	vmul.f32 v34, v8;
	v56 =	vld [tilespmem:s23+$0x13260];
	v44 =	vmul.f32 v60, v9;
	[tilespmem:s23+$0xDA00] =	vst v39;
	v36 =	vadd.f32 v54, v36  }
0x25a: {  	v40 =	vmul.f32 v40, v8;
	v12 =	vld [tilespmem:s23+$0xDE60];
	v49 =	vmul.f32 v49, v9;
	v35 =	vadd.f32 v45, v35;
	[tilespmem:s23+$0xDA20] =	vst v41  }
0x25b: {  	v38 =	vmul.f32 v38, v8;
	v58 =	vld [tilespmem:s23+$0x13240];
	v47 =	vmul.f32 v47, v9;
	v34 =	vadd.f32 v44, v34;
	[tilespmem:s23+$0xD650] =	vst v36  }
0x25c: {  	v33 =	vmul.f32 v33, v8;
	v59 =	vld [tilespmem:s23+$0x13230];
	v43 =	vmul.f32 v62, v9;
	v40 =	vadd.f32 v49, v40;
	[tilespmem:s23+$0xD640] =	vst v35  }
0x25d: {  	v32 =	vmul.f32 v32, v8;
	v57 =	vld [tilespmem:s23+$0x13250];
	v42 =	vmul.f32 v63, v9;
	v38 =	vadd.f32 v47, v38;
	[tilespmem:s23+$0xD630] =	vst v34  }
0x25e: {  	v29 =	vmul.f32 v29, v8;
	v60 =	vld [tilespmem:s23+$0x13220];
	v39 =	vmul.f32 v56, v9;
	v33 =	vadd.f32 v43, v33;
	[tilespmem:s23+$0xDA10] =	vst v40  }
0x25f: {  	v31 =	vmul.f32 v31, v8;
	v61 =	vld [tilespmem:s23+$0x13210];
	v41 =	vmul.f32 v53, v9;
	v32 =	vadd.f32 v42, v32;
	[tilespmem:s23+$0xD670] =	vst v38  }
0x260: {  	v27 =	vmul.f32 v27, v8;
	v62 =	vld [tilespmem:s23+$0x13200];
	v29 =	vadd.f32 v39, v29;
	v37 =	vmul.f32 v58, v9;
	[tilespmem:s23+$0xD620] =	vst v33  }
0x261: {  	v26 =	vmul.f32 v26, v8;
	v63 =	vld [tilespmem:s23+$0x12E70];
	v36 =	vmul.f32 v59, v9;
	v31 =	vadd.f32 v41, v31;
	[tilespmem:s23+$0xD610] =	vst v32  }
0x262: {  	v30 =	vmul.f32 v30, v8;
	v40 =	vmul.f32 v55, v9;
	[tilespmem:s23+$0xD260] =	vst v29;
	v29 =	vld [tilespmem:s23+$0x12E40];
	v27 =	vadd.f32 v37, v27  }
0x263: {  	v25 =	vmul.f32 v25, v8;
	v35 =	vmul.f32 v60, v9;
	v26 =	vadd.f32 v36, v26;
	[tilespmem:s23+$0xD600] =	vst v31;
	v31 =	vld [tilespmem:s23+$0x12E60]  }
0x264: {  	v28 =	vmul.f32 v28, v8;
	v38 =	vmul.f32 v57, v9;
	v30 =	vadd.f32 v40, v30;
	[tilespmem:s23+$0xD240] =	vst v27;
	v27 =	vld [tilespmem:s23+$0x12E20]  }
0x265: {  	v23 =	vmul.f32 v23, v8;
	v33 =	vmul.f32 v62, v9;
	v25 =	vadd.f32 v35, v25;
	[tilespmem:s23+$0xD230] =	vst v26;
	v26 =	vld [tilespmem:s23+$0x12E10]  }
0x266: {  	v24 =	vmul.f32 v24, v8;
	v34 =	vmul.f32 v61, v9;
	v28 =	vadd.f32 v38, v28;
	[tilespmem:s23+$0xD270] =	vst v30;
	v30 =	vld [tilespmem:s23+$0x12E50]  }
0x267: {  	v22 =	vmul.f32 v22, v8;
	v32 =	vmul.f32 v63, v9;
	v23 =	vadd.f32 v33, v23;
	[tilespmem:s23+$0xD220] =	vst v25;
	v25 =	vld [tilespmem:s23+$0x12E00]  }
0x268: {  	v19 =	vmul.f32 v19, v8;
	v24 =	vadd.f32 v34, v24;
	[tilespmem:s23+$0xD250] =	vst v28;
	v28 =	vld [tilespmem:s23+$0x12E30];
	v29 =	vmul.f32 v29, v9  }
0x269: {  	v21 =	vmul.f32 v21, v8;
	v22 =	vadd.f32 v32, v22;
	[tilespmem:s23+$0xD200] =	vst v23;
	v23 =	vld [tilespmem:s23+$0x12A60];
	v31 =	vmul.f32 v31, v9  }
0x26a: {  	v17 =	vmul.f32 v17, v8;
	[tilespmem:s23+$0xD210] =	vst v24;
	v24 =	vld [tilespmem:s23+$0x12A70];
	v19 =	vadd.f32 v29, v19;
	v27 =	vmul.f32 v27, v9  }
0x26b: {  	v20 =	vmul.f32 v20, v8;
	[tilespmem:s23+$0xCE70] =	vst v22;
	v22 =	vld [tilespmem:s23+$0xCA50];
	v30 =	vmul.f32 v30, v9;
	v21 =	vadd.f32 v31, v21  }
0x26c: {  	v15 =	vmul.f32 v15, v8;
	v25 =	vmul.f32 v25, v9;
	[tilespmem:s23+$0xCE40] =	vst v19;
	v19 =	vld [tilespmem:s23+$0x13E50];
	v17 =	vadd.f32 v27, v17  }
0x26d: {  	v18 =	vmul.f32 v18, v8;
	v28 =	vmul.f32 v28, v9;
	v20 =	vadd.f32 v30, v20;
	[tilespmem:s23+$0xCE60] =	vst v21;
	v21 =	vld [tilespmem:s23+$0x12A50]  }
0x26e: {  	v13 =	vmul.f32 v13, v8;
	v23 =	vmul.f32 v23, v9;
	v15 =	vadd.f32 v25, v15;
	[tilespmem:s23+$0xCE20] =	vst v17;
	v17 =	vld [tilespmem:s23+$0xDE40]  }
0x26f: {  	v6 =	vmul.f32 v6, v8;
	v5 =	vmul.f32 v5, v9;
	v18 =	vadd.f32 v28, v18;
	[tilespmem:s23+$0xCE50] =	vst v20;
	v20 =	vld [tilespmem:s23+$0x13E40]  }
0x270: {  	v14 =	vmul.f32 v14, v8;
	v24 =	vmul.f32 v24, v9;
	v13 =	vadd.f32 v23, v13;
	[tilespmem:s23+$0xCE00] =	vst v15;
	v15 =	vld [tilespmem:s23+$0xDE50]  }
0x271: {  	v4 =	vmul.f32 v4, v8;
	v3 =	vmul.f32 v3, v9;
	v5 =	vadd.f32 v5, v6;
	[tilespmem:s23+$0xCE30] =	vst v18;
	v18 =	vld [tilespmem:s23+$0x13E60]  }
0x272: {  	v6 =	vld [tilespmem:s23+$0xCA00];
	v14 =	vadd.f32 v24, v14;
	v10 =	vmul.f32 v22, v8;
	[tilespmem:s23+$0xCA60] =	vst v13;
	v13 =	vmul.f32 v21, v9  }
0x273: {  	s25 =	simm.s32 $0x0;
	v16 =	vmul.f32 v16, v8;
	v3 =	vadd.f32 v3, v4;
	v7 =	vld [tilespmem:s23+$0x12A00];
	[tilespmem:s23+$0xCA20] =	vst v5;
	v26 =	vmul.f32 v26, v9  }
0x274: {  	s22 =	simm.s32 $0x80;
	s1 =	smul.u32 $0x1800, s25;
	[tilespmem:s23+$0xCA70] =	vst v14;
	v14 =	vld [tilespmem:s23+$0xDE70];
	v11 =	vmul.f32 v17, v8;
	v17 =	vmul.f32 v20, v9;
	v4 =	vadd.f32 v13, v10  }
0x275: {  	s24 =	sand.u32 $0x380, s22;
	[tilespmem:s23+$0xCA10] =	vst v3;
	v16 =	vadd.f32 v26, v16;
	v5 =	vmul.f32 v15, v8;
	v10 =	vmul.f32 v19, v9  }
0x276: {  	s1 =	sor.u32 s24, s1;
	v11 =	vadd.f32 v17, v11;
	[tilespmem:s23+$0xCA50] =	vst v4;
	v4 =	vmul.f32 v12, v8;
	v12 =	vmul.f32 v18, v9  }
0x277: {  	v3 =	vld [tilespmem:s1+$0xCA10];
	[tilespmem:s23+$0xCE10] =	vst v16;
	v5 =	vadd.f32 v10, v5  }
0x278: {  	v7 =	vmul.f32 v7, v9;
	v16 =	vld [tilespmem:s23+$0x13E70];
	[tilespmem:s23+$0xDE40] =	vst v11;
	v12 =	vadd.f32 v12, v4  }
0x279: {  	v10 =	vmul.f32 v14, v8;
	v8 =	vmul.f32 v6, v8;
	v4 =	vld [tilespmem:s1+$0x12A10];
	[tilespmem:s23+$0xDE50] =	vst v5  }
0x27a: {  	v6 =	vld [tilespmem:s1+$0xCA20];
	[tilespmem:s23+$0xDE60] =	vst v12  }
0x27b: {  	v7 =	vadd.f32 v7, v8;
	v5 =	vld [tilespmem:s1+$0x12A20]  }
0x27c: {  	v8 =	vld [tilespmem:s1+$0xCA30]  }
0x27d: {  	[tilespmem:s23+$0xCA00] =	vst v7;
	v18 =	vld [tilespmem:s1+$0xCE30]  }
0x27e: {  	v11 =	vmul.f32 v16, v9;
	v26 =	vld [tilespmem:s1+$0xD230]  }
0x27f: {  	v36 =	vld [tilespmem:s1+$0xD630]  }
0x280: {  	v9 =	vadd.f32 v11, v10;
	v44 =	vld [tilespmem:s1+$0xDA30]  }
0x281: {  	v48 =	vld [tilespmem:s1+$0xDE00]  }
0x282: {  	[tilespmem:s23+$0xDE70] =	vst v9;
	v50 =	vld [tilespmem:s1+$0xDE10]  }
0x283: {  	v7 =	vld [tilespmem:s1+$0x12A30]  }
0x284: {  	v10 =	vld [tilespmem:s1+$0xCA40]  }
0x285: {  	v9 =	vld [tilespmem:s1+$0x12A40]  }
0x286: {  	v12 =	vld [tilespmem:s1+$0xCA50]  }
0x287: {  	v11 =	vld [tilespmem:s1+$0x12A50]  }
0x288: {  	v13 =	vld [tilespmem:s1+$0xCA60]  }
0x289: {  	v14 =	vld [tilespmem:s1+$0xCA70]  }
0x28a: {  	v15 =	vld [tilespmem:s1+$0xCE00]  }
0x28b: {  	v16 =	vld [tilespmem:s1+$0xCE10]  }
0x28c: {  	v17 =	vld [tilespmem:s1+$0xCE20]  }
0x28d: {  	v19 =	vld [tilespmem:s1+$0xCE40]  }
0x28e: {  	v20 =	vld [tilespmem:s1+$0xCE50]  }
0x28f: {  	v21 =	vld [tilespmem:s1+$0xCE60]  }
0x290: {  	v22 =	vld [tilespmem:s1+$0xCE70]  }
0x291: {  	v23 =	vld [tilespmem:s1+$0xD200]  }
0x292: {  	v24 =	vld [tilespmem:s1+$0xD210]  }
0x293: {  	v25 =	vld [tilespmem:s1+$0xD220]  }
0x294: {  	v27 =	vld [tilespmem:s1+$0xD240]  }
0x295: {  	v28 =	vld [tilespmem:s1+$0xD250]  }
0x296: {  	v29 =	vld [tilespmem:s1+$0xD260]  }
0x297: {  	v30 =	vld [tilespmem:s1+$0xD270]  }
0x298: {  	v31 =	vld [tilespmem:s1+$0xD600]  }
0x299: {  	v34 =	vld [tilespmem:s1+$0xD610]  }
0x29a: {  	v35 =	vld [tilespmem:s1+$0xD620]  }
0x29b: {  	v37 =	vld [tilespmem:s1+$0xD640]  }
0x29c: {  	v38 =	vld [tilespmem:s1+$0xD650]  }
0x29d: {  	v39 =	vld [tilespmem:s1+$0xD660]  }
0x29e: {  	v40 =	vld [tilespmem:s1+$0xD670]  }
0x29f: {  	v41 =	vld [tilespmem:s1+$0xDA00]  }
0x2a0: {  	v42 =	vld [tilespmem:s1+$0xDA10]  }
0x2a1: {  	v43 =	vld [tilespmem:s1+$0xDA20]  }
0x2a2: {  	v45 =	vld [tilespmem:s1+$0xDA40]  }
0x2a3: {  	v46 =	vld [tilespmem:s1+$0xDA50]  }
0x2a4: {  	v47 =	vld [tilespmem:s1+$0xDA60]  }
0x2a5: {  	v49 =	vld [tilespmem:s1+$0x13E10]  }
0x2a6: {  	s23 =	simm.s32 $0x2;
	v51 =	vld [tilespmem:s1+$0x13E30]  }
.LBB2_4:
0x2a7: {  	p0 =	sne.s32 s23, $0x1F;
	v52 =	vld [tilespmem:s1+$0xDE30]  }
0x2a8: {  	s20 =	sadd.s32 $0x10, s20;
	v53 =	vld [tilespmem:s1+$0xDE20]  }
0x2a9: {  	s21 =	sadd.s32 $0x10, s21;
	v33 =	vld [tilespmem:s20+$0x0]  }
0x2aa: {  	v32 =	vld [tilespmem:s21+$0x0]  }
0x2ab: {  	v54 =	vld [tilespmem:s1+$0x13E20]  }
0x2ac: {  	v55 =	vld [tilespmem:s1+$0x13E00]  }
0x2ad: {  	v56 =	vld [tilespmem:s1+$0xDA70]  }
0x2ae: {  	v57 =	vld [tilespmem:s1+$0x13A70];
	v50 =	vmul.f32 v50, v33;
	v53 =	vmul.f32 v53, v33  }
0x2af: {  	v52 =	vmul.f32 v52, v33;
	v58 =	vld [tilespmem:s1+$0x13A60];
	v51 =	vmul.f32 v51, v32  }
0x2b0: {  	v49 =	vmul.f32 v49, v32;
	v59 =	vld [tilespmem:s1+$0x13A50];
	v54 =	vmul.f32 v54, v32  }
0x2b1: {  	v48 =	vmul.f32 v48, v33;
	v60 =	vld [tilespmem:s1+$0x13A40];
	v55 =	vmul.f32 v55, v32;
	v51 =	vadd.f32 v51, v52  }
0x2b2: {  	v49 =	vadd.f32 v49, v50;
	v52 =	vld [tilespmem:s1+$0x13A30];
	v56 =	vmul.f32 v56, v33;
	v50 =	vadd.f32 v54, v53  }
0x2b3: {  	v47 =	vmul.f32 v47, v33;
	v53 =	vld [tilespmem:s1+$0x13A20];
	v54 =	vmul.f32 v57, v32;
	v48 =	vadd.f32 v55, v48;
	[tilespmem:s1+$0xDE30] =	vst v51  }
0x2b4: {  	v46 =	vmul.f32 v46, v33;
	v51 =	vld [tilespmem:s1+$0x13A10];
	v55 =	vmul.f32 v58, v32;
	[tilespmem:s1+$0xDE20] =	vst v50  }
0x2b5: {  	v45 =	vmul.f32 v45, v33;
	v50 =	vld [tilespmem:s1+$0x13A00];
	v57 =	vmul.f32 v59, v32;
	v54 =	vadd.f32 v54, v56;
	[tilespmem:s1+$0xDE10] =	vst v49  }
0x2b6: {  	v44 =	vmul.f32 v44, v33;
	v49 =	vld [tilespmem:s1+$0x13670];
	v56 =	vmul.f32 v60, v32;
	v47 =	vadd.f32 v55, v47;
	[tilespmem:s1+$0xDE00] =	vst v48  }
0x2b7: {  	v43 =	vmul.f32 v43, v33;
	v48 =	vld [tilespmem:s1+$0x13660];
	v52 =	vmul.f32 v52, v32;
	v46 =	vadd.f32 v57, v46;
	[tilespmem:s1+$0xDA70] =	vst v54  }
0x2b8: {  	v42 =	vmul.f32 v42, v33;
	v54 =	vld [tilespmem:s1+$0x13650];
	v53 =	vmul.f32 v53, v32;
	v45 =	vadd.f32 v56, v45;
	[tilespmem:s1+$0xDA60] =	vst v47  }
0x2b9: {  	v41 =	vmul.f32 v41, v33;
	v47 =	vld [tilespmem:s1+$0x13640];
	v51 =	vmul.f32 v51, v32;
	v44 =	vadd.f32 v52, v44;
	[tilespmem:s1+$0xDA50] =	vst v46  }
0x2ba: {  	v40 =	vmul.f32 v40, v33;
	v46 =	vld [tilespmem:s1+$0x13630];
	v50 =	vmul.f32 v50, v32;
	v43 =	vadd.f32 v53, v43;
	[tilespmem:s1+$0xDA40] =	vst v45  }
0x2bb: {  	v39 =	vmul.f32 v39, v33;
	v45 =	vld [tilespmem:s1+$0x13620];
	v49 =	vmul.f32 v49, v32;
	v42 =	vadd.f32 v51, v42;
	[tilespmem:s1+$0xDA30] =	vst v44  }
0x2bc: {  	v38 =	vmul.f32 v38, v33;
	v44 =	vld [tilespmem:s1+$0x13610];
	v48 =	vmul.f32 v48, v32;
	v41 =	vadd.f32 v50, v41;
	[tilespmem:s1+$0xDA20] =	vst v43  }
0x2bd: {  	v37 =	vmul.f32 v37, v33;
	v43 =	vld [tilespmem:s1+$0x13600];
	v50 =	vmul.f32 v54, v32;
	v40 =	vadd.f32 v49, v40;
	[tilespmem:s1+$0xDA10] =	vst v42  }
0x2be: {  	v36 =	vmul.f32 v36, v33;
	v42 =	vld [tilespmem:s1+$0x13270];
	v47 =	vmul.f32 v47, v32;
	v39 =	vadd.f32 v48, v39;
	[tilespmem:s1+$0xDA00] =	vst v41  }
0x2bf: {  	v35 =	vmul.f32 v35, v33;
	v41 =	vld [tilespmem:s1+$0x13260];
	v46 =	vmul.f32 v46, v32;
	v38 =	vadd.f32 v50, v38;
	[tilespmem:s1+$0xD670] =	vst v40  }
0x2c0: {  	v34 =	vmul.f32 v34, v33;
	v40 =	vld [tilespmem:s1+$0x13250];
	v45 =	vmul.f32 v45, v32;
	v37 =	vadd.f32 v47, v37;
	[tilespmem:s1+$0xD660] =	vst v39  }
0x2c1: {  	v31 =	vmul.f32 v31, v33;
	v39 =	vld [tilespmem:s1+$0x13240];
	v44 =	vmul.f32 v44, v32;
	v36 =	vadd.f32 v46, v36;
	[tilespmem:s1+$0xD650] =	vst v38  }
0x2c2: {  	v30 =	vmul.f32 v30, v33;
	v38 =	vld [tilespmem:s1+$0x13230];
	v43 =	vmul.f32 v43, v32;
	v35 =	vadd.f32 v45, v35;
	[tilespmem:s1+$0xD640] =	vst v37  }
0x2c3: {  	v29 =	vmul.f32 v29, v33;
	v37 =	vld [tilespmem:s1+$0x13220];
	v42 =	vmul.f32 v42, v32;
	v34 =	vadd.f32 v44, v34;
	[tilespmem:s1+$0xD630] =	vst v36  }
0x2c4: {  	v28 =	vmul.f32 v28, v33;
	v36 =	vld [tilespmem:s1+$0x13210];
	v41 =	vmul.f32 v41, v32;
	v31 =	vadd.f32 v43, v31;
	[tilespmem:s1+$0xD620] =	vst v35  }
0x2c5: {  	v27 =	vmul.f32 v27, v33;
	v35 =	vld [tilespmem:s1+$0x13200];
	v40 =	vmul.f32 v40, v32;
	v30 =	vadd.f32 v42, v30;
	[tilespmem:s1+$0xD610] =	vst v34  }
0x2c6: {  	v26 =	vmul.f32 v26, v33;
	v34 =	vld [tilespmem:s1+$0x12E70];
	v39 =	vmul.f32 v39, v32;
	v29 =	vadd.f32 v41, v29;
	[tilespmem:s1+$0xD600] =	vst v31  }
0x2c7: {  	v25 =	vmul.f32 v25, v33;
	v31 =	vld [tilespmem:s1+$0x12E60];
	v38 =	vmul.f32 v38, v32;
	v28 =	vadd.f32 v40, v28;
	[tilespmem:s1+$0xD270] =	vst v30  }
0x2c8: {  	v24 =	vmul.f32 v24, v33;
	v30 =	vld [tilespmem:s1+$0x12E50];
	v37 =	vmul.f32 v37, v32;
	v27 =	vadd.f32 v39, v27;
	[tilespmem:s1+$0xD260] =	vst v29  }
0x2c9: {  	v23 =	vmul.f32 v23, v33;
	v29 =	vld [tilespmem:s1+$0x12E40];
	v36 =	vmul.f32 v36, v32;
	v26 =	vadd.f32 v38, v26;
	[tilespmem:s1+$0xD250] =	vst v28  }
0x2ca: {  	v22 =	vmul.f32 v22, v33;
	v28 =	vld [tilespmem:s1+$0x12E30];
	v35 =	vmul.f32 v35, v32;
	v25 =	vadd.f32 v37, v25;
	[tilespmem:s1+$0xD240] =	vst v27  }
0x2cb: {  	v21 =	vmul.f32 v21, v33;
	v27 =	vld [tilespmem:s1+$0x12E20];
	v34 =	vmul.f32 v34, v32;
	v24 =	vadd.f32 v36, v24;
	[tilespmem:s1+$0xD230] =	vst v26  }
0x2cc: {  	v20 =	vmul.f32 v20, v33;
	v26 =	vld [tilespmem:s1+$0x12E10];
	v31 =	vmul.f32 v31, v32;
	v23 =	vadd.f32 v35, v23;
	[tilespmem:s1+$0xD220] =	vst v25  }
0x2cd: {  	v19 =	vmul.f32 v19, v33;
	v25 =	vld [tilespmem:s1+$0x12E00];
	v30 =	vmul.f32 v30, v32;
	v22 =	vadd.f32 v34, v22;
	[tilespmem:s1+$0xD210] =	vst v24  }
0x2ce: {  	v18 =	vmul.f32 v18, v33;
	v24 =	vld [tilespmem:s1+$0x12A70];
	v29 =	vmul.f32 v29, v32;
	v21 =	vadd.f32 v31, v21;
	[tilespmem:s1+$0xD200] =	vst v23  }
0x2cf: {  	v17 =	vmul.f32 v17, v33;
	v23 =	vld [tilespmem:s1+$0x12A60];
	v28 =	vmul.f32 v28, v32;
	v20 =	vadd.f32 v30, v20;
	[tilespmem:s1+$0xCE70] =	vst v22  }
0x2d0: {  	v16 =	vmul.f32 v16, v33;
	v22 =	vmul.f32 v27, v32;
	v19 =	vadd.f32 v29, v19;
	[tilespmem:s1+$0xCE60] =	vst v21;
	v21 =	vld [tilespmem:s1+$0x13E40]  }
0x2d1: {  	v15 =	vmul.f32 v15, v33;
	v26 =	vmul.f32 v26, v32;
	v18 =	vadd.f32 v28, v18;
	[tilespmem:s1+$0xCE50] =	vst v20;
	v20 =	vld [tilespmem:s1+$0x13E50]  }
0x2d2: {  	v14 =	vmul.f32 v14, v33;
	v25 =	vmul.f32 v25, v32;
	v17 =	vadd.f32 v22, v17;
	[tilespmem:s1+$0xCE40] =	vst v19;
	v19 =	vld [tilespmem:s1+$0x13E60]  }
0x2d3: {  	v13 =	vmul.f32 v13, v33;
	v22 =	vmul.f32 v24, v32;
	v16 =	vadd.f32 v26, v16;
	[tilespmem:s1+$0xCE30] =	vst v18;
	v18 =	vld [tilespmem:s1+$0x13E70]  }
0x2d4: {  	v12 =	vmul.f32 v12, v33;
	v23 =	vmul.f32 v23, v32;
	v15 =	vadd.f32 v25, v15;
	[tilespmem:s1+$0xCE20] =	vst v17;
	v17 =	vld [tilespmem:s1+$0xDE40]  }
0x2d5: {  	v10 =	vmul.f32 v10, v33;
	v11 =	vmul.f32 v11, v32;
	v14 =	vadd.f32 v22, v14;
	[tilespmem:s1+$0xCE10] =	vst v16;
	v16 =	vld [tilespmem:s1+$0xDE50]  }
0x2d6: {  	v8 =	vmul.f32 v8, v33;
	v9 =	vmul.f32 v9, v32;
	v13 =	vadd.f32 v23, v13;
	[tilespmem:s1+$0xCE00] =	vst v15;
	v15 =	vld [tilespmem:s1+$0xDE60]  }
0x2d7: {  	v6 =	vmul.f32 v6, v33;
	v7 =	vmul.f32 v7, v32;
	v11 =	vadd.f32 v11, v12;
	[tilespmem:s1+$0xCA70] =	vst v14;
	v12 =	vld [tilespmem:s1+$0xDE70]  }
0x2d8: {  	v3 =	vmul.f32 v3, v33;
	v5 =	vmul.f32 v5, v32;
	v9 =	vadd.f32 v9, v10;
	v14 =	vld [tilespmem:s1+$0xCA00];
	[tilespmem:s1+$0xCA60] =	vst v13  }
0x2d9: {  	v4 =	vmul.f32 v4, v32;
	v7 =	vadd.f32 v7, v8;
	v10 =	vld [tilespmem:s1+$0x12A00];
	[tilespmem:s1+$0xCA50] =	vst v11;
	v8 =	vmul.f32 v17, v33  }
0x2da: {  	s24 =	sshrl.u32 s23, $0x3;
	v5 =	vadd.f32 v5, v6;
	v6 =	vmul.f32 v21, v32;
	[tilespmem:s1+$0xCA40] =	vst v9;
	v9 =	vmul.f32 v16, v33  }
0x2db: {  	s22 =	sadd.s32 $0x80, s22;
	s24 =	smul.u32 $0x1800, s24;
	v3 =	vadd.f32 v4, v3;
	v4 =	vmul.f32 v20, v32;
	[tilespmem:s1+$0xCA30] =	vst v7;
	v7 =	vmul.f32 v15, v33  }
0x2dc: {  	s25 =	sand.u32 $0x380, s22;
	[tilespmem:s1+$0xCA20] =	vst v5;
	v5 =	vadd.f32 v6, v8;
	v6 =	vmul.f32 v19, v32;
	v8 =	vmul.f32 v12, v33  }
0x2dd: {  	s24 =	sor.u32 s25, s24;
	v9 =	vadd.f32 v4, v9;
	v12 =	vmul.f32 v18, v32;
	v11 =	vmul.f32 v14, v33;
	[tilespmem:s1+$0xCA10] =	vst v3  }
0x2de: {  	v3 =	vld [tilespmem:s24+$0xCA10];
	v10 =	vmul.f32 v10, v32;
	[tilespmem:s1+$0xDE40] =	vst v5;
	v5 =	vadd.f32 v6, v7  }
0x2df: {  	v7 =	vadd.f32 v12, v8;
	v4 =	vld [tilespmem:s24+$0x12A10];
	[tilespmem:s1+$0xDE50] =	vst v9  }
0x2e0: {  	v6 =	vld [tilespmem:s24+$0xCA20];
	v9 =	vadd.f32 v10, v11;
	[tilespmem:s1+$0xDE60] =	vst v5  }
0x2e1: {  	v5 =	vld [tilespmem:s24+$0x12A20];
	[tilespmem:s1+$0xDE70] =	vst v7  }
0x2e2: {  	v8 =	vld [tilespmem:s24+$0xCA30];
	[tilespmem:s1+$0xCA00] =	vst v9;
	s1 =	smov.u32 s24  }
0x2e3: {  	v7 =	vld [tilespmem:s1+$0x12A30]  }
0x2e4: {  	v10 =	vld [tilespmem:s1+$0xCA40]  }
0x2e5: {  	v9 =	vld [tilespmem:s1+$0x12A40]  }
0x2e6: {  	v12 =	vld [tilespmem:s1+$0xCA50]  }
0x2e7: {  	v11 =	vld [tilespmem:s1+$0x12A50]  }
0x2e8: {  	v13 =	vld [tilespmem:s1+$0xCA60]  }
0x2e9: {  	v14 =	vld [tilespmem:s1+$0xCA70]  }
0x2ea: {  	v15 =	vld [tilespmem:s1+$0xCE00]  }
0x2eb: {  	v16 =	vld [tilespmem:s1+$0xCE10]  }
0x2ec: {  	v17 =	vld [tilespmem:s1+$0xCE20]  }
0x2ed: {  	v18 =	vld [tilespmem:s1+$0xCE30]  }
0x2ee: {  	v19 =	vld [tilespmem:s1+$0xCE40]  }
0x2ef: {  	v20 =	vld [tilespmem:s1+$0xCE50]  }
0x2f0: {  	v21 =	vld [tilespmem:s1+$0xCE60]  }
0x2f1: {  	v22 =	vld [tilespmem:s1+$0xCE70]  }
0x2f2: {  	v23 =	vld [tilespmem:s1+$0xD200]  }
0x2f3: {  	v24 =	vld [tilespmem:s1+$0xD210]  }
0x2f4: {  	v25 =	vld [tilespmem:s1+$0xD220]  }
0x2f5: {  	v26 =	vld [tilespmem:s1+$0xD230]  }
0x2f6: {  	v27 =	vld [tilespmem:s1+$0xD240]  }
0x2f7: {  	v28 =	vld [tilespmem:s1+$0xD250]  }
0x2f8: {  	v29 =	vld [tilespmem:s1+$0xD260]  }
0x2f9: {  	v30 =	vld [tilespmem:s1+$0xD270]  }
0x2fa: {  	v31 =	vld [tilespmem:s1+$0xD600]  }
0x2fb: {  	v34 =	vld [tilespmem:s1+$0xD610]  }
0x2fc: {  	v35 =	vld [tilespmem:s1+$0xD620]  }
0x2fd: {  	v36 =	vld [tilespmem:s1+$0xD630]  }
0x2fe: {  	v37 =	vld [tilespmem:s1+$0xD640]  }
0x2ff: {  	v38 =	vld [tilespmem:s1+$0xD650]  }
0x300: {  	v39 =	vld [tilespmem:s1+$0xD660]  }
0x301: {  	v40 =	vld [tilespmem:s1+$0xD670]  }
0x302: {  	v41 =	vld [tilespmem:s1+$0xDA00]  }
0x303: {  	v42 =	vld [tilespmem:s1+$0xDA10]  }
0x304: {  	v43 =	vld [tilespmem:s1+$0xDA20]  }
0x305: {  	v44 =	vld [tilespmem:s1+$0xDA30]  }
0x306: {  	v45 =	vld [tilespmem:s1+$0xDA40]  }
0x307: {  	v46 =	vld [tilespmem:s1+$0xDA50]  }
.Ltmp1:
0x308: {  	v47 =	vld [tilespmem:s1+$0xDA60];
	(pc) =	sbr.rel @p0 .LBB2_4-.Ltmp1, $4  }
0x309: {  	v48 =	vld [tilespmem:s1+$0xDE00]  }
0x30a: {  	v50 =	vld [tilespmem:s1+$0xDE10]  }
0x30b: {  	v49 =	vld [tilespmem:s1+$0x13E10]  }
0x30c: {  	s23 =	sadd.s32 $0x1, s23;
	v51 =	vld [tilespmem:s1+$0x13E30]  }
0x30d: {  	v52 =	vld [tilespmem:s1+$0xDE30]  }
0x30e: {  	v53 =	vld [tilespmem:s1+$0xDE20];
	s20 =	sadd.s32 $0x10, s20  }
0x30f: {  	s25 =	sadd.s32 $0x10, s21;
	v32 =	vld [tilespmem:s20+$0x0]  }
0x310: {  	v33 =	vld [tilespmem:s25+$0x0]  }
0x311: {  	v54 =	vld [tilespmem:s1+$0x13E20];
	_ =	sdelay $0x1  }
0x312: {  	v55 =	vld [tilespmem:s1+$0x13E00]  }
0x313: {  	v56 =	vld [tilespmem:s1+$0xDA70]  }
0x314: {  	v58 =	vld [tilespmem:s1+$0x13A60];
	v52 =	vmul.f32 v52, v32;
	v51 =	vmul.f32 v51, v33  }
0x315: {  	v57 =	vld [tilespmem:s1+$0x13A70];
	v53 =	vmul.f32 v53, v32;
	v54 =	vmul.f32 v54, v33  }
0x316: {  	v59 =	vld [tilespmem:s1+$0x13A50];
	v50 =	vmul.f32 v50, v32;
	v49 =	vmul.f32 v49, v33  }
0x317: {  	v60 =	vld [tilespmem:s1+$0x13A40];
	v48 =	vmul.f32 v48, v32;
	v62 =	vmul.f32 v55, v33;
	v51 =	vadd.f32 v51, v52  }
0x318: {  	v61 =	vld [tilespmem:s1+$0x13A20];
	v63 =	vmul.f32 v56, v32;
	v47 =	vmul.f32 v47, v32;
	v53 =	vadd.f32 v54, v53  }
0x319: {  	v58 =	vmul.f32 v58, v33;
	v55 =	vld [tilespmem:s1+$0x12E60];
	v12 =	vmul.f32 v12, v32;
	v49 =	vadd.f32 v49, v50;
	[tilespmem:s1+$0xDE30] =	vst v51  }
0x31a: {  	v56 =	vld [tilespmem:s1+$0x12E50];
	v11 =	vmul.f32 v11, v33;
	v10 =	vmul.f32 v10, v32;
	v48 =	vadd.f32 v62, v48;
	[tilespmem:s1+$0xDE20] =	vst v53  }
0x31b: {  	v9 =	vmul.f32 v9, v33;
	v8 =	vmul.f32 v8, v32;
	v52 =	vld [tilespmem:s1+$0x13A30];
	v47 =	vadd.f32 v58, v47;
	[tilespmem:s1+$0xDE10] =	vst v49  }
0x31c: {  	v7 =	vmul.f32 v7, v33;
	v6 =	vmul.f32 v6, v32;
	v50 =	vld [tilespmem:s1+$0x13A00];
	v11 =	vadd.f32 v11, v12;
	[tilespmem:s1+$0xDE00] =	vst v48  }
0x31d: {  	v5 =	vmul.f32 v5, v33;
	v3 =	vmul.f32 v3, v32;
	v58 =	vld [tilespmem:s1+$0x13620];
	v9 =	vadd.f32 v9, v10;
	[tilespmem:s1+$0xDA60] =	vst v47  }
0x31e: {  	v4 =	vmul.f32 v4, v33;
	v62 =	vmul.f32 v59, v33;
	v59 =	vld [tilespmem:s1+$0x13610];
	v7 =	vadd.f32 v7, v8;
	[tilespmem:s1+$0xCA50] =	vst v11  }
0x31f: {  	v57 =	vmul.f32 v57, v33;
	v54 =	vld [tilespmem:s1+$0x12E70];
	v5 =	vadd.f32 v5, v6;
	[tilespmem:s1+$0xCA40] =	vst v9  }
0x320: {  	v46 =	vmul.f32 v46, v32;
	v3 =	vadd.f32 v4, v3;
	v51 =	vld [tilespmem:s1+$0x13A10];
	[tilespmem:s1+$0xCA30] =	vst v7  }
0x321: {  	v45 =	vmul.f32 v45, v32;
	v49 =	vld [tilespmem:s1+$0x13670];
	v53 =	vadd.f32 v57, v63;
	v63 =	vmul.f32 v60, v33;
	[tilespmem:s1+$0xCA20] =	vst v5  }
0x322: {  	v43 =	vmul.f32 v43, v32;
	v48 =	vld [tilespmem:s1+$0x13660];
	v46 =	vadd.f32 v62, v46;
	v57 =	vmul.f32 v61, v33;
	[tilespmem:s1+$0xCA10] =	vst v3  }
0x323: {  	v44 =	vmul.f32 v44, v32;
	v47 =	vld [tilespmem:s1+$0x13640];
	[tilespmem:s1+$0xDA70] =	vst v53;
	v45 =	vadd.f32 v63, v45;
	v52 =	vmul.f32 v52, v33  }
0x324: {  	v41 =	vmul.f32 v41, v32;
	v60 =	vld [tilespmem:s1+$0x13600];
	[tilespmem:s1+$0xDA50] =	vst v46;
	v43 =	vadd.f32 v57, v43;
	v50 =	vmul.f32 v50, v33  }
0x325: {  	v35 =	vmul.f32 v35, v32;
	v61 =	vld [tilespmem:s1+$0x13270];
	[tilespmem:s1+$0xDA40] =	vst v45;
	v45 =	vmul.f32 v58, v33;
	v44 =	vadd.f32 v52, v44  }
0x326: {  	v42 =	vmul.f32 v42, v32;
	v53 =	vld [tilespmem:s1+$0x13650];
	[tilespmem:s1+$0xDA20] =	vst v43;
	v51 =	vmul.f32 v51, v33;
	v41 =	vadd.f32 v50, v41  }
0x327: {  	v40 =	vmul.f32 v40, v32;
	v46 =	vld [tilespmem:s1+$0x13630];
	v49 =	vmul.f32 v49, v33;
	v35 =	vadd.f32 v45, v35;
	[tilespmem:s1+$0xDA30] =	vst v44  }
0x328: {  	v39 =	vmul.f32 v39, v32;
	v62 =	vld [tilespmem:s1+$0x13260];
	v48 =	vmul.f32 v48, v33;
	v42 =	vadd.f32 v51, v42;
	[tilespmem:s1+$0xDA00] =	vst v41  }
0x329: {  	v37 =	vmul.f32 v37, v32;
	v57 =	vld [tilespmem:s1+$0x12E40];
	v47 =	vmul.f32 v47, v33;
	v40 =	vadd.f32 v49, v40;
	[tilespmem:s1+$0xD620] =	vst v35  }
0x32a: {  	v31 =	vmul.f32 v31, v32;
	v58 =	vld [tilespmem:s1+$0x12E30];
	v43 =	vmul.f32 v60, v33;
	v39 =	vadd.f32 v48, v39;
	[tilespmem:s1+$0xDA10] =	vst v42  }
0x32b: {  	v38 =	vmul.f32 v38, v32;
	v50 =	vld [tilespmem:s1+$0x13230];
	v63 =	vmul.f32 v53, v33;
	v37 =	vadd.f32 v47, v37;
	[tilespmem:s1+$0xD670] =	vst v40  }
0x32c: {  	v36 =	vmul.f32 v36, v32;
	v60 =	vld [tilespmem:s1+$0x12E10];
	v46 =	vmul.f32 v46, v33;
	v31 =	vadd.f32 v43, v31;
	[tilespmem:s1+$0xD660] =	vst v39  }
0x32d: {  	v34 =	vmul.f32 v34, v32;
	v52 =	vld [tilespmem:s1+$0x13210];
	v44 =	vmul.f32 v59, v33;
	v38 =	vadd.f32 v63, v38;
	[tilespmem:s1+$0xD640] =	vst v37  }
0x32e: {  	v29 =	vmul.f32 v29, v32;
	v45 =	vld [tilespmem:s1+$0xDE40];
	v41 =	vmul.f32 v62, v33;
	v36 =	vadd.f32 v46, v36;
	[tilespmem:s1+$0xD600] =	vst v31  }
0x32f: {  	v21 =	vmul.f32 v21, v32;
	v48 =	vld [tilespmem:s1+$0x13250];
	v62 =	vmul.f32 v55, v33;
	v34 =	vadd.f32 v44, v34;
	[tilespmem:s1+$0xD650] =	vst v38  }
0x330: {  	v30 =	vmul.f32 v30, v32;
	v49 =	vld [tilespmem:s1+$0x13240];
	v42 =	vmul.f32 v61, v33;
	v29 =	vadd.f32 v41, v29;
	[tilespmem:s1+$0xD630] =	vst v36  }
0x331: {  	v16 =	vmul.f32 v16, v32;
	v51 =	vld [tilespmem:s1+$0x13220];
	v21 =	vadd.f32 v62, v21;
	v41 =	vmul.f32 v60, v33;
	[tilespmem:s1+$0xD610] =	vst v34  }
0x332: {  	v26 =	vmul.f32 v26, v32;
	v53 =	vld [tilespmem:s1+$0x13200];
	v30 =	vadd.f32 v42, v30;
	[tilespmem:s1+$0xD260] =	vst v29;
	v38 =	vmul.f32 v50, v33  }
0x333: {  	v24 =	vmul.f32 v24, v32;
	v59 =	vld [tilespmem:s1+$0x12E20];
	v36 =	vmul.f32 v52, v33;
	[tilespmem:s1+$0xCE60] =	vst v21;
	v16 =	vadd.f32 v41, v16  }
0x334: {  	v22 =	vmul.f32 v22, v32;
	v43 =	vld [tilespmem:s1+$0x13E70];
	v34 =	vmul.f32 v54, v33;
	[tilespmem:s1+$0xD270] =	vst v30;
	v26 =	vadd.f32 v38, v26  }
0x335: {  	v28 =	vmul.f32 v28, v32;
	v61 =	vld [tilespmem:s1+$0x12E00];
	v40 =	vmul.f32 v48, v33;
	v24 =	vadd.f32 v36, v24;
	[tilespmem:s1+$0xCE10] =	vst v16  }
0x336: {  	v27 =	vmul.f32 v27, v32;
	v63 =	vld [tilespmem:s1+$0x12A70];
	v39 =	vmul.f32 v49, v33;
	v22 =	vadd.f32 v34, v22;
	[tilespmem:s1+$0xD230] =	vst v26  }
0x337: {  	v25 =	vmul.f32 v25, v32;
	v46 =	vld [tilespmem:s1+$0xDE50];
	v37 =	vmul.f32 v51, v33;
	v28 =	vadd.f32 v40, v28;
	[tilespmem:s1+$0xD210] =	vst v24  }
0x338: {  	v23 =	vmul.f32 v23, v32;
	v50 =	vld [tilespmem:s1+$0x12A00];
	v35 =	vmul.f32 v53, v33;
	v27 =	vadd.f32 v39, v27;
	[tilespmem:s1+$0xCE70] =	vst v22  }
0x339: {  	v20 =	vmul.f32 v20, v32;
	v48 =	vld [tilespmem:s1+$0xDE60];
	v30 =	vmul.f32 v56, v33;
	v25 =	vadd.f32 v37, v25;
	[tilespmem:s1+$0xD250] =	vst v28  }
0x33a: {  	v19 =	vmul.f32 v19, v32;
	v51 =	vld [tilespmem:s1+$0xCA00];
	v23 =	vadd.f32 v35, v23;
	v35 =	vmul.f32 v57, v33;
	[tilespmem:s1+$0xD240] =	vst v27  }
0x33b: {  	v18 =	vmul.f32 v18, v32;
	v34 =	vld [tilespmem:s1+$0x12A60];
	v37 =	vmul.f32 v58, v33;
	v20 =	vadd.f32 v30, v20;
	[tilespmem:s1+$0xD220] =	vst v25  }
0x33c: {  	v17 =	vmul.f32 v17, v32;
	v36 =	vld [tilespmem:s1+$0x13E40];
	v39 =	vmul.f32 v59, v33;
	[tilespmem:s1+$0xD200] =	vst v23;
	v19 =	vadd.f32 v35, v19  }
0x33d: {  	v15 =	vmul.f32 v15, v32;
	v38 =	vld [tilespmem:s1+$0x13E50];
	v42 =	vmul.f32 v61, v33;
	v18 =	vadd.f32 v37, v18;
	[tilespmem:s1+$0xCE50] =	vst v20  }
0x33e: {  	v14 =	vmul.f32 v14, v32;
	v40 =	vld [tilespmem:s1+$0x13E60];
	v44 =	vmul.f32 v63, v33;
	v17 =	vadd.f32 v39, v17;
	[tilespmem:s1+$0xCE40] =	vst v19  }
0x33f: {  	v49 =	vld [tilespmem:s1+$0xDE70];
	v15 =	vadd.f32 v42, v15;
	v10 =	vmul.f32 v50, v33;
	v61 =	vmul.f32 v51, v32;
	[tilespmem:s1+$0xCE30] =	vst v18  }
0x340: {  	v13 =	vmul.f32 v13, v32;
	v14 =	vadd.f32 v44, v14;
	[tilespmem:s1+$0xCE20] =	vst v17;
	v47 =	vmul.f32 v34, v33  }
0x341: {  	v52 =	vmul.f32 v45, v32;
	[tilespmem:s1+$0xCE00] =	vst v15;
	v53 =	vmul.f32 v36, v33;
	v63 =	vadd.f32 v10, v61  }
0x342: {  	v54 =	vmul.f32 v46, v32;
	[tilespmem:s1+$0xCA70] =	vst v14;
	v55 =	vmul.f32 v38, v33;
	v13 =	vadd.f32 v47, v13  }
0x343: {  	v56 =	vmul.f32 v48, v32;
	v58 =	vmul.f32 v40, v33;
	v57 =	vadd.f32 v53, v52;
	[tilespmem:s1+$0xCA00] =	vst v63  }
0x344: {  	v60 =	vmul.f32 v43, v33;
	v59 =	vmul.f32 v49, v32;
	v3 =	vadd.f32 v55, v54;
	[tilespmem:s1+$0xCA60] =	vst v13  }
0x345: {  	v62 =	vadd.f32 v58, v56;
	[tilespmem:s1+$0xDE40] =	vst v57  }
0x346: {  	s0 =	sadd.s32 $0x1, s0;
	[tilespmem:s1+$0xDE50] =	vst v3;
	v3 =	vadd.f32 v60, v59  }
0x347: {  	p0 =	sne.s32 s0, s16;
	[tilespmem:s1+$0xDE60] =	vst v62  }
.Ltmp2:
0x348: {  	[tilespmem:s1+$0xDE70] =	vst v3;
	(pc) =	sbr.rel @p0 .LBB2_1-.Ltmp2, $4  }
0x349: {  	[hbm4b:s15+s2] =	stream.linear.scatter [tilespmem:s18], [sflag:$0x2], $0x6000, $0x38;
	[tilespmem:$0x18A00] =	vst v63  }
0x34a: {  	_ =	swait.ge [sflag:s17], $0x6000  }
0x34b: {  	[sflag:s17] =	ssyncset.done $0x0  }
0x34c: {  	[sflag:s17] =	ssyncadd.s32 $0xFFFFA000  }
0x34d: {  	_ =	sfence.sel $0x180000  }
0x34e: {  	[bflag:$0x0] =	sbarrier.arrive $0xFFFF  }
0x34f: {  	_ =	strace $0x9000004A  }
0x350: {  	s0 =	stileid.u32;
	[bflag:$0x2] =	sbarrier.arrive $0xFFFF  }
0x351: {  	p0 =	sne.s32 s0, $0x0;
	s0 =	rddreg [dreg:$0x2]  }
0x352: {  	s0 =	sadd.s32 @!p0 $0x100000, s0  }
0x353: {  	[sflag:s0] =	ssyncadd.tile.s32 @!p0 $0x1;
	_ =	shalt  }
.Lfunc_end2:
_tile_overlayer_lowered:
.L_overlay_start_2:
0x354: {  	(tag) =	ssettag $0x2  }
0x355: {  	s0 =	rddreg [dreg:$0x0];
	s2 =	stileid.u32  }
0x356: {  	s1 =	rddreg [dreg:$0x1];
	p0 =	sne.s32 s2, $0x0  }
0x357: {  	s3 =	rddreg [dreg:$0x2];
	[bflag:$0x3] =	sbarrier.arrive $0xFFFF;
	s2 =	simm.s32 @!p0 $0x1C02  }
0x358: {  	[timem:s3], [sflag:s2] =	dma.local @!p0 [hbm:s0], s1  }
0x359: {  	s0 =	simm.s32 @!p0 $0x2  }
0x35a: {  	_ =	swait.ge @!p0 [sflag:s0], s1  }
0x35b: {  	s1 =	ssub.s32 @!p0 $0x0, s1;
	[sflag:s0] =	ssyncset.done @!p0 $0x0  }
0x35c: {  	[sflag:s0] =	ssyncadd.s32 @!p0 s1  }
0x35d: {  	[bflag:$0x3] =	sbarrier.arrive $0xFFFF  }
0x35e: {  	_ =	shalt  }

</sc_bundles>
